<compile_context>
chip_gen: v7x
topology: tpu7x:2x2x1
jax: 0.10.2.dev20260603
libtpu: 0.0.44.dev20260713+nightly
codegen_flags: <defaults>
</compile_context>

<pallas_src>
import functools

import jax
import jax.numpy as jnp
from jax import lax
from jax.experimental import pallas as pl
from jax.experimental.pallas import tpu as pltpu
from jax.experimental.pallas import tpu_sc as plsc


def _tile_top2(st, t, base, neg_inf):
    w = st.shape[1]
    cv1 = jnp.full((8, w), neg_inf)
    ci1 = jnp.zeros((8, w), jnp.int32)
    cv2 = jnp.full((8, w), neg_inf)
    for c in range(t // 8):
        s = st[c * 8:(c + 1) * 8, :]
        gt = s > cv1
        cv2 = jnp.maximum(cv2, jnp.minimum(cv1, s))
        cv1 = jnp.maximum(cv1, s)
        ci1 = jnp.where(gt, c, ci1)
    sub8 = lax.broadcasted_iota(jnp.int32, (8, w), 0)
    g1 = ci1 * 8 + sub8
    t1 = jnp.max(cv1, axis=0, keepdims=True)
    trel = jnp.min(jnp.where(cv1 == t1, g1, t), axis=0, keepdims=True)
    rstar = jnp.bitwise_and(trel, 7)
    v2c = jnp.max(jnp.where(sub8 == rstar, neg_inf, cv1), axis=0,
                  keepdims=True)
    t2 = jnp.maximum(v2c, jnp.max(cv2, axis=0, keepdims=True))
    return t1, trel + base, t2


def _merge_top2(run, tile):
    v1, i1, v2 = run
    t1, tg, t2 = tile
    i1n = jnp.where(t1 > v1, tg, i1)
    v2n = jnp.maximum(jnp.minimum(v1, t1), jnp.maximum(v2, t2))
    v1n = jnp.maximum(v1, t1)
    return v1n, i1n, v2n


def _nn_body(d0_ref, d1_ref, m0_ref, m1_ref, s_ref, *, n, m, t, ratio2):
    d0 = d0_ref[0]
    d1 = d1_ref[0]
    nt = m // t
    neg_inf = jnp.float32(-jnp.inf)

    qrun = (jnp.full((1, n), neg_inf), jnp.zeros((1, n), jnp.int32),
            jnp.full((1, n), neg_inf))
    krun = (jnp.full((1, m), neg_inf), jnp.zeros((1, m), jnp.int32),
            jnp.full((1, m), neg_inf))
    for mt in range(nt):
        a = d1[:, mt * t:(mt + 1) * t]
        st1 = lax.dot_general(a, d0, (((0,), (0,)), ((), ())),
                              preferred_element_type=jnp.float32)
        qrun = _merge_top2(qrun, _tile_top2(st1, t, mt * t, neg_inf))
        b = d0[:, mt * t:(mt + 1) * t]
        st2 = lax.dot_general(b, d1, (((0,), (0,)), ((), ())),
                              preferred_element_type=jnp.float32)
        krun = _merge_top2(krun, _tile_top2(st2, t, mt * t, neg_inf))

    v1, i1, v2 = qrun
    maskq = (2.0 * (1.0 - v1)) <= ratio2 * (2.0 * (1.0 - v2))
    m0_ref[0] = jnp.where(maskq, i1, -1).astype(jnp.int32)
    s_ref[0] = jnp.where(maskq, (v1 + 1.0) / 2.0, 0.0).astype(jnp.float32)

    w1, j1, w2 = krun
    maskk = (2.0 * (1.0 - w1)) <= ratio2 * (2.0 * (1.0 - w2))
    m1_ref[0] = jnp.where(maskk, j1, -1).astype(jnp.int32)


def _mutual_sc(m0_flat, m1_flat, n):
    total = m0_flat.shape[0]
    nw = 32
    chunk = total // nw
    mesh = plsc.VectorSubcoreMesh(core_axis_name="c", subcore_axis_name="s")

    @functools.partial(
        pl.kernel, mesh=mesh,
        out_type=jax.ShapeDtypeStruct((total,), jnp.int32),
        scratch_types=[pltpu.VMEM((chunk,), jnp.int32),
                       pltpu.VMEM((chunk,), jnp.int32),
                       pltpu.VMEM((chunk,), jnp.int32),
                       pltpu.VMEM((chunk,), jnp.int32)],
    )
    def mc(m0_hbm, m1_hbm, out_hbm, m0_v, idx_v, g_v, out_v):
        wid = lax.axis_index("s") * 2 + lax.axis_index("c")
        base = wid * chunk
        bstart = (base // n) * n
        pltpu.sync_copy(m0_hbm.at[pl.ds(base, chunk)], m0_v)
        off = base - bstart
        zero16 = jnp.zeros((16,), jnp.int32)
        iota16 = lax.broadcasted_iota(jnp.int32, (16,), 0)
        for j in range(chunk // 16):
            idx = m0_v[pl.ds(j * 16, 16)]
            idx_v[pl.ds(j * 16, 16)] = jnp.maximum(idx, zero16) + bstart
        for p in range(chunk // 128):
            pltpu.sync_copy(m1_hbm.at[idx_v.at[pl.ds(p * 128, 128)]],
                            g_v.at[pl.ds(p * 128, 128)])
        for j in range(chunk // 16):
            idx = m0_v[pl.ds(j * 16, 16)]
            g = g_v[pl.ds(j * 16, 16)]
            iloc = iota16 + (off + j * 16)
            ok = (idx >= zero16) & (g == iloc)
            out_v[pl.ds(j * 16, 16)] = jnp.where(ok, idx, -1)
        pltpu.sync_copy(out_v, out_hbm.at[pl.ds(base, chunk)])

    return mc(m0_flat, m1_flat)


def kernel(descriptors0, descriptors1):
    b, d, n = descriptors0.shape
    m = descriptors1.shape[2]
    t = 2048
    body = functools.partial(_nn_body, n=n, m=m, t=t,
                             ratio2=0.8 ** 2)
    m0p, m1p, scores3 = pl.pallas_call(
        body,
        grid=(b,),
        in_specs=[pl.BlockSpec((1, d, n), lambda i: (i, 0, 0)),
                  pl.BlockSpec((1, d, m), lambda i: (i, 0, 0))],
        out_specs=[pl.BlockSpec((1, 1, n), lambda i: (i, 0, 0)),
                   pl.BlockSpec((1, 1, m), lambda i: (i, 0, 0)),
                   pl.BlockSpec((1, 1, n), lambda i: (i, 0, 0))],
        out_shape=[jax.ShapeDtypeStruct((b, 1, n), jnp.int32),
                   jax.ShapeDtypeStruct((b, 1, m), jnp.int32),
                   jax.ShapeDtypeStruct((b, 1, n), jnp.float32)],
        compiler_params=pltpu.CompilerParams(
            dimension_semantics=("parallel",)),
    )(descriptors0, descriptors1)
    matches = _mutual_sc(m0p.reshape(b * n), m1p.reshape(b * m), n)
    return matches.reshape(b, n), scores3.reshape(b, n)

# --- scband reference (transcript-rebuilt; emitter-appended) ---
"""Pipeline reference for scband-nearest-neighbor-55181739819637 (READ-ONLY COPY).

The authoritative reference and input builder live on the scoring server;
editing this copy changes nothing except your own understanding.
"""

import jax, jax.numpy as jnp
import numpy as np


def find_nn(sim, ratio_thresh, distance_thresh):
    k = 2 if ratio_thresh else 1
    sim_nn, ind_nn = jax.lax.top_k(sim, k)
    dist_nn = 2 * (1 - sim_nn)
    mask = jnp.ones(ind_nn.shape[:-1], dtype=bool)
    if ratio_thresh:
        mask = mask & (dist_nn[..., 0] <= ratio_thresh ** 2 * dist_nn[..., 1])
    if distance_thresh:
        mask = mask & (dist_nn[..., 0] <= distance_thresh ** 2)
    matches = jnp.where(mask, ind_nn[..., 0], jnp.array(-1, dtype=ind_nn.dtype))
    scores = jnp.where(mask, (sim_nn[..., 0] + 1) / 2, jnp.array(0.0, dtype=sim_nn.dtype))
    return matches, scores


def mutual_check(m0, m1):
    inds0 = jnp.arange(m0.shape[-1])
    loop = jnp.take_along_axis(m1, jnp.where(m0 > -1, m0, 0), axis=-1)
    ok = (m0 > -1) & (inds0 == loop)
    m0_new = jnp.where(ok, m0, jnp.array(-1, dtype=m0.dtype))
    return m0_new


def setup_inputs(seed: int = 0) -> dict:
    key = jax.random.key(seed)
    k0, k1 = jax.random.split(key)
    descriptors0 = jax.random.normal(k0, (8, 256, 2048), dtype=jnp.float32)
    descriptors1 = jax.random.normal(k1, (8, 256, 2048), dtype=jnp.float32)
    return {"descriptors0": descriptors0, "descriptors1": descriptors1}


def reference(descriptors0, descriptors1):
    ratio_threshold = 0.8
    distance_threshold = None
    do_mutual_check = True
    sim = jnp.einsum('bdn,bdm->bnm', descriptors0, descriptors1)
    matches0, scores0 = find_nn(sim, ratio_threshold, distance_threshold)
    if do_mutual_check:
        matches1, scores1 = find_nn(jnp.swapaxes(sim, 1, 2), ratio_threshold, distance_threshold)
        matches0 = mutual_check(matches0, matches1)
    return matches0, scores0

if __name__ == "__main__":
    import jax
    _d = setup_inputs()
    print(jax.jit(kernel)(*tuple(_d.values())))

</pallas_src>

<mosaic_0001>
#map = affine_map<(d0, d1) -> (0)>
module attributes {stable_mosaic.version = 14 : i64} {
  func.func @mc(%arg0: i32, %arg1: i32, %arg2: memref<16384xi32, #tpu.memory_space<hbm>>, %arg3: memref<16384xi32, #tpu.memory_space<hbm>>, %arg4: memref<16384xi32, #tpu.memory_space<hbm>>, %arg5: memref<512xi32, #tpu.memory_space<vmem>>, %arg6: memref<512xi32, #tpu.memory_space<vmem>>, %arg7: memref<512xi32, #tpu.memory_space<vmem>>, %arg8: memref<512xi32, #tpu.memory_space<vmem>>) attributes {dimension_semantics = [#tpu.dimension_semantics<core_parallel>, #tpu.dimension_semantics<subcore_parallel>], iteration_bounds = array<i64: 2, 16>, scalar_prefetch = 0 : i64, scratch_operands = 4 : i64, tpu.core_type = #tpu.core_type<sc_vector_subcore>, window_params = [{transform_indices = #map}, {transform_indices = #map}, {transform_indices = #map}]} {
    %mul3A = arith.constant 2 : i32
    %mul3A_0 = arith.muli %arg1, %mul3A : i32
    %add3A = arith.addi %mul3A_0, %arg0 : i32
    %mul3A_1 = arith.constant 512 : i32
    %mul3A_2 = arith.muli %add3A, %mul3A_1 : i32
    %jit3A = arith.constant 2048 : i32
    %div3A = arith.divsi %mul3A_2, %jit3A : i32
    %sign3A = arith.constant 0 : i32
    %sign3A_3 = arith.cmpi sgt, %mul3A_2, %sign3A : i32
    %sign3A_4 = arith.extui %sign3A_3 : i1 to i32
    %sign3A_5 = arith.constant 0 : i32
    %sign3A_6 = arith.cmpi slt, %mul3A_2, %sign3A_5 : i32
    %sign3A_7 = arith.extui %sign3A_6 : i1 to i32
    %sign3A_8 = arith.subi %sign3A_4, %sign3A_7 : i32
    %sign3A_9 = arith.constant 0 : i32
    %sign3A_10 = arith.cmpi sgt, %jit3A, %sign3A_9 : i32
    %sign3A_11 = arith.extui %sign3A_10 : i1 to i32
    %sign3A_12 = arith.constant 0 : i32
    %sign3A_13 = arith.cmpi slt, %jit3A, %sign3A_12 : i32
    %sign3A_14 = arith.extui %sign3A_13 : i1 to i32
    %sign3A_15 = arith.subi %sign3A_11, %sign3A_14 : i32
    %ne3A = arith.cmpi ne, %sign3A_8, %sign3A_15 : i32
    %rem3A = arith.remsi %mul3A_2, %jit3A : i32
    %ne3A_16 = arith.constant 0 : i32
    %ne3A_17 = arith.cmpi ne, %rem3A, %ne3A_16 : i32
    %and3A = arith.andi %ne3A, %ne3A_17 : i1
    %sub3A = arith.constant 1 : i32
    %sub3A_18 = arith.subi %div3A, %sub3A : i32
    %select_n3A = arith.select %and3A, %sub3A_18, %div3A : i32
    %mul3A_19 = arith.constant 2048 : i32
    %mul3A_20 = arith.muli %select_n3A, %mul3A_19 : i32
    "tpu.region"() ({
      %run_scoped3A = tpu.sem_alloc : memref<!tpu.dma_semaphore, #tpu.memory_space<semaphore_mem>>
      %dma_start3A = tpu.memref_slice %arg2[%mul3A_2] : memref<16384xi32, #tpu.memory_space<hbm>> -> memref<512xi32, #tpu.memory_space<hbm>>
      %dma_start3A_978 = tpu.memref_slice %arg2[%mul3A_2] : memref<16384xi32, #tpu.memory_space<hbm>> -> memref<512xi32, #tpu.memory_space<hbm>>
      tpu.enqueue_dma source(%dma_start3A_978 : memref<512xi32, #tpu.memory_space<hbm>>) target(%arg5 : memref<512xi32, #tpu.memory_space<vmem>>) target_semaphore(%run_scoped3A : memref<!tpu.dma_semaphore, #tpu.memory_space<semaphore_mem>>)
      %dma_wait3A = tpu.memref_slice %arg2[%mul3A_2] : memref<16384xi32, #tpu.memory_space<hbm>> -> memref<512xi32, #tpu.memory_space<hbm>>
      %dma_wait3A_979 = tpu.memref_slice %arg2[%mul3A_2] : memref<16384xi32, #tpu.memory_space<hbm>> -> memref<512xi32, #tpu.memory_space<hbm>>
      tpu.wait_dma2 semaphore(%run_scoped3A : memref<!tpu.dma_semaphore, #tpu.memory_space<semaphore_mem>>) src(%dma_wait3A_979 : memref<512xi32, #tpu.memory_space<hbm>>) dst(%arg5 : memref<512xi32, #tpu.memory_space<vmem>>)
      tpu.yield
    }) : () -> ()
    %sub3A_21 = arith.subi %mul3A_2, %mul3A_20 : i32
    %broadcast_in_dim3A = arith.constant 0 : i32
    %broadcast_in_dim3A_22 = vector.broadcast %broadcast_in_dim3A : i32 to vector<16xi32>
    %iota3A = tpu.iota {dimensions = array<i32: 0>} : vector<16xi32>
    %get3A = arith.constant 0 : index
    %get3A_23 = tpu.vector_load %arg5[%get3A] {strides = array<i32>} : memref<512xi32, #tpu.memory_space<vmem>>, vector<16xi32>,
    %get3A_24 = vector.shape_cast %get3A_23 : vector<16xi32> to vector<16xi32>
    %max3A = arith.maxsi %get3A_24, %broadcast_in_dim3A_22 : vector<16xi32>
    %add3A_25 = vector.broadcast %mul3A_20 : i32 to vector<16xi32>
    %add3A_26 = arith.addi %max3A, %add3A_25 : vector<16xi32>
    %swap3A = arith.constant 0 : index
    %swap3A_27 = tpu.vector_load %arg6[%swap3A] {strides = array<i32>} : memref<512xi32, #tpu.memory_space<vmem>>, vector<16xi32>,
    %swap3A_28 = vector.shape_cast %swap3A_27 : vector<16xi32> to vector<16xi32>
    %swap3A_29 = vector.shape_cast %add3A_26 : vector<16xi32> to vector<16xi32>
    tpu.vector_store %arg6[%swap3A], %swap3A_29 {strides = array<i32>} : memref<512xi32, #tpu.memory_space<vmem>>, vector<16xi32>,
    %get3A_30 = arith.constant 16 : index
    %get3A_31 = tpu.vector_load %arg5[%get3A_30] {strides = array<i32>} : memref<512xi32, #tpu.memory_space<vmem>>, vector<16xi32>,
    %get3A_32 = vector.shape_cast %get3A_31 : vector<16xi32> to vector<16xi32>
    %max3A_33 = arith.maxsi %get3A_32, %broadcast_in_dim3A_22 : vector<16xi32>
    %add3A_34 = vector.broadcast %mul3A_20 : i32 to vector<16xi32>
    %add3A_35 = arith.addi %max3A_33, %add3A_34 : vector<16xi32>
    %swap3A_36 = arith.constant 16 : index
    %swap3A_37 = tpu.vector_load %arg6[%swap3A_36] {strides = array<i32>} : memref<512xi32, #tpu.memory_space<vmem>>, vector<16xi32>,
    %swap3A_38 = vector.shape_cast %swap3A_37 : vector<16xi32> to vector<16xi32>
    %swap3A_39 = vector.shape_cast %add3A_35 : vector<16xi32> to vector<16xi32>
    tpu.vector_store %arg6[%swap3A_36], %swap3A_39 {strides = array<i32>} : memref<512xi32, #tpu.memory_space<vmem>>, vector<16xi32>,
    %get3A_40 = arith.constant 32 : index
    %get3A_41 = tpu.vector_load %arg5[%get3A_40] {strides = array<i32>} : memref<512xi32, #tpu.memory_space<vmem>>, vector<16xi32>,
    %get3A_42 = vector.shape_cast %get3A_41 : vector<16xi32> to vector<16xi32>
    %max3A_43 = arith.maxsi %get3A_42, %broadcast_in_dim3A_22 : vector<16xi32>
    %add3A_44 = vector.broadcast %mul3A_20 : i32 to vector<16xi32>
    %add3A_45 = arith.addi %max3A_43, %add3A_44 : vector<16xi32>
    %swap3A_46 = arith.constant 32 : index
    %swap3A_47 = tpu.vector_load %arg6[%swap3A_46] {strides = array<i32>} : memref<512xi32, #tpu.memory_space<vmem>>, vector<16xi32>,
    %swap3A_48 = vector.shape_cast %swap3A_47 : vector<16xi32> to vector<16xi32>
    %swap3A_49 = vector.shape_cast %add3A_45 : vector<16xi32> to vector<16xi32>
    tpu.vector_store %arg6[%swap3A_46], %swap3A_49 {strides = array<i32>} : memref<512xi32, #tpu.memory_space<vmem>>, vector<16xi32>,
    %get3A_50 = arith.constant 48 : index
    %get3A_51 = tpu.vector_load %arg5[%get3A_50] {strides = array<i32>} : memref<512xi32, #tpu.memory_space<vmem>>, vector<16xi32>,
    %get3A_52 = vector.shape_cast %get3A_51 : vector<16xi32> to vector<16xi32>
    %max3A_53 = arith.maxsi %get3A_52, %broadcast_in_dim3A_22 : vector<16xi32>
    %add3A_54 = vector.broadcast %mul3A_20 : i32 to vector<16xi32>
    %add3A_55 = arith.addi %max3A_53, %add3A_54 : vector<16xi32>
    %swap3A_56 = arith.constant 48 : index
    %swap3A_57 = tpu.vector_load %arg6[%swap3A_56] {strides = array<i32>} : memref<512xi32, #tpu.memory_space<vmem>>, vector<16xi32>,
    %swap3A_58 = vector.shape_cast %swap3A_57 : vector<16xi32> to vector<16xi32>
    %swap3A_59 = vector.shape_cast %add3A_55 : vector<16xi32> to vector<16xi32>
    tpu.vector_store %arg6[%swap3A_56], %swap3A_59 {strides = array<i32>} : memref<512xi32, #tpu.memory_space<vmem>>, vector<16xi32>,
    %get3A_60 = arith.constant 64 : index
    %get3A_61 = tpu.vector_load %arg5[%get3A_60] {strides = array<i32>} : memref<512xi32, #tpu.memory_space<vmem>>, vector<16xi32>,
    %get3A_62 = vector.shape_cast %get3A_61 : vector<16xi32> to vector<16xi32>
    %max3A_63 = arith.maxsi %get3A_62, %broadcast_in_dim3A_22 : vector<16xi32>
    %add3A_64 = vector.broadcast %mul3A_20 : i32 to vector<16xi32>
    %add3A_65 = arith.addi %max3A_63, %add3A_64 : vector<16xi32>
    %swap3A_66 = arith.constant 64 : index
    %swap3A_67 = tpu.vector_load %arg6[%swap3A_66] {strides = array<i32>} : memref<512xi32, #tpu.memory_space<vmem>>, vector<16xi32>,
    %swap3A_68 = vector.shape_cast %swap3A_67 : vector<16xi32> to vector<16xi32>
    %swap3A_69 = vector.shape_cast %add3A_65 : vector<16xi32> to vector<16xi32>
    tpu.vector_store %arg6[%swap3A_66], %swap3A_69 {strides = array<i32>} : memref<512xi32, #tpu.memory_space<vmem>>, vector<16xi32>,
    %get3A_70 = arith.constant 80 : index
    %get3A_71 = tpu.vector_load %arg5[%get3A_70] {strides = array<i32>} : memref<512xi32, #tpu.memory_space<vmem>>, vector<16xi32>,
    %get3A_72 = vector.shape_cast %get3A_71 : vector<16xi32> to vector<16xi32>
    %max3A_73 = arith.maxsi %get3A_72, %broadcast_in_dim3A_22 : vector<16xi32>
    %add3A_74 = vector.broadcast %mul3A_20 : i32 to vector<16xi32>
    %add3A_75 = arith.addi %max3A_73, %add3A_74 : vector<16xi32>
    %swap3A_76 = arith.constant 80 : index
    %swap3A_77 = tpu.vector_load %arg6[%swap3A_76] {strides = array<i32>} : memref<512xi32, #tpu.memory_space<vmem>>, vector<16xi32>,
    %swap3A_78 = vector.shape_cast %swap3A_77 : vector<16xi32> to vector<16xi32>
    %swap3A_79 = vector.shape_cast %add3A_75 : vector<16xi32> to vector<16xi32>
    tpu.vector_store %arg6[%swap3A_76], %swap3A_79 {strides = array<i32>} : memref<512xi32, #tpu.memory_space<vmem>>, vector<16xi32>,
    %get3A_80 = arith.constant 96 : index
    %get3A_81 = tpu.vector_load %arg5[%get3A_80] {strides = array<i32>} : memref<512xi32, #tpu.memory_space<vmem>>, vector<16xi32>,
    %get3A_82 = vector.shape_cast %get3A_81 : vector<16xi32> to vector<16xi32>
    %max3A_83 = arith.maxsi %get3A_82, %broadcast_in_dim3A_22 : vector<16xi32>
    %add3A_84 = vector.broadcast %mul3A_20 : i32 to vector<16xi32>
    %add3A_85 = arith.addi %max3A_83, %add3A_84 : vector<16xi32>
    %swap3A_86 = arith.constant 96 : index
    %swap3A_87 = tpu.vector_load %arg6[%swap3A_86] {strides = array<i32>} : memref<512xi32, #tpu.memory_space<vmem>>, vector<16xi32>,
    %swap3A_88 = vector.shape_cast %swap3A_87 : vector<16xi32> to vector<16xi32>
    %swap3A_89 = vector.shape_cast %add3A_85 : vector<16xi32> to vector<16xi32>
    tpu.vector_store %arg6[%swap3A_86], %swap3A_89 {strides = array<i32>} : memref<512xi32, #tpu.memory_space<vmem>>, vector<16xi32>,
    %get3A_90 = arith.constant 112 : index
    %get3A_91 = tpu.vector_load %arg5[%get3A_90] {strides = array<i32>} : memref<512xi32, #tpu.memory_space<vmem>>, vector<16xi32>,
    %get3A_92 = vector.shape_cast %get3A_91 : vector<16xi32> to vector<16xi32>
    %max3A_93 = arith.maxsi %get3A_92, %broadcast_in_dim3A_22 : vector<16xi32>
    %add3A_94 = vector.broadcast %mul3A_20 : i32 to vector<16xi32>
    %add3A_95 = arith.addi %max3A_93, %add3A_94 : vector<16xi32>
    %swap3A_96 = arith.constant 112 : index
    %swap3A_97 = tpu.vector_load %arg6[%swap3A_96] {strides = array<i32>} : memref<512xi32, #tpu.memory_space<vmem>>, vector<16xi32>,
    %swap3A_98 = vector.shape_cast %swap3A_97 : vector<16xi32> to vector<16xi32>
    %swap3A_99 = vector.shape_cast %add3A_95 : vector<16xi32> to vector<16xi32>
    tpu.vector_store %arg6[%swap3A_96], %swap3A_99 {strides = array<i32>} : memref<512xi32, #tpu.memory_space<vmem>>, vector<16xi32>,
    %get3A_100 = arith.constant 128 : index
    %get3A_101 = tpu.vector_load %arg5[%get3A_100] {strides = array<i32>} : memref<512xi32, #tpu.memory_space<vmem>>, vector<16xi32>,
    %get3A_102 = vector.shape_cast %get3A_101 : vector<16xi32> to vector<16xi32>
    %max3A_103 = arith.maxsi %get3A_102, %broadcast_in_dim3A_22 : vector<16xi32>
    %add3A_104 = vector.broadcast %mul3A_20 : i32 to vector<16xi32>
    %add3A_105 = arith.addi %max3A_103, %add3A_104 : vector<16xi32>
    %swap3A_106 = arith.constant 128 : index
    %swap3A_107 = tpu.vector_load %arg6[%swap3A_106] {strides = array<i32>} : memref<512xi32, #tpu.memory_space<vmem>>, vector<16xi32>,
    %swap3A_108 = vector.shape_cast %swap3A_107 : vector<16xi32> to vector<16xi32>
    %swap3A_109 = vector.shape_cast %add3A_105 : vector<16xi32> to vector<16xi32>
    tpu.vector_store %arg6[%swap3A_106], %swap3A_109 {strides = array<i32>} : memref<512xi32, #tpu.memory_space<vmem>>, vector<16xi32>,
    %get3A_110 = arith.constant 144 : index
    %get3A_111 = tpu.vector_load %arg5[%get3A_110] {strides = array<i32>} : memref<512xi32, #tpu.memory_space<vmem>>, vector<16xi32>,
    %get3A_112 = vector.shape_cast %get3A_111 : vector<16xi32> to vector<16xi32>
    %max3A_113 = arith.maxsi %get3A_112, %broadcast_in_dim3A_22 : vector<16xi32>
    %add3A_114 = vector.broadcast %mul3A_20 : i32 to vector<16xi32>
    %add3A_115 = arith.addi %max3A_113, %add3A_114 : vector<16xi32>
    %swap3A_116 = arith.constant 144 : index
    %swap3A_117 = tpu.vector_load %arg6[%swap3A_116] {strides = array<i32>} : memref<512xi32, #tpu.memory_space<vmem>>, vector<16xi32>,
    %swap3A_118 = vector.shape_cast %swap3A_117 : vector<16xi32> to vector<16xi32>
    %swap3A_119 = vector.shape_cast %add3A_115 : vector<16xi32> to vector<16xi32>
    tpu.vector_store %arg6[%swap3A_116], %swap3A_119 {strides = array<i32>} : memref<512xi32, #tpu.memory_space<vmem>>, vector<16xi32>,
    %get3A_120 = arith.constant 160 : index
    %get3A_121 = tpu.vector_load %arg5[%get3A_120] {strides = array<i32>} : memref<512xi32, #tpu.memory_space<vmem>>, vector<16xi32>,
    %get3A_122 = vector.shape_cast %get3A_121 : vector<16xi32> to vector<16xi32>
    %max3A_123 = arith.maxsi %get3A_122, %broadcast_in_dim3A_22 : vector<16xi32>
    %add3A_124 = vector.broadcast %mul3A_20 : i32 to vector<16xi32>
    %add3A_125 = arith.addi %max3A_123, %add3A_124 : vector<16xi32>
    %swap3A_126 = arith.constant 160 : index
    %swap3A_127 = tpu.vector_load %arg6[%swap3A_126] {strides = array<i32>} : memref<512xi32, #tpu.memory_space<vmem>>, vector<16xi32>,
    %swap3A_128 = vector.shape_cast %swap3A_127 : vector<16xi32> to vector<16xi32>
    %swap3A_129 = vector.shape_cast %add3A_125 : vector<16xi32> to vector<16xi32>
    tpu.vector_store %arg6[%swap3A_126], %swap3A_129 {strides = array<i32>} : memref<512xi32, #tpu.memory_space<vmem>>, vector<16xi32>,
    %get3A_130 = arith.constant 176 : index
    %get3A_131 = tpu.vector_load %arg5[%get3A_130] {strides = array<i32>} : memref<512xi32, #tpu.memory_space<vmem>>, vector<16xi32>,
    %get3A_132 = vector.shape_cast %get3A_131 : vector<16xi32> to vector<16xi32>
    %max3A_133 = arith.maxsi %get3A_132, %broadcast_in_dim3A_22 : vector<16xi32>
    %add3A_134 = vector.broadcast %mul3A_20 : i32 to vector<16xi32>
    %add3A_135 = arith.addi %max3A_133, %add3A_134 : vector<16xi32>
    %swap3A_136 = arith.constant 176 : index
    %swap3A_137 = tpu.vector_load %arg6[%swap3A_136] {strides = array<i32>} : memref<512xi32, #tpu.memory_space<vmem>>, vector<16xi32>,
    %swap3A_138 = vector.shape_cast %swap3A_137 : vector<16xi32> to vector<16xi32>
    %swap3A_139 = vector.shape_cast %add3A_135 : vector<16xi32> to vector<16xi32>
    tpu.vector_store %arg6[%swap3A_136], %swap3A_139 {strides = array<i32>} : memref<512xi32, #tpu.memory_space<vmem>>, vector<16xi32>,
    %get3A_140 = arith.constant 192 : index
    %get3A_141 = tpu.vector_load %arg5[%get3A_140] {strides = array<i32>} : memref<512xi32, #tpu.memory_space<vmem>>, vector<16xi32>,
    %get3A_142 = vector.shape_cast %get3A_141 : vector<16xi32> to vector<16xi32>
    %max3A_143 = arith.maxsi %get3A_142, %broadcast_in_dim3A_22 : vector<16xi32>
    %add3A_144 = vector.broadcast %mul3A_20 : i32 to vector<16xi32>
    %add3A_145 = arith.addi %max3A_143, %add3A_144 : vector<16xi32>
    %swap3A_146 = arith.constant 192 : index
    %swap3A_147 = tpu.vector_load %arg6[%swap3A_146] {strides = array<i32>} : memref<512xi32, #tpu.memory_space<vmem>>, vector<16xi32>,
    %swap3A_148 = vector.shape_cast %swap3A_147 : vector<16xi32> to vector<16xi32>
    %swap3A_149 = vector.shape_cast %add3A_145 : vector<16xi32> to vector<16xi32>
    tpu.vector_store %arg6[%swap3A_146], %swap3A_149 {strides = array<i32>} : memref<512xi32, #tpu.memory_space<vmem>>, vector<16xi32>,
    %get3A_150 = arith.constant 208 : index
    %get3A_151 = tpu.vector_load %arg5[%get3A_150] {strides = array<i32>} : memref<512xi32, #tpu.memory_space<vmem>>, vector<16xi32>,
    %get3A_152 = vector.shape_cast %get3A_151 : vector<16xi32> to vector<16xi32>
    %max3A_153 = arith.maxsi %get3A_152, %broadcast_in_dim3A_22 : vector<16xi32>
    %add3A_154 = vector.broadcast %mul3A_20 : i32 to vector<16xi32>
    %add3A_155 = arith.addi %max3A_153, %add3A_154 : vector<16xi32>
    %swap3A_156 = arith.constant 208 : index
    %swap3A_157 = tpu.vector_load %arg6[%swap3A_156] {strides = array<i32>} : memref<512xi32, #tpu.memory_space<vmem>>, vector<16xi32>,
    %swap3A_158 = vector.shape_cast %swap3A_157 : vector<16xi32> to vector<16xi32>
    %swap3A_159 = vector.shape_cast %add3A_155 : vector<16xi32> to vector<16xi32>
    tpu.vector_store %arg6[%swap3A_156], %swap3A_159 {strides = array<i32>} : memref<512xi32, #tpu.memory_space<vmem>>, vector<16xi32>,
    %get3A_160 = arith.constant 224 : index
    %get3A_161 = tpu.vector_load %arg5[%get3A_160] {strides = array<i32>} : memref<512xi32, #tpu.memory_space<vmem>>, vector<16xi32>,
    %get3A_162 = vector.shape_cast %get3A_161 : vector<16xi32> to vector<16xi32>
    %max3A_163 = arith.maxsi %get3A_162, %broadcast_in_dim3A_22 : vector<16xi32>
    %add3A_164 = vector.broadcast %mul3A_20 : i32 to vector<16xi32>
    %add3A_165 = arith.addi %max3A_163, %add3A_164 : vector<16xi32>
    %swap3A_166 = arith.constant 224 : index
    %swap3A_167 = tpu.vector_load %arg6[%swap3A_166] {strides = array<i32>} : memref<512xi32, #tpu.memory_space<vmem>>, vector<16xi32>,
    %swap3A_168 = vector.shape_cast %swap3A_167 : vector<16xi32> to vector<16xi32>
    %swap3A_169 = vector.shape_cast %add3A_165 : vector<16xi32> to vector<16xi32>
    tpu.vector_store %arg6[%swap3A_166], %swap3A_169 {strides = array<i32>} : memref<512xi32, #tpu.memory_space<vmem>>, vector<16xi32>,
    %get3A_170 = arith.constant 240 : index
    %get3A_171 = tpu.vector_load %arg5[%get3A_170] {strides = array<i32>} : memref<512xi32, #tpu.memory_space<vmem>>, vector<16xi32>,
    %get3A_172 = vector.shape_cast %get3A_171 : vector<16xi32> to vector<16xi32>
    %max3A_173 = arith.maxsi %get3A_172, %broadcast_in_dim3A_22 : vector<16xi32>
    %add3A_174 = vector.broadcast %mul3A_20 : i32 to vector<16xi32>
    %add3A_175 = arith.addi %max3A_173, %add3A_174 : vector<16xi32>
    %swap3A_176 = arith.constant 240 : index
    %swap3A_177 = tpu.vector_load %arg6[%swap3A_176] {strides = array<i32>} : memref<512xi32, #tpu.memory_space<vmem>>, vector<16xi32>,
    %swap3A_178 = vector.shape_cast %swap3A_177 : vector<16xi32> to vector<16xi32>
    %swap3A_179 = vector.shape_cast %add3A_175 : vector<16xi32> to vector<16xi32>
    tpu.vector_store %arg6[%swap3A_176], %swap3A_179 {strides = array<i32>} : memref<512xi32, #tpu.memory_space<vmem>>, vector<16xi32>,
    %get3A_180 = arith.constant 256 : index
    %get3A_181 = tpu.vector_load %arg5[%get3A_180] {strides = array<i32>} : memref<512xi32, #tpu.memory_space<vmem>>, vector<16xi32>,
    %get3A_182 = vector.shape_cast %get3A_181 : vector<16xi32> to vector<16xi32>
    %max3A_183 = arith.maxsi %get3A_182, %broadcast_in_dim3A_22 : vector<16xi32>
    %add3A_184 = vector.broadcast %mul3A_20 : i32 to vector<16xi32>
    %add3A_185 = arith.addi %max3A_183, %add3A_184 : vector<16xi32>
    %swap3A_186 = arith.constant 256 : index
    %swap3A_187 = tpu.vector_load %arg6[%swap3A_186] {strides = array<i32>} : memref<512xi32, #tpu.memory_space<vmem>>, vector<16xi32>,
    %swap3A_188 = vector.shape_cast %swap3A_187 : vector<16xi32> to vector<16xi32>
    %swap3A_189 = vector.shape_cast %add3A_185 : vector<16xi32> to vector<16xi32>
    tpu.vector_store %arg6[%swap3A_186], %swap3A_189 {strides = array<i32>} : memref<512xi32, #tpu.memory_space<vmem>>, vector<16xi32>,
    %get3A_190 = arith.constant 272 : index
    %get3A_191 = tpu.vector_load %arg5[%get3A_190] {strides = array<i32>} : memref<512xi32, #tpu.memory_space<vmem>>, vector<16xi32>,
    %get3A_192 = vector.shape_cast %get3A_191 : vector<16xi32> to vector<16xi32>
    %max3A_193 = arith.maxsi %get3A_192, %broadcast_in_dim3A_22 : vector<16xi32>
    %add3A_194 = vector.broadcast %mul3A_20 : i32 to vector<16xi32>
    %add3A_195 = arith.addi %max3A_193, %add3A_194 : vector<16xi32>
    %swap3A_196 = arith.constant 272 : index
    %swap3A_197 = tpu.vector_load %arg6[%swap3A_196] {strides = array<i32>} : memref<512xi32, #tpu.memory_space<vmem>>, vector<16xi32>,
    %swap3A_198 = vector.shape_cast %swap3A_197 : vector<16xi32> to vector<16xi32>
    %swap3A_199 = vector.shape_cast %add3A_195 : vector<16xi32> to vector<16xi32>
    tpu.vector_store %arg6[%swap3A_196], %swap3A_199 {strides = array<i32>} : memref<512xi32, #tpu.memory_space<vmem>>, vector<16xi32>,
    %get3A_200 = arith.constant 288 : index
    %get3A_201 = tpu.vector_load %arg5[%get3A_200] {strides = array<i32>} : memref<512xi32, #tpu.memory_space<vmem>>, vector<16xi32>,
    %get3A_202 = vector.shape_cast %get3A_201 : vector<16xi32> to vector<16xi32>
    %max3A_203 = arith.maxsi %get3A_202, %broadcast_in_dim3A_22 : vector<16xi32>
    %add3A_204 = vector.broadcast %mul3A_20 : i32 to vector<16xi32>
    %add3A_205 = arith.addi %max3A_203, %add3A_204 : vector<16xi32>
    %swap3A_206 = arith.constant 288 : index
    %swap3A_207 = tpu.vector_load %arg6[%swap3A_206] {strides = array<i32>} : memref<512xi32, #tpu.memory_space<vmem>>, vector<16xi32>,
    %swap3A_208 = vector.shape_cast %swap3A_207 : vector<16xi32> to vector<16xi32>
    %swap3A_209 = vector.shape_cast %add3A_205 : vector<16xi32> to vector<16xi32>
    tpu.vector_store %arg6[%swap3A_206], %swap3A_209 {strides = array<i32>} : memref<512xi32, #tpu.memory_space<vmem>>, vector<16xi32>,
    %get3A_210 = arith.constant 304 : index
    %get3A_211 = tpu.vector_load %arg5[%get3A_210] {strides = array<i32>} : memref<512xi32, #tpu.memory_space<vmem>>, vector<16xi32>,
    %get3A_212 = vector.shape_cast %get3A_211 : vector<16xi32> to vector<16xi32>
    %max3A_213 = arith.maxsi %get3A_212, %broadcast_in_dim3A_22 : vector<16xi32>
    %add3A_214 = vector.broadcast %mul3A_20 : i32 to vector<16xi32>
    %add3A_215 = arith.addi %max3A_213, %add3A_214 : vector<16xi32>
    %swap3A_216 = arith.constant 304 : index
    %swap3A_217 = tpu.vector_load %arg6[%swap3A_216] {strides = array<i32>} : memref<512xi32, #tpu.memory_space<vmem>>, vector<16xi32>,
    %swap3A_218 = vector.shape_cast %swap3A_217 : vector<16xi32> to vector<16xi32>
    %swap3A_219 = vector.shape_cast %add3A_215 : vector<16xi32> to vector<16xi32>
    tpu.vector_store %arg6[%swap3A_216], %swap3A_219 {strides = array<i32>} : memref<512xi32, #tpu.memory_space<vmem>>, vector<16xi32>,
    %get3A_220 = arith.constant 320 : index
    %get3A_221 = tpu.vector_load %arg5[%get3A_220] {strides = array<i32>} : memref<512xi32, #tpu.memory_space<vmem>>, vector<16xi32>,
    %get3A_222 = vector.shape_cast %get3A_221 : vector<16xi32> to vector<16xi32>
    %max3A_223 = arith.maxsi %get3A_222, %broadcast_in_dim3A_22 : vector<16xi32>
    %add3A_224 = vector.broadcast %mul3A_20 : i32 to vector<16xi32>
    %add3A_225 = arith.addi %max3A_223, %add3A_224 : vector<16xi32>
    %swap3A_226 = arith.constant 320 : index
    %swap3A_227 = tpu.vector_load %arg6[%swap3A_226] {strides = array<i32>} : memref<512xi32, #tpu.memory_space<vmem>>, vector<16xi32>,
    %swap3A_228 = vector.shape_cast %swap3A_227 : vector<16xi32> to vector<16xi32>
    %swap3A_229 = vector.shape_cast %add3A_225 : vector<16xi32> to vector<16xi32>
    tpu.vector_store %arg6[%swap3A_226], %swap3A_229 {strides = array<i32>} : memref<512xi32, #tpu.memory_space<vmem>>, vector<16xi32>,
    %get3A_230 = arith.constant 336 : index
    %get3A_231 = tpu.vector_load %arg5[%get3A_230] {strides = array<i32>} : memref<512xi32, #tpu.memory_space<vmem>>, vector<16xi32>,
    %get3A_232 = vector.shape_cast %get3A_231 : vector<16xi32> to vector<16xi32>
    %max3A_233 = arith.maxsi %get3A_232, %broadcast_in_dim3A_22 : vector<16xi32>
    %add3A_234 = vector.broadcast %mul3A_20 : i32 to vector<16xi32>
    %add3A_235 = arith.addi %max3A_233, %add3A_234 : vector<16xi32>
    %swap3A_236 = arith.constant 336 : index
    %swap3A_237 = tpu.vector_load %arg6[%swap3A_236] {strides = array<i32>} : memref<512xi32, #tpu.memory_space<vmem>>, vector<16xi32>,
    %swap3A_238 = vector.shape_cast %swap3A_237 : vector<16xi32> to vector<16xi32>
    %swap3A_239 = vector.shape_cast %add3A_235 : vector<16xi32> to vector<16xi32>
    tpu.vector_store %arg6[%swap3A_236], %swap3A_239 {strides = array<i32>} : memref<512xi32, #tpu.memory_space<vmem>>, vector<16xi32>,
    %get3A_240 = arith.constant 352 : index
    %get3A_241 = tpu.vector_load %arg5[%get3A_240] {strides = array<i32>} : memref<512xi32, #tpu.memory_space<vmem>>, vector<16xi32>,
    %get3A_242 = vector.shape_cast %get3A_241 : vector<16xi32> to vector<16xi32>
    %max3A_243 = arith.maxsi %get3A_242, %broadcast_in_dim3A_22 : vector<16xi32>
    %add3A_244 = vector.broadcast %mul3A_20 : i32 to vector<16xi32>
    %add3A_245 = arith.addi %max3A_243, %add3A_244 : vector<16xi32>
    %swap3A_246 = arith.constant 352 : index
    %swap3A_247 = tpu.vector_load %arg6[%swap3A_246] {strides = array<i32>} : memref<512xi32, #tpu.memory_space<vmem>>, vector<16xi32>,
    %swap3A_248 = vector.shape_cast %swap3A_247 : vector<16xi32> to vector<16xi32>
    %swap3A_249 = vector.shape_cast %add3A_245 : vector<16xi32> to vector<16xi32>
    tpu.vector_store %arg6[%swap3A_246], %swap3A_249 {strides = array<i32>} : memref<512xi32, #tpu.memory_space<vmem>>, vector<16xi32>,
    %get3A_250 = arith.constant 368 : index
    %get3A_251 = tpu.vector_load %arg5[%get3A_250] {strides = array<i32>} : memref<512xi32, #tpu.memory_space<vmem>>, vector<16xi32>,
    %get3A_252 = vector.shape_cast %get3A_251 : vector<16xi32> to vector<16xi32>
    %max3A_253 = arith.maxsi %get3A_252, %broadcast_in_dim3A_22 : vector<16xi32>
    %add3A_254 = vector.broadcast %mul3A_20 : i32 to vector<16xi32>
    %add3A_255 = arith.addi %max3A_253, %add3A_254 : vector<16xi32>
    %swap3A_256 = arith.constant 368 : index
    %swap3A_257 = tpu.vector_load %arg6[%swap3A_256] {strides = array<i32>} : memref<512xi32, #tpu.memory_space<vmem>>, vector<16xi32>,
    %swap3A_258 = vector.shape_cast %swap3A_257 : vector<16xi32> to vector<16xi32>
    %swap3A_259 = vector.shape_cast %add3A_255 : vector<16xi32> to vector<16xi32>
    tpu.vector_store %arg6[%swap3A_256], %swap3A_259 {strides = array<i32>} : memref<512xi32, #tpu.memory_space<vmem>>, vector<16xi32>,
    %get3A_260 = arith.constant 384 : index
    %get3A_261 = tpu.vector_load %arg5[%get3A_260] {strides = array<i32>} : memref<512xi32, #tpu.memory_space<vmem>>, vector<16xi32>,
    %get3A_262 = vector.shape_cast %get3A_261 : vector<16xi32> to vector<16xi32>
    %max3A_263 = arith.maxsi %get3A_262, %broadcast_in_dim3A_22 : vector<16xi32>
    %add3A_264 = vector.broadcast %mul3A_20 : i32 to vector<16xi32>
    %add3A_265 = arith.addi %max3A_263, %add3A_264 : vector<16xi32>
    %swap3A_266 = arith.constant 384 : index
    %swap3A_267 = tpu.vector_load %arg6[%swap3A_266] {strides = array<i32>} : memref<512xi32, #tpu.memory_space<vmem>>, vector<16xi32>,
    %swap3A_268 = vector.shape_cast %swap3A_267 : vector<16xi32> to vector<16xi32>
    %swap3A_269 = vector.shape_cast %add3A_265 : vector<16xi32> to vector<16xi32>
    tpu.vector_store %arg6[%swap3A_266], %swap3A_269 {strides = array<i32>} : memref<512xi32, #tpu.memory_space<vmem>>, vector<16xi32>,
    %get3A_270 = arith.constant 400 : index
    %get3A_271 = tpu.vector_load %arg5[%get3A_270] {strides = array<i32>} : memref<512xi32, #tpu.memory_space<vmem>>, vector<16xi32>,
    %get3A_272 = vector.shape_cast %get3A_271 : vector<16xi32> to vector<16xi32>
    %max3A_273 = arith.maxsi %get3A_272, %broadcast_in_dim3A_22 : vector<16xi32>
    %add3A_274 = vector.broadcast %mul3A_20 : i32 to vector<16xi32>
    %add3A_275 = arith.addi %max3A_273, %add3A_274 : vector<16xi32>
    %swap3A_276 = arith.constant 400 : index
    %swap3A_277 = tpu.vector_load %arg6[%swap3A_276] {strides = array<i32>} : memref<512xi32, #tpu.memory_space<vmem>>, vector<16xi32>,
    %swap3A_278 = vector.shape_cast %swap3A_277 : vector<16xi32> to vector<16xi32>
    %swap3A_279 = vector.shape_cast %add3A_275 : vector<16xi32> to vector<16xi32>
    tpu.vector_store %arg6[%swap3A_276], %swap3A_279 {strides = array<i32>} : memref<512xi32, #tpu.memory_space<vmem>>, vector<16xi32>,
    %get3A_280 = arith.constant 416 : index
    %get3A_281 = tpu.vector_load %arg5[%get3A_280] {strides = array<i32>} : memref<512xi32, #tpu.memory_space<vmem>>, vector<16xi32>,
    %get3A_282 = vector.shape_cast %get3A_281 : vector<16xi32> to vector<16xi32>
    %max3A_283 = arith.maxsi %get3A_282, %broadcast_in_dim3A_22 : vector<16xi32>
    %add3A_284 = vector.broadcast %mul3A_20 : i32 to vector<16xi32>
    %add3A_285 = arith.addi %max3A_283, %add3A_284 : vector<16xi32>
    %swap3A_286 = arith.constant 416 : index
    %swap3A_287 = tpu.vector_load %arg6[%swap3A_286] {strides = array<i32>} : memref<512xi32, #tpu.memory_space<vmem>>, vector<16xi32>,
    %swap3A_288 = vector.shape_cast %swap3A_287 : vector<16xi32> to vector<16xi32>
    %swap3A_289 = vector.shape_cast %add3A_285 : vector<16xi32> to vector<16xi32>
    tpu.vector_store %arg6[%swap3A_286], %swap3A_289 {strides = array<i32>} : memref<512xi32, #tpu.memory_space<vmem>>, vector<16xi32>,
    %get3A_290 = arith.constant 432 : index
    %get3A_291 = tpu.vector_load %arg5[%get3A_290] {strides = array<i32>} : memref<512xi32, #tpu.memory_space<vmem>>, vector<16xi32>,
    %get3A_292 = vector.shape_cast %get3A_291 : vector<16xi32> to vector<16xi32>
    %max3A_293 = arith.maxsi %get3A_292, %broadcast_in_dim3A_22 : vector<16xi32>
    %add3A_294 = vector.broadcast %mul3A_20 : i32 to vector<16xi32>
    %add3A_295 = arith.addi %max3A_293, %add3A_294 : vector<16xi32>
    %swap3A_296 = arith.constant 432 : index
    %swap3A_297 = tpu.vector_load %arg6[%swap3A_296] {strides = array<i32>} : memref<512xi32, #tpu.memory_space<vmem>>, vector<16xi32>,
    %swap3A_298 = vector.shape_cast %swap3A_297 : vector<16xi32> to vector<16xi32>
    %swap3A_299 = vector.shape_cast %add3A_295 : vector<16xi32> to vector<16xi32>
    tpu.vector_store %arg6[%swap3A_296], %swap3A_299 {strides = array<i32>} : memref<512xi32, #tpu.memory_space<vmem>>, vector<16xi32>,
    %get3A_300 = arith.constant 448 : index
    %get3A_301 = tpu.vector_load %arg5[%get3A_300] {strides = array<i32>} : memref<512xi32, #tpu.memory_space<vmem>>, vector<16xi32>,
    %get3A_302 = vector.shape_cast %get3A_301 : vector<16xi32> to vector<16xi32>
    %max3A_303 = arith.maxsi %get3A_302, %broadcast_in_dim3A_22 : vector<16xi32>
    %add3A_304 = vector.broadcast %mul3A_20 : i32 to vector<16xi32>
    %add3A_305 = arith.addi %max3A_303, %add3A_304 : vector<16xi32>
    %swap3A_306 = arith.constant 448 : index
    %swap3A_307 = tpu.vector_load %arg6[%swap3A_306] {strides = array<i32>} : memref<512xi32, #tpu.memory_space<vmem>>, vector<16xi32>,
    %swap3A_308 = vector.shape_cast %swap3A_307 : vector<16xi32> to vector<16xi32>
    %swap3A_309 = vector.shape_cast %add3A_305 : vector<16xi32> to vector<16xi32>
    tpu.vector_store %arg6[%swap3A_306], %swap3A_309 {strides = array<i32>} : memref<512xi32, #tpu.memory_space<vmem>>, vector<16xi32>,
    %get3A_310 = arith.constant 464 : index
    %get3A_311 = tpu.vector_load %arg5[%get3A_310] {strides = array<i32>} : memref<512xi32, #tpu.memory_space<vmem>>, vector<16xi32>,
    %get3A_312 = vector.shape_cast %get3A_311 : vector<16xi32> to vector<16xi32>
    %max3A_313 = arith.maxsi %get3A_312, %broadcast_in_dim3A_22 : vector<16xi32>
    %add3A_314 = vector.broadcast %mul3A_20 : i32 to vector<16xi32>
    %add3A_315 = arith.addi %max3A_313, %add3A_314 : vector<16xi32>
    %swap3A_316 = arith.constant 464 : index
    %swap3A_317 = tpu.vector_load %arg6[%swap3A_316] {strides = array<i32>} : memref<512xi32, #tpu.memory_space<vmem>>, vector<16xi32>,
    %swap3A_318 = vector.shape_cast %swap3A_317 : vector<16xi32> to vector<16xi32>
    %swap3A_319 = vector.shape_cast %add3A_315 : vector<16xi32> to vector<16xi32>
    tpu.vector_store %arg6[%swap3A_316], %swap3A_319 {strides = array<i32>} : memref<512xi32, #tpu.memory_space<vmem>>, vector<16xi32>,
    %get3A_320 = arith.constant 480 : index
    %get3A_321 = tpu.vector_load %arg5[%get3A_320] {strides = array<i32>} : memref<512xi32, #tpu.memory_space<vmem>>, vector<16xi32>,
    %get3A_322 = vector.shape_cast %get3A_321 : vector<16xi32> to vector<16xi32>
    %max3A_323 = arith.maxsi %get3A_322, %broadcast_in_dim3A_22 : vector<16xi32>
    %add3A_324 = vector.broadcast %mul3A_20 : i32 to vector<16xi32>
    %add3A_325 = arith.addi %max3A_323, %add3A_324 : vector<16xi32>
    %swap3A_326 = arith.constant 480 : index
    %swap3A_327 = tpu.vector_load %arg6[%swap3A_326] {strides = array<i32>} : memref<512xi32, #tpu.memory_space<vmem>>, vector<16xi32>,
    %swap3A_328 = vector.shape_cast %swap3A_327 : vector<16xi32> to vector<16xi32>
    %swap3A_329 = vector.shape_cast %add3A_325 : vector<16xi32> to vector<16xi32>
    tpu.vector_store %arg6[%swap3A_326], %swap3A_329 {strides = array<i32>} : memref<512xi32, #tpu.memory_space<vmem>>, vector<16xi32>,
    %get3A_330 = arith.constant 496 : index
    %get3A_331 = tpu.vector_load %arg5[%get3A_330] {strides = array<i32>} : memref<512xi32, #tpu.memory_space<vmem>>, vector<16xi32>,
    %get3A_332 = vector.shape_cast %get3A_331 : vector<16xi32> to vector<16xi32>
    %max3A_333 = arith.maxsi %get3A_332, %broadcast_in_dim3A_22 : vector<16xi32>
    %add3A_334 = vector.broadcast %mul3A_20 : i32 to vector<16xi32>
    %add3A_335 = arith.addi %max3A_333, %add3A_334 : vector<16xi32>
    %swap3A_336 = arith.constant 496 : index
    %swap3A_337 = tpu.vector_load %arg6[%swap3A_336] {strides = array<i32>} : memref<512xi32, #tpu.memory_space<vmem>>, vector<16xi32>,
    %swap3A_338 = vector.shape_cast %swap3A_337 : vector<16xi32> to vector<16xi32>
    %swap3A_339 = vector.shape_cast %add3A_335 : vector<16xi32> to vector<16xi32>
    tpu.vector_store %arg6[%swap3A_336], %swap3A_339 {strides = array<i32>} : memref<512xi32, #tpu.memory_space<vmem>>, vector<16xi32>,
    "tpu.region"() ({
      %run_scoped3A = tpu.sem_alloc : memref<!tpu.dma_semaphore, #tpu.memory_space<semaphore_mem>>
      %dma_start3A = arith.constant 0 : i32
      %dma_start3A_978 = tpu.memref_slice %arg7[%dma_start3A] : memref<512xi32, #tpu.memory_space<vmem>> -> memref<128xi32, #tpu.memory_space<vmem>>
      %dma_start3A_979 = arith.constant 0 : i32
      %dma_start3A_980 = tpu.memref_slice %arg6[%dma_start3A_979] : memref<512xi32, #tpu.memory_space<vmem>> -> memref<128xi32, #tpu.memory_space<vmem>>
      %dma_start3A_981 = arith.constant 0 : i32
      %dma_start3A_982 = tpu.memref_slice %arg3[%dma_start3A_981] : memref<16384xi32, #tpu.memory_space<hbm>> -> memref<16384xi32, #tpu.memory_space<hbm>>
      tpu.enqueue_indirect_dma source(%dma_start3A_982 : memref<16384xi32, #tpu.memory_space<hbm>>) target(%dma_start3A_978 : memref<128xi32, #tpu.memory_space<vmem>>) offsets(%dma_start3A_980 : memref<128xi32, #tpu.memory_space<vmem>>) semaphore(%run_scoped3A : memref<!tpu.dma_semaphore, #tpu.memory_space<semaphore_mem>>)
      %dma_wait3A = arith.constant 0 : i32
      %dma_wait3A_983 = tpu.memref_slice %arg7[%dma_wait3A] : memref<512xi32, #tpu.memory_space<vmem>> -> memref<128xi32, #tpu.memory_space<vmem>>
      %dma_wait3A_984 = arith.constant 0 : i32
      %dma_wait3A_985 = tpu.memref_slice %arg6[%dma_wait3A_984] : memref<512xi32, #tpu.memory_space<vmem>> -> memref<128xi32, #tpu.memory_space<vmem>>
      %dma_wait3A_986 = arith.constant 0 : i32
      %dma_wait3A_987 = tpu.memref_slice %arg3[%dma_wait3A_986] : memref<16384xi32, #tpu.memory_space<hbm>> -> memref<16384xi32, #tpu.memory_space<hbm>>
      tpu.wait_indirect_dma semaphore(%run_scoped3A : memref<!tpu.dma_semaphore, #tpu.memory_space<semaphore_mem>>) src(%dma_wait3A_987 : memref<16384xi32, #tpu.memory_space<hbm>>) dst(%dma_wait3A_983 : memref<128xi32, #tpu.memory_space<vmem>>)
      tpu.yield
    }) : () -> ()
    "tpu.region"() ({
      %run_scoped3A = tpu.sem_alloc : memref<!tpu.dma_semaphore, #tpu.memory_space<semaphore_mem>>
      %dma_start3A = arith.constant 128 : i32
      %dma_start3A_978 = tpu.memref_slice %arg7[%dma_start3A] : memref<512xi32, #tpu.memory_space<vmem>> -> memref<128xi32, #tpu.memory_space<vmem>>
      %dma_start3A_979 = arith.constant 128 : i32
      %dma_start3A_980 = tpu.memref_slice %arg6[%dma_start3A_979] : memref<512xi32, #tpu.memory_space<vmem>> -> memref<128xi32, #tpu.memory_space<vmem>>
      %dma_start3A_981 = arith.constant 0 : i32
      %dma_start3A_982 = tpu.memref_slice %arg3[%dma_start3A_981] : memref<16384xi32, #tpu.memory_space<hbm>> -> memref<16384xi32, #tpu.memory_space<hbm>>
      tpu.enqueue_indirect_dma source(%dma_start3A_982 : memref<16384xi32, #tpu.memory_space<hbm>>) target(%dma_start3A_978 : memref<128xi32, #tpu.memory_space<vmem>>) offsets(%dma_start3A_980 : memref<128xi32, #tpu.memory_space<vmem>>) semaphore(%run_scoped3A : memref<!tpu.dma_semaphore, #tpu.memory_space<semaphore_mem>>)
      %dma_wait3A = arith.constant 128 : i32
      %dma_wait3A_983 = tpu.memref_slice %arg7[%dma_wait3A] : memref<512xi32, #tpu.memory_space<vmem>> -> memref<128xi32, #tpu.memory_space<vmem>>
      %dma_wait3A_984 = arith.constant 128 : i32
      %dma_wait3A_985 = tpu.memref_slice %arg6[%dma_wait3A_984] : memref<512xi32, #tpu.memory_space<vmem>> -> memref<128xi32, #tpu.memory_space<vmem>>
      %dma_wait3A_986 = arith.constant 0 : i32
      %dma_wait3A_987 = tpu.memref_slice %arg3[%dma_wait3A_986] : memref<16384xi32, #tpu.memory_space<hbm>> -> memref<16384xi32, #tpu.memory_space<hbm>>
      tpu.wait_indirect_dma semaphore(%run_scoped3A : memref<!tpu.dma_semaphore, #tpu.memory_space<semaphore_mem>>) src(%dma_wait3A_987 : memref<16384xi32, #tpu.memory_space<hbm>>) dst(%dma_wait3A_983 : memref<128xi32, #tpu.memory_space<vmem>>)
      tpu.yield
    }) : () -> ()
    "tpu.region"() ({
      %run_scoped3A = tpu.sem_alloc : memref<!tpu.dma_semaphore, #tpu.memory_space<semaphore_mem>>
      %dma_start3A = arith.constant 256 : i32
      %dma_start3A_978 = tpu.memref_slice %arg7[%dma_start3A] : memref<512xi32, #tpu.memory_space<vmem>> -> memref<128xi32, #tpu.memory_space<vmem>>
      %dma_start3A_979 = arith.constant 256 : i32
      %dma_start3A_980 = tpu.memref_slice %arg6[%dma_start3A_979] : memref<512xi32, #tpu.memory_space<vmem>> -> memref<128xi32, #tpu.memory_space<vmem>>
      %dma_start3A_981 = arith.constant 0 : i32
      %dma_start3A_982 = tpu.memref_slice %arg3[%dma_start3A_981] : memref<16384xi32, #tpu.memory_space<hbm>> -> memref<16384xi32, #tpu.memory_space<hbm>>
      tpu.enqueue_indirect_dma source(%dma_start3A_982 : memref<16384xi32, #tpu.memory_space<hbm>>) target(%dma_start3A_978 : memref<128xi32, #tpu.memory_space<vmem>>) offsets(%dma_start3A_980 : memref<128xi32, #tpu.memory_space<vmem>>) semaphore(%run_scoped3A : memref<!tpu.dma_semaphore, #tpu.memory_space<semaphore_mem>>)
      %dma_wait3A = arith.constant 256 : i32
      %dma_wait3A_983 = tpu.memref_slice %arg7[%dma_wait3A] : memref<512xi32, #tpu.memory_space<vmem>> -> memref<128xi32, #tpu.memory_space<vmem>>
      %dma_wait3A_984 = arith.constant 256 : i32
      %dma_wait3A_985 = tpu.memref_slice %arg6[%dma_wait3A_984] : memref<512xi32, #tpu.memory_space<vmem>> -> memref<128xi32, #tpu.memory_space<vmem>>
      %dma_wait3A_986 = arith.constant 0 : i32
      %dma_wait3A_987 = tpu.memref_slice %arg3[%dma_wait3A_986] : memref<16384xi32, #tpu.memory_space<hbm>> -> memref<16384xi32, #tpu.memory_space<hbm>>
      tpu.wait_indirect_dma semaphore(%run_scoped3A : memref<!tpu.dma_semaphore, #tpu.memory_space<semaphore_mem>>) src(%dma_wait3A_987 : memref<16384xi32, #tpu.memory_space<hbm>>) dst(%dma_wait3A_983 : memref<128xi32, #tpu.memory_space<vmem>>)
      tpu.yield
    }) : () -> ()
    "tpu.region"() ({
      %run_scoped3A = tpu.sem_alloc : memref<!tpu.dma_semaphore, #tpu.memory_space<semaphore_mem>>
      %dma_start3A = arith.constant 384 : i32
      %dma_start3A_978 = tpu.memref_slice %arg7[%dma_start3A] : memref<512xi32, #tpu.memory_space<vmem>> -> memref<128xi32, #tpu.memory_space<vmem>>
      %dma_start3A_979 = arith.constant 384 : i32
      %dma_start3A_980 = tpu.memref_slice %arg6[%dma_start3A_979] : memref<512xi32, #tpu.memory_space<vmem>> -> memref<128xi32, #tpu.memory_space<vmem>>
      %dma_start3A_981 = arith.constant 0 : i32
      %dma_start3A_982 = tpu.memref_slice %arg3[%dma_start3A_981] : memref<16384xi32, #tpu.memory_space<hbm>> -> memref<16384xi32, #tpu.memory_space<hbm>>
      tpu.enqueue_indirect_dma source(%dma_start3A_982 : memref<16384xi32, #tpu.memory_space<hbm>>) target(%dma_start3A_978 : memref<128xi32, #tpu.memory_space<vmem>>) offsets(%dma_start3A_980 : memref<128xi32, #tpu.memory_space<vmem>>) semaphore(%run_scoped3A : memref<!tpu.dma_semaphore, #tpu.memory_space<semaphore_mem>>)
      %dma_wait3A = arith.constant 384 : i32
      %dma_wait3A_983 = tpu.memref_slice %arg7[%dma_wait3A] : memref<512xi32, #tpu.memory_space<vmem>> -> memref<128xi32, #tpu.memory_space<vmem>>
      %dma_wait3A_984 = arith.constant 384 : i32
      %dma_wait3A_985 = tpu.memref_slice %arg6[%dma_wait3A_984] : memref<512xi32, #tpu.memory_space<vmem>> -> memref<128xi32, #tpu.memory_space<vmem>>
      %dma_wait3A_986 = arith.constant 0 : i32
      %dma_wait3A_987 = tpu.memref_slice %arg3[%dma_wait3A_986] : memref<16384xi32, #tpu.memory_space<hbm>> -> memref<16384xi32, #tpu.memory_space<hbm>>
      tpu.wait_indirect_dma semaphore(%run_scoped3A : memref<!tpu.dma_semaphore, #tpu.memory_space<semaphore_mem>>) src(%dma_wait3A_987 : memref<16384xi32, #tpu.memory_space<hbm>>) dst(%dma_wait3A_983 : memref<128xi32, #tpu.memory_space<vmem>>)
      tpu.yield
    }) : () -> ()
    %get3A_340 = arith.constant 0 : index
    %get3A_341 = tpu.vector_load %arg5[%get3A_340] {strides = array<i32>} : memref<512xi32, #tpu.memory_space<vmem>>, vector<16xi32>,
    %get3A_342 = vector.shape_cast %get3A_341 : vector<16xi32> to vector<16xi32>
    %get3A_343 = arith.constant 0 : index
    %get3A_344 = tpu.vector_load %arg7[%get3A_343] {strides = array<i32>} : memref<512xi32, #tpu.memory_space<vmem>>, vector<16xi32>,
    %get3A_345 = vector.shape_cast %get3A_344 : vector<16xi32> to vector<16xi32>
    %add3A_346 = arith.constant 0 : i32
    %add3A_347 = arith.addi %sub3A_21, %add3A_346 : i32
    %add3A_348 = vector.broadcast %add3A_347 : i32 to vector<16xi32>
    %add3A_349 = arith.addi %iota3A, %add3A_348 : vector<16xi32>
    %ge3A = arith.cmpi sge, %get3A_342, %broadcast_in_dim3A_22 : vector<16xi32>
    %eq3A = arith.cmpi eq, %get3A_345, %add3A_349 : vector<16xi32>
    %and3A_350 = arith.andi %ge3A, %eq3A : vector<16xi1>
    %jit3A_351 = arith.constant -1 : i32
    %broadcast_in_dim3A_352 = vector.broadcast %jit3A_351 : i32 to vector<16xi32>
    %select_n3A_353 = arith.select %and3A_350, %get3A_342, %broadcast_in_dim3A_352 : vector<16xi1>, vector<16xi32>
    %swap3A_354 = arith.constant 0 : index
    %swap3A_355 = tpu.vector_load %arg8[%swap3A_354] {strides = array<i32>} : memref<512xi32, #tpu.memory_space<vmem>>, vector<16xi32>,
    %swap3A_356 = vector.shape_cast %swap3A_355 : vector<16xi32> to vector<16xi32>
    %swap3A_357 = vector.shape_cast %select_n3A_353 : vector<16xi32> to vector<16xi32>
    tpu.vector_store %arg8[%swap3A_354], %swap3A_357 {strides = array<i32>} : memref<512xi32, #tpu.memory_space<vmem>>, vector<16xi32>,
    %get3A_358 = arith.constant 16 : index
    %get3A_359 = tpu.vector_load %arg5[%get3A_358] {strides = array<i32>} : memref<512xi32, #tpu.memory_space<vmem>>, vector<16xi32>,
    %get3A_360 = vector.shape_cast %get3A_359 : vector<16xi32> to vector<16xi32>
    %get3A_361 = arith.constant 16 : index
    %get3A_362 = tpu.vector_load %arg7[%get3A_361] {strides = array<i32>} : memref<512xi32, #tpu.memory_space<vmem>>, vector<16xi32>,
    %get3A_363 = vector.shape_cast %get3A_362 : vector<16xi32> to vector<16xi32>
    %add3A_364 = arith.constant 16 : i32
    %add3A_365 = arith.addi %sub3A_21, %add3A_364 : i32
    %add3A_366 = vector.broadcast %add3A_365 : i32 to vector<16xi32>
    %add3A_367 = arith.addi %iota3A, %add3A_366 : vector<16xi32>
    %ge3A_368 = arith.cmpi sge, %get3A_360, %broadcast_in_dim3A_22 : vector<16xi32>
    %eq3A_369 = arith.cmpi eq, %get3A_363, %add3A_367 : vector<16xi32>
    %and3A_370 = arith.andi %ge3A_368, %eq3A_369 : vector<16xi1>
    %jit3A_371 = arith.constant -1 : i32
    %broadcast_in_dim3A_372 = vector.broadcast %jit3A_371 : i32 to vector<16xi32>
    %select_n3A_373 = arith.select %and3A_370, %get3A_360, %broadcast_in_dim3A_372 : vector<16xi1>, vector<16xi32>
    %swap3A_374 = arith.constant 16 : index
    %swap3A_375 = tpu.vector_load %arg8[%swap3A_374] {strides = array<i32>} : memref<512xi32, #tpu.memory_space<vmem>>, vector<16xi32>,
    %swap3A_376 = vector.shape_cast %swap3A_375 : vector<16xi32> to vector<16xi32>
    %swap3A_377 = vector.shape_cast %select_n3A_373 : vector<16xi32> to vector<16xi32>
    tpu.vector_store %arg8[%swap3A_374], %swap3A_377 {strides = array<i32>} : memref<512xi32, #tpu.memory_space<vmem>>, vector<16xi32>,
    %get3A_378 = arith.constant 32 : index
    %get3A_379 = tpu.vector_load %arg5[%get3A_378] {strides = array<i32>} : memref<512xi32, #tpu.memory_space<vmem>>, vector<16xi32>,
    %get3A_380 = vector.shape_cast %get3A_379 : vector<16xi32> to vector<16xi32>
    %get3A_381 = arith.constant 32 : index
    %get3A_382 = tpu.vector_load %arg7[%get3A_381] {strides = array<i32>} : memref<512xi32, #tpu.memory_space<vmem>>, vector<16xi32>,
    %get3A_383 = vector.shape_cast %get3A_382 : vector<16xi32> to vector<16xi32>
    %add3A_384 = arith.constant 32 : i32
    %add3A_385 = arith.addi %sub3A_21, %add3A_384 : i32
    %add3A_386 = vector.broadcast %add3A_385 : i32 to vector<16xi32>
    %add3A_387 = arith.addi %iota3A, %add3A_386 : vector<16xi32>
    %ge3A_388 = arith.cmpi sge, %get3A_380, %broadcast_in_dim3A_22 : vector<16xi32>
    %eq3A_389 = arith.cmpi eq, %get3A_383, %add3A_387 : vector<16xi32>
    %and3A_390 = arith.andi %ge3A_388, %eq3A_389 : vector<16xi1>
    %jit3A_391 = arith.constant -1 : i32
    %broadcast_in_dim3A_392 = vector.broadcast %jit3A_391 : i32 to vector<16xi32>
    %select_n3A_393 = arith.select %and3A_390, %get3A_380, %broadcast_in_dim3A_392 : vector<16xi1>, vector<16xi32>
    %swap3A_394 = arith.constant 32 : index
    %swap3A_395 = tpu.vector_load %arg8[%swap3A_394] {strides = array<i32>} : memref<512xi32, #tpu.memory_space<vmem>>, vector<16xi32>,
    %swap3A_396 = vector.shape_cast %swap3A_395 : vector<16xi32> to vector<16xi32>
    %swap3A_397 = vector.shape_cast %select_n3A_393 : vector<16xi32> to vector<16xi32>
    tpu.vector_store %arg8[%swap3A_394], %swap3A_397 {strides = array<i32>} : memref<512xi32, #tpu.memory_space<vmem>>, vector<16xi32>,
    %get3A_398 = arith.constant 48 : index
    %get3A_399 = tpu.vector_load %arg5[%get3A_398] {strides = array<i32>} : memref<512xi32, #tpu.memory_space<vmem>>, vector<16xi32>,
    %get3A_400 = vector.shape_cast %get3A_399 : vector<16xi32> to vector<16xi32>
    %get3A_401 = arith.constant 48 : index
    %get3A_402 = tpu.vector_load %arg7[%get3A_401] {strides = array<i32>} : memref<512xi32, #tpu.memory_space<vmem>>, vector<16xi32>,
    %get3A_403 = vector.shape_cast %get3A_402 : vector<16xi32> to vector<16xi32>
    %add3A_404 = arith.constant 48 : i32
    %add3A_405 = arith.addi %sub3A_21, %add3A_404 : i32
    %add3A_406 = vector.broadcast %add3A_405 : i32 to vector<16xi32>
    %add3A_407 = arith.addi %iota3A, %add3A_406 : vector<16xi32>
    %ge3A_408 = arith.cmpi sge, %get3A_400, %broadcast_in_dim3A_22 : vector<16xi32>
    %eq3A_409 = arith.cmpi eq, %get3A_403, %add3A_407 : vector<16xi32>
    %and3A_410 = arith.andi %ge3A_408, %eq3A_409 : vector<16xi1>
    %jit3A_411 = arith.constant -1 : i32
    %broadcast_in_dim3A_412 = vector.broadcast %jit3A_411 : i32 to vector<16xi32>
    %select_n3A_413 = arith.select %and3A_410, %get3A_400, %broadcast_in_dim3A_412 : vector<16xi1>, vector<16xi32>
    %swap3A_414 = arith.constant 48 : index
    %swap3A_415 = tpu.vector_load %arg8[%swap3A_414] {strides = array<i32>} : memref<512xi32, #tpu.memory_space<vmem>>, vector<16xi32>,
    %swap3A_416 = vector.shape_cast %swap3A_415 : vector<16xi32> to vector<16xi32>
    %swap3A_417 = vector.shape_cast %select_n3A_413 : vector<16xi32> to vector<16xi32>
    tpu.vector_store %arg8[%swap3A_414], %swap3A_417 {strides = array<i32>} : memref<512xi32, #tpu.memory_space<vmem>>, vector<16xi32>,
    %get3A_418 = arith.constant 64 : index
    %get3A_419 = tpu.vector_load %arg5[%get3A_418] {strides = array<i32>} : memref<512xi32, #tpu.memory_space<vmem>>, vector<16xi32>,
    %get3A_420 = vector.shape_cast %get3A_419 : vector<16xi32> to vector<16xi32>
    %get3A_421 = arith.constant 64 : index
    %get3A_422 = tpu.vector_load %arg7[%get3A_421] {strides = array<i32>} : memref<512xi32, #tpu.memory_space<vmem>>, vector<16xi32>,
    %get3A_423 = vector.shape_cast %get3A_422 : vector<16xi32> to vector<16xi32>
    %add3A_424 = arith.constant 64 : i32
    %add3A_425 = arith.addi %sub3A_21, %add3A_424 : i32
    %add3A_426 = vector.broadcast %add3A_425 : i32 to vector<16xi32>
    %add3A_427 = arith.addi %iota3A, %add3A_426 : vector<16xi32>
    %ge3A_428 = arith.cmpi sge, %get3A_420, %broadcast_in_dim3A_22 : vector<16xi32>
    %eq3A_429 = arith.cmpi eq, %get3A_423, %add3A_427 : vector<16xi32>
    %and3A_430 = arith.andi %ge3A_428, %eq3A_429 : vector<16xi1>
    %jit3A_431 = arith.constant -1 : i32
    %broadcast_in_dim3A_432 = vector.broadcast %jit3A_431 : i32 to vector<16xi32>
    %select_n3A_433 = arith.select %and3A_430, %get3A_420, %broadcast_in_dim3A_432 : vector<16xi1>, vector<16xi32>
    %swap3A_434 = arith.constant 64 : index
    %swap3A_435 = tpu.vector_load %arg8[%swap3A_434] {strides = array<i32>} : memref<512xi32, #tpu.memory_space<vmem>>, vector<16xi32>,
    %swap3A_436 = vector.shape_cast %swap3A_435 : vector<16xi32> to vector<16xi32>
    %swap3A_437 = vector.shape_cast %select_n3A_433 : vector<16xi32> to vector<16xi32>
    tpu.vector_store %arg8[%swap3A_434], %swap3A_437 {strides = array<i32>} : memref<512xi32, #tpu.memory_space<vmem>>, vector<16xi32>,
    %get3A_438 = arith.constant 80 : index
    %get3A_439 = tpu.vector_load %arg5[%get3A_438] {strides = array<i32>} : memref<512xi32, #tpu.memory_space<vmem>>, vector<16xi32>,
    %get3A_440 = vector.shape_cast %get3A_439 : vector<16xi32> to vector<16xi32>
    %get3A_441 = arith.constant 80 : index
    %get3A_442 = tpu.vector_load %arg7[%get3A_441] {strides = array<i32>} : memref<512xi32, #tpu.memory_space<vmem>>, vector<16xi32>,
    %get3A_443 = vector.shape_cast %get3A_442 : vector<16xi32> to vector<16xi32>
    %add3A_444 = arith.constant 80 : i32
    %add3A_445 = arith.addi %sub3A_21, %add3A_444 : i32
    %add3A_446 = vector.broadcast %add3A_445 : i32 to vector<16xi32>
    %add3A_447 = arith.addi %iota3A, %add3A_446 : vector<16xi32>
    %ge3A_448 = arith.cmpi sge, %get3A_440, %broadcast_in_dim3A_22 : vector<16xi32>
    %eq3A_449 = arith.cmpi eq, %get3A_443, %add3A_447 : vector<16xi32>
    %and3A_450 = arith.andi %ge3A_448, %eq3A_449 : vector<16xi1>
    %jit3A_451 = arith.constant -1 : i32
    %broadcast_in_dim3A_452 = vector.broadcast %jit3A_451 : i32 to vector<16xi32>
    %select_n3A_453 = arith.select %and3A_450, %get3A_440, %broadcast_in_dim3A_452 : vector<16xi1>, vector<16xi32>
    %swap3A_454 = arith.constant 80 : index
    %swap3A_455 = tpu.vector_load %arg8[%swap3A_454] {strides = array<i32>} : memref<512xi32, #tpu.memory_space<vmem>>, vector<16xi32>,
    %swap3A_456 = vector.shape_cast %swap3A_455 : vector<16xi32> to vector<16xi32>
    %swap3A_457 = vector.shape_cast %select_n3A_453 : vector<16xi32> to vector<16xi32>
    tpu.vector_store %arg8[%swap3A_454], %swap3A_457 {strides = array<i32>} : memref<512xi32, #tpu.memory_space<vmem>>, vector<16xi32>,
    %get3A_458 = arith.constant 96 : index
    %get3A_459 = tpu.vector_load %arg5[%get3A_458] {strides = array<i32>} : memref<512xi32, #tpu.memory_space<vmem>>, vector<16xi32>,
    %get3A_460 = vector.shape_cast %get3A_459 : vector<16xi32> to vector<16xi32>
    %get3A_461 = arith.constant 96 : index
    %get3A_462 = tpu.vector_load %arg7[%get3A_461] {strides = array<i32>} : memref<512xi32, #tpu.memory_space<vmem>>, vector<16xi32>,
    %get3A_463 = vector.shape_cast %get3A_462 : vector<16xi32> to vector<16xi32>
    %add3A_464 = arith.constant 96 : i32
    %add3A_465 = arith.addi %sub3A_21, %add3A_464 : i32
    %add3A_466 = vector.broadcast %add3A_465 : i32 to vector<16xi32>
    %add3A_467 = arith.addi %iota3A, %add3A_466 : vector<16xi32>
    %ge3A_468 = arith.cmpi sge, %get3A_460, %broadcast_in_dim3A_22 : vector<16xi32>
    %eq3A_469 = arith.cmpi eq, %get3A_463, %add3A_467 : vector<16xi32>
    %and3A_470 = arith.andi %ge3A_468, %eq3A_469 : vector<16xi1>
    %jit3A_471 = arith.constant -1 : i32
    %broadcast_in_dim3A_472 = vector.broadcast %jit3A_471 : i32 to vector<16xi32>
    %select_n3A_473 = arith.select %and3A_470, %get3A_460, %broadcast_in_dim3A_472 : vector<16xi1>, vector<16xi32>
    %swap3A_474 = arith.constant 96 : index
    %swap3A_475 = tpu.vector_load %arg8[%swap3A_474] {strides = array<i32>} : memref<512xi32, #tpu.memory_space<vmem>>, vector<16xi32>,
    %swap3A_476 = vector.shape_cast %swap3A_475 : vector<16xi32> to vector<16xi32>
    %swap3A_477 = vector.shape_cast %select_n3A_473 : vector<16xi32> to vector<16xi32>
    tpu.vector_store %arg8[%swap3A_474], %swap3A_477 {strides = array<i32>} : memref<512xi32, #tpu.memory_space<vmem>>, vector<16xi32>,
    %get3A_478 = arith.constant 112 : index
    %get3A_479 = tpu.vector_load %arg5[%get3A_478] {strides = array<i32>} : memref<512xi32, #tpu.memory_space<vmem>>, vector<16xi32>,
    %get3A_480 = vector.shape_cast %get3A_479 : vector<16xi32> to vector<16xi32>
    %get3A_481 = arith.constant 112 : index
    %get3A_482 = tpu.vector_load %arg7[%get3A_481] {strides = array<i32>} : memref<512xi32, #tpu.memory_space<vmem>>, vector<16xi32>,
    %get3A_483 = vector.shape_cast %get3A_482 : vector<16xi32> to vector<16xi32>
    %add3A_484 = arith.constant 112 : i32
    %add3A_485 = arith.addi %sub3A_21, %add3A_484 : i32
    %add3A_486 = vector.broadcast %add3A_485 : i32 to vector<16xi32>
    %add3A_487 = arith.addi %iota3A, %add3A_486 : vector<16xi32>
    %ge3A_488 = arith.cmpi sge, %get3A_480, %broadcast_in_dim3A_22 : vector<16xi32>
    %eq3A_489 = arith.cmpi eq, %get3A_483, %add3A_487 : vector<16xi32>
    %and3A_490 = arith.andi %ge3A_488, %eq3A_489 : vector<16xi1>
    %jit3A_491 = arith.constant -1 : i32
    %broadcast_in_dim3A_492 = vector.broadcast %jit3A_491 : i32 to vector<16xi32>
    %select_n3A_493 = arith.select %and3A_490, %get3A_480, %broadcast_in_dim3A_492 : vector<16xi1>, vector<16xi32>
    %swap3A_494 = arith.constant 112 : index
    %swap3A_495 = tpu.vector_load %arg8[%swap3A_494] {strides = array<i32>} : memref<512xi32, #tpu.memory_space<vmem>>, vector<16xi32>,
    %swap3A_496 = vector.shape_cast %swap3A_495 : vector<16xi32> to vector<16xi32>
    %swap3A_497 = vector.shape_cast %select_n3A_493 : vector<16xi32> to vector<16xi32>
    tpu.vector_store %arg8[%swap3A_494], %swap3A_497 {strides = array<i32>} : memref<512xi32, #tpu.memory_space<vmem>>, vector<16xi32>,
    %get3A_498 = arith.constant 128 : index
    %get3A_499 = tpu.vector_load %arg5[%get3A_498] {strides = array<i32>} : memref<512xi32, #tpu.memory_space<vmem>>, vector<16xi32>,
    %get3A_500 = vector.shape_cast %get3A_499 : vector<16xi32> to vector<16xi32>
    %get3A_501 = arith.constant 128 : index
    %get3A_502 = tpu.vector_load %arg7[%get3A_501] {strides = array<i32>} : memref<512xi32, #tpu.memory_space<vmem>>, vector<16xi32>,
    %get3A_503 = vector.shape_cast %get3A_502 : vector<16xi32> to vector<16xi32>
    %add3A_504 = arith.constant 128 : i32
    %add3A_505 = arith.addi %sub3A_21, %add3A_504 : i32
    %add3A_506 = vector.broadcast %add3A_505 : i32 to vector<16xi32>
    %add3A_507 = arith.addi %iota3A, %add3A_506 : vector<16xi32>
    %ge3A_508 = arith.cmpi sge, %get3A_500, %broadcast_in_dim3A_22 : vector<16xi32>
    %eq3A_509 = arith.cmpi eq, %get3A_503, %add3A_507 : vector<16xi32>
    %and3A_510 = arith.andi %ge3A_508, %eq3A_509 : vector<16xi1>
    %jit3A_511 = arith.constant -1 : i32
    %broadcast_in_dim3A_512 = vector.broadcast %jit3A_511 : i32 to vector<16xi32>
    %select_n3A_513 = arith.select %and3A_510, %get3A_500, %broadcast_in_dim3A_512 : vector<16xi1>, vector<16xi32>
    %swap3A_514 = arith.constant 128 : index
    %swap3A_515 = tpu.vector_load %arg8[%swap3A_514] {strides = array<i32>} : memref<512xi32, #tpu.memory_space<vmem>>, vector<16xi32>,
    %swap3A_516 = vector.shape_cast %swap3A_515 : vector<16xi32> to vector<16xi32>
    %swap3A_517 = vector.shape_cast %select_n3A_513 : vector<16xi32> to vector<16xi32>
    tpu.vector_store %arg8[%swap3A_514], %swap3A_517 {strides = array<i32>} : memref<512xi32, #tpu.memory_space<vmem>>, vector<16xi32>,
    %get3A_518 = arith.constant 144 : index
    %get3A_519 = tpu.vector_load %arg5[%get3A_518] {strides = array<i32>} : memref<512xi32, #tpu.memory_space<vmem>>, vector<16xi32>,
    %get3A_520 = vector.shape_cast %get3A_519 : vector<16xi32> to vector<16xi32>
    %get3A_521 = arith.constant 144 : index
    %get3A_522 = tpu.vector_load %arg7[%get3A_521] {strides = array<i32>} : memref<512xi32, #tpu.memory_space<vmem>>, vector<16xi32>,
    %get3A_523 = vector.shape_cast %get3A_522 : vector<16xi32> to vector<16xi32>
    %add3A_524 = arith.constant 144 : i32
    %add3A_525 = arith.addi %sub3A_21, %add3A_524 : i32
    %add3A_526 = vector.broadcast %add3A_525 : i32 to vector<16xi32>
    %add3A_527 = arith.addi %iota3A, %add3A_526 : vector<16xi32>
    %ge3A_528 = arith.cmpi sge, %get3A_520, %broadcast_in_dim3A_22 : vector<16xi32>
    %eq3A_529 = arith.cmpi eq, %get3A_523, %add3A_527 : vector<16xi32>
    %and3A_530 = arith.andi %ge3A_528, %eq3A_529 : vector<16xi1>
    %jit3A_531 = arith.constant -1 : i32
    %broadcast_in_dim3A_532 = vector.broadcast %jit3A_531 : i32 to vector<16xi32>
    %select_n3A_533 = arith.select %and3A_530, %get3A_520, %broadcast_in_dim3A_532 : vector<16xi1>, vector<16xi32>
    %swap3A_534 = arith.constant 144 : index
    %swap3A_535 = tpu.vector_load %arg8[%swap3A_534] {strides = array<i32>} : memref<512xi32, #tpu.memory_space<vmem>>, vector<16xi32>,
    %swap3A_536 = vector.shape_cast %swap3A_535 : vector<16xi32> to vector<16xi32>
    %swap3A_537 = vector.shape_cast %select_n3A_533 : vector<16xi32> to vector<16xi32>
    tpu.vector_store %arg8[%swap3A_534], %swap3A_537 {strides = array<i32>} : memref<512xi32, #tpu.memory_space<vmem>>, vector<16xi32>,
    %get3A_538 = arith.constant 160 : index
    %get3A_539 = tpu.vector_load %arg5[%get3A_538] {strides = array<i32>} : memref<512xi32, #tpu.memory_space<vmem>>, vector<16xi32>,
    %get3A_540 = vector.shape_cast %get3A_539 : vector<16xi32> to vector<16xi32>
    %get3A_541 = arith.constant 160 : index
    %get3A_542 = tpu.vector_load %arg7[%get3A_541] {strides = array<i32>} : memref<512xi32, #tpu.memory_space<vmem>>, vector<16xi32>,
    %get3A_543 = vector.shape_cast %get3A_542 : vector<16xi32> to vector<16xi32>
    %add3A_544 = arith.constant 160 : i32
    %add3A_545 = arith.addi %sub3A_21, %add3A_544 : i32
    %add3A_546 = vector.broadcast %add3A_545 : i32 to vector<16xi32>
    %add3A_547 = arith.addi %iota3A, %add3A_546 : vector<16xi32>
    %ge3A_548 = arith.cmpi sge, %get3A_540, %broadcast_in_dim3A_22 : vector<16xi32>
    %eq3A_549 = arith.cmpi eq, %get3A_543, %add3A_547 : vector<16xi32>
    %and3A_550 = arith.andi %ge3A_548, %eq3A_549 : vector<16xi1>
    %jit3A_551 = arith.constant -1 : i32
    %broadcast_in_dim3A_552 = vector.broadcast %jit3A_551 : i32 to vector<16xi32>
    %select_n3A_553 = arith.select %and3A_550, %get3A_540, %broadcast_in_dim3A_552 : vector<16xi1>, vector<16xi32>
    %swap3A_554 = arith.constant 160 : index
    %swap3A_555 = tpu.vector_load %arg8[%swap3A_554] {strides = array<i32>} : memref<512xi32, #tpu.memory_space<vmem>>, vector<16xi32>,
    %swap3A_556 = vector.shape_cast %swap3A_555 : vector<16xi32> to vector<16xi32>
    %swap3A_557 = vector.shape_cast %select_n3A_553 : vector<16xi32> to vector<16xi32>
    tpu.vector_store %arg8[%swap3A_554], %swap3A_557 {strides = array<i32>} : memref<512xi32, #tpu.memory_space<vmem>>, vector<16xi32>,
    %get3A_558 = arith.constant 176 : index
    %get3A_559 = tpu.vector_load %arg5[%get3A_558] {strides = array<i32>} : memref<512xi32, #tpu.memory_space<vmem>>, vector<16xi32>,
    %get3A_560 = vector.shape_cast %get3A_559 : vector<16xi32> to vector<16xi32>
    %get3A_561 = arith.constant 176 : index
    %get3A_562 = tpu.vector_load %arg7[%get3A_561] {strides = array<i32>} : memref<512xi32, #tpu.memory_space<vmem>>, vector<16xi32>,
    %get3A_563 = vector.shape_cast %get3A_562 : vector<16xi32> to vector<16xi32>
    %add3A_564 = arith.constant 176 : i32
    %add3A_565 = arith.addi %sub3A_21, %add3A_564 : i32
    %add3A_566 = vector.broadcast %add3A_565 : i32 to vector<16xi32>
    %add3A_567 = arith.addi %iota3A, %add3A_566 : vector<16xi32>
    %ge3A_568 = arith.cmpi sge, %get3A_560, %broadcast_in_dim3A_22 : vector<16xi32>
    %eq3A_569 = arith.cmpi eq, %get3A_563, %add3A_567 : vector<16xi32>
    %and3A_570 = arith.andi %ge3A_568, %eq3A_569 : vector<16xi1>
    %jit3A_571 = arith.constant -1 : i32
    %broadcast_in_dim3A_572 = vector.broadcast %jit3A_571 : i32 to vector<16xi32>
    %select_n3A_573 = arith.select %and3A_570, %get3A_560, %broadcast_in_dim3A_572 : vector<16xi1>, vector<16xi32>
    %swap3A_574 = arith.constant 176 : index
    %swap3A_575 = tpu.vector_load %arg8[%swap3A_574] {strides = array<i32>} : memref<512xi32, #tpu.memory_space<vmem>>, vector<16xi32>,
    %swap3A_576 = vector.shape_cast %swap3A_575 : vector<16xi32> to vector<16xi32>
    %swap3A_577 = vector.shape_cast %select_n3A_573 : vector<16xi32> to vector<16xi32>
    tpu.vector_store %arg8[%swap3A_574], %swap3A_577 {strides = array<i32>} : memref<512xi32, #tpu.memory_space<vmem>>, vector<16xi32>,
    %get3A_578 = arith.constant 192 : index
    %get3A_579 = tpu.vector_load %arg5[%get3A_578] {strides = array<i32>} : memref<512xi32, #tpu.memory_space<vmem>>, vector<16xi32>,
    %get3A_580 = vector.shape_cast %get3A_579 : vector<16xi32> to vector<16xi32>
    %get3A_581 = arith.constant 192 : index
    %get3A_582 = tpu.vector_load %arg7[%get3A_581] {strides = array<i32>} : memref<512xi32, #tpu.memory_space<vmem>>, vector<16xi32>,
    %get3A_583 = vector.shape_cast %get3A_582 : vector<16xi32> to vector<16xi32>
    %add3A_584 = arith.constant 192 : i32
    %add3A_585 = arith.addi %sub3A_21, %add3A_584 : i32
    %add3A_586 = vector.broadcast %add3A_585 : i32 to vector<16xi32>
    %add3A_587 = arith.addi %iota3A, %add3A_586 : vector<16xi32>
    %ge3A_588 = arith.cmpi sge, %get3A_580, %broadcast_in_dim3A_22 : vector<16xi32>
    %eq3A_589 = arith.cmpi eq, %get3A_583, %add3A_587 : vector<16xi32>
    %and3A_590 = arith.andi %ge3A_588, %eq3A_589 : vector<16xi1>
    %jit3A_591 = arith.constant -1 : i32
    %broadcast_in_dim3A_592 = vector.broadcast %jit3A_591 : i32 to vector<16xi32>
    %select_n3A_593 = arith.select %and3A_590, %get3A_580, %broadcast_in_dim3A_592 : vector<16xi1>, vector<16xi32>
    %swap3A_594 = arith.constant 192 : index
    %swap3A_595 = tpu.vector_load %arg8[%swap3A_594] {strides = array<i32>} : memref<512xi32, #tpu.memory_space<vmem>>, vector<16xi32>,
    %swap3A_596 = vector.shape_cast %swap3A_595 : vector<16xi32> to vector<16xi32>
    %swap3A_597 = vector.shape_cast %select_n3A_593 : vector<16xi32> to vector<16xi32>
    tpu.vector_store %arg8[%swap3A_594], %swap3A_597 {strides = array<i32>} : memref<512xi32, #tpu.memory_space<vmem>>, vector<16xi32>,
    %get3A_598 = arith.constant 208 : index
    %get3A_599 = tpu.vector_load %arg5[%get3A_598] {strides = array<i32>} : memref<512xi32, #tpu.memory_space<vmem>>, vector<16xi32>,
    %get3A_600 = vector.shape_cast %get3A_599 : vector<16xi32> to vector<16xi32>
    %get3A_601 = arith.constant 208 : index
    %get3A_602 = tpu.vector_load %arg7[%get3A_601] {strides = array<i32>} : memref<512xi32, #tpu.memory_space<vmem>>, vector<16xi32>,
    %get3A_603 = vector.shape_cast %get3A_602 : vector<16xi32> to vector<16xi32>
    %add3A_604 = arith.constant 208 : i32
    %add3A_605 = arith.addi %sub3A_21, %add3A_604 : i32
    %add3A_606 = vector.broadcast %add3A_605 : i32 to vector<16xi32>
    %add3A_607 = arith.addi %iota3A, %add3A_606 : vector<16xi32>
    %ge3A_608 = arith.cmpi sge, %get3A_600, %broadcast_in_dim3A_22 : vector<16xi32>
    %eq3A_609 = arith.cmpi eq, %get3A_603, %add3A_607 : vector<16xi32>
    %and3A_610 = arith.andi %ge3A_608, %eq3A_609 : vector<16xi1>
    %jit3A_611 = arith.constant -1 : i32
    %broadcast_in_dim3A_612 = vector.broadcast %jit3A_611 : i32 to vector<16xi32>
    %select_n3A_613 = arith.select %and3A_610, %get3A_600, %broadcast_in_dim3A_612 : vector<16xi1>, vector<16xi32>
    %swap3A_614 = arith.constant 208 : index
    %swap3A_615 = tpu.vector_load %arg8[%swap3A_614] {strides = array<i32>} : memref<512xi32, #tpu.memory_space<vmem>>, vector<16xi32>,
    %swap3A_616 = vector.shape_cast %swap3A_615 : vector<16xi32> to vector<16xi32>
    %swap3A_617 = vector.shape_cast %select_n3A_613 : vector<16xi32> to vector<16xi32>
    tpu.vector_store %arg8[%swap3A_614], %swap3A_617 {strides = array<i32>} : memref<512xi32, #tpu.memory_space<vmem>>, vector<16xi32>,
    %get3A_618 = arith.constant 224 : index
    %get3A_619 = tpu.vector_load %arg5[%get3A_618] {strides = array<i32>} : memref<512xi32, #tpu.memory_space<vmem>>, vector<16xi32>,
    %get3A_620 = vector.shape_cast %get3A_619 : vector<16xi32> to vector<16xi32>
    %get3A_621 = arith.constant 224 : index
    %get3A_622 = tpu.vector_load %arg7[%get3A_621] {strides = array<i32>} : memref<512xi32, #tpu.memory_space<vmem>>, vector<16xi32>,
    %get3A_623 = vector.shape_cast %get3A_622 : vector<16xi32> to vector<16xi32>
    %add3A_624 = arith.constant 224 : i32
    %add3A_625 = arith.addi %sub3A_21, %add3A_624 : i32
    %add3A_626 = vector.broadcast %add3A_625 : i32 to vector<16xi32>
    %add3A_627 = arith.addi %iota3A, %add3A_626 : vector<16xi32>
    %ge3A_628 = arith.cmpi sge, %get3A_620, %broadcast_in_dim3A_22 : vector<16xi32>
    %eq3A_629 = arith.cmpi eq, %get3A_623, %add3A_627 : vector<16xi32>
    %and3A_630 = arith.andi %ge3A_628, %eq3A_629 : vector<16xi1>
    %jit3A_631 = arith.constant -1 : i32
    %broadcast_in_dim3A_632 = vector.broadcast %jit3A_631 : i32 to vector<16xi32>
    %select_n3A_633 = arith.select %and3A_630, %get3A_620, %broadcast_in_dim3A_632 : vector<16xi1>, vector<16xi32>
    %swap3A_634 = arith.constant 224 : index
    %swap3A_635 = tpu.vector_load %arg8[%swap3A_634] {strides = array<i32>} : memref<512xi32, #tpu.memory_space<vmem>>, vector<16xi32>,
    %swap3A_636 = vector.shape_cast %swap3A_635 : vector<16xi32> to vector<16xi32>
    %swap3A_637 = vector.shape_cast %select_n3A_633 : vector<16xi32> to vector<16xi32>
    tpu.vector_store %arg8[%swap3A_634], %swap3A_637 {strides = array<i32>} : memref<512xi32, #tpu.memory_space<vmem>>, vector<16xi32>,
    %get3A_638 = arith.constant 240 : index
    %get3A_639 = tpu.vector_load %arg5[%get3A_638] {strides = array<i32>} : memref<512xi32, #tpu.memory_space<vmem>>, vector<16xi32>,
    %get3A_640 = vector.shape_cast %get3A_639 : vector<16xi32> to vector<16xi32>
    %get3A_641 = arith.constant 240 : index
    %get3A_642 = tpu.vector_load %arg7[%get3A_641] {strides = array<i32>} : memref<512xi32, #tpu.memory_space<vmem>>, vector<16xi32>,
    %get3A_643 = vector.shape_cast %get3A_642 : vector<16xi32> to vector<16xi32>
    %add3A_644 = arith.constant 240 : i32
    %add3A_645 = arith.addi %sub3A_21, %add3A_644 : i32
    %add3A_646 = vector.broadcast %add3A_645 : i32 to vector<16xi32>
    %add3A_647 = arith.addi %iota3A, %add3A_646 : vector<16xi32>
    %ge3A_648 = arith.cmpi sge, %get3A_640, %broadcast_in_dim3A_22 : vector<16xi32>
    %eq3A_649 = arith.cmpi eq, %get3A_643, %add3A_647 : vector<16xi32>
    %and3A_650 = arith.andi %ge3A_648, %eq3A_649 : vector<16xi1>
    %jit3A_651 = arith.constant -1 : i32
    %broadcast_in_dim3A_652 = vector.broadcast %jit3A_651 : i32 to vector<16xi32>
    %select_n3A_653 = arith.select %and3A_650, %get3A_640, %broadcast_in_dim3A_652 : vector<16xi1>, vector<16xi32>
    %swap3A_654 = arith.constant 240 : index
    %swap3A_655 = tpu.vector_load %arg8[%swap3A_654] {strides = array<i32>} : memref<512xi32, #tpu.memory_space<vmem>>, vector<16xi32>,
    %swap3A_656 = vector.shape_cast %swap3A_655 : vector<16xi32> to vector<16xi32>
    %swap3A_657 = vector.shape_cast %select_n3A_653 : vector<16xi32> to vector<16xi32>
    tpu.vector_store %arg8[%swap3A_654], %swap3A_657 {strides = array<i32>} : memref<512xi32, #tpu.memory_space<vmem>>, vector<16xi32>,
    %get3A_658 = arith.constant 256 : index
    %get3A_659 = tpu.vector_load %arg5[%get3A_658] {strides = array<i32>} : memref<512xi32, #tpu.memory_space<vmem>>, vector<16xi32>,
    %get3A_660 = vector.shape_cast %get3A_659 : vector<16xi32> to vector<16xi32>
    %get3A_661 = arith.constant 256 : index
    %get3A_662 = tpu.vector_load %arg7[%get3A_661] {strides = array<i32>} : memref<512xi32, #tpu.memory_space<vmem>>, vector<16xi32>,
    %get3A_663 = vector.shape_cast %get3A_662 : vector<16xi32> to vector<16xi32>
    %add3A_664 = arith.constant 256 : i32
    %add3A_665 = arith.addi %sub3A_21, %add3A_664 : i32
    %add3A_666 = vector.broadcast %add3A_665 : i32 to vector<16xi32>
    %add3A_667 = arith.addi %iota3A, %add3A_666 : vector<16xi32>
    %ge3A_668 = arith.cmpi sge, %get3A_660, %broadcast_in_dim3A_22 : vector<16xi32>
    %eq3A_669 = arith.cmpi eq, %get3A_663, %add3A_667 : vector<16xi32>
    %and3A_670 = arith.andi %ge3A_668, %eq3A_669 : vector<16xi1>
    %jit3A_671 = arith.constant -1 : i32
    %broadcast_in_dim3A_672 = vector.broadcast %jit3A_671 : i32 to vector<16xi32>
    %select_n3A_673 = arith.select %and3A_670, %get3A_660, %broadcast_in_dim3A_672 : vector<16xi1>, vector<16xi32>
    %swap3A_674 = arith.constant 256 : index
    %swap3A_675 = tpu.vector_load %arg8[%swap3A_674] {strides = array<i32>} : memref<512xi32, #tpu.memory_space<vmem>>, vector<16xi32>,
    %swap3A_676 = vector.shape_cast %swap3A_675 : vector<16xi32> to vector<16xi32>
    %swap3A_677 = vector.shape_cast %select_n3A_673 : vector<16xi32> to vector<16xi32>
    tpu.vector_store %arg8[%swap3A_674], %swap3A_677 {strides = array<i32>} : memref<512xi32, #tpu.memory_space<vmem>>, vector<16xi32>,
    %get3A_678 = arith.constant 272 : index
    %get3A_679 = tpu.vector_load %arg5[%get3A_678] {strides = array<i32>} : memref<512xi32, #tpu.memory_space<vmem>>, vector<16xi32>,
    %get3A_680 = vector.shape_cast %get3A_679 : vector<16xi32> to vector<16xi32>
    %get3A_681 = arith.constant 272 : index
    %get3A_682 = tpu.vector_load %arg7[%get3A_681] {strides = array<i32>} : memref<512xi32, #tpu.memory_space<vmem>>, vector<16xi32>,
    %get3A_683 = vector.shape_cast %get3A_682 : vector<16xi32> to vector<16xi32>
    %add3A_684 = arith.constant 272 : i32
    %add3A_685 = arith.addi %sub3A_21, %add3A_684 : i32
    %add3A_686 = vector.broadcast %add3A_685 : i32 to vector<16xi32>
    %add3A_687 = arith.addi %iota3A, %add3A_686 : vector<16xi32>
    %ge3A_688 = arith.cmpi sge, %get3A_680, %broadcast_in_dim3A_22 : vector<16xi32>
    %eq3A_689 = arith.cmpi eq, %get3A_683, %add3A_687 : vector<16xi32>
    %and3A_690 = arith.andi %ge3A_688, %eq3A_689 : vector<16xi1>
    %jit3A_691 = arith.constant -1 : i32
    %broadcast_in_dim3A_692 = vector.broadcast %jit3A_691 : i32 to vector<16xi32>
    %select_n3A_693 = arith.select %and3A_690, %get3A_680, %broadcast_in_dim3A_692 : vector<16xi1>, vector<16xi32>
    %swap3A_694 = arith.constant 272 : index
    %swap3A_695 = tpu.vector_load %arg8[%swap3A_694] {strides = array<i32>} : memref<512xi32, #tpu.memory_space<vmem>>, vector<16xi32>,
    %swap3A_696 = vector.shape_cast %swap3A_695 : vector<16xi32> to vector<16xi32>
    %swap3A_697 = vector.shape_cast %select_n3A_693 : vector<16xi32> to vector<16xi32>
    tpu.vector_store %arg8[%swap3A_694], %swap3A_697 {strides = array<i32>} : memref<512xi32, #tpu.memory_space<vmem>>, vector<16xi32>,
    %get3A_698 = arith.constant 288 : index
    %get3A_699 = tpu.vector_load %arg5[%get3A_698] {strides = array<i32>} : memref<512xi32, #tpu.memory_space<vmem>>, vector<16xi32>,
    %get3A_700 = vector.shape_cast %get3A_699 : vector<16xi32> to vector<16xi32>
    %get3A_701 = arith.constant 288 : index
    %get3A_702 = tpu.vector_load %arg7[%get3A_701] {strides = array<i32>} : memref<512xi32, #tpu.memory_space<vmem>>, vector<16xi32>,
    %get3A_703 = vector.shape_cast %get3A_702 : vector<16xi32> to vector<16xi32>
    %add3A_704 = arith.constant 288 : i32
    %add3A_705 = arith.addi %sub3A_21, %add3A_704 : i32
    %add3A_706 = vector.broadcast %add3A_705 : i32 to vector<16xi32>
    %add3A_707 = arith.addi %iota3A, %add3A_706 : vector<16xi32>
    %ge3A_708 = arith.cmpi sge, %get3A_700, %broadcast_in_dim3A_22 : vector<16xi32>
    %eq3A_709 = arith.cmpi eq, %get3A_703, %add3A_707 : vector<16xi32>
    %and3A_710 = arith.andi %ge3A_708, %eq3A_709 : vector<16xi1>
    %jit3A_711 = arith.constant -1 : i32
    %broadcast_in_dim3A_712 = vector.broadcast %jit3A_711 : i32 to vector<16xi32>
    %select_n3A_713 = arith.select %and3A_710, %get3A_700, %broadcast_in_dim3A_712 : vector<16xi1>, vector<16xi32>
    %swap3A_714 = arith.constant 288 : index
    %swap3A_715 = tpu.vector_load %arg8[%swap3A_714] {strides = array<i32>} : memref<512xi32, #tpu.memory_space<vmem>>, vector<16xi32>,
    %swap3A_716 = vector.shape_cast %swap3A_715 : vector<16xi32> to vector<16xi32>
    %swap3A_717 = vector.shape_cast %select_n3A_713 : vector<16xi32> to vector<16xi32>
    tpu.vector_store %arg8[%swap3A_714], %swap3A_717 {strides = array<i32>} : memref<512xi32, #tpu.memory_space<vmem>>, vector<16xi32>,
    %get3A_718 = arith.constant 304 : index
    %get3A_719 = tpu.vector_load %arg5[%get3A_718] {strides = array<i32>} : memref<512xi32, #tpu.memory_space<vmem>>, vector<16xi32>,
    %get3A_720 = vector.shape_cast %get3A_719 : vector<16xi32> to vector<16xi32>
    %get3A_721 = arith.constant 304 : index
    %get3A_722 = tpu.vector_load %arg7[%get3A_721] {strides = array<i32>} : memref<512xi32, #tpu.memory_space<vmem>>, vector<16xi32>,
    %get3A_723 = vector.shape_cast %get3A_722 : vector<16xi32> to vector<16xi32>
    %add3A_724 = arith.constant 304 : i32
    %add3A_725 = arith.addi %sub3A_21, %add3A_724 : i32
    %add3A_726 = vector.broadcast %add3A_725 : i32 to vector<16xi32>
    %add3A_727 = arith.addi %iota3A, %add3A_726 : vector<16xi32>
    %ge3A_728 = arith.cmpi sge, %get3A_720, %broadcast_in_dim3A_22 : vector<16xi32>
    %eq3A_729 = arith.cmpi eq, %get3A_723, %add3A_727 : vector<16xi32>
    %and3A_730 = arith.andi %ge3A_728, %eq3A_729 : vector<16xi1>
    %jit3A_731 = arith.constant -1 : i32
    %broadcast_in_dim3A_732 = vector.broadcast %jit3A_731 : i32 to vector<16xi32>
    %select_n3A_733 = arith.select %and3A_730, %get3A_720, %broadcast_in_dim3A_732 : vector<16xi1>, vector<16xi32>
    %swap3A_734 = arith.constant 304 : index
    %swap3A_735 = tpu.vector_load %arg8[%swap3A_734] {strides = array<i32>} : memref<512xi32, #tpu.memory_space<vmem>>, vector<16xi32>,
    %swap3A_736 = vector.shape_cast %swap3A_735 : vector<16xi32> to vector<16xi32>
    %swap3A_737 = vector.shape_cast %select_n3A_733 : vector<16xi32> to vector<16xi32>
    tpu.vector_store %arg8[%swap3A_734], %swap3A_737 {strides = array<i32>} : memref<512xi32, #tpu.memory_space<vmem>>, vector<16xi32>,
    %get3A_738 = arith.constant 320 : index
    %get3A_739 = tpu.vector_load %arg5[%get3A_738] {strides = array<i32>} : memref<512xi32, #tpu.memory_space<vmem>>, vector<16xi32>,
    %get3A_740 = vector.shape_cast %get3A_739 : vector<16xi32> to vector<16xi32>
    %get3A_741 = arith.constant 320 : index
    %get3A_742 = tpu.vector_load %arg7[%get3A_741] {strides = array<i32>} : memref<512xi32, #tpu.memory_space<vmem>>, vector<16xi32>,
    %get3A_743 = vector.shape_cast %get3A_742 : vector<16xi32> to vector<16xi32>
    %add3A_744 = arith.constant 320 : i32
    %add3A_745 = arith.addi %sub3A_21, %add3A_744 : i32
    %add3A_746 = vector.broadcast %add3A_745 : i32 to vector<16xi32>
    %add3A_747 = arith.addi %iota3A, %add3A_746 : vector<16xi32>
    %ge3A_748 = arith.cmpi sge, %get3A_740, %broadcast_in_dim3A_22 : vector<16xi32>
    %eq3A_749 = arith.cmpi eq, %get3A_743, %add3A_747 : vector<16xi32>
    %and3A_750 = arith.andi %ge3A_748, %eq3A_749 : vector<16xi1>
    %jit3A_751 = arith.constant -1 : i32
    %broadcast_in_dim3A_752 = vector.broadcast %jit3A_751 : i32 to vector<16xi32>
    %select_n3A_753 = arith.select %and3A_750, %get3A_740, %broadcast_in_dim3A_752 : vector<16xi1>, vector<16xi32>
    %swap3A_754 = arith.constant 320 : index
    %swap3A_755 = tpu.vector_load %arg8[%swap3A_754] {strides = array<i32>} : memref<512xi32, #tpu.memory_space<vmem>>, vector<16xi32>,
    %swap3A_756 = vector.shape_cast %swap3A_755 : vector<16xi32> to vector<16xi32>
    %swap3A_757 = vector.shape_cast %select_n3A_753 : vector<16xi32> to vector<16xi32>
    tpu.vector_store %arg8[%swap3A_754], %swap3A_757 {strides = array<i32>} : memref<512xi32, #tpu.memory_space<vmem>>, vector<16xi32>,
    %get3A_758 = arith.constant 336 : index
    %get3A_759 = tpu.vector_load %arg5[%get3A_758] {strides = array<i32>} : memref<512xi32, #tpu.memory_space<vmem>>, vector<16xi32>,
    %get3A_760 = vector.shape_cast %get3A_759 : vector<16xi32> to vector<16xi32>
    %get3A_761 = arith.constant 336 : index
    %get3A_762 = tpu.vector_load %arg7[%get3A_761] {strides = array<i32>} : memref<512xi32, #tpu.memory_space<vmem>>, vector<16xi32>,
    %get3A_763 = vector.shape_cast %get3A_762 : vector<16xi32> to vector<16xi32>
    %add3A_764 = arith.constant 336 : i32
    %add3A_765 = arith.addi %sub3A_21, %add3A_764 : i32
    %add3A_766 = vector.broadcast %add3A_765 : i32 to vector<16xi32>
    %add3A_767 = arith.addi %iota3A, %add3A_766 : vector<16xi32>
    %ge3A_768 = arith.cmpi sge, %get3A_760, %broadcast_in_dim3A_22 : vector<16xi32>
    %eq3A_769 = arith.cmpi eq, %get3A_763, %add3A_767 : vector<16xi32>
    %and3A_770 = arith.andi %ge3A_768, %eq3A_769 : vector<16xi1>
    %jit3A_771 = arith.constant -1 : i32
    %broadcast_in_dim3A_772 = vector.broadcast %jit3A_771 : i32 to vector<16xi32>
    %select_n3A_773 = arith.select %and3A_770, %get3A_760, %broadcast_in_dim3A_772 : vector<16xi1>, vector<16xi32>
    %swap3A_774 = arith.constant 336 : index
    %swap3A_775 = tpu.vector_load %arg8[%swap3A_774] {strides = array<i32>} : memref<512xi32, #tpu.memory_space<vmem>>, vector<16xi32>,
    %swap3A_776 = vector.shape_cast %swap3A_775 : vector<16xi32> to vector<16xi32>
    %swap3A_777 = vector.shape_cast %select_n3A_773 : vector<16xi32> to vector<16xi32>
    tpu.vector_store %arg8[%swap3A_774], %swap3A_777 {strides = array<i32>} : memref<512xi32, #tpu.memory_space<vmem>>, vector<16xi32>,
    %get3A_778 = arith.constant 352 : index
    %get3A_779 = tpu.vector_load %arg5[%get3A_778] {strides = array<i32>} : memref<512xi32, #tpu.memory_space<vmem>>, vector<16xi32>,
    %get3A_780 = vector.shape_cast %get3A_779 : vector<16xi32> to vector<16xi32>
    %get3A_781 = arith.constant 352 : index
    %get3A_782 = tpu.vector_load %arg7[%get3A_781] {strides = array<i32>} : memref<512xi32, #tpu.memory_space<vmem>>, vector<16xi32>,
    %get3A_783 = vector.shape_cast %get3A_782 : vector<16xi32> to vector<16xi32>
    %add3A_784 = arith.constant 352 : i32
    %add3A_785 = arith.addi %sub3A_21, %add3A_784 : i32
    %add3A_786 = vector.broadcast %add3A_785 : i32 to vector<16xi32>
    %add3A_787 = arith.addi %iota3A, %add3A_786 : vector<16xi32>
    %ge3A_788 = arith.cmpi sge, %get3A_780, %broadcast_in_dim3A_22 : vector<16xi32>
    %eq3A_789 = arith.cmpi eq, %get3A_783, %add3A_787 : vector<16xi32>
    %and3A_790 = arith.andi %ge3A_788, %eq3A_789 : vector<16xi1>
    %jit3A_791 = arith.constant -1 : i32
    %broadcast_in_dim3A_792 = vector.broadcast %jit3A_791 : i32 to vector<16xi32>
    %select_n3A_793 = arith.select %and3A_790, %get3A_780, %broadcast_in_dim3A_792 : vector<16xi1>, vector<16xi32>
    %swap3A_794 = arith.constant 352 : index
    %swap3A_795 = tpu.vector_load %arg8[%swap3A_794] {strides = array<i32>} : memref<512xi32, #tpu.memory_space<vmem>>, vector<16xi32>,
    %swap3A_796 = vector.shape_cast %swap3A_795 : vector<16xi32> to vector<16xi32>
    %swap3A_797 = vector.shape_cast %select_n3A_793 : vector<16xi32> to vector<16xi32>
    tpu.vector_store %arg8[%swap3A_794], %swap3A_797 {strides = array<i32>} : memref<512xi32, #tpu.memory_space<vmem>>, vector<16xi32>,
    %get3A_798 = arith.constant 368 : index
    %get3A_799 = tpu.vector_load %arg5[%get3A_798] {strides = array<i32>} : memref<512xi32, #tpu.memory_space<vmem>>, vector<16xi32>,
    %get3A_800 = vector.shape_cast %get3A_799 : vector<16xi32> to vector<16xi32>
    %get3A_801 = arith.constant 368 : index
    %get3A_802 = tpu.vector_load %arg7[%get3A_801] {strides = array<i32>} : memref<512xi32, #tpu.memory_space<vmem>>, vector<16xi32>,
    %get3A_803 = vector.shape_cast %get3A_802 : vector<16xi32> to vector<16xi32>
    %add3A_804 = arith.constant 368 : i32
    %add3A_805 = arith.addi %sub3A_21, %add3A_804 : i32
    %add3A_806 = vector.broadcast %add3A_805 : i32 to vector<16xi32>
    %add3A_807 = arith.addi %iota3A, %add3A_806 : vector<16xi32>
    %ge3A_808 = arith.cmpi sge, %get3A_800, %broadcast_in_dim3A_22 : vector<16xi32>
    %eq3A_809 = arith.cmpi eq, %get3A_803, %add3A_807 : vector<16xi32>
    %and3A_810 = arith.andi %ge3A_808, %eq3A_809 : vector<16xi1>
    %jit3A_811 = arith.constant -1 : i32
    %broadcast_in_dim3A_812 = vector.broadcast %jit3A_811 : i32 to vector<16xi32>
    %select_n3A_813 = arith.select %and3A_810, %get3A_800, %broadcast_in_dim3A_812 : vector<16xi1>, vector<16xi32>
    %swap3A_814 = arith.constant 368 : index
    %swap3A_815 = tpu.vector_load %arg8[%swap3A_814] {strides = array<i32>} : memref<512xi32, #tpu.memory_space<vmem>>, vector<16xi32>,
    %swap3A_816 = vector.shape_cast %swap3A_815 : vector<16xi32> to vector<16xi32>
    %swap3A_817 = vector.shape_cast %select_n3A_813 : vector<16xi32> to vector<16xi32>
    tpu.vector_store %arg8[%swap3A_814], %swap3A_817 {strides = array<i32>} : memref<512xi32, #tpu.memory_space<vmem>>, vector<16xi32>,
    %get3A_818 = arith.constant 384 : index
    %get3A_819 = tpu.vector_load %arg5[%get3A_818] {strides = array<i32>} : memref<512xi32, #tpu.memory_space<vmem>>, vector<16xi32>,
    %get3A_820 = vector.shape_cast %get3A_819 : vector<16xi32> to vector<16xi32>
    %get3A_821 = arith.constant 384 : index
    %get3A_822 = tpu.vector_load %arg7[%get3A_821] {strides = array<i32>} : memref<512xi32, #tpu.memory_space<vmem>>, vector<16xi32>,
    %get3A_823 = vector.shape_cast %get3A_822 : vector<16xi32> to vector<16xi32>
    %add3A_824 = arith.constant 384 : i32
    %add3A_825 = arith.addi %sub3A_21, %add3A_824 : i32
    %add3A_826 = vector.broadcast %add3A_825 : i32 to vector<16xi32>
    %add3A_827 = arith.addi %iota3A, %add3A_826 : vector<16xi32>
    %ge3A_828 = arith.cmpi sge, %get3A_820, %broadcast_in_dim3A_22 : vector<16xi32>
    %eq3A_829 = arith.cmpi eq, %get3A_823, %add3A_827 : vector<16xi32>
    %and3A_830 = arith.andi %ge3A_828, %eq3A_829 : vector<16xi1>
    %jit3A_831 = arith.constant -1 : i32
    %broadcast_in_dim3A_832 = vector.broadcast %jit3A_831 : i32 to vector<16xi32>
    %select_n3A_833 = arith.select %and3A_830, %get3A_820, %broadcast_in_dim3A_832 : vector<16xi1>, vector<16xi32>
    %swap3A_834 = arith.constant 384 : index
    %swap3A_835 = tpu.vector_load %arg8[%swap3A_834] {strides = array<i32>} : memref<512xi32, #tpu.memory_space<vmem>>, vector<16xi32>,
    %swap3A_836 = vector.shape_cast %swap3A_835 : vector<16xi32> to vector<16xi32>
    %swap3A_837 = vector.shape_cast %select_n3A_833 : vector<16xi32> to vector<16xi32>
    tpu.vector_store %arg8[%swap3A_834], %swap3A_837 {strides = array<i32>} : memref<512xi32, #tpu.memory_space<vmem>>, vector<16xi32>,
    %get3A_838 = arith.constant 400 : index
    %get3A_839 = tpu.vector_load %arg5[%get3A_838] {strides = array<i32>} : memref<512xi32, #tpu.memory_space<vmem>>, vector<16xi32>,
    %get3A_840 = vector.shape_cast %get3A_839 : vector<16xi32> to vector<16xi32>
    %get3A_841 = arith.constant 400 : index
    %get3A_842 = tpu.vector_load %arg7[%get3A_841] {strides = array<i32>} : memref<512xi32, #tpu.memory_space<vmem>>, vector<16xi32>,
    %get3A_843 = vector.shape_cast %get3A_842 : vector<16xi32> to vector<16xi32>
    %add3A_844 = arith.constant 400 : i32
    %add3A_845 = arith.addi %sub3A_21, %add3A_844 : i32
    %add3A_846 = vector.broadcast %add3A_845 : i32 to vector<16xi32>
    %add3A_847 = arith.addi %iota3A, %add3A_846 : vector<16xi32>
    %ge3A_848 = arith.cmpi sge, %get3A_840, %broadcast_in_dim3A_22 : vector<16xi32>
    %eq3A_849 = arith.cmpi eq, %get3A_843, %add3A_847 : vector<16xi32>
    %and3A_850 = arith.andi %ge3A_848, %eq3A_849 : vector<16xi1>
    %jit3A_851 = arith.constant -1 : i32
    %broadcast_in_dim3A_852 = vector.broadcast %jit3A_851 : i32 to vector<16xi32>
    %select_n3A_853 = arith.select %and3A_850, %get3A_840, %broadcast_in_dim3A_852 : vector<16xi1>, vector<16xi32>
    %swap3A_854 = arith.constant 400 : index
    %swap3A_855 = tpu.vector_load %arg8[%swap3A_854] {strides = array<i32>} : memref<512xi32, #tpu.memory_space<vmem>>, vector<16xi32>,
    %swap3A_856 = vector.shape_cast %swap3A_855 : vector<16xi32> to vector<16xi32>
    %swap3A_857 = vector.shape_cast %select_n3A_853 : vector<16xi32> to vector<16xi32>
    tpu.vector_store %arg8[%swap3A_854], %swap3A_857 {strides = array<i32>} : memref<512xi32, #tpu.memory_space<vmem>>, vector<16xi32>,
    %get3A_858 = arith.constant 416 : index
    %get3A_859 = tpu.vector_load %arg5[%get3A_858] {strides = array<i32>} : memref<512xi32, #tpu.memory_space<vmem>>, vector<16xi32>,
    %get3A_860 = vector.shape_cast %get3A_859 : vector<16xi32> to vector<16xi32>
    %get3A_861 = arith.constant 416 : index
    %get3A_862 = tpu.vector_load %arg7[%get3A_861] {strides = array<i32>} : memref<512xi32, #tpu.memory_space<vmem>>, vector<16xi32>,
    %get3A_863 = vector.shape_cast %get3A_862 : vector<16xi32> to vector<16xi32>
    %add3A_864 = arith.constant 416 : i32
    %add3A_865 = arith.addi %sub3A_21, %add3A_864 : i32
    %add3A_866 = vector.broadcast %add3A_865 : i32 to vector<16xi32>
    %add3A_867 = arith.addi %iota3A, %add3A_866 : vector<16xi32>
    %ge3A_868 = arith.cmpi sge, %get3A_860, %broadcast_in_dim3A_22 : vector<16xi32>
    %eq3A_869 = arith.cmpi eq, %get3A_863, %add3A_867 : vector<16xi32>
    %and3A_870 = arith.andi %ge3A_868, %eq3A_869 : vector<16xi1>
    %jit3A_871 = arith.constant -1 : i32
    %broadcast_in_dim3A_872 = vector.broadcast %jit3A_871 : i32 to vector<16xi32>
    %select_n3A_873 = arith.select %and3A_870, %get3A_860, %broadcast_in_dim3A_872 : vector<16xi1>, vector<16xi32>
    %swap3A_874 = arith.constant 416 : index
    %swap3A_875 = tpu.vector_load %arg8[%swap3A_874] {strides = array<i32>} : memref<512xi32, #tpu.memory_space<vmem>>, vector<16xi32>,
    %swap3A_876 = vector.shape_cast %swap3A_875 : vector<16xi32> to vector<16xi32>
    %swap3A_877 = vector.shape_cast %select_n3A_873 : vector<16xi32> to vector<16xi32>
    tpu.vector_store %arg8[%swap3A_874], %swap3A_877 {strides = array<i32>} : memref<512xi32, #tpu.memory_space<vmem>>, vector<16xi32>,
    %get3A_878 = arith.constant 432 : index
    %get3A_879 = tpu.vector_load %arg5[%get3A_878] {strides = array<i32>} : memref<512xi32, #tpu.memory_space<vmem>>, vector<16xi32>,
    %get3A_880 = vector.shape_cast %get3A_879 : vector<16xi32> to vector<16xi32>
    %get3A_881 = arith.constant 432 : index
    %get3A_882 = tpu.vector_load %arg7[%get3A_881] {strides = array<i32>} : memref<512xi32, #tpu.memory_space<vmem>>, vector<16xi32>,
    %get3A_883 = vector.shape_cast %get3A_882 : vector<16xi32> to vector<16xi32>
    %add3A_884 = arith.constant 432 : i32
    %add3A_885 = arith.addi %sub3A_21, %add3A_884 : i32
    %add3A_886 = vector.broadcast %add3A_885 : i32 to vector<16xi32>
    %add3A_887 = arith.addi %iota3A, %add3A_886 : vector<16xi32>
    %ge3A_888 = arith.cmpi sge, %get3A_880, %broadcast_in_dim3A_22 : vector<16xi32>
    %eq3A_889 = arith.cmpi eq, %get3A_883, %add3A_887 : vector<16xi32>
    %and3A_890 = arith.andi %ge3A_888, %eq3A_889 : vector<16xi1>
    %jit3A_891 = arith.constant -1 : i32
    %broadcast_in_dim3A_892 = vector.broadcast %jit3A_891 : i32 to vector<16xi32>
    %select_n3A_893 = arith.select %and3A_890, %get3A_880, %broadcast_in_dim3A_892 : vector<16xi1>, vector<16xi32>
    %swap3A_894 = arith.constant 432 : index
    %swap3A_895 = tpu.vector_load %arg8[%swap3A_894] {strides = array<i32>} : memref<512xi32, #tpu.memory_space<vmem>>, vector<16xi32>,
    %swap3A_896 = vector.shape_cast %swap3A_895 : vector<16xi32> to vector<16xi32>
    %swap3A_897 = vector.shape_cast %select_n3A_893 : vector<16xi32> to vector<16xi32>
    tpu.vector_store %arg8[%swap3A_894], %swap3A_897 {strides = array<i32>} : memref<512xi32, #tpu.memory_space<vmem>>, vector<16xi32>,
    %get3A_898 = arith.constant 448 : index
    %get3A_899 = tpu.vector_load %arg5[%get3A_898] {strides = array<i32>} : memref<512xi32, #tpu.memory_space<vmem>>, vector<16xi32>,
    %get3A_900 = vector.shape_cast %get3A_899 : vector<16xi32> to vector<16xi32>
    %get3A_901 = arith.constant 448 : index
    %get3A_902 = tpu.vector_load %arg7[%get3A_901] {strides = array<i32>} : memref<512xi32, #tpu.memory_space<vmem>>, vector<16xi32>,
    %get3A_903 = vector.shape_cast %get3A_902 : vector<16xi32> to vector<16xi32>
    %add3A_904 = arith.constant 448 : i32
    %add3A_905 = arith.addi %sub3A_21, %add3A_904 : i32
    %add3A_906 = vector.broadcast %add3A_905 : i32 to vector<16xi32>
    %add3A_907 = arith.addi %iota3A, %add3A_906 : vector<16xi32>
    %ge3A_908 = arith.cmpi sge, %get3A_900, %broadcast_in_dim3A_22 : vector<16xi32>
    %eq3A_909 = arith.cmpi eq, %get3A_903, %add3A_907 : vector<16xi32>
    %and3A_910 = arith.andi %ge3A_908, %eq3A_909 : vector<16xi1>
    %jit3A_911 = arith.constant -1 : i32
    %broadcast_in_dim3A_912 = vector.broadcast %jit3A_911 : i32 to vector<16xi32>
    %select_n3A_913 = arith.select %and3A_910, %get3A_900, %broadcast_in_dim3A_912 : vector<16xi1>, vector<16xi32>
    %swap3A_914 = arith.constant 448 : index
    %swap3A_915 = tpu.vector_load %arg8[%swap3A_914] {strides = array<i32>} : memref<512xi32, #tpu.memory_space<vmem>>, vector<16xi32>,
    %swap3A_916 = vector.shape_cast %swap3A_915 : vector<16xi32> to vector<16xi32>
    %swap3A_917 = vector.shape_cast %select_n3A_913 : vector<16xi32> to vector<16xi32>
    tpu.vector_store %arg8[%swap3A_914], %swap3A_917 {strides = array<i32>} : memref<512xi32, #tpu.memory_space<vmem>>, vector<16xi32>,
    %get3A_918 = arith.constant 464 : index
    %get3A_919 = tpu.vector_load %arg5[%get3A_918] {strides = array<i32>} : memref<512xi32, #tpu.memory_space<vmem>>, vector<16xi32>,
    %get3A_920 = vector.shape_cast %get3A_919 : vector<16xi32> to vector<16xi32>
    %get3A_921 = arith.constant 464 : index
    %get3A_922 = tpu.vector_load %arg7[%get3A_921] {strides = array<i32>} : memref<512xi32, #tpu.memory_space<vmem>>, vector<16xi32>,
    %get3A_923 = vector.shape_cast %get3A_922 : vector<16xi32> to vector<16xi32>
    %add3A_924 = arith.constant 464 : i32
    %add3A_925 = arith.addi %sub3A_21, %add3A_924 : i32
    %add3A_926 = vector.broadcast %add3A_925 : i32 to vector<16xi32>
    %add3A_927 = arith.addi %iota3A, %add3A_926 : vector<16xi32>
    %ge3A_928 = arith.cmpi sge, %get3A_920, %broadcast_in_dim3A_22 : vector<16xi32>
    %eq3A_929 = arith.cmpi eq, %get3A_923, %add3A_927 : vector<16xi32>
    %and3A_930 = arith.andi %ge3A_928, %eq3A_929 : vector<16xi1>
    %jit3A_931 = arith.constant -1 : i32
    %broadcast_in_dim3A_932 = vector.broadcast %jit3A_931 : i32 to vector<16xi32>
    %select_n3A_933 = arith.select %and3A_930, %get3A_920, %broadcast_in_dim3A_932 : vector<16xi1>, vector<16xi32>
    %swap3A_934 = arith.constant 464 : index
    %swap3A_935 = tpu.vector_load %arg8[%swap3A_934] {strides = array<i32>} : memref<512xi32, #tpu.memory_space<vmem>>, vector<16xi32>,
    %swap3A_936 = vector.shape_cast %swap3A_935 : vector<16xi32> to vector<16xi32>
    %swap3A_937 = vector.shape_cast %select_n3A_933 : vector<16xi32> to vector<16xi32>
    tpu.vector_store %arg8[%swap3A_934], %swap3A_937 {strides = array<i32>} : memref<512xi32, #tpu.memory_space<vmem>>, vector<16xi32>,
    %get3A_938 = arith.constant 480 : index
    %get3A_939 = tpu.vector_load %arg5[%get3A_938] {strides = array<i32>} : memref<512xi32, #tpu.memory_space<vmem>>, vector<16xi32>,
    %get3A_940 = vector.shape_cast %get3A_939 : vector<16xi32> to vector<16xi32>
    %get3A_941 = arith.constant 480 : index
    %get3A_942 = tpu.vector_load %arg7[%get3A_941] {strides = array<i32>} : memref<512xi32, #tpu.memory_space<vmem>>, vector<16xi32>,
    %get3A_943 = vector.shape_cast %get3A_942 : vector<16xi32> to vector<16xi32>
    %add3A_944 = arith.constant 480 : i32
    %add3A_945 = arith.addi %sub3A_21, %add3A_944 : i32
    %add3A_946 = vector.broadcast %add3A_945 : i32 to vector<16xi32>
    %add3A_947 = arith.addi %iota3A, %add3A_946 : vector<16xi32>
    %ge3A_948 = arith.cmpi sge, %get3A_940, %broadcast_in_dim3A_22 : vector<16xi32>
    %eq3A_949 = arith.cmpi eq, %get3A_943, %add3A_947 : vector<16xi32>
    %and3A_950 = arith.andi %ge3A_948, %eq3A_949 : vector<16xi1>
    %jit3A_951 = arith.constant -1 : i32
    %broadcast_in_dim3A_952 = vector.broadcast %jit3A_951 : i32 to vector<16xi32>
    %select_n3A_953 = arith.select %and3A_950, %get3A_940, %broadcast_in_dim3A_952 : vector<16xi1>, vector<16xi32>
    %swap3A_954 = arith.constant 480 : index
    %swap3A_955 = tpu.vector_load %arg8[%swap3A_954] {strides = array<i32>} : memref<512xi32, #tpu.memory_space<vmem>>, vector<16xi32>,
    %swap3A_956 = vector.shape_cast %swap3A_955 : vector<16xi32> to vector<16xi32>
    %swap3A_957 = vector.shape_cast %select_n3A_953 : vector<16xi32> to vector<16xi32>
    tpu.vector_store %arg8[%swap3A_954], %swap3A_957 {strides = array<i32>} : memref<512xi32, #tpu.memory_space<vmem>>, vector<16xi32>,
    %get3A_958 = arith.constant 496 : index
    %get3A_959 = tpu.vector_load %arg5[%get3A_958] {strides = array<i32>} : memref<512xi32, #tpu.memory_space<vmem>>, vector<16xi32>,
    %get3A_960 = vector.shape_cast %get3A_959 : vector<16xi32> to vector<16xi32>
    %get3A_961 = arith.constant 496 : index
    %get3A_962 = tpu.vector_load %arg7[%get3A_961] {strides = array<i32>} : memref<512xi32, #tpu.memory_space<vmem>>, vector<16xi32>,
    %get3A_963 = vector.shape_cast %get3A_962 : vector<16xi32> to vector<16xi32>
    %add3A_964 = arith.constant 496 : i32
    %add3A_965 = arith.addi %sub3A_21, %add3A_964 : i32
    %add3A_966 = vector.broadcast %add3A_965 : i32 to vector<16xi32>
    %add3A_967 = arith.addi %iota3A, %add3A_966 : vector<16xi32>
    %ge3A_968 = arith.cmpi sge, %get3A_960, %broadcast_in_dim3A_22 : vector<16xi32>
    %eq3A_969 = arith.cmpi eq, %get3A_963, %add3A_967 : vector<16xi32>
    %and3A_970 = arith.andi %ge3A_968, %eq3A_969 : vector<16xi1>
    %jit3A_971 = arith.constant -1 : i32
    %broadcast_in_dim3A_972 = vector.broadcast %jit3A_971 : i32 to vector<16xi32>
    %select_n3A_973 = arith.select %and3A_970, %get3A_960, %broadcast_in_dim3A_972 : vector<16xi1>, vector<16xi32>
    %swap3A_974 = arith.constant 496 : index
    %swap3A_975 = tpu.vector_load %arg8[%swap3A_974] {strides = array<i32>} : memref<512xi32, #tpu.memory_space<vmem>>, vector<16xi32>,
    %swap3A_976 = vector.shape_cast %swap3A_975 : vector<16xi32> to vector<16xi32>
    %swap3A_977 = vector.shape_cast %select_n3A_973 : vector<16xi32> to vector<16xi32>
    tpu.vector_store %arg8[%swap3A_974], %swap3A_977 {strides = array<i32>} : memref<512xi32, #tpu.memory_space<vmem>>, vector<16xi32>,
    "tpu.region"() ({
      %run_scoped3A = tpu.sem_alloc : memref<!tpu.dma_semaphore, #tpu.memory_space<semaphore_mem>>
      %dma_start3A = tpu.memref_slice %arg4[%mul3A_2] : memref<16384xi32, #tpu.memory_space<hbm>> -> memref<512xi32, #tpu.memory_space<hbm>>
      %dma_start3A_978 = tpu.memref_slice %arg4[%mul3A_2] : memref<16384xi32, #tpu.memory_space<hbm>> -> memref<512xi32, #tpu.memory_space<hbm>>
      tpu.enqueue_dma source(%arg8 : memref<512xi32, #tpu.memory_space<vmem>>) target(%dma_start3A_978 : memref<512xi32, #tpu.memory_space<hbm>>) target_semaphore(%run_scoped3A : memref<!tpu.dma_semaphore, #tpu.memory_space<semaphore_mem>>)
      %dma_wait3A = tpu.memref_slice %arg4[%mul3A_2] : memref<16384xi32, #tpu.memory_space<hbm>> -> memref<512xi32, #tpu.memory_space<hbm>>
      %dma_wait3A_979 = tpu.memref_slice %arg4[%mul3A_2] : memref<16384xi32, #tpu.memory_space<hbm>> -> memref<512xi32, #tpu.memory_space<hbm>>
      tpu.wait_dma2 semaphore(%run_scoped3A : memref<!tpu.dma_semaphore, #tpu.memory_space<semaphore_mem>>) src(%arg8 : memref<512xi32, #tpu.memory_space<vmem>>) dst(%dma_wait3A_979 : memref<512xi32, #tpu.memory_space<hbm>>)
      tpu.yield
    }) : () -> ()
    return
  }
}

module attributes {stable_mosaic.version = 14 : i64} {
  func.func @_nn_body(%arg0: i32, %arg1: memref<1x256x2048xf32, #tpu.memory_space<vmem>>, %arg2: memref<1x256x2048xf32, #tpu.memory_space<vmem>>, %arg3: memref<1x1x2048xi32, #tpu.memory_space<vmem>>, %arg4: memref<1x1x2048xi32, #tpu.memory_space<vmem>>, %arg5: memref<1x1x2048xf32, #tpu.memory_space<vmem>>) attributes {dimension_semantics = [#tpu.dimension_semantics<parallel>], iteration_bounds = array<i64: 8>, scalar_prefetch = 0 : i64, scratch_operands = 0 : i64, tpu.core_type = #tpu.core_type<tc>, window_params = [{transform_indices = @transform_0, window_bounds = array<i64: 1, 256, 2048>}, {transform_indices = @transform_1, window_bounds = array<i64: 1, 256, 2048>}, {transform_indices = @transform_2, window_bounds = array<i64: 1, 1, 2048>}, {transform_indices = @transform_3, window_bounds = array<i64: 1, 1, 2048>}, {transform_indices = @transform_4, window_bounds = array<i64: 1, 1, 2048>}]} {
    %get3A = arith.constant 0 : index
    %get3A_0 = arith.constant 0 : index
    %get3A_1 = arith.constant 0 : index
    %get3A_2 = vector.load %arg1[%get3A, %get3A_0, %get3A_1] : memref<1x256x2048xf32, #tpu.memory_space<vmem>>, vector<1x256x2048xf32>
    %get3A_3 = vector.shape_cast %get3A_2 : vector<1x256x2048xf32> to vector<256x2048xf32>
    %get3A_4 = arith.constant 0 : index
    %get3A_5 = arith.constant 0 : index
    %get3A_6 = arith.constant 0 : index
    %get3A_7 = vector.load %arg2[%get3A_4, %get3A_5, %get3A_6] : memref<1x256x2048xf32, #tpu.memory_space<vmem>>, vector<1x256x2048xf32>
    %get3A_8 = vector.shape_cast %get3A_7 : vector<1x256x2048xf32> to vector<256x2048xf32>
    %broadcast_in_dim3A = arith.constant 0xFF800000 : f32
    %broadcast_in_dim3A_9 = vector.broadcast %broadcast_in_dim3A : f32 to vector<1x2048xf32>
    %broadcast_in_dim3A_10 = arith.constant 0 : i32
    %broadcast_in_dim3A_11 = vector.broadcast %broadcast_in_dim3A_10 : i32 to vector<1x2048xi32>
    %broadcast_in_dim3A_12 = arith.constant 0xFF800000 : f32
    %broadcast_in_dim3A_13 = vector.broadcast %broadcast_in_dim3A_12 : f32 to vector<1x2048xf32>
    %broadcast_in_dim3A_14 = arith.constant 0xFF800000 : f32
    %broadcast_in_dim3A_15 = vector.broadcast %broadcast_in_dim3A_14 : f32 to vector<1x2048xf32>
    %broadcast_in_dim3A_16 = arith.constant 0 : i32
    %broadcast_in_dim3A_17 = vector.broadcast %broadcast_in_dim3A_16 : i32 to vector<1x2048xi32>
    %broadcast_in_dim3A_18 = arith.constant 0xFF800000 : f32
    %broadcast_in_dim3A_19 = vector.broadcast %broadcast_in_dim3A_18 : f32 to vector<1x2048xf32>
    %dot_general3A = arith.constant dense<0.000000e+00> : vector<2048x2048xf32>
    %dot_general3A_20 = tpu.matmul %get3A_8, %get3A_3, %dot_general3A {dimension_numbers = #tpu.dot_dimension_numbers<[0], [0], [1], [1], [0, 1, 1, 1], [], []>, transpose_lhs_hint = false} : vector<256x2048xf32>, vector<256x2048xf32>, vector<2048x2048xf32> -> vector<2048x2048xf32>
    %broadcast_in_dim3A_21 = arith.constant 0xFF800000 : f32
    %broadcast_in_dim3A_22 = vector.broadcast %broadcast_in_dim3A_21 : f32 to vector<8x2048xf32>
    %broadcast_in_dim3A_23 = arith.constant 0 : i32
    %broadcast_in_dim3A_24 = vector.broadcast %broadcast_in_dim3A_23 : i32 to vector<8x2048xi32>
    %broadcast_in_dim3A_25 = arith.constant 0xFF800000 : f32
    %broadcast_in_dim3A_26 = vector.broadcast %broadcast_in_dim3A_25 : f32 to vector<8x2048xf32>
    %slice3A = vector.extract_strided_slice %dot_general3A_20 {offsets = [0, 0], sizes = [8, 2048], strides = [1, 1]} : vector<2048x2048xf32> to vector<8x2048xf32>
    %gt3A = arith.cmpf ogt, %slice3A, %broadcast_in_dim3A_22 : vector<8x2048xf32>
    %min3A = arith.minimumf %broadcast_in_dim3A_22, %slice3A : vector<8x2048xf32>
    %max3A = arith.maximumf %broadcast_in_dim3A_26, %min3A : vector<8x2048xf32>
    %max3A_27 = arith.maximumf %broadcast_in_dim3A_22, %slice3A : vector<8x2048xf32>
    %jit3A = arith.constant 0 : i32
    %broadcast_in_dim3A_28 = vector.broadcast %jit3A : i32 to vector<8x2048xi32>
    %select_n3A = arith.select %gt3A, %broadcast_in_dim3A_28, %broadcast_in_dim3A_24 : vector<8x2048xi1>, vector<8x2048xi32>
    %slice3A_29 = vector.extract_strided_slice %dot_general3A_20 {offsets = [8, 0], sizes = [8, 2048], strides = [1, 1]} : vector<2048x2048xf32> to vector<8x2048xf32>
    %gt3A_30 = arith.cmpf ogt, %slice3A_29, %max3A_27 : vector<8x2048xf32>
    %min3A_31 = arith.minimumf %max3A_27, %slice3A_29 : vector<8x2048xf32>
    %max3A_32 = arith.maximumf %max3A, %min3A_31 : vector<8x2048xf32>
    %max3A_33 = arith.maximumf %max3A_27, %slice3A_29 : vector<8x2048xf32>
    %jit3A_34 = arith.constant 1 : i32
    %broadcast_in_dim3A_35 = vector.broadcast %jit3A_34 : i32 to vector<8x2048xi32>
    %select_n3A_36 = arith.select %gt3A_30, %broadcast_in_dim3A_35, %select_n3A : vector<8x2048xi1>, vector<8x2048xi32>
    %slice3A_37 = vector.extract_strided_slice %dot_general3A_20 {offsets = [16, 0], sizes = [8, 2048], strides = [1, 1]} : vector<2048x2048xf32> to vector<8x2048xf32>
    %gt3A_38 = arith.cmpf ogt, %slice3A_37, %max3A_33 : vector<8x2048xf32>
    %min3A_39 = arith.minimumf %max3A_33, %slice3A_37 : vector<8x2048xf32>
    %max3A_40 = arith.maximumf %max3A_32, %min3A_39 : vector<8x2048xf32>
    %max3A_41 = arith.maximumf %max3A_33, %slice3A_37 : vector<8x2048xf32>
    %jit3A_42 = arith.constant 2 : i32
    %broadcast_in_dim3A_43 = vector.broadcast %jit3A_42 : i32 to vector<8x2048xi32>
    %select_n3A_44 = arith.select %gt3A_38, %broadcast_in_dim3A_43, %select_n3A_36 : vector<8x2048xi1>, vector<8x2048xi32>
    %slice3A_45 = vector.extract_strided_slice %dot_general3A_20 {offsets = [24, 0], sizes = [8, 2048], strides = [1, 1]} : vector<2048x2048xf32> to vector<8x2048xf32>
    %gt3A_46 = arith.cmpf ogt, %slice3A_45, %max3A_41 : vector<8x2048xf32>
    %min3A_47 = arith.minimumf %max3A_41, %slice3A_45 : vector<8x2048xf32>
    %max3A_48 = arith.maximumf %max3A_40, %min3A_47 : vector<8x2048xf32>
    %max3A_49 = arith.maximumf %max3A_41, %slice3A_45 : vector<8x2048xf32>
    %jit3A_50 = arith.constant 3 : i32
    %broadcast_in_dim3A_51 = vector.broadcast %jit3A_50 : i32 to vector<8x2048xi32>
    %select_n3A_52 = arith.select %gt3A_46, %broadcast_in_dim3A_51, %select_n3A_44 : vector<8x2048xi1>, vector<8x2048xi32>
    %slice3A_53 = vector.extract_strided_slice %dot_general3A_20 {offsets = [32, 0], sizes = [8, 2048], strides = [1, 1]} : vector<2048x2048xf32> to vector<8x2048xf32>
    %gt3A_54 = arith.cmpf ogt, %slice3A_53, %max3A_49 : vector<8x2048xf32>
    %min3A_55 = arith.minimumf %max3A_49, %slice3A_53 : vector<8x2048xf32>
    %max3A_56 = arith.maximumf %max3A_48, %min3A_55 : vector<8x2048xf32>
    %max3A_57 = arith.maximumf %max3A_49, %slice3A_53 : vector<8x2048xf32>
    %jit3A_58 = arith.constant 4 : i32
    %broadcast_in_dim3A_59 = vector.broadcast %jit3A_58 : i32 to vector<8x2048xi32>
    %select_n3A_60 = arith.select %gt3A_54, %broadcast_in_dim3A_59, %select_n3A_52 : vector<8x2048xi1>, vector<8x2048xi32>
    %slice3A_61 = vector.extract_strided_slice %dot_general3A_20 {offsets = [40, 0], sizes = [8, 2048], strides = [1, 1]} : vector<2048x2048xf32> to vector<8x2048xf32>
    %gt3A_62 = arith.cmpf ogt, %slice3A_61, %max3A_57 : vector<8x2048xf32>
    %min3A_63 = arith.minimumf %max3A_57, %slice3A_61 : vector<8x2048xf32>
    %max3A_64 = arith.maximumf %max3A_56, %min3A_63 : vector<8x2048xf32>
    %max3A_65 = arith.maximumf %max3A_57, %slice3A_61 : vector<8x2048xf32>
    %jit3A_66 = arith.constant 5 : i32
    %broadcast_in_dim3A_67 = vector.broadcast %jit3A_66 : i32 to vector<8x2048xi32>
    %select_n3A_68 = arith.select %gt3A_62, %broadcast_in_dim3A_67, %select_n3A_60 : vector<8x2048xi1>, vector<8x2048xi32>
    %slice3A_69 = vector.extract_strided_slice %dot_general3A_20 {offsets = [48, 0], sizes = [8, 2048], strides = [1, 1]} : vector<2048x2048xf32> to vector<8x2048xf32>
    %gt3A_70 = arith.cmpf ogt, %slice3A_69, %max3A_65 : vector<8x2048xf32>
    %min3A_71 = arith.minimumf %max3A_65, %slice3A_69 : vector<8x2048xf32>
    %max3A_72 = arith.maximumf %max3A_64, %min3A_71 : vector<8x2048xf32>
    %max3A_73 = arith.maximumf %max3A_65, %slice3A_69 : vector<8x2048xf32>
    %jit3A_74 = arith.constant 6 : i32
    %broadcast_in_dim3A_75 = vector.broadcast %jit3A_74 : i32 to vector<8x2048xi32>
    %select_n3A_76 = arith.select %gt3A_70, %broadcast_in_dim3A_75, %select_n3A_68 : vector<8x2048xi1>, vector<8x2048xi32>
    %slice3A_77 = vector.extract_strided_slice %dot_general3A_20 {offsets = [56, 0], sizes = [8, 2048], strides = [1, 1]} : vector<2048x2048xf32> to vector<8x2048xf32>
    %gt3A_78 = arith.cmpf ogt, %slice3A_77, %max3A_73 : vector<8x2048xf32>
    %min3A_79 = arith.minimumf %max3A_73, %slice3A_77 : vector<8x2048xf32>
    %max3A_80 = arith.maximumf %max3A_72, %min3A_79 : vector<8x2048xf32>
    %max3A_81 = arith.maximumf %max3A_73, %slice3A_77 : vector<8x2048xf32>
    %jit3A_82 = arith.constant 7 : i32
    %broadcast_in_dim3A_83 = vector.broadcast %jit3A_82 : i32 to vector<8x2048xi32>
    %select_n3A_84 = arith.select %gt3A_78, %broadcast_in_dim3A_83, %select_n3A_76 : vector<8x2048xi1>, vector<8x2048xi32>
    %slice3A_85 = vector.extract_strided_slice %dot_general3A_20 {offsets = [64, 0], sizes = [8, 2048], strides = [1, 1]} : vector<2048x2048xf32> to vector<8x2048xf32>
    %gt3A_86 = arith.cmpf ogt, %slice3A_85, %max3A_81 : vector<8x2048xf32>
    %min3A_87 = arith.minimumf %max3A_81, %slice3A_85 : vector<8x2048xf32>
    %max3A_88 = arith.maximumf %max3A_80, %min3A_87 : vector<8x2048xf32>
    %max3A_89 = arith.maximumf %max3A_81, %slice3A_85 : vector<8x2048xf32>
    %jit3A_90 = arith.constant 8 : i32
    %broadcast_in_dim3A_91 = vector.broadcast %jit3A_90 : i32 to vector<8x2048xi32>
    %select_n3A_92 = arith.select %gt3A_86, %broadcast_in_dim3A_91, %select_n3A_84 : vector<8x2048xi1>, vector<8x2048xi32>
    %slice3A_93 = vector.extract_strided_slice %dot_general3A_20 {offsets = [72, 0], sizes = [8, 2048], strides = [1, 1]} : vector<2048x2048xf32> to vector<8x2048xf32>
    %gt3A_94 = arith.cmpf ogt, %slice3A_93, %max3A_89 : vector<8x2048xf32>
    %min3A_95 = arith.minimumf %max3A_89, %slice3A_93 : vector<8x2048xf32>
    %max3A_96 = arith.maximumf %max3A_88, %min3A_95 : vector<8x2048xf32>
    %max3A_97 = arith.maximumf %max3A_89, %slice3A_93 : vector<8x2048xf32>
    %jit3A_98 = arith.constant 9 : i32
    %broadcast_in_dim3A_99 = vector.broadcast %jit3A_98 : i32 to vector<8x2048xi32>
    %select_n3A_100 = arith.select %gt3A_94, %broadcast_in_dim3A_99, %select_n3A_92 : vector<8x2048xi1>, vector<8x2048xi32>
    %slice3A_101 = vector.extract_strided_slice %dot_general3A_20 {offsets = [80, 0], sizes = [8, 2048], strides = [1, 1]} : vector<2048x2048xf32> to vector<8x2048xf32>
    %gt3A_102 = arith.cmpf ogt, %slice3A_101, %max3A_97 : vector<8x2048xf32>
    %min3A_103 = arith.minimumf %max3A_97, %slice3A_101 : vector<8x2048xf32>
    %max3A_104 = arith.maximumf %max3A_96, %min3A_103 : vector<8x2048xf32>
    %max3A_105 = arith.maximumf %max3A_97, %slice3A_101 : vector<8x2048xf32>
    %jit3A_106 = arith.constant 10 : i32
    %broadcast_in_dim3A_107 = vector.broadcast %jit3A_106 : i32 to vector<8x2048xi32>
    %select_n3A_108 = arith.select %gt3A_102, %broadcast_in_dim3A_107, %select_n3A_100 : vector<8x2048xi1>, vector<8x2048xi32>
    %slice3A_109 = vector.extract_strided_slice %dot_general3A_20 {offsets = [88, 0], sizes = [8, 2048], strides = [1, 1]} : vector<2048x2048xf32> to vector<8x2048xf32>
    %gt3A_110 = arith.cmpf ogt, %slice3A_109, %max3A_105 : vector<8x2048xf32>
    %min3A_111 = arith.minimumf %max3A_105, %slice3A_109 : vector<8x2048xf32>
    %max3A_112 = arith.maximumf %max3A_104, %min3A_111 : vector<8x2048xf32>
    %max3A_113 = arith.maximumf %max3A_105, %slice3A_109 : vector<8x2048xf32>
    %jit3A_114 = arith.constant 11 : i32
    %broadcast_in_dim3A_115 = vector.broadcast %jit3A_114 : i32 to vector<8x2048xi32>
    %select_n3A_116 = arith.select %gt3A_110, %broadcast_in_dim3A_115, %select_n3A_108 : vector<8x2048xi1>, vector<8x2048xi32>
    %slice3A_117 = vector.extract_strided_slice %dot_general3A_20 {offsets = [96, 0], sizes = [8, 2048], strides = [1, 1]} : vector<2048x2048xf32> to vector<8x2048xf32>
    %gt3A_118 = arith.cmpf ogt, %slice3A_117, %max3A_113 : vector<8x2048xf32>
    %min3A_119 = arith.minimumf %max3A_113, %slice3A_117 : vector<8x2048xf32>
    %max3A_120 = arith.maximumf %max3A_112, %min3A_119 : vector<8x2048xf32>
    %max3A_121 = arith.maximumf %max3A_113, %slice3A_117 : vector<8x2048xf32>
    %jit3A_122 = arith.constant 12 : i32
    %broadcast_in_dim3A_123 = vector.broadcast %jit3A_122 : i32 to vector<8x2048xi32>
    %select_n3A_124 = arith.select %gt3A_118, %broadcast_in_dim3A_123, %select_n3A_116 : vector<8x2048xi1>, vector<8x2048xi32>
    %slice3A_125 = vector.extract_strided_slice %dot_general3A_20 {offsets = [104, 0], sizes = [8, 2048], strides = [1, 1]} : vector<2048x2048xf32> to vector<8x2048xf32>
    %gt3A_126 = arith.cmpf ogt, %slice3A_125, %max3A_121 : vector<8x2048xf32>
    %min3A_127 = arith.minimumf %max3A_121, %slice3A_125 : vector<8x2048xf32>
    %max3A_128 = arith.maximumf %max3A_120, %min3A_127 : vector<8x2048xf32>
    %max3A_129 = arith.maximumf %max3A_121, %slice3A_125 : vector<8x2048xf32>
    %jit3A_130 = arith.constant 13 : i32
    %broadcast_in_dim3A_131 = vector.broadcast %jit3A_130 : i32 to vector<8x2048xi32>
    %select_n3A_132 = arith.select %gt3A_126, %broadcast_in_dim3A_131, %select_n3A_124 : vector<8x2048xi1>, vector<8x2048xi32>
    %slice3A_133 = vector.extract_strided_slice %dot_general3A_20 {offsets = [112, 0], sizes = [8, 2048], strides = [1, 1]} : vector<2048x2048xf32> to vector<8x2048xf32>
    %gt3A_134 = arith.cmpf ogt, %slice3A_133, %max3A_129 : vector<8x2048xf32>
    %min3A_135 = arith.minimumf %max3A_129, %slice3A_133 : vector<8x2048xf32>
    %max3A_136 = arith.maximumf %max3A_128, %min3A_135 : vector<8x2048xf32>
    %max3A_137 = arith.maximumf %max3A_129, %slice3A_133 : vector<8x2048xf32>
    %jit3A_138 = arith.constant 14 : i32
    %broadcast_in_dim3A_139 = vector.broadcast %jit3A_138 : i32 to vector<8x2048xi32>
    %select_n3A_140 = arith.select %gt3A_134, %broadcast_in_dim3A_139, %select_n3A_132 : vector<8x2048xi1>, vector<8x2048xi32>
    %slice3A_141 = vector.extract_strided_slice %dot_general3A_20 {offsets = [120, 0], sizes = [8, 2048], strides = [1, 1]} : vector<2048x2048xf32> to vector<8x2048xf32>
    %gt3A_142 = arith.cmpf ogt, %slice3A_141, %max3A_137 : vector<8x2048xf32>
    %min3A_143 = arith.minimumf %max3A_137, %slice3A_141 : vector<8x2048xf32>
    %max3A_144 = arith.maximumf %max3A_136, %min3A_143 : vector<8x2048xf32>
    %max3A_145 = arith.maximumf %max3A_137, %slice3A_141 : vector<8x2048xf32>
    %jit3A_146 = arith.constant 15 : i32
    %broadcast_in_dim3A_147 = vector.broadcast %jit3A_146 : i32 to vector<8x2048xi32>
    %select_n3A_148 = arith.select %gt3A_142, %broadcast_in_dim3A_147, %select_n3A_140 : vector<8x2048xi1>, vector<8x2048xi32>
    %slice3A_149 = vector.extract_strided_slice %dot_general3A_20 {offsets = [128, 0], sizes = [8, 2048], strides = [1, 1]} : vector<2048x2048xf32> to vector<8x2048xf32>
    %gt3A_150 = arith.cmpf ogt, %slice3A_149, %max3A_145 : vector<8x2048xf32>
    %min3A_151 = arith.minimumf %max3A_145, %slice3A_149 : vector<8x2048xf32>
    %max3A_152 = arith.maximumf %max3A_144, %min3A_151 : vector<8x2048xf32>
    %max3A_153 = arith.maximumf %max3A_145, %slice3A_149 : vector<8x2048xf32>
    %jit3A_154 = arith.constant 16 : i32
    %broadcast_in_dim3A_155 = vector.broadcast %jit3A_154 : i32 to vector<8x2048xi32>
    %select_n3A_156 = arith.select %gt3A_150, %broadcast_in_dim3A_155, %select_n3A_148 : vector<8x2048xi1>, vector<8x2048xi32>
    %slice3A_157 = vector.extract_strided_slice %dot_general3A_20 {offsets = [136, 0], sizes = [8, 2048], strides = [1, 1]} : vector<2048x2048xf32> to vector<8x2048xf32>
    %gt3A_158 = arith.cmpf ogt, %slice3A_157, %max3A_153 : vector<8x2048xf32>
    %min3A_159 = arith.minimumf %max3A_153, %slice3A_157 : vector<8x2048xf32>
    %max3A_160 = arith.maximumf %max3A_152, %min3A_159 : vector<8x2048xf32>
    %max3A_161 = arith.maximumf %max3A_153, %slice3A_157 : vector<8x2048xf32>
    %jit3A_162 = arith.constant 17 : i32
    %broadcast_in_dim3A_163 = vector.broadcast %jit3A_162 : i32 to vector<8x2048xi32>
    %select_n3A_164 = arith.select %gt3A_158, %broadcast_in_dim3A_163, %select_n3A_156 : vector<8x2048xi1>, vector<8x2048xi32>
    %slice3A_165 = vector.extract_strided_slice %dot_general3A_20 {offsets = [144, 0], sizes = [8, 2048], strides = [1, 1]} : vector<2048x2048xf32> to vector<8x2048xf32>
    %gt3A_166 = arith.cmpf ogt, %slice3A_165, %max3A_161 : vector<8x2048xf32>
    %min3A_167 = arith.minimumf %max3A_161, %slice3A_165 : vector<8x2048xf32>
    %max3A_168 = arith.maximumf %max3A_160, %min3A_167 : vector<8x2048xf32>
    %max3A_169 = arith.maximumf %max3A_161, %slice3A_165 : vector<8x2048xf32>
    %jit3A_170 = arith.constant 18 : i32
    %broadcast_in_dim3A_171 = vector.broadcast %jit3A_170 : i32 to vector<8x2048xi32>
    %select_n3A_172 = arith.select %gt3A_166, %broadcast_in_dim3A_171, %select_n3A_164 : vector<8x2048xi1>, vector<8x2048xi32>
    %slice3A_173 = vector.extract_strided_slice %dot_general3A_20 {offsets = [152, 0], sizes = [8, 2048], strides = [1, 1]} : vector<2048x2048xf32> to vector<8x2048xf32>
    %gt3A_174 = arith.cmpf ogt, %slice3A_173, %max3A_169 : vector<8x2048xf32>
    %min3A_175 = arith.minimumf %max3A_169, %slice3A_173 : vector<8x2048xf32>
    %max3A_176 = arith.maximumf %max3A_168, %min3A_175 : vector<8x2048xf32>
    %max3A_177 = arith.maximumf %max3A_169, %slice3A_173 : vector<8x2048xf32>
    %jit3A_178 = arith.constant 19 : i32
    %broadcast_in_dim3A_179 = vector.broadcast %jit3A_178 : i32 to vector<8x2048xi32>
    %select_n3A_180 = arith.select %gt3A_174, %broadcast_in_dim3A_179, %select_n3A_172 : vector<8x2048xi1>, vector<8x2048xi32>
    %slice3A_181 = vector.extract_strided_slice %dot_general3A_20 {offsets = [160, 0], sizes = [8, 2048], strides = [1, 1]} : vector<2048x2048xf32> to vector<8x2048xf32>
    %gt3A_182 = arith.cmpf ogt, %slice3A_181, %max3A_177 : vector<8x2048xf32>
    %min3A_183 = arith.minimumf %max3A_177, %slice3A_181 : vector<8x2048xf32>
    %max3A_184 = arith.maximumf %max3A_176, %min3A_183 : vector<8x2048xf32>
    %max3A_185 = arith.maximumf %max3A_177, %slice3A_181 : vector<8x2048xf32>
    %jit3A_186 = arith.constant 20 : i32
    %broadcast_in_dim3A_187 = vector.broadcast %jit3A_186 : i32 to vector<8x2048xi32>
    %select_n3A_188 = arith.select %gt3A_182, %broadcast_in_dim3A_187, %select_n3A_180 : vector<8x2048xi1>, vector<8x2048xi32>
    %slice3A_189 = vector.extract_strided_slice %dot_general3A_20 {offsets = [168, 0], sizes = [8, 2048], strides = [1, 1]} : vector<2048x2048xf32> to vector<8x2048xf32>
    %gt3A_190 = arith.cmpf ogt, %slice3A_189, %max3A_185 : vector<8x2048xf32>
    %min3A_191 = arith.minimumf %max3A_185, %slice3A_189 : vector<8x2048xf32>
    %max3A_192 = arith.maximumf %max3A_184, %min3A_191 : vector<8x2048xf32>
    %max3A_193 = arith.maximumf %max3A_185, %slice3A_189 : vector<8x2048xf32>
    %jit3A_194 = arith.constant 21 : i32
    %broadcast_in_dim3A_195 = vector.broadcast %jit3A_194 : i32 to vector<8x2048xi32>
    %select_n3A_196 = arith.select %gt3A_190, %broadcast_in_dim3A_195, %select_n3A_188 : vector<8x2048xi1>, vector<8x2048xi32>
    %slice3A_197 = vector.extract_strided_slice %dot_general3A_20 {offsets = [176, 0], sizes = [8, 2048], strides = [1, 1]} : vector<2048x2048xf32> to vector<8x2048xf32>
    %gt3A_198 = arith.cmpf ogt, %slice3A_197, %max3A_193 : vector<8x2048xf32>
    %min3A_199 = arith.minimumf %max3A_193, %slice3A_197 : vector<8x2048xf32>
    %max3A_200 = arith.maximumf %max3A_192, %min3A_199 : vector<8x2048xf32>
    %max3A_201 = arith.maximumf %max3A_193, %slice3A_197 : vector<8x2048xf32>
    %jit3A_202 = arith.constant 22 : i32
    %broadcast_in_dim3A_203 = vector.broadcast %jit3A_202 : i32 to vector<8x2048xi32>
    %select_n3A_204 = arith.select %gt3A_198, %broadcast_in_dim3A_203, %select_n3A_196 : vector<8x2048xi1>, vector<8x2048xi32>
    %slice3A_205 = vector.extract_strided_slice %dot_general3A_20 {offsets = [184, 0], sizes = [8, 2048], strides = [1, 1]} : vector<2048x2048xf32> to vector<8x2048xf32>
    %gt3A_206 = arith.cmpf ogt, %slice3A_205, %max3A_201 : vector<8x2048xf32>
    %min3A_207 = arith.minimumf %max3A_201, %slice3A_205 : vector<8x2048xf32>
    %max3A_208 = arith.maximumf %max3A_200, %min3A_207 : vector<8x2048xf32>
    %max3A_209 = arith.maximumf %max3A_201, %slice3A_205 : vector<8x2048xf32>
    %jit3A_210 = arith.constant 23 : i32
    %broadcast_in_dim3A_211 = vector.broadcast %jit3A_210 : i32 to vector<8x2048xi32>
    %select_n3A_212 = arith.select %gt3A_206, %broadcast_in_dim3A_211, %select_n3A_204 : vector<8x2048xi1>, vector<8x2048xi32>
    %slice3A_213 = vector.extract_strided_slice %dot_general3A_20 {offsets = [192, 0], sizes = [8, 2048], strides = [1, 1]} : vector<2048x2048xf32> to vector<8x2048xf32>
    %gt3A_214 = arith.cmpf ogt, %slice3A_213, %max3A_209 : vector<8x2048xf32>
    %min3A_215 = arith.minimumf %max3A_209, %slice3A_213 : vector<8x2048xf32>
    %max3A_216 = arith.maximumf %max3A_208, %min3A_215 : vector<8x2048xf32>
    %max3A_217 = arith.maximumf %max3A_209, %slice3A_213 : vector<8x2048xf32>
    %jit3A_218 = arith.constant 24 : i32
    %broadcast_in_dim3A_219 = vector.broadcast %jit3A_218 : i32 to vector<8x2048xi32>
    %select_n3A_220 = arith.select %gt3A_214, %broadcast_in_dim3A_219, %select_n3A_212 : vector<8x2048xi1>, vector<8x2048xi32>
    %slice3A_221 = vector.extract_strided_slice %dot_general3A_20 {offsets = [200, 0], sizes = [8, 2048], strides = [1, 1]} : vector<2048x2048xf32> to vector<8x2048xf32>
    %gt3A_222 = arith.cmpf ogt, %slice3A_221, %max3A_217 : vector<8x2048xf32>
    %min3A_223 = arith.minimumf %max3A_217, %slice3A_221 : vector<8x2048xf32>
    %max3A_224 = arith.maximumf %max3A_216, %min3A_223 : vector<8x2048xf32>
    %max3A_225 = arith.maximumf %max3A_217, %slice3A_221 : vector<8x2048xf32>
    %jit3A_226 = arith.constant 25 : i32
    %broadcast_in_dim3A_227 = vector.broadcast %jit3A_226 : i32 to vector<8x2048xi32>
    %select_n3A_228 = arith.select %gt3A_222, %broadcast_in_dim3A_227, %select_n3A_220 : vector<8x2048xi1>, vector<8x2048xi32>
    %slice3A_229 = vector.extract_strided_slice %dot_general3A_20 {offsets = [208, 0], sizes = [8, 2048], strides = [1, 1]} : vector<2048x2048xf32> to vector<8x2048xf32>
    %gt3A_230 = arith.cmpf ogt, %slice3A_229, %max3A_225 : vector<8x2048xf32>
    %min3A_231 = arith.minimumf %max3A_225, %slice3A_229 : vector<8x2048xf32>
    %max3A_232 = arith.maximumf %max3A_224, %min3A_231 : vector<8x2048xf32>
    %max3A_233 = arith.maximumf %max3A_225, %slice3A_229 : vector<8x2048xf32>
    %jit3A_234 = arith.constant 26 : i32
    %broadcast_in_dim3A_235 = vector.broadcast %jit3A_234 : i32 to vector<8x2048xi32>
    %select_n3A_236 = arith.select %gt3A_230, %broadcast_in_dim3A_235, %select_n3A_228 : vector<8x2048xi1>, vector<8x2048xi32>
    %slice3A_237 = vector.extract_strided_slice %dot_general3A_20 {offsets = [216, 0], sizes = [8, 2048], strides = [1, 1]} : vector<2048x2048xf32> to vector<8x2048xf32>
    %gt3A_238 = arith.cmpf ogt, %slice3A_237, %max3A_233 : vector<8x2048xf32>
    %min3A_239 = arith.minimumf %max3A_233, %slice3A_237 : vector<8x2048xf32>
    %max3A_240 = arith.maximumf %max3A_232, %min3A_239 : vector<8x2048xf32>
    %max3A_241 = arith.maximumf %max3A_233, %slice3A_237 : vector<8x2048xf32>
    %jit3A_242 = arith.constant 27 : i32
    %broadcast_in_dim3A_243 = vector.broadcast %jit3A_242 : i32 to vector<8x2048xi32>
    %select_n3A_244 = arith.select %gt3A_238, %broadcast_in_dim3A_243, %select_n3A_236 : vector<8x2048xi1>, vector<8x2048xi32>
    %slice3A_245 = vector.extract_strided_slice %dot_general3A_20 {offsets = [224, 0], sizes = [8, 2048], strides = [1, 1]} : vector<2048x2048xf32> to vector<8x2048xf32>
    %gt3A_246 = arith.cmpf ogt, %slice3A_245, %max3A_241 : vector<8x2048xf32>
    %min3A_247 = arith.minimumf %max3A_241, %slice3A_245 : vector<8x2048xf32>
    %max3A_248 = arith.maximumf %max3A_240, %min3A_247 : vector<8x2048xf32>
    %max3A_249 = arith.maximumf %max3A_241, %slice3A_245 : vector<8x2048xf32>
    %jit3A_250 = arith.constant 28 : i32
    %broadcast_in_dim3A_251 = vector.broadcast %jit3A_250 : i32 to vector<8x2048xi32>
    %select_n3A_252 = arith.select %gt3A_246, %broadcast_in_dim3A_251, %select_n3A_244 : vector<8x2048xi1>, vector<8x2048xi32>
    %slice3A_253 = vector.extract_strided_slice %dot_general3A_20 {offsets = [232, 0], sizes = [8, 2048], strides = [1, 1]} : vector<2048x2048xf32> to vector<8x2048xf32>
    %gt3A_254 = arith.cmpf ogt, %slice3A_253, %max3A_249 : vector<8x2048xf32>
    %min3A_255 = arith.minimumf %max3A_249, %slice3A_253 : vector<8x2048xf32>
    %max3A_256 = arith.maximumf %max3A_248, %min3A_255 : vector<8x2048xf32>
    %max3A_257 = arith.maximumf %max3A_249, %slice3A_253 : vector<8x2048xf32>
    %jit3A_258 = arith.constant 29 : i32
    %broadcast_in_dim3A_259 = vector.broadcast %jit3A_258 : i32 to vector<8x2048xi32>
    %select_n3A_260 = arith.select %gt3A_254, %broadcast_in_dim3A_259, %select_n3A_252 : vector<8x2048xi1>, vector<8x2048xi32>
    %slice3A_261 = vector.extract_strided_slice %dot_general3A_20 {offsets = [240, 0], sizes = [8, 2048], strides = [1, 1]} : vector<2048x2048xf32> to vector<8x2048xf32>
    %gt3A_262 = arith.cmpf ogt, %slice3A_261, %max3A_257 : vector<8x2048xf32>
    %min3A_263 = arith.minimumf %max3A_257, %slice3A_261 : vector<8x2048xf32>
    %max3A_264 = arith.maximumf %max3A_256, %min3A_263 : vector<8x2048xf32>
    %max3A_265 = arith.maximumf %max3A_257, %slice3A_261 : vector<8x2048xf32>
    %jit3A_266 = arith.constant 30 : i32
    %broadcast_in_dim3A_267 = vector.broadcast %jit3A_266 : i32 to vector<8x2048xi32>
    %select_n3A_268 = arith.select %gt3A_262, %broadcast_in_dim3A_267, %select_n3A_260 : vector<8x2048xi1>, vector<8x2048xi32>
    %slice3A_269 = vector.extract_strided_slice %dot_general3A_20 {offsets = [248, 0], sizes = [8, 2048], strides = [1, 1]} : vector<2048x2048xf32> to vector<8x2048xf32>
    %gt3A_270 = arith.cmpf ogt, %slice3A_269, %max3A_265 : vector<8x2048xf32>
    %min3A_271 = arith.minimumf %max3A_265, %slice3A_269 : vector<8x2048xf32>
    %max3A_272 = arith.maximumf %max3A_264, %min3A_271 : vector<8x2048xf32>
    %max3A_273 = arith.maximumf %max3A_265, %slice3A_269 : vector<8x2048xf32>
    %jit3A_274 = arith.constant 31 : i32
    %broadcast_in_dim3A_275 = vector.broadcast %jit3A_274 : i32 to vector<8x2048xi32>
    %select_n3A_276 = arith.select %gt3A_270, %broadcast_in_dim3A_275, %select_n3A_268 : vector<8x2048xi1>, vector<8x2048xi32>
    %slice3A_277 = vector.extract_strided_slice %dot_general3A_20 {offsets = [256, 0], sizes = [8, 2048], strides = [1, 1]} : vector<2048x2048xf32> to vector<8x2048xf32>
    %gt3A_278 = arith.cmpf ogt, %slice3A_277, %max3A_273 : vector<8x2048xf32>
    %min3A_279 = arith.minimumf %max3A_273, %slice3A_277 : vector<8x2048xf32>
    %max3A_280 = arith.maximumf %max3A_272, %min3A_279 : vector<8x2048xf32>
    %max3A_281 = arith.maximumf %max3A_273, %slice3A_277 : vector<8x2048xf32>
    %jit3A_282 = arith.constant 32 : i32
    %broadcast_in_dim3A_283 = vector.broadcast %jit3A_282 : i32 to vector<8x2048xi32>
    %select_n3A_284 = arith.select %gt3A_278, %broadcast_in_dim3A_283, %select_n3A_276 : vector<8x2048xi1>, vector<8x2048xi32>
    %slice3A_285 = vector.extract_strided_slice %dot_general3A_20 {offsets = [264, 0], sizes = [8, 2048], strides = [1, 1]} : vector<2048x2048xf32> to vector<8x2048xf32>
    %gt3A_286 = arith.cmpf ogt, %slice3A_285, %max3A_281 : vector<8x2048xf32>
    %min3A_287 = arith.minimumf %max3A_281, %slice3A_285 : vector<8x2048xf32>
    %max3A_288 = arith.maximumf %max3A_280, %min3A_287 : vector<8x2048xf32>
    %max3A_289 = arith.maximumf %max3A_281, %slice3A_285 : vector<8x2048xf32>
    %jit3A_290 = arith.constant 33 : i32
    %broadcast_in_dim3A_291 = vector.broadcast %jit3A_290 : i32 to vector<8x2048xi32>
    %select_n3A_292 = arith.select %gt3A_286, %broadcast_in_dim3A_291, %select_n3A_284 : vector<8x2048xi1>, vector<8x2048xi32>
    %slice3A_293 = vector.extract_strided_slice %dot_general3A_20 {offsets = [272, 0], sizes = [8, 2048], strides = [1, 1]} : vector<2048x2048xf32> to vector<8x2048xf32>
    %gt3A_294 = arith.cmpf ogt, %slice3A_293, %max3A_289 : vector<8x2048xf32>
    %min3A_295 = arith.minimumf %max3A_289, %slice3A_293 : vector<8x2048xf32>
    %max3A_296 = arith.maximumf %max3A_288, %min3A_295 : vector<8x2048xf32>
    %max3A_297 = arith.maximumf %max3A_289, %slice3A_293 : vector<8x2048xf32>
    %jit3A_298 = arith.constant 34 : i32
    %broadcast_in_dim3A_299 = vector.broadcast %jit3A_298 : i32 to vector<8x2048xi32>
    %select_n3A_300 = arith.select %gt3A_294, %broadcast_in_dim3A_299, %select_n3A_292 : vector<8x2048xi1>, vector<8x2048xi32>
    %slice3A_301 = vector.extract_strided_slice %dot_general3A_20 {offsets = [280, 0], sizes = [8, 2048], strides = [1, 1]} : vector<2048x2048xf32> to vector<8x2048xf32>
    %gt3A_302 = arith.cmpf ogt, %slice3A_301, %max3A_297 : vector<8x2048xf32>
    %min3A_303 = arith.minimumf %max3A_297, %slice3A_301 : vector<8x2048xf32>
    %max3A_304 = arith.maximumf %max3A_296, %min3A_303 : vector<8x2048xf32>
    %max3A_305 = arith.maximumf %max3A_297, %slice3A_301 : vector<8x2048xf32>
    %jit3A_306 = arith.constant 35 : i32
    %broadcast_in_dim3A_307 = vector.broadcast %jit3A_306 : i32 to vector<8x2048xi32>
    %select_n3A_308 = arith.select %gt3A_302, %broadcast_in_dim3A_307, %select_n3A_300 : vector<8x2048xi1>, vector<8x2048xi32>
    %slice3A_309 = vector.extract_strided_slice %dot_general3A_20 {offsets = [288, 0], sizes = [8, 2048], strides = [1, 1]} : vector<2048x2048xf32> to vector<8x2048xf32>
    %gt3A_310 = arith.cmpf ogt, %slice3A_309, %max3A_305 : vector<8x2048xf32>
    %min3A_311 = arith.minimumf %max3A_305, %slice3A_309 : vector<8x2048xf32>
    %max3A_312 = arith.maximumf %max3A_304, %min3A_311 : vector<8x2048xf32>
    %max3A_313 = arith.maximumf %max3A_305, %slice3A_309 : vector<8x2048xf32>
    %jit3A_314 = arith.constant 36 : i32
    %broadcast_in_dim3A_315 = vector.broadcast %jit3A_314 : i32 to vector<8x2048xi32>
    %select_n3A_316 = arith.select %gt3A_310, %broadcast_in_dim3A_315, %select_n3A_308 : vector<8x2048xi1>, vector<8x2048xi32>
    %slice3A_317 = vector.extract_strided_slice %dot_general3A_20 {offsets = [296, 0], sizes = [8, 2048], strides = [1, 1]} : vector<2048x2048xf32> to vector<8x2048xf32>
    %gt3A_318 = arith.cmpf ogt, %slice3A_317, %max3A_313 : vector<8x2048xf32>
    %min3A_319 = arith.minimumf %max3A_313, %slice3A_317 : vector<8x2048xf32>
    %max3A_320 = arith.maximumf %max3A_312, %min3A_319 : vector<8x2048xf32>
    %max3A_321 = arith.maximumf %max3A_313, %slice3A_317 : vector<8x2048xf32>
    %jit3A_322 = arith.constant 37 : i32
    %broadcast_in_dim3A_323 = vector.broadcast %jit3A_322 : i32 to vector<8x2048xi32>
    %select_n3A_324 = arith.select %gt3A_318, %broadcast_in_dim3A_323, %select_n3A_316 : vector<8x2048xi1>, vector<8x2048xi32>
    %slice3A_325 = vector.extract_strided_slice %dot_general3A_20 {offsets = [304, 0], sizes = [8, 2048], strides = [1, 1]} : vector<2048x2048xf32> to vector<8x2048xf32>
    %gt3A_326 = arith.cmpf ogt, %slice3A_325, %max3A_321 : vector<8x2048xf32>
    %min3A_327 = arith.minimumf %max3A_321, %slice3A_325 : vector<8x2048xf32>
    %max3A_328 = arith.maximumf %max3A_320, %min3A_327 : vector<8x2048xf32>
    %max3A_329 = arith.maximumf %max3A_321, %slice3A_325 : vector<8x2048xf32>
    %jit3A_330 = arith.constant 38 : i32
    %broadcast_in_dim3A_331 = vector.broadcast %jit3A_330 : i32 to vector<8x2048xi32>
    %select_n3A_332 = arith.select %gt3A_326, %broadcast_in_dim3A_331, %select_n3A_324 : vector<8x2048xi1>, vector<8x2048xi32>
    %slice3A_333 = vector.extract_strided_slice %dot_general3A_20 {offsets = [312, 0], sizes = [8, 2048], strides = [1, 1]} : vector<2048x2048xf32> to vector<8x2048xf32>
    %gt3A_334 = arith.cmpf ogt, %slice3A_333, %max3A_329 : vector<8x2048xf32>
    %min3A_335 = arith.minimumf %max3A_329, %slice3A_333 : vector<8x2048xf32>
    %max3A_336 = arith.maximumf %max3A_328, %min3A_335 : vector<8x2048xf32>
    %max3A_337 = arith.maximumf %max3A_329, %slice3A_333 : vector<8x2048xf32>
    %jit3A_338 = arith.constant 39 : i32
    %broadcast_in_dim3A_339 = vector.broadcast %jit3A_338 : i32 to vector<8x2048xi32>
    %select_n3A_340 = arith.select %gt3A_334, %broadcast_in_dim3A_339, %select_n3A_332 : vector<8x2048xi1>, vector<8x2048xi32>
    %slice3A_341 = vector.extract_strided_slice %dot_general3A_20 {offsets = [320, 0], sizes = [8, 2048], strides = [1, 1]} : vector<2048x2048xf32> to vector<8x2048xf32>
    %gt3A_342 = arith.cmpf ogt, %slice3A_341, %max3A_337 : vector<8x2048xf32>
    %min3A_343 = arith.minimumf %max3A_337, %slice3A_341 : vector<8x2048xf32>
    %max3A_344 = arith.maximumf %max3A_336, %min3A_343 : vector<8x2048xf32>
    %max3A_345 = arith.maximumf %max3A_337, %slice3A_341 : vector<8x2048xf32>
    %jit3A_346 = arith.constant 40 : i32
    %broadcast_in_dim3A_347 = vector.broadcast %jit3A_346 : i32 to vector<8x2048xi32>
    %select_n3A_348 = arith.select %gt3A_342, %broadcast_in_dim3A_347, %select_n3A_340 : vector<8x2048xi1>, vector<8x2048xi32>
    %slice3A_349 = vector.extract_strided_slice %dot_general3A_20 {offsets = [328, 0], sizes = [8, 2048], strides = [1, 1]} : vector<2048x2048xf32> to vector<8x2048xf32>
    %gt3A_350 = arith.cmpf ogt, %slice3A_349, %max3A_345 : vector<8x2048xf32>
    %min3A_351 = arith.minimumf %max3A_345, %slice3A_349 : vector<8x2048xf32>
    %max3A_352 = arith.maximumf %max3A_344, %min3A_351 : vector<8x2048xf32>
    %max3A_353 = arith.maximumf %max3A_345, %slice3A_349 : vector<8x2048xf32>
    %jit3A_354 = arith.constant 41 : i32
    %broadcast_in_dim3A_355 = vector.broadcast %jit3A_354 : i32 to vector<8x2048xi32>
    %select_n3A_356 = arith.select %gt3A_350, %broadcast_in_dim3A_355, %select_n3A_348 : vector<8x2048xi1>, vector<8x2048xi32>
    %slice3A_357 = vector.extract_strided_slice %dot_general3A_20 {offsets = [336, 0], sizes = [8, 2048], strides = [1, 1]} : vector<2048x2048xf32> to vector<8x2048xf32>
    %gt3A_358 = arith.cmpf ogt, %slice3A_357, %max3A_353 : vector<8x2048xf32>
    %min3A_359 = arith.minimumf %max3A_353, %slice3A_357 : vector<8x2048xf32>
    %max3A_360 = arith.maximumf %max3A_352, %min3A_359 : vector<8x2048xf32>
    %max3A_361 = arith.maximumf %max3A_353, %slice3A_357 : vector<8x2048xf32>
    %jit3A_362 = arith.constant 42 : i32
    %broadcast_in_dim3A_363 = vector.broadcast %jit3A_362 : i32 to vector<8x2048xi32>
    %select_n3A_364 = arith.select %gt3A_358, %broadcast_in_dim3A_363, %select_n3A_356 : vector<8x2048xi1>, vector<8x2048xi32>
    %slice3A_365 = vector.extract_strided_slice %dot_general3A_20 {offsets = [344, 0], sizes = [8, 2048], strides = [1, 1]} : vector<2048x2048xf32> to vector<8x2048xf32>
    %gt3A_366 = arith.cmpf ogt, %slice3A_365, %max3A_361 : vector<8x2048xf32>
    %min3A_367 = arith.minimumf %max3A_361, %slice3A_365 : vector<8x2048xf32>
    %max3A_368 = arith.maximumf %max3A_360, %min3A_367 : vector<8x2048xf32>
    %max3A_369 = arith.maximumf %max3A_361, %slice3A_365 : vector<8x2048xf32>
    %jit3A_370 = arith.constant 43 : i32
    %broadcast_in_dim3A_371 = vector.broadcast %jit3A_370 : i32 to vector<8x2048xi32>
    %select_n3A_372 = arith.select %gt3A_366, %broadcast_in_dim3A_371, %select_n3A_364 : vector<8x2048xi1>, vector<8x2048xi32>
    %slice3A_373 = vector.extract_strided_slice %dot_general3A_20 {offsets = [352, 0], sizes = [8, 2048], strides = [1, 1]} : vector<2048x2048xf32> to vector<8x2048xf32>
    %gt3A_374 = arith.cmpf ogt, %slice3A_373, %max3A_369 : vector<8x2048xf32>
    %min3A_375 = arith.minimumf %max3A_369, %slice3A_373 : vector<8x2048xf32>
    %max3A_376 = arith.maximumf %max3A_368, %min3A_375 : vector<8x2048xf32>
    %max3A_377 = arith.maximumf %max3A_369, %slice3A_373 : vector<8x2048xf32>
    %jit3A_378 = arith.constant 44 : i32
    %broadcast_in_dim3A_379 = vector.broadcast %jit3A_378 : i32 to vector<8x2048xi32>
    %select_n3A_380 = arith.select %gt3A_374, %broadcast_in_dim3A_379, %select_n3A_372 : vector<8x2048xi1>, vector<8x2048xi32>
    %slice3A_381 = vector.extract_strided_slice %dot_general3A_20 {offsets = [360, 0], sizes = [8, 2048], strides = [1, 1]} : vector<2048x2048xf32> to vector<8x2048xf32>
    %gt3A_382 = arith.cmpf ogt, %slice3A_381, %max3A_377 : vector<8x2048xf32>
    %min3A_383 = arith.minimumf %max3A_377, %slice3A_381 : vector<8x2048xf32>
    %max3A_384 = arith.maximumf %max3A_376, %min3A_383 : vector<8x2048xf32>
    %max3A_385 = arith.maximumf %max3A_377, %slice3A_381 : vector<8x2048xf32>
    %jit3A_386 = arith.constant 45 : i32
    %broadcast_in_dim3A_387 = vector.broadcast %jit3A_386 : i32 to vector<8x2048xi32>
    %select_n3A_388 = arith.select %gt3A_382, %broadcast_in_dim3A_387, %select_n3A_380 : vector<8x2048xi1>, vector<8x2048xi32>
    %slice3A_389 = vector.extract_strided_slice %dot_general3A_20 {offsets = [368, 0], sizes = [8, 2048], strides = [1, 1]} : vector<2048x2048xf32> to vector<8x2048xf32>
    %gt3A_390 = arith.cmpf ogt, %slice3A_389, %max3A_385 : vector<8x2048xf32>
    %min3A_391 = arith.minimumf %max3A_385, %slice3A_389 : vector<8x2048xf32>
    %max3A_392 = arith.maximumf %max3A_384, %min3A_391 : vector<8x2048xf32>
    %max3A_393 = arith.maximumf %max3A_385, %slice3A_389 : vector<8x2048xf32>
    %jit3A_394 = arith.constant 46 : i32
    %broadcast_in_dim3A_395 = vector.broadcast %jit3A_394 : i32 to vector<8x2048xi32>
    %select_n3A_396 = arith.select %gt3A_390, %broadcast_in_dim3A_395, %select_n3A_388 : vector<8x2048xi1>, vector<8x2048xi32>
    %slice3A_397 = vector.extract_strided_slice %dot_general3A_20 {offsets = [376, 0], sizes = [8, 2048], strides = [1, 1]} : vector<2048x2048xf32> to vector<8x2048xf32>
    %gt3A_398 = arith.cmpf ogt, %slice3A_397, %max3A_393 : vector<8x2048xf32>
    %min3A_399 = arith.minimumf %max3A_393, %slice3A_397 : vector<8x2048xf32>
    %max3A_400 = arith.maximumf %max3A_392, %min3A_399 : vector<8x2048xf32>
    %max3A_401 = arith.maximumf %max3A_393, %slice3A_397 : vector<8x2048xf32>
    %jit3A_402 = arith.constant 47 : i32
    %broadcast_in_dim3A_403 = vector.broadcast %jit3A_402 : i32 to vector<8x2048xi32>
    %select_n3A_404 = arith.select %gt3A_398, %broadcast_in_dim3A_403, %select_n3A_396 : vector<8x2048xi1>, vector<8x2048xi32>
    %slice3A_405 = vector.extract_strided_slice %dot_general3A_20 {offsets = [384, 0], sizes = [8, 2048], strides = [1, 1]} : vector<2048x2048xf32> to vector<8x2048xf32>
    %gt3A_406 = arith.cmpf ogt, %slice3A_405, %max3A_401 : vector<8x2048xf32>
    %min3A_407 = arith.minimumf %max3A_401, %slice3A_405 : vector<8x2048xf32>
    %max3A_408 = arith.maximumf %max3A_400, %min3A_407 : vector<8x2048xf32>
    %max3A_409 = arith.maximumf %max3A_401, %slice3A_405 : vector<8x2048xf32>
    %jit3A_410 = arith.constant 48 : i32
    %broadcast_in_dim3A_411 = vector.broadcast %jit3A_410 : i32 to vector<8x2048xi32>
    %select_n3A_412 = arith.select %gt3A_406, %broadcast_in_dim3A_411, %select_n3A_404 : vector<8x2048xi1>, vector<8x2048xi32>
    %slice3A_413 = vector.extract_strided_slice %dot_general3A_20 {offsets = [392, 0], sizes = [8, 2048], strides = [1, 1]} : vector<2048x2048xf32> to vector<8x2048xf32>
    %gt3A_414 = arith.cmpf ogt, %slice3A_413, %max3A_409 : vector<8x2048xf32>
    %min3A_415 = arith.minimumf %max3A_409, %slice3A_413 : vector<8x2048xf32>
    %max3A_416 = arith.maximumf %max3A_408, %min3A_415 : vector<8x2048xf32>
    %max3A_417 = arith.maximumf %max3A_409, %slice3A_413 : vector<8x2048xf32>
    %jit3A_418 = arith.constant 49 : i32
    %broadcast_in_dim3A_419 = vector.broadcast %jit3A_418 : i32 to vector<8x2048xi32>
    %select_n3A_420 = arith.select %gt3A_414, %broadcast_in_dim3A_419, %select_n3A_412 : vector<8x2048xi1>, vector<8x2048xi32>
    %slice3A_421 = vector.extract_strided_slice %dot_general3A_20 {offsets = [400, 0], sizes = [8, 2048], strides = [1, 1]} : vector<2048x2048xf32> to vector<8x2048xf32>
    %gt3A_422 = arith.cmpf ogt, %slice3A_421, %max3A_417 : vector<8x2048xf32>
    %min3A_423 = arith.minimumf %max3A_417, %slice3A_421 : vector<8x2048xf32>
    %max3A_424 = arith.maximumf %max3A_416, %min3A_423 : vector<8x2048xf32>
    %max3A_425 = arith.maximumf %max3A_417, %slice3A_421 : vector<8x2048xf32>
    %jit3A_426 = arith.constant 50 : i32
    %broadcast_in_dim3A_427 = vector.broadcast %jit3A_426 : i32 to vector<8x2048xi32>
    %select_n3A_428 = arith.select %gt3A_422, %broadcast_in_dim3A_427, %select_n3A_420 : vector<8x2048xi1>, vector<8x2048xi32>
    %slice3A_429 = vector.extract_strided_slice %dot_general3A_20 {offsets = [408, 0], sizes = [8, 2048], strides = [1, 1]} : vector<2048x2048xf32> to vector<8x2048xf32>
    %gt3A_430 = arith.cmpf ogt, %slice3A_429, %max3A_425 : vector<8x2048xf32>
    %min3A_431 = arith.minimumf %max3A_425, %slice3A_429 : vector<8x2048xf32>
    %max3A_432 = arith.maximumf %max3A_424, %min3A_431 : vector<8x2048xf32>
    %max3A_433 = arith.maximumf %max3A_425, %slice3A_429 : vector<8x2048xf32>
    %jit3A_434 = arith.constant 51 : i32
    %broadcast_in_dim3A_435 = vector.broadcast %jit3A_434 : i32 to vector<8x2048xi32>
    %select_n3A_436 = arith.select %gt3A_430, %broadcast_in_dim3A_435, %select_n3A_428 : vector<8x2048xi1>, vector<8x2048xi32>
    %slice3A_437 = vector.extract_strided_slice %dot_general3A_20 {offsets = [416, 0], sizes = [8, 2048], strides = [1, 1]} : vector<2048x2048xf32> to vector<8x2048xf32>
    %gt3A_438 = arith.cmpf ogt, %slice3A_437, %max3A_433 : vector<8x2048xf32>
    %min3A_439 = arith.minimumf %max3A_433, %slice3A_437 : vector<8x2048xf32>
    %max3A_440 = arith.maximumf %max3A_432, %min3A_439 : vector<8x2048xf32>
    %max3A_441 = arith.maximumf %max3A_433, %slice3A_437 : vector<8x2048xf32>
    %jit3A_442 = arith.constant 52 : i32
    %broadcast_in_dim3A_443 = vector.broadcast %jit3A_442 : i32 to vector<8x2048xi32>
    %select_n3A_444 = arith.select %gt3A_438, %broadcast_in_dim3A_443, %select_n3A_436 : vector<8x2048xi1>, vector<8x2048xi32>
    %slice3A_445 = vector.extract_strided_slice %dot_general3A_20 {offsets = [424, 0], sizes = [8, 2048], strides = [1, 1]} : vector<2048x2048xf32> to vector<8x2048xf32>
    %gt3A_446 = arith.cmpf ogt, %slice3A_445, %max3A_441 : vector<8x2048xf32>
    %min3A_447 = arith.minimumf %max3A_441, %slice3A_445 : vector<8x2048xf32>
    %max3A_448 = arith.maximumf %max3A_440, %min3A_447 : vector<8x2048xf32>
    %max3A_449 = arith.maximumf %max3A_441, %slice3A_445 : vector<8x2048xf32>
    %jit3A_450 = arith.constant 53 : i32
    %broadcast_in_dim3A_451 = vector.broadcast %jit3A_450 : i32 to vector<8x2048xi32>
    %select_n3A_452 = arith.select %gt3A_446, %broadcast_in_dim3A_451, %select_n3A_444 : vector<8x2048xi1>, vector<8x2048xi32>
    %slice3A_453 = vector.extract_strided_slice %dot_general3A_20 {offsets = [432, 0], sizes = [8, 2048], strides = [1, 1]} : vector<2048x2048xf32> to vector<8x2048xf32>
    %gt3A_454 = arith.cmpf ogt, %slice3A_453, %max3A_449 : vector<8x2048xf32>
    %min3A_455 = arith.minimumf %max3A_449, %slice3A_453 : vector<8x2048xf32>
    %max3A_456 = arith.maximumf %max3A_448, %min3A_455 : vector<8x2048xf32>
    %max3A_457 = arith.maximumf %max3A_449, %slice3A_453 : vector<8x2048xf32>
    %jit3A_458 = arith.constant 54 : i32
    %broadcast_in_dim3A_459 = vector.broadcast %jit3A_458 : i32 to vector<8x2048xi32>
    %select_n3A_460 = arith.select %gt3A_454, %broadcast_in_dim3A_459, %select_n3A_452 : vector<8x2048xi1>, vector<8x2048xi32>
    %slice3A_461 = vector.extract_strided_slice %dot_general3A_20 {offsets = [440, 0], sizes = [8, 2048], strides = [1, 1]} : vector<2048x2048xf32> to vector<8x2048xf32>
    %gt3A_462 = arith.cmpf ogt, %slice3A_461, %max3A_457 : vector<8x2048xf32>
    %min3A_463 = arith.minimumf %max3A_457, %slice3A_461 : vector<8x2048xf32>
    %max3A_464 = arith.maximumf %max3A_456, %min3A_463 : vector<8x2048xf32>
    %max3A_465 = arith.maximumf %max3A_457, %slice3A_461 : vector<8x2048xf32>
    %jit3A_466 = arith.constant 55 : i32
    %broadcast_in_dim3A_467 = vector.broadcast %jit3A_466 : i32 to vector<8x2048xi32>
    %select_n3A_468 = arith.select %gt3A_462, %broadcast_in_dim3A_467, %select_n3A_460 : vector<8x2048xi1>, vector<8x2048xi32>
    %slice3A_469 = vector.extract_strided_slice %dot_general3A_20 {offsets = [448, 0], sizes = [8, 2048], strides = [1, 1]} : vector<2048x2048xf32> to vector<8x2048xf32>
    %gt3A_470 = arith.cmpf ogt, %slice3A_469, %max3A_465 : vector<8x2048xf32>
    %min3A_471 = arith.minimumf %max3A_465, %slice3A_469 : vector<8x2048xf32>
    %max3A_472 = arith.maximumf %max3A_464, %min3A_471 : vector<8x2048xf32>
    %max3A_473 = arith.maximumf %max3A_465, %slice3A_469 : vector<8x2048xf32>
    %jit3A_474 = arith.constant 56 : i32
    %broadcast_in_dim3A_475 = vector.broadcast %jit3A_474 : i32 to vector<8x2048xi32>
    %select_n3A_476 = arith.select %gt3A_470, %broadcast_in_dim3A_475, %select_n3A_468 : vector<8x2048xi1>, vector<8x2048xi32>
    %slice3A_477 = vector.extract_strided_slice %dot_general3A_20 {offsets = [456, 0], sizes = [8, 2048], strides = [1, 1]} : vector<2048x2048xf32> to vector<8x2048xf32>
    %gt3A_478 = arith.cmpf ogt, %slice3A_477, %max3A_473 : vector<8x2048xf32>
    %min3A_479 = arith.minimumf %max3A_473, %slice3A_477 : vector<8x2048xf32>
    %max3A_480 = arith.maximumf %max3A_472, %min3A_479 : vector<8x2048xf32>
    %max3A_481 = arith.maximumf %max3A_473, %slice3A_477 : vector<8x2048xf32>
    %jit3A_482 = arith.constant 57 : i32
    %broadcast_in_dim3A_483 = vector.broadcast %jit3A_482 : i32 to vector<8x2048xi32>
    %select_n3A_484 = arith.select %gt3A_478, %broadcast_in_dim3A_483, %select_n3A_476 : vector<8x2048xi1>, vector<8x2048xi32>
    %slice3A_485 = vector.extract_strided_slice %dot_general3A_20 {offsets = [464, 0], sizes = [8, 2048], strides = [1, 1]} : vector<2048x2048xf32> to vector<8x2048xf32>
    %gt3A_486 = arith.cmpf ogt, %slice3A_485, %max3A_481 : vector<8x2048xf32>
    %min3A_487 = arith.minimumf %max3A_481, %slice3A_485 : vector<8x2048xf32>
    %max3A_488 = arith.maximumf %max3A_480, %min3A_487 : vector<8x2048xf32>
    %max3A_489 = arith.maximumf %max3A_481, %slice3A_485 : vector<8x2048xf32>
    %jit3A_490 = arith.constant 58 : i32
    %broadcast_in_dim3A_491 = vector.broadcast %jit3A_490 : i32 to vector<8x2048xi32>
    %select_n3A_492 = arith.select %gt3A_486, %broadcast_in_dim3A_491, %select_n3A_484 : vector<8x2048xi1>, vector<8x2048xi32>
    %slice3A_493 = vector.extract_strided_slice %dot_general3A_20 {offsets = [472, 0], sizes = [8, 2048], strides = [1, 1]} : vector<2048x2048xf32> to vector<8x2048xf32>
    %gt3A_494 = arith.cmpf ogt, %slice3A_493, %max3A_489 : vector<8x2048xf32>
    %min3A_495 = arith.minimumf %max3A_489, %slice3A_493 : vector<8x2048xf32>
    %max3A_496 = arith.maximumf %max3A_488, %min3A_495 : vector<8x2048xf32>
    %max3A_497 = arith.maximumf %max3A_489, %slice3A_493 : vector<8x2048xf32>
    %jit3A_498 = arith.constant 59 : i32
    %broadcast_in_dim3A_499 = vector.broadcast %jit3A_498 : i32 to vector<8x2048xi32>
    %select_n3A_500 = arith.select %gt3A_494, %broadcast_in_dim3A_499, %select_n3A_492 : vector<8x2048xi1>, vector<8x2048xi32>
    %slice3A_501 = vector.extract_strided_slice %dot_general3A_20 {offsets = [480, 0], sizes = [8, 2048], strides = [1, 1]} : vector<2048x2048xf32> to vector<8x2048xf32>
    %gt3A_502 = arith.cmpf ogt, %slice3A_501, %max3A_497 : vector<8x2048xf32>
    %min3A_503 = arith.minimumf %max3A_497, %slice3A_501 : vector<8x2048xf32>
    %max3A_504 = arith.maximumf %max3A_496, %min3A_503 : vector<8x2048xf32>
    %max3A_505 = arith.maximumf %max3A_497, %slice3A_501 : vector<8x2048xf32>
    %jit3A_506 = arith.constant 60 : i32
    %broadcast_in_dim3A_507 = vector.broadcast %jit3A_506 : i32 to vector<8x2048xi32>
    %select_n3A_508 = arith.select %gt3A_502, %broadcast_in_dim3A_507, %select_n3A_500 : vector<8x2048xi1>, vector<8x2048xi32>
    %slice3A_509 = vector.extract_strided_slice %dot_general3A_20 {offsets = [488, 0], sizes = [8, 2048], strides = [1, 1]} : vector<2048x2048xf32> to vector<8x2048xf32>
    %gt3A_510 = arith.cmpf ogt, %slice3A_509, %max3A_505 : vector<8x2048xf32>
    %min3A_511 = arith.minimumf %max3A_505, %slice3A_509 : vector<8x2048xf32>
    %max3A_512 = arith.maximumf %max3A_504, %min3A_511 : vector<8x2048xf32>
    %max3A_513 = arith.maximumf %max3A_505, %slice3A_509 : vector<8x2048xf32>
    %jit3A_514 = arith.constant 61 : i32
    %broadcast_in_dim3A_515 = vector.broadcast %jit3A_514 : i32 to vector<8x2048xi32>
    %select_n3A_516 = arith.select %gt3A_510, %broadcast_in_dim3A_515, %select_n3A_508 : vector<8x2048xi1>, vector<8x2048xi32>
    %slice3A_517 = vector.extract_strided_slice %dot_general3A_20 {offsets = [496, 0], sizes = [8, 2048], strides = [1, 1]} : vector<2048x2048xf32> to vector<8x2048xf32>
    %gt3A_518 = arith.cmpf ogt, %slice3A_517, %max3A_513 : vector<8x2048xf32>
    %min3A_519 = arith.minimumf %max3A_513, %slice3A_517 : vector<8x2048xf32>
    %max3A_520 = arith.maximumf %max3A_512, %min3A_519 : vector<8x2048xf32>
    %max3A_521 = arith.maximumf %max3A_513, %slice3A_517 : vector<8x2048xf32>
    %jit3A_522 = arith.constant 62 : i32
    %broadcast_in_dim3A_523 = vector.broadcast %jit3A_522 : i32 to vector<8x2048xi32>
    %select_n3A_524 = arith.select %gt3A_518, %broadcast_in_dim3A_523, %select_n3A_516 : vector<8x2048xi1>, vector<8x2048xi32>
    %slice3A_525 = vector.extract_strided_slice %dot_general3A_20 {offsets = [504, 0], sizes = [8, 2048], strides = [1, 1]} : vector<2048x2048xf32> to vector<8x2048xf32>
    %gt3A_526 = arith.cmpf ogt, %slice3A_525, %max3A_521 : vector<8x2048xf32>
    %min3A_527 = arith.minimumf %max3A_521, %slice3A_525 : vector<8x2048xf32>
    %max3A_528 = arith.maximumf %max3A_520, %min3A_527 : vector<8x2048xf32>
    %max3A_529 = arith.maximumf %max3A_521, %slice3A_525 : vector<8x2048xf32>
    %jit3A_530 = arith.constant 63 : i32
    %broadcast_in_dim3A_531 = vector.broadcast %jit3A_530 : i32 to vector<8x2048xi32>
    %select_n3A_532 = arith.select %gt3A_526, %broadcast_in_dim3A_531, %select_n3A_524 : vector<8x2048xi1>, vector<8x2048xi32>
    %slice3A_533 = vector.extract_strided_slice %dot_general3A_20 {offsets = [512, 0], sizes = [8, 2048], strides = [1, 1]} : vector<2048x2048xf32> to vector<8x2048xf32>
    %gt3A_534 = arith.cmpf ogt, %slice3A_533, %max3A_529 : vector<8x2048xf32>
    %min3A_535 = arith.minimumf %max3A_529, %slice3A_533 : vector<8x2048xf32>
    %max3A_536 = arith.maximumf %max3A_528, %min3A_535 : vector<8x2048xf32>
    %max3A_537 = arith.maximumf %max3A_529, %slice3A_533 : vector<8x2048xf32>
    %jit3A_538 = arith.constant 64 : i32
    %broadcast_in_dim3A_539 = vector.broadcast %jit3A_538 : i32 to vector<8x2048xi32>
    %select_n3A_540 = arith.select %gt3A_534, %broadcast_in_dim3A_539, %select_n3A_532 : vector<8x2048xi1>, vector<8x2048xi32>
    %slice3A_541 = vector.extract_strided_slice %dot_general3A_20 {offsets = [520, 0], sizes = [8, 2048], strides = [1, 1]} : vector<2048x2048xf32> to vector<8x2048xf32>
    %gt3A_542 = arith.cmpf ogt, %slice3A_541, %max3A_537 : vector<8x2048xf32>
    %min3A_543 = arith.minimumf %max3A_537, %slice3A_541 : vector<8x2048xf32>
    %max3A_544 = arith.maximumf %max3A_536, %min3A_543 : vector<8x2048xf32>
    %max3A_545 = arith.maximumf %max3A_537, %slice3A_541 : vector<8x2048xf32>
    %jit3A_546 = arith.constant 65 : i32
    %broadcast_in_dim3A_547 = vector.broadcast %jit3A_546 : i32 to vector<8x2048xi32>
    %select_n3A_548 = arith.select %gt3A_542, %broadcast_in_dim3A_547, %select_n3A_540 : vector<8x2048xi1>, vector<8x2048xi32>
    %slice3A_549 = vector.extract_strided_slice %dot_general3A_20 {offsets = [528, 0], sizes = [8, 2048], strides = [1, 1]} : vector<2048x2048xf32> to vector<8x2048xf32>
    %gt3A_550 = arith.cmpf ogt, %slice3A_549, %max3A_545 : vector<8x2048xf32>
    %min3A_551 = arith.minimumf %max3A_545, %slice3A_549 : vector<8x2048xf32>
    %max3A_552 = arith.maximumf %max3A_544, %min3A_551 : vector<8x2048xf32>
    %max3A_553 = arith.maximumf %max3A_545, %slice3A_549 : vector<8x2048xf32>
    %jit3A_554 = arith.constant 66 : i32
    %broadcast_in_dim3A_555 = vector.broadcast %jit3A_554 : i32 to vector<8x2048xi32>
    %select_n3A_556 = arith.select %gt3A_550, %broadcast_in_dim3A_555, %select_n3A_548 : vector<8x2048xi1>, vector<8x2048xi32>
    %slice3A_557 = vector.extract_strided_slice %dot_general3A_20 {offsets = [536, 0], sizes = [8, 2048], strides = [1, 1]} : vector<2048x2048xf32> to vector<8x2048xf32>
    %gt3A_558 = arith.cmpf ogt, %slice3A_557, %max3A_553 : vector<8x2048xf32>
    %min3A_559 = arith.minimumf %max3A_553, %slice3A_557 : vector<8x2048xf32>
    %max3A_560 = arith.maximumf %max3A_552, %min3A_559 : vector<8x2048xf32>
    %max3A_561 = arith.maximumf %max3A_553, %slice3A_557 : vector<8x2048xf32>
    %jit3A_562 = arith.constant 67 : i32
    %broadcast_in_dim3A_563 = vector.broadcast %jit3A_562 : i32 to vector<8x2048xi32>
    %select_n3A_564 = arith.select %gt3A_558, %broadcast_in_dim3A_563, %select_n3A_556 : vector<8x2048xi1>, vector<8x2048xi32>
    %slice3A_565 = vector.extract_strided_slice %dot_general3A_20 {offsets = [544, 0], sizes = [8, 2048], strides = [1, 1]} : vector<2048x2048xf32> to vector<8x2048xf32>
    %gt3A_566 = arith.cmpf ogt, %slice3A_565, %max3A_561 : vector<8x2048xf32>
    %min3A_567 = arith.minimumf %max3A_561, %slice3A_565 : vector<8x2048xf32>
    %max3A_568 = arith.maximumf %max3A_560, %min3A_567 : vector<8x2048xf32>
    %max3A_569 = arith.maximumf %max3A_561, %slice3A_565 : vector<8x2048xf32>
    %jit3A_570 = arith.constant 68 : i32
    %broadcast_in_dim3A_571 = vector.broadcast %jit3A_570 : i32 to vector<8x2048xi32>
    %select_n3A_572 = arith.select %gt3A_566, %broadcast_in_dim3A_571, %select_n3A_564 : vector<8x2048xi1>, vector<8x2048xi32>
    %slice3A_573 = vector.extract_strided_slice %dot_general3A_20 {offsets = [552, 0], sizes = [8, 2048], strides = [1, 1]} : vector<2048x2048xf32> to vector<8x2048xf32>
    %gt3A_574 = arith.cmpf ogt, %slice3A_573, %max3A_569 : vector<8x2048xf32>
    %min3A_575 = arith.minimumf %max3A_569, %slice3A_573 : vector<8x2048xf32>
    %max3A_576 = arith.maximumf %max3A_568, %min3A_575 : vector<8x2048xf32>
    %max3A_577 = arith.maximumf %max3A_569, %slice3A_573 : vector<8x2048xf32>
    %jit3A_578 = arith.constant 69 : i32
    %broadcast_in_dim3A_579 = vector.broadcast %jit3A_578 : i32 to vector<8x2048xi32>
    %select_n3A_580 = arith.select %gt3A_574, %broadcast_in_dim3A_579, %select_n3A_572 : vector<8x2048xi1>, vector<8x2048xi32>
    %slice3A_581 = vector.extract_strided_slice %dot_general3A_20 {offsets = [560, 0], sizes = [8, 2048], strides = [1, 1]} : vector<2048x2048xf32> to vector<8x2048xf32>
    %gt3A_582 = arith.cmpf ogt, %slice3A_581, %max3A_577 : vector<8x2048xf32>
    %min3A_583 = arith.minimumf %max3A_577, %slice3A_581 : vector<8x2048xf32>
    %max3A_584 = arith.maximumf %max3A_576, %min3A_583 : vector<8x2048xf32>
    %max3A_585 = arith.maximumf %max3A_577, %slice3A_581 : vector<8x2048xf32>
    %jit3A_586 = arith.constant 70 : i32
    %broadcast_in_dim3A_587 = vector.broadcast %jit3A_586 : i32 to vector<8x2048xi32>
    %select_n3A_588 = arith.select %gt3A_582, %broadcast_in_dim3A_587, %select_n3A_580 : vector<8x2048xi1>, vector<8x2048xi32>
    %slice3A_589 = vector.extract_strided_slice %dot_general3A_20 {offsets = [568, 0], sizes = [8, 2048], strides = [1, 1]} : vector<2048x2048xf32> to vector<8x2048xf32>
    %gt3A_590 = arith.cmpf ogt, %slice3A_589, %max3A_585 : vector<8x2048xf32>
    %min3A_591 = arith.minimumf %max3A_585, %slice3A_589 : vector<8x2048xf32>
    %max3A_592 = arith.maximumf %max3A_584, %min3A_591 : vector<8x2048xf32>
    %max3A_593 = arith.maximumf %max3A_585, %slice3A_589 : vector<8x2048xf32>
    %jit3A_594 = arith.constant 71 : i32
    %broadcast_in_dim3A_595 = vector.broadcast %jit3A_594 : i32 to vector<8x2048xi32>
    %select_n3A_596 = arith.select %gt3A_590, %broadcast_in_dim3A_595, %select_n3A_588 : vector<8x2048xi1>, vector<8x2048xi32>
    %slice3A_597 = vector.extract_strided_slice %dot_general3A_20 {offsets = [576, 0], sizes = [8, 2048], strides = [1, 1]} : vector<2048x2048xf32> to vector<8x2048xf32>
    %gt3A_598 = arith.cmpf ogt, %slice3A_597, %max3A_593 : vector<8x2048xf32>
    %min3A_599 = arith.minimumf %max3A_593, %slice3A_597 : vector<8x2048xf32>
    %max3A_600 = arith.maximumf %max3A_592, %min3A_599 : vector<8x2048xf32>
    %max3A_601 = arith.maximumf %max3A_593, %slice3A_597 : vector<8x2048xf32>
    %jit3A_602 = arith.constant 72 : i32
    %broadcast_in_dim3A_603 = vector.broadcast %jit3A_602 : i32 to vector<8x2048xi32>
    %select_n3A_604 = arith.select %gt3A_598, %broadcast_in_dim3A_603, %select_n3A_596 : vector<8x2048xi1>, vector<8x2048xi32>
    %slice3A_605 = vector.extract_strided_slice %dot_general3A_20 {offsets = [584, 0], sizes = [8, 2048], strides = [1, 1]} : vector<2048x2048xf32> to vector<8x2048xf32>
    %gt3A_606 = arith.cmpf ogt, %slice3A_605, %max3A_601 : vector<8x2048xf32>
    %min3A_607 = arith.minimumf %max3A_601, %slice3A_605 : vector<8x2048xf32>
    %max3A_608 = arith.maximumf %max3A_600, %min3A_607 : vector<8x2048xf32>
    %max3A_609 = arith.maximumf %max3A_601, %slice3A_605 : vector<8x2048xf32>
    %jit3A_610 = arith.constant 73 : i32
    %broadcast_in_dim3A_611 = vector.broadcast %jit3A_610 : i32 to vector<8x2048xi32>
    %select_n3A_612 = arith.select %gt3A_606, %broadcast_in_dim3A_611, %select_n3A_604 : vector<8x2048xi1>, vector<8x2048xi32>
    %slice3A_613 = vector.extract_strided_slice %dot_general3A_20 {offsets = [592, 0], sizes = [8, 2048], strides = [1, 1]} : vector<2048x2048xf32> to vector<8x2048xf32>
    %gt3A_614 = arith.cmpf ogt, %slice3A_613, %max3A_609 : vector<8x2048xf32>
    %min3A_615 = arith.minimumf %max3A_609, %slice3A_613 : vector<8x2048xf32>
    %max3A_616 = arith.maximumf %max3A_608, %min3A_615 : vector<8x2048xf32>
    %max3A_617 = arith.maximumf %max3A_609, %slice3A_613 : vector<8x2048xf32>
    %jit3A_618 = arith.constant 74 : i32
    %broadcast_in_dim3A_619 = vector.broadcast %jit3A_618 : i32 to vector<8x2048xi32>
    %select_n3A_620 = arith.select %gt3A_614, %broadcast_in_dim3A_619, %select_n3A_612 : vector<8x2048xi1>, vector<8x2048xi32>
    %slice3A_621 = vector.extract_strided_slice %dot_general3A_20 {offsets = [600, 0], sizes = [8, 2048], strides = [1, 1]} : vector<2048x2048xf32> to vector<8x2048xf32>
    %gt3A_622 = arith.cmpf ogt, %slice3A_621, %max3A_617 : vector<8x2048xf32>
    %min3A_623 = arith.minimumf %max3A_617, %slice3A_621 : vector<8x2048xf32>
    %max3A_624 = arith.maximumf %max3A_616, %min3A_623 : vector<8x2048xf32>
    %max3A_625 = arith.maximumf %max3A_617, %slice3A_621 : vector<8x2048xf32>
    %jit3A_626 = arith.constant 75 : i32
    %broadcast_in_dim3A_627 = vector.broadcast %jit3A_626 : i32 to vector<8x2048xi32>
    %select_n3A_628 = arith.select %gt3A_622, %broadcast_in_dim3A_627, %select_n3A_620 : vector<8x2048xi1>, vector<8x2048xi32>
    %slice3A_629 = vector.extract_strided_slice %dot_general3A_20 {offsets = [608, 0], sizes = [8, 2048], strides = [1, 1]} : vector<2048x2048xf32> to vector<8x2048xf32>
    %gt3A_630 = arith.cmpf ogt, %slice3A_629, %max3A_625 : vector<8x2048xf32>
    %min3A_631 = arith.minimumf %max3A_625, %slice3A_629 : vector<8x2048xf32>
    %max3A_632 = arith.maximumf %max3A_624, %min3A_631 : vector<8x2048xf32>
    %max3A_633 = arith.maximumf %max3A_625, %slice3A_629 : vector<8x2048xf32>
    %jit3A_634 = arith.constant 76 : i32
    %broadcast_in_dim3A_635 = vector.broadcast %jit3A_634 : i32 to vector<8x2048xi32>
    %select_n3A_636 = arith.select %gt3A_630, %broadcast_in_dim3A_635, %select_n3A_628 : vector<8x2048xi1>, vector<8x2048xi32>
    %slice3A_637 = vector.extract_strided_slice %dot_general3A_20 {offsets = [616, 0], sizes = [8, 2048], strides = [1, 1]} : vector<2048x2048xf32> to vector<8x2048xf32>
    %gt3A_638 = arith.cmpf ogt, %slice3A_637, %max3A_633 : vector<8x2048xf32>
    %min3A_639 = arith.minimumf %max3A_633, %slice3A_637 : vector<8x2048xf32>
    %max3A_640 = arith.maximumf %max3A_632, %min3A_639 : vector<8x2048xf32>
    %max3A_641 = arith.maximumf %max3A_633, %slice3A_637 : vector<8x2048xf32>
    %jit3A_642 = arith.constant 77 : i32
    %broadcast_in_dim3A_643 = vector.broadcast %jit3A_642 : i32 to vector<8x2048xi32>
    %select_n3A_644 = arith.select %gt3A_638, %broadcast_in_dim3A_643, %select_n3A_636 : vector<8x2048xi1>, vector<8x2048xi32>
    %slice3A_645 = vector.extract_strided_slice %dot_general3A_20 {offsets = [624, 0], sizes = [8, 2048], strides = [1, 1]} : vector<2048x2048xf32> to vector<8x2048xf32>
    %gt3A_646 = arith.cmpf ogt, %slice3A_645, %max3A_641 : vector<8x2048xf32>
    %min3A_647 = arith.minimumf %max3A_641, %slice3A_645 : vector<8x2048xf32>
    %max3A_648 = arith.maximumf %max3A_640, %min3A_647 : vector<8x2048xf32>
    %max3A_649 = arith.maximumf %max3A_641, %slice3A_645 : vector<8x2048xf32>
    %jit3A_650 = arith.constant 78 : i32
    %broadcast_in_dim3A_651 = vector.broadcast %jit3A_650 : i32 to vector<8x2048xi32>
    %select_n3A_652 = arith.select %gt3A_646, %broadcast_in_dim3A_651, %select_n3A_644 : vector<8x2048xi1>, vector<8x2048xi32>
    %slice3A_653 = vector.extract_strided_slice %dot_general3A_20 {offsets = [632, 0], sizes = [8, 2048], strides = [1, 1]} : vector<2048x2048xf32> to vector<8x2048xf32>
    %gt3A_654 = arith.cmpf ogt, %slice3A_653, %max3A_649 : vector<8x2048xf32>
    %min3A_655 = arith.minimumf %max3A_649, %slice3A_653 : vector<8x2048xf32>
    %max3A_656 = arith.maximumf %max3A_648, %min3A_655 : vector<8x2048xf32>
    %max3A_657 = arith.maximumf %max3A_649, %slice3A_653 : vector<8x2048xf32>
    %jit3A_658 = arith.constant 79 : i32
    %broadcast_in_dim3A_659 = vector.broadcast %jit3A_658 : i32 to vector<8x2048xi32>
    %select_n3A_660 = arith.select %gt3A_654, %broadcast_in_dim3A_659, %select_n3A_652 : vector<8x2048xi1>, vector<8x2048xi32>
    %slice3A_661 = vector.extract_strided_slice %dot_general3A_20 {offsets = [640, 0], sizes = [8, 2048], strides = [1, 1]} : vector<2048x2048xf32> to vector<8x2048xf32>
    %gt3A_662 = arith.cmpf ogt, %slice3A_661, %max3A_657 : vector<8x2048xf32>
    %min3A_663 = arith.minimumf %max3A_657, %slice3A_661 : vector<8x2048xf32>
    %max3A_664 = arith.maximumf %max3A_656, %min3A_663 : vector<8x2048xf32>
    %max3A_665 = arith.maximumf %max3A_657, %slice3A_661 : vector<8x2048xf32>
    %jit3A_666 = arith.constant 80 : i32
    %broadcast_in_dim3A_667 = vector.broadcast %jit3A_666 : i32 to vector<8x2048xi32>
    %select_n3A_668 = arith.select %gt3A_662, %broadcast_in_dim3A_667, %select_n3A_660 : vector<8x2048xi1>, vector<8x2048xi32>
    %slice3A_669 = vector.extract_strided_slice %dot_general3A_20 {offsets = [648, 0], sizes = [8, 2048], strides = [1, 1]} : vector<2048x2048xf32> to vector<8x2048xf32>
    %gt3A_670 = arith.cmpf ogt, %slice3A_669, %max3A_665 : vector<8x2048xf32>
    %min3A_671 = arith.minimumf %max3A_665, %slice3A_669 : vector<8x2048xf32>
    %max3A_672 = arith.maximumf %max3A_664, %min3A_671 : vector<8x2048xf32>
    %max3A_673 = arith.maximumf %max3A_665, %slice3A_669 : vector<8x2048xf32>
    %jit3A_674 = arith.constant 81 : i32
    %broadcast_in_dim3A_675 = vector.broadcast %jit3A_674 : i32 to vector<8x2048xi32>
    %select_n3A_676 = arith.select %gt3A_670, %broadcast_in_dim3A_675, %select_n3A_668 : vector<8x2048xi1>, vector<8x2048xi32>
    %slice3A_677 = vector.extract_strided_slice %dot_general3A_20 {offsets = [656, 0], sizes = [8, 2048], strides = [1, 1]} : vector<2048x2048xf32> to vector<8x2048xf32>
    %gt3A_678 = arith.cmpf ogt, %slice3A_677, %max3A_673 : vector<8x2048xf32>
    %min3A_679 = arith.minimumf %max3A_673, %slice3A_677 : vector<8x2048xf32>
    %max3A_680 = arith.maximumf %max3A_672, %min3A_679 : vector<8x2048xf32>
    %max3A_681 = arith.maximumf %max3A_673, %slice3A_677 : vector<8x2048xf32>
    %jit3A_682 = arith.constant 82 : i32
    %broadcast_in_dim3A_683 = vector.broadcast %jit3A_682 : i32 to vector<8x2048xi32>
    %select_n3A_684 = arith.select %gt3A_678, %broadcast_in_dim3A_683, %select_n3A_676 : vector<8x2048xi1>, vector<8x2048xi32>
    %slice3A_685 = vector.extract_strided_slice %dot_general3A_20 {offsets = [664, 0], sizes = [8, 2048], strides = [1, 1]} : vector<2048x2048xf32> to vector<8x2048xf32>
    %gt3A_686 = arith.cmpf ogt, %slice3A_685, %max3A_681 : vector<8x2048xf32>
    %min3A_687 = arith.minimumf %max3A_681, %slice3A_685 : vector<8x2048xf32>
    %max3A_688 = arith.maximumf %max3A_680, %min3A_687 : vector<8x2048xf32>
    %max3A_689 = arith.maximumf %max3A_681, %slice3A_685 : vector<8x2048xf32>
    %jit3A_690 = arith.constant 83 : i32
    %broadcast_in_dim3A_691 = vector.broadcast %jit3A_690 : i32 to vector<8x2048xi32>
    %select_n3A_692 = arith.select %gt3A_686, %broadcast_in_dim3A_691, %select_n3A_684 : vector<8x2048xi1>, vector<8x2048xi32>
    %slice3A_693 = vector.extract_strided_slice %dot_general3A_20 {offsets = [672, 0], sizes = [8, 2048], strides = [1, 1]} : vector<2048x2048xf32> to vector<8x2048xf32>
    %gt3A_694 = arith.cmpf ogt, %slice3A_693, %max3A_689 : vector<8x2048xf32>
    %min3A_695 = arith.minimumf %max3A_689, %slice3A_693 : vector<8x2048xf32>
    %max3A_696 = arith.maximumf %max3A_688, %min3A_695 : vector<8x2048xf32>
    %max3A_697 = arith.maximumf %max3A_689, %slice3A_693 : vector<8x2048xf32>
    %jit3A_698 = arith.constant 84 : i32
    %broadcast_in_dim3A_699 = vector.broadcast %jit3A_698 : i32 to vector<8x2048xi32>
    %select_n3A_700 = arith.select %gt3A_694, %broadcast_in_dim3A_699, %select_n3A_692 : vector<8x2048xi1>, vector<8x2048xi32>
    %slice3A_701 = vector.extract_strided_slice %dot_general3A_20 {offsets = [680, 0], sizes = [8, 2048], strides = [1, 1]} : vector<2048x2048xf32> to vector<8x2048xf32>
    %gt3A_702 = arith.cmpf ogt, %slice3A_701, %max3A_697 : vector<8x2048xf32>
    %min3A_703 = arith.minimumf %max3A_697, %slice3A_701 : vector<8x2048xf32>
    %max3A_704 = arith.maximumf %max3A_696, %min3A_703 : vector<8x2048xf32>
    %max3A_705 = arith.maximumf %max3A_697, %slice3A_701 : vector<8x2048xf32>
    %jit3A_706 = arith.constant 85 : i32
    %broadcast_in_dim3A_707 = vector.broadcast %jit3A_706 : i32 to vector<8x2048xi32>
    %select_n3A_708 = arith.select %gt3A_702, %broadcast_in_dim3A_707, %select_n3A_700 : vector<8x2048xi1>, vector<8x2048xi32>
    %slice3A_709 = vector.extract_strided_slice %dot_general3A_20 {offsets = [688, 0], sizes = [8, 2048], strides = [1, 1]} : vector<2048x2048xf32> to vector<8x2048xf32>
    %gt3A_710 = arith.cmpf ogt, %slice3A_709, %max3A_705 : vector<8x2048xf32>
    %min3A_711 = arith.minimumf %max3A_705, %slice3A_709 : vector<8x2048xf32>
    %max3A_712 = arith.maximumf %max3A_704, %min3A_711 : vector<8x2048xf32>
    %max3A_713 = arith.maximumf %max3A_705, %slice3A_709 : vector<8x2048xf32>
    %jit3A_714 = arith.constant 86 : i32
    %broadcast_in_dim3A_715 = vector.broadcast %jit3A_714 : i32 to vector<8x2048xi32>
    %select_n3A_716 = arith.select %gt3A_710, %broadcast_in_dim3A_715, %select_n3A_708 : vector<8x2048xi1>, vector<8x2048xi32>
    %slice3A_717 = vector.extract_strided_slice %dot_general3A_20 {offsets = [696, 0], sizes = [8, 2048], strides = [1, 1]} : vector<2048x2048xf32> to vector<8x2048xf32>
    %gt3A_718 = arith.cmpf ogt, %slice3A_717, %max3A_713 : vector<8x2048xf32>
    %min3A_719 = arith.minimumf %max3A_713, %slice3A_717 : vector<8x2048xf32>
    %max3A_720 = arith.maximumf %max3A_712, %min3A_719 : vector<8x2048xf32>
    %max3A_721 = arith.maximumf %max3A_713, %slice3A_717 : vector<8x2048xf32>
    %jit3A_722 = arith.constant 87 : i32
    %broadcast_in_dim3A_723 = vector.broadcast %jit3A_722 : i32 to vector<8x2048xi32>
    %select_n3A_724 = arith.select %gt3A_718, %broadcast_in_dim3A_723, %select_n3A_716 : vector<8x2048xi1>, vector<8x2048xi32>
    %slice3A_725 = vector.extract_strided_slice %dot_general3A_20 {offsets = [704, 0], sizes = [8, 2048], strides = [1, 1]} : vector<2048x2048xf32> to vector<8x2048xf32>
    %gt3A_726 = arith.cmpf ogt, %slice3A_725, %max3A_721 : vector<8x2048xf32>
    %min3A_727 = arith.minimumf %max3A_721, %slice3A_725 : vector<8x2048xf32>
    %max3A_728 = arith.maximumf %max3A_720, %min3A_727 : vector<8x2048xf32>
    %max3A_729 = arith.maximumf %max3A_721, %slice3A_725 : vector<8x2048xf32>
    %jit3A_730 = arith.constant 88 : i32
    %broadcast_in_dim3A_731 = vector.broadcast %jit3A_730 : i32 to vector<8x2048xi32>
    %select_n3A_732 = arith.select %gt3A_726, %broadcast_in_dim3A_731, %select_n3A_724 : vector<8x2048xi1>, vector<8x2048xi32>
    %slice3A_733 = vector.extract_strided_slice %dot_general3A_20 {offsets = [712, 0], sizes = [8, 2048], strides = [1, 1]} : vector<2048x2048xf32> to vector<8x2048xf32>
    %gt3A_734 = arith.cmpf ogt, %slice3A_733, %max3A_729 : vector<8x2048xf32>
    %min3A_735 = arith.minimumf %max3A_729, %slice3A_733 : vector<8x2048xf32>
    %max3A_736 = arith.maximumf %max3A_728, %min3A_735 : vector<8x2048xf32>
    %max3A_737 = arith.maximumf %max3A_729, %slice3A_733 : vector<8x2048xf32>
    %jit3A_738 = arith.constant 89 : i32
    %broadcast_in_dim3A_739 = vector.broadcast %jit3A_738 : i32 to vector<8x2048xi32>
    %select_n3A_740 = arith.select %gt3A_734, %broadcast_in_dim3A_739, %select_n3A_732 : vector<8x2048xi1>, vector<8x2048xi32>
    %slice3A_741 = vector.extract_strided_slice %dot_general3A_20 {offsets = [720, 0], sizes = [8, 2048], strides = [1, 1]} : vector<2048x2048xf32> to vector<8x2048xf32>
    %gt3A_742 = arith.cmpf ogt, %slice3A_741, %max3A_737 : vector<8x2048xf32>
    %min3A_743 = arith.minimumf %max3A_737, %slice3A_741 : vector<8x2048xf32>
    %max3A_744 = arith.maximumf %max3A_736, %min3A_743 : vector<8x2048xf32>
    %max3A_745 = arith.maximumf %max3A_737, %slice3A_741 : vector<8x2048xf32>
    %jit3A_746 = arith.constant 90 : i32
    %broadcast_in_dim3A_747 = vector.broadcast %jit3A_746 : i32 to vector<8x2048xi32>
    %select_n3A_748 = arith.select %gt3A_742, %broadcast_in_dim3A_747, %select_n3A_740 : vector<8x2048xi1>, vector<8x2048xi32>
    %slice3A_749 = vector.extract_strided_slice %dot_general3A_20 {offsets = [728, 0], sizes = [8, 2048], strides = [1, 1]} : vector<2048x2048xf32> to vector<8x2048xf32>
    %gt3A_750 = arith.cmpf ogt, %slice3A_749, %max3A_745 : vector<8x2048xf32>
    %min3A_751 = arith.minimumf %max3A_745, %slice3A_749 : vector<8x2048xf32>
    %max3A_752 = arith.maximumf %max3A_744, %min3A_751 : vector<8x2048xf32>
    %max3A_753 = arith.maximumf %max3A_745, %slice3A_749 : vector<8x2048xf32>
    %jit3A_754 = arith.constant 91 : i32
    %broadcast_in_dim3A_755 = vector.broadcast %jit3A_754 : i32 to vector<8x2048xi32>
    %select_n3A_756 = arith.select %gt3A_750, %broadcast_in_dim3A_755, %select_n3A_748 : vector<8x2048xi1>, vector<8x2048xi32>
    %slice3A_757 = vector.extract_strided_slice %dot_general3A_20 {offsets = [736, 0], sizes = [8, 2048], strides = [1, 1]} : vector<2048x2048xf32> to vector<8x2048xf32>
    %gt3A_758 = arith.cmpf ogt, %slice3A_757, %max3A_753 : vector<8x2048xf32>
    %min3A_759 = arith.minimumf %max3A_753, %slice3A_757 : vector<8x2048xf32>
    %max3A_760 = arith.maximumf %max3A_752, %min3A_759 : vector<8x2048xf32>
    %max3A_761 = arith.maximumf %max3A_753, %slice3A_757 : vector<8x2048xf32>
    %jit3A_762 = arith.constant 92 : i32
    %broadcast_in_dim3A_763 = vector.broadcast %jit3A_762 : i32 to vector<8x2048xi32>
    %select_n3A_764 = arith.select %gt3A_758, %broadcast_in_dim3A_763, %select_n3A_756 : vector<8x2048xi1>, vector<8x2048xi32>
    %slice3A_765 = vector.extract_strided_slice %dot_general3A_20 {offsets = [744, 0], sizes = [8, 2048], strides = [1, 1]} : vector<2048x2048xf32> to vector<8x2048xf32>
    %gt3A_766 = arith.cmpf ogt, %slice3A_765, %max3A_761 : vector<8x2048xf32>
    %min3A_767 = arith.minimumf %max3A_761, %slice3A_765 : vector<8x2048xf32>
    %max3A_768 = arith.maximumf %max3A_760, %min3A_767 : vector<8x2048xf32>
    %max3A_769 = arith.maximumf %max3A_761, %slice3A_765 : vector<8x2048xf32>
    %jit3A_770 = arith.constant 93 : i32
    %broadcast_in_dim3A_771 = vector.broadcast %jit3A_770 : i32 to vector<8x2048xi32>
    %select_n3A_772 = arith.select %gt3A_766, %broadcast_in_dim3A_771, %select_n3A_764 : vector<8x2048xi1>, vector<8x2048xi32>
    %slice3A_773 = vector.extract_strided_slice %dot_general3A_20 {offsets = [752, 0], sizes = [8, 2048], strides = [1, 1]} : vector<2048x2048xf32> to vector<8x2048xf32>
    %gt3A_774 = arith.cmpf ogt, %slice3A_773, %max3A_769 : vector<8x2048xf32>
    %min3A_775 = arith.minimumf %max3A_769, %slice3A_773 : vector<8x2048xf32>
    %max3A_776 = arith.maximumf %max3A_768, %min3A_775 : vector<8x2048xf32>
    %max3A_777 = arith.maximumf %max3A_769, %slice3A_773 : vector<8x2048xf32>
    %jit3A_778 = arith.constant 94 : i32
    %broadcast_in_dim3A_779 = vector.broadcast %jit3A_778 : i32 to vector<8x2048xi32>
    %select_n3A_780 = arith.select %gt3A_774, %broadcast_in_dim3A_779, %select_n3A_772 : vector<8x2048xi1>, vector<8x2048xi32>
    %slice3A_781 = vector.extract_strided_slice %dot_general3A_20 {offsets = [760, 0], sizes = [8, 2048], strides = [1, 1]} : vector<2048x2048xf32> to vector<8x2048xf32>
    %gt3A_782 = arith.cmpf ogt, %slice3A_781, %max3A_777 : vector<8x2048xf32>
    %min3A_783 = arith.minimumf %max3A_777, %slice3A_781 : vector<8x2048xf32>
    %max3A_784 = arith.maximumf %max3A_776, %min3A_783 : vector<8x2048xf32>
    %max3A_785 = arith.maximumf %max3A_777, %slice3A_781 : vector<8x2048xf32>
    %jit3A_786 = arith.constant 95 : i32
    %broadcast_in_dim3A_787 = vector.broadcast %jit3A_786 : i32 to vector<8x2048xi32>
    %select_n3A_788 = arith.select %gt3A_782, %broadcast_in_dim3A_787, %select_n3A_780 : vector<8x2048xi1>, vector<8x2048xi32>
    %slice3A_789 = vector.extract_strided_slice %dot_general3A_20 {offsets = [768, 0], sizes = [8, 2048], strides = [1, 1]} : vector<2048x2048xf32> to vector<8x2048xf32>
    %gt3A_790 = arith.cmpf ogt, %slice3A_789, %max3A_785 : vector<8x2048xf32>
    %min3A_791 = arith.minimumf %max3A_785, %slice3A_789 : vector<8x2048xf32>
    %max3A_792 = arith.maximumf %max3A_784, %min3A_791 : vector<8x2048xf32>
    %max3A_793 = arith.maximumf %max3A_785, %slice3A_789 : vector<8x2048xf32>
    %jit3A_794 = arith.constant 96 : i32
    %broadcast_in_dim3A_795 = vector.broadcast %jit3A_794 : i32 to vector<8x2048xi32>
    %select_n3A_796 = arith.select %gt3A_790, %broadcast_in_dim3A_795, %select_n3A_788 : vector<8x2048xi1>, vector<8x2048xi32>
    %slice3A_797 = vector.extract_strided_slice %dot_general3A_20 {offsets = [776, 0], sizes = [8, 2048], strides = [1, 1]} : vector<2048x2048xf32> to vector<8x2048xf32>
    %gt3A_798 = arith.cmpf ogt, %slice3A_797, %max3A_793 : vector<8x2048xf32>
    %min3A_799 = arith.minimumf %max3A_793, %slice3A_797 : vector<8x2048xf32>
    %max3A_800 = arith.maximumf %max3A_792, %min3A_799 : vector<8x2048xf32>
    %max3A_801 = arith.maximumf %max3A_793, %slice3A_797 : vector<8x2048xf32>
    %jit3A_802 = arith.constant 97 : i32
    %broadcast_in_dim3A_803 = vector.broadcast %jit3A_802 : i32 to vector<8x2048xi32>
    %select_n3A_804 = arith.select %gt3A_798, %broadcast_in_dim3A_803, %select_n3A_796 : vector<8x2048xi1>, vector<8x2048xi32>
    %slice3A_805 = vector.extract_strided_slice %dot_general3A_20 {offsets = [784, 0], sizes = [8, 2048], strides = [1, 1]} : vector<2048x2048xf32> to vector<8x2048xf32>
    %gt3A_806 = arith.cmpf ogt, %slice3A_805, %max3A_801 : vector<8x2048xf32>
    %min3A_807 = arith.minimumf %max3A_801, %slice3A_805 : vector<8x2048xf32>
    %max3A_808 = arith.maximumf %max3A_800, %min3A_807 : vector<8x2048xf32>
    %max3A_809 = arith.maximumf %max3A_801, %slice3A_805 : vector<8x2048xf32>
    %jit3A_810 = arith.constant 98 : i32
    %broadcast_in_dim3A_811 = vector.broadcast %jit3A_810 : i32 to vector<8x2048xi32>
    %select_n3A_812 = arith.select %gt3A_806, %broadcast_in_dim3A_811, %select_n3A_804 : vector<8x2048xi1>, vector<8x2048xi32>
    %slice3A_813 = vector.extract_strided_slice %dot_general3A_20 {offsets = [792, 0], sizes = [8, 2048], strides = [1, 1]} : vector<2048x2048xf32> to vector<8x2048xf32>
    %gt3A_814 = arith.cmpf ogt, %slice3A_813, %max3A_809 : vector<8x2048xf32>
    %min3A_815 = arith.minimumf %max3A_809, %slice3A_813 : vector<8x2048xf32>
    %max3A_816 = arith.maximumf %max3A_808, %min3A_815 : vector<8x2048xf32>
    %max3A_817 = arith.maximumf %max3A_809, %slice3A_813 : vector<8x2048xf32>
    %jit3A_818 = arith.constant 99 : i32
    %broadcast_in_dim3A_819 = vector.broadcast %jit3A_818 : i32 to vector<8x2048xi32>
    %select_n3A_820 = arith.select %gt3A_814, %broadcast_in_dim3A_819, %select_n3A_812 : vector<8x2048xi1>, vector<8x2048xi32>
    %slice3A_821 = vector.extract_strided_slice %dot_general3A_20 {offsets = [800, 0], sizes = [8, 2048], strides = [1, 1]} : vector<2048x2048xf32> to vector<8x2048xf32>
    %gt3A_822 = arith.cmpf ogt, %slice3A_821, %max3A_817 : vector<8x2048xf32>
    %min3A_823 = arith.minimumf %max3A_817, %slice3A_821 : vector<8x2048xf32>
    %max3A_824 = arith.maximumf %max3A_816, %min3A_823 : vector<8x2048xf32>
    %max3A_825 = arith.maximumf %max3A_817, %slice3A_821 : vector<8x2048xf32>
    %jit3A_826 = arith.constant 100 : i32
    %broadcast_in_dim3A_827 = vector.broadcast %jit3A_826 : i32 to vector<8x2048xi32>
    %select_n3A_828 = arith.select %gt3A_822, %broadcast_in_dim3A_827, %select_n3A_820 : vector<8x2048xi1>, vector<8x2048xi32>
    %slice3A_829 = vector.extract_strided_slice %dot_general3A_20 {offsets = [808, 0], sizes = [8, 2048], strides = [1, 1]} : vector<2048x2048xf32> to vector<8x2048xf32>
    %gt3A_830 = arith.cmpf ogt, %slice3A_829, %max3A_825 : vector<8x2048xf32>
    %min3A_831 = arith.minimumf %max3A_825, %slice3A_829 : vector<8x2048xf32>
    %max3A_832 = arith.maximumf %max3A_824, %min3A_831 : vector<8x2048xf32>
    %max3A_833 = arith.maximumf %max3A_825, %slice3A_829 : vector<8x2048xf32>
    %jit3A_834 = arith.constant 101 : i32
    %broadcast_in_dim3A_835 = vector.broadcast %jit3A_834 : i32 to vector<8x2048xi32>
    %select_n3A_836 = arith.select %gt3A_830, %broadcast_in_dim3A_835, %select_n3A_828 : vector<8x2048xi1>, vector<8x2048xi32>
    %slice3A_837 = vector.extract_strided_slice %dot_general3A_20 {offsets = [816, 0], sizes = [8, 2048], strides = [1, 1]} : vector<2048x2048xf32> to vector<8x2048xf32>
    %gt3A_838 = arith.cmpf ogt, %slice3A_837, %max3A_833 : vector<8x2048xf32>
    %min3A_839 = arith.minimumf %max3A_833, %slice3A_837 : vector<8x2048xf32>
    %max3A_840 = arith.maximumf %max3A_832, %min3A_839 : vector<8x2048xf32>
    %max3A_841 = arith.maximumf %max3A_833, %slice3A_837 : vector<8x2048xf32>
    %jit3A_842 = arith.constant 102 : i32
    %broadcast_in_dim3A_843 = vector.broadcast %jit3A_842 : i32 to vector<8x2048xi32>
    %select_n3A_844 = arith.select %gt3A_838, %broadcast_in_dim3A_843, %select_n3A_836 : vector<8x2048xi1>, vector<8x2048xi32>
    %slice3A_845 = vector.extract_strided_slice %dot_general3A_20 {offsets = [824, 0], sizes = [8, 2048], strides = [1, 1]} : vector<2048x2048xf32> to vector<8x2048xf32>
    %gt3A_846 = arith.cmpf ogt, %slice3A_845, %max3A_841 : vector<8x2048xf32>
    %min3A_847 = arith.minimumf %max3A_841, %slice3A_845 : vector<8x2048xf32>
    %max3A_848 = arith.maximumf %max3A_840, %min3A_847 : vector<8x2048xf32>
    %max3A_849 = arith.maximumf %max3A_841, %slice3A_845 : vector<8x2048xf32>
    %jit3A_850 = arith.constant 103 : i32
    %broadcast_in_dim3A_851 = vector.broadcast %jit3A_850 : i32 to vector<8x2048xi32>
    %select_n3A_852 = arith.select %gt3A_846, %broadcast_in_dim3A_851, %select_n3A_844 : vector<8x2048xi1>, vector<8x2048xi32>
    %slice3A_853 = vector.extract_strided_slice %dot_general3A_20 {offsets = [832, 0], sizes = [8, 2048], strides = [1, 1]} : vector<2048x2048xf32> to vector<8x2048xf32>
    %gt3A_854 = arith.cmpf ogt, %slice3A_853, %max3A_849 : vector<8x2048xf32>
    %min3A_855 = arith.minimumf %max3A_849, %slice3A_853 : vector<8x2048xf32>
    %max3A_856 = arith.maximumf %max3A_848, %min3A_855 : vector<8x2048xf32>
    %max3A_857 = arith.maximumf %max3A_849, %slice3A_853 : vector<8x2048xf32>
    %jit3A_858 = arith.constant 104 : i32
    %broadcast_in_dim3A_859 = vector.broadcast %jit3A_858 : i32 to vector<8x2048xi32>
    %select_n3A_860 = arith.select %gt3A_854, %broadcast_in_dim3A_859, %select_n3A_852 : vector<8x2048xi1>, vector<8x2048xi32>
    %slice3A_861 = vector.extract_strided_slice %dot_general3A_20 {offsets = [840, 0], sizes = [8, 2048], strides = [1, 1]} : vector<2048x2048xf32> to vector<8x2048xf32>
    %gt3A_862 = arith.cmpf ogt, %slice3A_861, %max3A_857 : vector<8x2048xf32>
    %min3A_863 = arith.minimumf %max3A_857, %slice3A_861 : vector<8x2048xf32>
    %max3A_864 = arith.maximumf %max3A_856, %min3A_863 : vector<8x2048xf32>
    %max3A_865 = arith.maximumf %max3A_857, %slice3A_861 : vector<8x2048xf32>
    %jit3A_866 = arith.constant 105 : i32
    %broadcast_in_dim3A_867 = vector.broadcast %jit3A_866 : i32 to vector<8x2048xi32>
    %select_n3A_868 = arith.select %gt3A_862, %broadcast_in_dim3A_867, %select_n3A_860 : vector<8x2048xi1>, vector<8x2048xi32>
    %slice3A_869 = vector.extract_strided_slice %dot_general3A_20 {offsets = [848, 0], sizes = [8, 2048], strides = [1, 1]} : vector<2048x2048xf32> to vector<8x2048xf32>
    %gt3A_870 = arith.cmpf ogt, %slice3A_869, %max3A_865 : vector<8x2048xf32>
    %min3A_871 = arith.minimumf %max3A_865, %slice3A_869 : vector<8x2048xf32>
    %max3A_872 = arith.maximumf %max3A_864, %min3A_871 : vector<8x2048xf32>
    %max3A_873 = arith.maximumf %max3A_865, %slice3A_869 : vector<8x2048xf32>
    %jit3A_874 = arith.constant 106 : i32
    %broadcast_in_dim3A_875 = vector.broadcast %jit3A_874 : i32 to vector<8x2048xi32>
    %select_n3A_876 = arith.select %gt3A_870, %broadcast_in_dim3A_875, %select_n3A_868 : vector<8x2048xi1>, vector<8x2048xi32>
    %slice3A_877 = vector.extract_strided_slice %dot_general3A_20 {offsets = [856, 0], sizes = [8, 2048], strides = [1, 1]} : vector<2048x2048xf32> to vector<8x2048xf32>
    %gt3A_878 = arith.cmpf ogt, %slice3A_877, %max3A_873 : vector<8x2048xf32>
    %min3A_879 = arith.minimumf %max3A_873, %slice3A_877 : vector<8x2048xf32>
    %max3A_880 = arith.maximumf %max3A_872, %min3A_879 : vector<8x2048xf32>
    %max3A_881 = arith.maximumf %max3A_873, %slice3A_877 : vector<8x2048xf32>
    %jit3A_882 = arith.constant 107 : i32
    %broadcast_in_dim3A_883 = vector.broadcast %jit3A_882 : i32 to vector<8x2048xi32>
    %select_n3A_884 = arith.select %gt3A_878, %broadcast_in_dim3A_883, %select_n3A_876 : vector<8x2048xi1>, vector<8x2048xi32>
    %slice3A_885 = vector.extract_strided_slice %dot_general3A_20 {offsets = [864, 0], sizes = [8, 2048], strides = [1, 1]} : vector<2048x2048xf32> to vector<8x2048xf32>
    %gt3A_886 = arith.cmpf ogt, %slice3A_885, %max3A_881 : vector<8x2048xf32>
    %min3A_887 = arith.minimumf %max3A_881, %slice3A_885 : vector<8x2048xf32>
    %max3A_888 = arith.maximumf %max3A_880, %min3A_887 : vector<8x2048xf32>
    %max3A_889 = arith.maximumf %max3A_881, %slice3A_885 : vector<8x2048xf32>
    %jit3A_890 = arith.constant 108 : i32
    %broadcast_in_dim3A_891 = vector.broadcast %jit3A_890 : i32 to vector<8x2048xi32>
    %select_n3A_892 = arith.select %gt3A_886, %broadcast_in_dim3A_891, %select_n3A_884 : vector<8x2048xi1>, vector<8x2048xi32>
    %slice3A_893 = vector.extract_strided_slice %dot_general3A_20 {offsets = [872, 0], sizes = [8, 2048], strides = [1, 1]} : vector<2048x2048xf32> to vector<8x2048xf32>
    %gt3A_894 = arith.cmpf ogt, %slice3A_893, %max3A_889 : vector<8x2048xf32>
    %min3A_895 = arith.minimumf %max3A_889, %slice3A_893 : vector<8x2048xf32>
    %max3A_896 = arith.maximumf %max3A_888, %min3A_895 : vector<8x2048xf32>
    %max3A_897 = arith.maximumf %max3A_889, %slice3A_893 : vector<8x2048xf32>
    %jit3A_898 = arith.constant 109 : i32
    %broadcast_in_dim3A_899 = vector.broadcast %jit3A_898 : i32 to vector<8x2048xi32>
    %select_n3A_900 = arith.select %gt3A_894, %broadcast_in_dim3A_899, %select_n3A_892 : vector<8x2048xi1>, vector<8x2048xi32>
    %slice3A_901 = vector.extract_strided_slice %dot_general3A_20 {offsets = [880, 0], sizes = [8, 2048], strides = [1, 1]} : vector<2048x2048xf32> to vector<8x2048xf32>
    %gt3A_902 = arith.cmpf ogt, %slice3A_901, %max3A_897 : vector<8x2048xf32>
    %min3A_903 = arith.minimumf %max3A_897, %slice3A_901 : vector<8x2048xf32>
    %max3A_904 = arith.maximumf %max3A_896, %min3A_903 : vector<8x2048xf32>
    %max3A_905 = arith.maximumf %max3A_897, %slice3A_901 : vector<8x2048xf32>
    %jit3A_906 = arith.constant 110 : i32
    %broadcast_in_dim3A_907 = vector.broadcast %jit3A_906 : i32 to vector<8x2048xi32>
    %select_n3A_908 = arith.select %gt3A_902, %broadcast_in_dim3A_907, %select_n3A_900 : vector<8x2048xi1>, vector<8x2048xi32>
    %slice3A_909 = vector.extract_strided_slice %dot_general3A_20 {offsets = [888, 0], sizes = [8, 2048], strides = [1, 1]} : vector<2048x2048xf32> to vector<8x2048xf32>
    %gt3A_910 = arith.cmpf ogt, %slice3A_909, %max3A_905 : vector<8x2048xf32>
    %min3A_911 = arith.minimumf %max3A_905, %slice3A_909 : vector<8x2048xf32>
    %max3A_912 = arith.maximumf %max3A_904, %min3A_911 : vector<8x2048xf32>
    %max3A_913 = arith.maximumf %max3A_905, %slice3A_909 : vector<8x2048xf32>
    %jit3A_914 = arith.constant 111 : i32
    %broadcast_in_dim3A_915 = vector.broadcast %jit3A_914 : i32 to vector<8x2048xi32>
    %select_n3A_916 = arith.select %gt3A_910, %broadcast_in_dim3A_915, %select_n3A_908 : vector<8x2048xi1>, vector<8x2048xi32>
    %slice3A_917 = vector.extract_strided_slice %dot_general3A_20 {offsets = [896, 0], sizes = [8, 2048], strides = [1, 1]} : vector<2048x2048xf32> to vector<8x2048xf32>
    %gt3A_918 = arith.cmpf ogt, %slice3A_917, %max3A_913 : vector<8x2048xf32>
    %min3A_919 = arith.minimumf %max3A_913, %slice3A_917 : vector<8x2048xf32>
    %max3A_920 = arith.maximumf %max3A_912, %min3A_919 : vector<8x2048xf32>
    %max3A_921 = arith.maximumf %max3A_913, %slice3A_917 : vector<8x2048xf32>
    %jit3A_922 = arith.constant 112 : i32
    %broadcast_in_dim3A_923 = vector.broadcast %jit3A_922 : i32 to vector<8x2048xi32>
    %select_n3A_924 = arith.select %gt3A_918, %broadcast_in_dim3A_923, %select_n3A_916 : vector<8x2048xi1>, vector<8x2048xi32>
    %slice3A_925 = vector.extract_strided_slice %dot_general3A_20 {offsets = [904, 0], sizes = [8, 2048], strides = [1, 1]} : vector<2048x2048xf32> to vector<8x2048xf32>
    %gt3A_926 = arith.cmpf ogt, %slice3A_925, %max3A_921 : vector<8x2048xf32>
    %min3A_927 = arith.minimumf %max3A_921, %slice3A_925 : vector<8x2048xf32>
    %max3A_928 = arith.maximumf %max3A_920, %min3A_927 : vector<8x2048xf32>
    %max3A_929 = arith.maximumf %max3A_921, %slice3A_925 : vector<8x2048xf32>
    %jit3A_930 = arith.constant 113 : i32
    %broadcast_in_dim3A_931 = vector.broadcast %jit3A_930 : i32 to vector<8x2048xi32>
    %select_n3A_932 = arith.select %gt3A_926, %broadcast_in_dim3A_931, %select_n3A_924 : vector<8x2048xi1>, vector<8x2048xi32>
    %slice3A_933 = vector.extract_strided_slice %dot_general3A_20 {offsets = [912, 0], sizes = [8, 2048], strides = [1, 1]} : vector<2048x2048xf32> to vector<8x2048xf32>
    %gt3A_934 = arith.cmpf ogt, %slice3A_933, %max3A_929 : vector<8x2048xf32>
    %min3A_935 = arith.minimumf %max3A_929, %slice3A_933 : vector<8x2048xf32>
    %max3A_936 = arith.maximumf %max3A_928, %min3A_935 : vector<8x2048xf32>
    %max3A_937 = arith.maximumf %max3A_929, %slice3A_933 : vector<8x2048xf32>
    %jit3A_938 = arith.constant 114 : i32
    %broadcast_in_dim3A_939 = vector.broadcast %jit3A_938 : i32 to vector<8x2048xi32>
    %select_n3A_940 = arith.select %gt3A_934, %broadcast_in_dim3A_939, %select_n3A_932 : vector<8x2048xi1>, vector<8x2048xi32>
    %slice3A_941 = vector.extract_strided_slice %dot_general3A_20 {offsets = [920, 0], sizes = [8, 2048], strides = [1, 1]} : vector<2048x2048xf32> to vector<8x2048xf32>
    %gt3A_942 = arith.cmpf ogt, %slice3A_941, %max3A_937 : vector<8x2048xf32>
    %min3A_943 = arith.minimumf %max3A_937, %slice3A_941 : vector<8x2048xf32>
    %max3A_944 = arith.maximumf %max3A_936, %min3A_943 : vector<8x2048xf32>
    %max3A_945 = arith.maximumf %max3A_937, %slice3A_941 : vector<8x2048xf32>
    %jit3A_946 = arith.constant 115 : i32
    %broadcast_in_dim3A_947 = vector.broadcast %jit3A_946 : i32 to vector<8x2048xi32>
    %select_n3A_948 = arith.select %gt3A_942, %broadcast_in_dim3A_947, %select_n3A_940 : vector<8x2048xi1>, vector<8x2048xi32>
    %slice3A_949 = vector.extract_strided_slice %dot_general3A_20 {offsets = [928, 0], sizes = [8, 2048], strides = [1, 1]} : vector<2048x2048xf32> to vector<8x2048xf32>
    %gt3A_950 = arith.cmpf ogt, %slice3A_949, %max3A_945 : vector<8x2048xf32>
    %min3A_951 = arith.minimumf %max3A_945, %slice3A_949 : vector<8x2048xf32>
    %max3A_952 = arith.maximumf %max3A_944, %min3A_951 : vector<8x2048xf32>
    %max3A_953 = arith.maximumf %max3A_945, %slice3A_949 : vector<8x2048xf32>
    %jit3A_954 = arith.constant 116 : i32
    %broadcast_in_dim3A_955 = vector.broadcast %jit3A_954 : i32 to vector<8x2048xi32>
    %select_n3A_956 = arith.select %gt3A_950, %broadcast_in_dim3A_955, %select_n3A_948 : vector<8x2048xi1>, vector<8x2048xi32>
    %slice3A_957 = vector.extract_strided_slice %dot_general3A_20 {offsets = [936, 0], sizes = [8, 2048], strides = [1, 1]} : vector<2048x2048xf32> to vector<8x2048xf32>
    %gt3A_958 = arith.cmpf ogt, %slice3A_957, %max3A_953 : vector<8x2048xf32>
    %min3A_959 = arith.minimumf %max3A_953, %slice3A_957 : vector<8x2048xf32>
    %max3A_960 = arith.maximumf %max3A_952, %min3A_959 : vector<8x2048xf32>
    %max3A_961 = arith.maximumf %max3A_953, %slice3A_957 : vector<8x2048xf32>
    %jit3A_962 = arith.constant 117 : i32
    %broadcast_in_dim3A_963 = vector.broadcast %jit3A_962 : i32 to vector<8x2048xi32>
    %select_n3A_964 = arith.select %gt3A_958, %broadcast_in_dim3A_963, %select_n3A_956 : vector<8x2048xi1>, vector<8x2048xi32>
    %slice3A_965 = vector.extract_strided_slice %dot_general3A_20 {offsets = [944, 0], sizes = [8, 2048], strides = [1, 1]} : vector<2048x2048xf32> to vector<8x2048xf32>
    %gt3A_966 = arith.cmpf ogt, %slice3A_965, %max3A_961 : vector<8x2048xf32>
    %min3A_967 = arith.minimumf %max3A_961, %slice3A_965 : vector<8x2048xf32>
    %max3A_968 = arith.maximumf %max3A_960, %min3A_967 : vector<8x2048xf32>
    %max3A_969 = arith.maximumf %max3A_961, %slice3A_965 : vector<8x2048xf32>
    %jit3A_970 = arith.constant 118 : i32
    %broadcast_in_dim3A_971 = vector.broadcast %jit3A_970 : i32 to vector<8x2048xi32>
    %select_n3A_972 = arith.select %gt3A_966, %broadcast_in_dim3A_971, %select_n3A_964 : vector<8x2048xi1>, vector<8x2048xi32>
    %slice3A_973 = vector.extract_strided_slice %dot_general3A_20 {offsets = [952, 0], sizes = [8, 2048], strides = [1, 1]} : vector<2048x2048xf32> to vector<8x2048xf32>
    %gt3A_974 = arith.cmpf ogt, %slice3A_973, %max3A_969 : vector<8x2048xf32>
    %min3A_975 = arith.minimumf %max3A_969, %slice3A_973 : vector<8x2048xf32>
    %max3A_976 = arith.maximumf %max3A_968, %min3A_975 : vector<8x2048xf32>
    %max3A_977 = arith.maximumf %max3A_969, %slice3A_973 : vector<8x2048xf32>
    %jit3A_978 = arith.constant 119 : i32
    %broadcast_in_dim3A_979 = vector.broadcast %jit3A_978 : i32 to vector<8x2048xi32>
    %select_n3A_980 = arith.select %gt3A_974, %broadcast_in_dim3A_979, %select_n3A_972 : vector<8x2048xi1>, vector<8x2048xi32>
    %slice3A_981 = vector.extract_strided_slice %dot_general3A_20 {offsets = [960, 0], sizes = [8, 2048], strides = [1, 1]} : vector<2048x2048xf32> to vector<8x2048xf32>
    %gt3A_982 = arith.cmpf ogt, %slice3A_981, %max3A_977 : vector<8x2048xf32>
    %min3A_983 = arith.minimumf %max3A_977, %slice3A_981 : vector<8x2048xf32>
    %max3A_984 = arith.maximumf %max3A_976, %min3A_983 : vector<8x2048xf32>
    %max3A_985 = arith.maximumf %max3A_977, %slice3A_981 : vector<8x2048xf32>
    %jit3A_986 = arith.constant 120 : i32
    %broadcast_in_dim3A_987 = vector.broadcast %jit3A_986 : i32 to vector<8x2048xi32>
    %select_n3A_988 = arith.select %gt3A_982, %broadcast_in_dim3A_987, %select_n3A_980 : vector<8x2048xi1>, vector<8x2048xi32>
    %slice3A_989 = vector.extract_strided_slice %dot_general3A_20 {offsets = [968, 0], sizes = [8, 2048], strides = [1, 1]} : vector<2048x2048xf32> to vector<8x2048xf32>
    %gt3A_990 = arith.cmpf ogt, %slice3A_989, %max3A_985 : vector<8x2048xf32>
    %min3A_991 = arith.minimumf %max3A_985, %slice3A_989 : vector<8x2048xf32>
    %max3A_992 = arith.maximumf %max3A_984, %min3A_991 : vector<8x2048xf32>
    %max3A_993 = arith.maximumf %max3A_985, %slice3A_989 : vector<8x2048xf32>
    %jit3A_994 = arith.constant 121 : i32
    %broadcast_in_dim3A_995 = vector.broadcast %jit3A_994 : i32 to vector<8x2048xi32>
    %select_n3A_996 = arith.select %gt3A_990, %broadcast_in_dim3A_995, %select_n3A_988 : vector<8x2048xi1>, vector<8x2048xi32>
    %slice3A_997 = vector.extract_strided_slice %dot_general3A_20 {offsets = [976, 0], sizes = [8, 2048], strides = [1, 1]} : vector<2048x2048xf32> to vector<8x2048xf32>
    %gt3A_998 = arith.cmpf ogt, %slice3A_997, %max3A_993 : vector<8x2048xf32>
    %min3A_999 = arith.minimumf %max3A_993, %slice3A_997 : vector<8x2048xf32>
    %max3A_1000 = arith.maximumf %max3A_992, %min3A_999 : vector<8x2048xf32>
    %max3A_1001 = arith.maximumf %max3A_993, %slice3A_997 : vector<8x2048xf32>
    %jit3A_1002 = arith.constant 122 : i32
    %broadcast_in_dim3A_1003 = vector.broadcast %jit3A_1002 : i32 to vector<8x2048xi32>
    %select_n3A_1004 = arith.select %gt3A_998, %broadcast_in_dim3A_1003, %select_n3A_996 : vector<8x2048xi1>, vector<8x2048xi32>
    %slice3A_1005 = vector.extract_strided_slice %dot_general3A_20 {offsets = [984, 0], sizes = [8, 2048], strides = [1, 1]} : vector<2048x2048xf32> to vector<8x2048xf32>
    %gt3A_1006 = arith.cmpf ogt, %slice3A_1005, %max3A_1001 : vector<8x2048xf32>
    %min3A_1007 = arith.minimumf %max3A_1001, %slice3A_1005 : vector<8x2048xf32>
    %max3A_1008 = arith.maximumf %max3A_1000, %min3A_1007 : vector<8x2048xf32>
    %max3A_1009 = arith.maximumf %max3A_1001, %slice3A_1005 : vector<8x2048xf32>
    %jit3A_1010 = arith.constant 123 : i32
    %broadcast_in_dim3A_1011 = vector.broadcast %jit3A_1010 : i32 to vector<8x2048xi32>
    %select_n3A_1012 = arith.select %gt3A_1006, %broadcast_in_dim3A_1011, %select_n3A_1004 : vector<8x2048xi1>, vector<8x2048xi32>
    %slice3A_1013 = vector.extract_strided_slice %dot_general3A_20 {offsets = [992, 0], sizes = [8, 2048], strides = [1, 1]} : vector<2048x2048xf32> to vector<8x2048xf32>
    %gt3A_1014 = arith.cmpf ogt, %slice3A_1013, %max3A_1009 : vector<8x2048xf32>
    %min3A_1015 = arith.minimumf %max3A_1009, %slice3A_1013 : vector<8x2048xf32>
    %max3A_1016 = arith.maximumf %max3A_1008, %min3A_1015 : vector<8x2048xf32>
    %max3A_1017 = arith.maximumf %max3A_1009, %slice3A_1013 : vector<8x2048xf32>
    %jit3A_1018 = arith.constant 124 : i32
    %broadcast_in_dim3A_1019 = vector.broadcast %jit3A_1018 : i32 to vector<8x2048xi32>
    %select_n3A_1020 = arith.select %gt3A_1014, %broadcast_in_dim3A_1019, %select_n3A_1012 : vector<8x2048xi1>, vector<8x2048xi32>
    %slice3A_1021 = vector.extract_strided_slice %dot_general3A_20 {offsets = [1000, 0], sizes = [8, 2048], strides = [1, 1]} : vector<2048x2048xf32> to vector<8x2048xf32>
    %gt3A_1022 = arith.cmpf ogt, %slice3A_1021, %max3A_1017 : vector<8x2048xf32>
    %min3A_1023 = arith.minimumf %max3A_1017, %slice3A_1021 : vector<8x2048xf32>
    %max3A_1024 = arith.maximumf %max3A_1016, %min3A_1023 : vector<8x2048xf32>
    %max3A_1025 = arith.maximumf %max3A_1017, %slice3A_1021 : vector<8x2048xf32>
    %jit3A_1026 = arith.constant 125 : i32
    %broadcast_in_dim3A_1027 = vector.broadcast %jit3A_1026 : i32 to vector<8x2048xi32>
    %select_n3A_1028 = arith.select %gt3A_1022, %broadcast_in_dim3A_1027, %select_n3A_1020 : vector<8x2048xi1>, vector<8x2048xi32>
    %slice3A_1029 = vector.extract_strided_slice %dot_general3A_20 {offsets = [1008, 0], sizes = [8, 2048], strides = [1, 1]} : vector<2048x2048xf32> to vector<8x2048xf32>
    %gt3A_1030 = arith.cmpf ogt, %slice3A_1029, %max3A_1025 : vector<8x2048xf32>
    %min3A_1031 = arith.minimumf %max3A_1025, %slice3A_1029 : vector<8x2048xf32>
    %max3A_1032 = arith.maximumf %max3A_1024, %min3A_1031 : vector<8x2048xf32>
    %max3A_1033 = arith.maximumf %max3A_1025, %slice3A_1029 : vector<8x2048xf32>
    %jit3A_1034 = arith.constant 126 : i32
    %broadcast_in_dim3A_1035 = vector.broadcast %jit3A_1034 : i32 to vector<8x2048xi32>
    %select_n3A_1036 = arith.select %gt3A_1030, %broadcast_in_dim3A_1035, %select_n3A_1028 : vector<8x2048xi1>, vector<8x2048xi32>
    %slice3A_1037 = vector.extract_strided_slice %dot_general3A_20 {offsets = [1016, 0], sizes = [8, 2048], strides = [1, 1]} : vector<2048x2048xf32> to vector<8x2048xf32>
    %gt3A_1038 = arith.cmpf ogt, %slice3A_1037, %max3A_1033 : vector<8x2048xf32>
    %min3A_1039 = arith.minimumf %max3A_1033, %slice3A_1037 : vector<8x2048xf32>
    %max3A_1040 = arith.maximumf %max3A_1032, %min3A_1039 : vector<8x2048xf32>
    %max3A_1041 = arith.maximumf %max3A_1033, %slice3A_1037 : vector<8x2048xf32>
    %jit3A_1042 = arith.constant 127 : i32
    %broadcast_in_dim3A_1043 = vector.broadcast %jit3A_1042 : i32 to vector<8x2048xi32>
    %select_n3A_1044 = arith.select %gt3A_1038, %broadcast_in_dim3A_1043, %select_n3A_1036 : vector<8x2048xi1>, vector<8x2048xi32>
    %slice3A_1045 = vector.extract_strided_slice %dot_general3A_20 {offsets = [1024, 0], sizes = [8, 2048], strides = [1, 1]} : vector<2048x2048xf32> to vector<8x2048xf32>
    %gt3A_1046 = arith.cmpf ogt, %slice3A_1045, %max3A_1041 : vector<8x2048xf32>
    %min3A_1047 = arith.minimumf %max3A_1041, %slice3A_1045 : vector<8x2048xf32>
    %max3A_1048 = arith.maximumf %max3A_1040, %min3A_1047 : vector<8x2048xf32>
    %max3A_1049 = arith.maximumf %max3A_1041, %slice3A_1045 : vector<8x2048xf32>
    %jit3A_1050 = arith.constant 128 : i32
    %broadcast_in_dim3A_1051 = vector.broadcast %jit3A_1050 : i32 to vector<8x2048xi32>
    %select_n3A_1052 = arith.select %gt3A_1046, %broadcast_in_dim3A_1051, %select_n3A_1044 : vector<8x2048xi1>, vector<8x2048xi32>
    %slice3A_1053 = vector.extract_strided_slice %dot_general3A_20 {offsets = [1032, 0], sizes = [8, 2048], strides = [1, 1]} : vector<2048x2048xf32> to vector<8x2048xf32>
    %gt3A_1054 = arith.cmpf ogt, %slice3A_1053, %max3A_1049 : vector<8x2048xf32>
    %min3A_1055 = arith.minimumf %max3A_1049, %slice3A_1053 : vector<8x2048xf32>
    %max3A_1056 = arith.maximumf %max3A_1048, %min3A_1055 : vector<8x2048xf32>
    %max3A_1057 = arith.maximumf %max3A_1049, %slice3A_1053 : vector<8x2048xf32>
    %jit3A_1058 = arith.constant 129 : i32
    %broadcast_in_dim3A_1059 = vector.broadcast %jit3A_1058 : i32 to vector<8x2048xi32>
    %select_n3A_1060 = arith.select %gt3A_1054, %broadcast_in_dim3A_1059, %select_n3A_1052 : vector<8x2048xi1>, vector<8x2048xi32>
    %slice3A_1061 = vector.extract_strided_slice %dot_general3A_20 {offsets = [1040, 0], sizes = [8, 2048], strides = [1, 1]} : vector<2048x2048xf32> to vector<8x2048xf32>
    %gt3A_1062 = arith.cmpf ogt, %slice3A_1061, %max3A_1057 : vector<8x2048xf32>
    %min3A_1063 = arith.minimumf %max3A_1057, %slice3A_1061 : vector<8x2048xf32>
    %max3A_1064 = arith.maximumf %max3A_1056, %min3A_1063 : vector<8x2048xf32>
    %max3A_1065 = arith.maximumf %max3A_1057, %slice3A_1061 : vector<8x2048xf32>
    %jit3A_1066 = arith.constant 130 : i32
    %broadcast_in_dim3A_1067 = vector.broadcast %jit3A_1066 : i32 to vector<8x2048xi32>
    %select_n3A_1068 = arith.select %gt3A_1062, %broadcast_in_dim3A_1067, %select_n3A_1060 : vector<8x2048xi1>, vector<8x2048xi32>
    %slice3A_1069 = vector.extract_strided_slice %dot_general3A_20 {offsets = [1048, 0], sizes = [8, 2048], strides = [1, 1]} : vector<2048x2048xf32> to vector<8x2048xf32>
    %gt3A_1070 = arith.cmpf ogt, %slice3A_1069, %max3A_1065 : vector<8x2048xf32>
    %min3A_1071 = arith.minimumf %max3A_1065, %slice3A_1069 : vector<8x2048xf32>
    %max3A_1072 = arith.maximumf %max3A_1064, %min3A_1071 : vector<8x2048xf32>
    %max3A_1073 = arith.maximumf %max3A_1065, %slice3A_1069 : vector<8x2048xf32>
    %jit3A_1074 = arith.constant 131 : i32
    %broadcast_in_dim3A_1075 = vector.broadcast %jit3A_1074 : i32 to vector<8x2048xi32>
    %select_n3A_1076 = arith.select %gt3A_1070, %broadcast_in_dim3A_1075, %select_n3A_1068 : vector<8x2048xi1>, vector<8x2048xi32>
    %slice3A_1077 = vector.extract_strided_slice %dot_general3A_20 {offsets = [1056, 0], sizes = [8, 2048], strides = [1, 1]} : vector<2048x2048xf32> to vector<8x2048xf32>
    %gt3A_1078 = arith.cmpf ogt, %slice3A_1077, %max3A_1073 : vector<8x2048xf32>
    %min3A_1079 = arith.minimumf %max3A_1073, %slice3A_1077 : vector<8x2048xf32>
    %max3A_1080 = arith.maximumf %max3A_1072, %min3A_1079 : vector<8x2048xf32>
    %max3A_1081 = arith.maximumf %max3A_1073, %slice3A_1077 : vector<8x2048xf32>
    %jit3A_1082 = arith.constant 132 : i32
    %broadcast_in_dim3A_1083 = vector.broadcast %jit3A_1082 : i32 to vector<8x2048xi32>
    %select_n3A_1084 = arith.select %gt3A_1078, %broadcast_in_dim3A_1083, %select_n3A_1076 : vector<8x2048xi1>, vector<8x2048xi32>
    %slice3A_1085 = vector.extract_strided_slice %dot_general3A_20 {offsets = [1064, 0], sizes = [8, 2048], strides = [1, 1]} : vector<2048x2048xf32> to vector<8x2048xf32>
    %gt3A_1086 = arith.cmpf ogt, %slice3A_1085, %max3A_1081 : vector<8x2048xf32>
    %min3A_1087 = arith.minimumf %max3A_1081, %slice3A_1085 : vector<8x2048xf32>
    %max3A_1088 = arith.maximumf %max3A_1080, %min3A_1087 : vector<8x2048xf32>
    %max3A_1089 = arith.maximumf %max3A_1081, %slice3A_1085 : vector<8x2048xf32>
    %jit3A_1090 = arith.constant 133 : i32
    %broadcast_in_dim3A_1091 = vector.broadcast %jit3A_1090 : i32 to vector<8x2048xi32>
    %select_n3A_1092 = arith.select %gt3A_1086, %broadcast_in_dim3A_1091, %select_n3A_1084 : vector<8x2048xi1>, vector<8x2048xi32>
    %slice3A_1093 = vector.extract_strided_slice %dot_general3A_20 {offsets = [1072, 0], sizes = [8, 2048], strides = [1, 1]} : vector<2048x2048xf32> to vector<8x2048xf32>
    %gt3A_1094 = arith.cmpf ogt, %slice3A_1093, %max3A_1089 : vector<8x2048xf32>
    %min3A_1095 = arith.minimumf %max3A_1089, %slice3A_1093 : vector<8x2048xf32>
    %max3A_1096 = arith.maximumf %max3A_1088, %min3A_1095 : vector<8x2048xf32>
    %max3A_1097 = arith.maximumf %max3A_1089, %slice3A_1093 : vector<8x2048xf32>
    %jit3A_1098 = arith.constant 134 : i32
    %broadcast_in_dim3A_1099 = vector.broadcast %jit3A_1098 : i32 to vector<8x2048xi32>
    %select_n3A_1100 = arith.select %gt3A_1094, %broadcast_in_dim3A_1099, %select_n3A_1092 : vector<8x2048xi1>, vector<8x2048xi32>
    %slice3A_1101 = vector.extract_strided_slice %dot_general3A_20 {offsets = [1080, 0], sizes = [8, 2048], strides = [1, 1]} : vector<2048x2048xf32> to vector<8x2048xf32>
    %gt3A_1102 = arith.cmpf ogt, %slice3A_1101, %max3A_1097 : vector<8x2048xf32>
    %min3A_1103 = arith.minimumf %max3A_1097, %slice3A_1101 : vector<8x2048xf32>
    %max3A_1104 = arith.maximumf %max3A_1096, %min3A_1103 : vector<8x2048xf32>
    %max3A_1105 = arith.maximumf %max3A_1097, %slice3A_1101 : vector<8x2048xf32>
    %jit3A_1106 = arith.constant 135 : i32
    %broadcast_in_dim3A_1107 = vector.broadcast %jit3A_1106 : i32 to vector<8x2048xi32>
    %select_n3A_1108 = arith.select %gt3A_1102, %broadcast_in_dim3A_1107, %select_n3A_1100 : vector<8x2048xi1>, vector<8x2048xi32>
    %slice3A_1109 = vector.extract_strided_slice %dot_general3A_20 {offsets = [1088, 0], sizes = [8, 2048], strides = [1, 1]} : vector<2048x2048xf32> to vector<8x2048xf32>
    %gt3A_1110 = arith.cmpf ogt, %slice3A_1109, %max3A_1105 : vector<8x2048xf32>
    %min3A_1111 = arith.minimumf %max3A_1105, %slice3A_1109 : vector<8x2048xf32>
    %max3A_1112 = arith.maximumf %max3A_1104, %min3A_1111 : vector<8x2048xf32>
    %max3A_1113 = arith.maximumf %max3A_1105, %slice3A_1109 : vector<8x2048xf32>
    %jit3A_1114 = arith.constant 136 : i32
    %broadcast_in_dim3A_1115 = vector.broadcast %jit3A_1114 : i32 to vector<8x2048xi32>
    %select_n3A_1116 = arith.select %gt3A_1110, %broadcast_in_dim3A_1115, %select_n3A_1108 : vector<8x2048xi1>, vector<8x2048xi32>
    %slice3A_1117 = vector.extract_strided_slice %dot_general3A_20 {offsets = [1096, 0], sizes = [8, 2048], strides = [1, 1]} : vector<2048x2048xf32> to vector<8x2048xf32>
    %gt3A_1118 = arith.cmpf ogt, %slice3A_1117, %max3A_1113 : vector<8x2048xf32>
    %min3A_1119 = arith.minimumf %max3A_1113, %slice3A_1117 : vector<8x2048xf32>
    %max3A_1120 = arith.maximumf %max3A_1112, %min3A_1119 : vector<8x2048xf32>
    %max3A_1121 = arith.maximumf %max3A_1113, %slice3A_1117 : vector<8x2048xf32>
    %jit3A_1122 = arith.constant 137 : i32
    %broadcast_in_dim3A_1123 = vector.broadcast %jit3A_1122 : i32 to vector<8x2048xi32>
    %select_n3A_1124 = arith.select %gt3A_1118, %broadcast_in_dim3A_1123, %select_n3A_1116 : vector<8x2048xi1>, vector<8x2048xi32>
    %slice3A_1125 = vector.extract_strided_slice %dot_general3A_20 {offsets = [1104, 0], sizes = [8, 2048], strides = [1, 1]} : vector<2048x2048xf32> to vector<8x2048xf32>
    %gt3A_1126 = arith.cmpf ogt, %slice3A_1125, %max3A_1121 : vector<8x2048xf32>
    %min3A_1127 = arith.minimumf %max3A_1121, %slice3A_1125 : vector<8x2048xf32>
    %max3A_1128 = arith.maximumf %max3A_1120, %min3A_1127 : vector<8x2048xf32>
    %max3A_1129 = arith.maximumf %max3A_1121, %slice3A_1125 : vector<8x2048xf32>
    %jit3A_1130 = arith.constant 138 : i32
    %broadcast_in_dim3A_1131 = vector.broadcast %jit3A_1130 : i32 to vector<8x2048xi32>
    %select_n3A_1132 = arith.select %gt3A_1126, %broadcast_in_dim3A_1131, %select_n3A_1124 : vector<8x2048xi1>, vector<8x2048xi32>
    %slice3A_1133 = vector.extract_strided_slice %dot_general3A_20 {offsets = [1112, 0], sizes = [8, 2048], strides = [1, 1]} : vector<2048x2048xf32> to vector<8x2048xf32>
    %gt3A_1134 = arith.cmpf ogt, %slice3A_1133, %max3A_1129 : vector<8x2048xf32>
    %min3A_1135 = arith.minimumf %max3A_1129, %slice3A_1133 : vector<8x2048xf32>
    %max3A_1136 = arith.maximumf %max3A_1128, %min3A_1135 : vector<8x2048xf32>
    %max3A_1137 = arith.maximumf %max3A_1129, %slice3A_1133 : vector<8x2048xf32>
    %jit3A_1138 = arith.constant 139 : i32
    %broadcast_in_dim3A_1139 = vector.broadcast %jit3A_1138 : i32 to vector<8x2048xi32>
    %select_n3A_1140 = arith.select %gt3A_1134, %broadcast_in_dim3A_1139, %select_n3A_1132 : vector<8x2048xi1>, vector<8x2048xi32>
    %slice3A_1141 = vector.extract_strided_slice %dot_general3A_20 {offsets = [1120, 0], sizes = [8, 2048], strides = [1, 1]} : vector<2048x2048xf32> to vector<8x2048xf32>
    %gt3A_1142 = arith.cmpf ogt, %slice3A_1141, %max3A_1137 : vector<8x2048xf32>
    %min3A_1143 = arith.minimumf %max3A_1137, %slice3A_1141 : vector<8x2048xf32>
    %max3A_1144 = arith.maximumf %max3A_1136, %min3A_1143 : vector<8x2048xf32>
    %max3A_1145 = arith.maximumf %max3A_1137, %slice3A_1141 : vector<8x2048xf32>
    %jit3A_1146 = arith.constant 140 : i32
    %broadcast_in_dim3A_1147 = vector.broadcast %jit3A_1146 : i32 to vector<8x2048xi32>
    %select_n3A_1148 = arith.select %gt3A_1142, %broadcast_in_dim3A_1147, %select_n3A_1140 : vector<8x2048xi1>, vector<8x2048xi32>
    %slice3A_1149 = vector.extract_strided_slice %dot_general3A_20 {offsets = [1128, 0], sizes = [8, 2048], strides = [1, 1]} : vector<2048x2048xf32> to vector<8x2048xf32>
    %gt3A_1150 = arith.cmpf ogt, %slice3A_1149, %max3A_1145 : vector<8x2048xf32>
    %min3A_1151 = arith.minimumf %max3A_1145, %slice3A_1149 : vector<8x2048xf32>
    %max3A_1152 = arith.maximumf %max3A_1144, %min3A_1151 : vector<8x2048xf32>
    %max3A_1153 = arith.maximumf %max3A_1145, %slice3A_1149 : vector<8x2048xf32>
    %jit3A_1154 = arith.constant 141 : i32
    %broadcast_in_dim3A_1155 = vector.broadcast %jit3A_1154 : i32 to vector<8x2048xi32>
    %select_n3A_1156 = arith.select %gt3A_1150, %broadcast_in_dim3A_1155, %select_n3A_1148 : vector<8x2048xi1>, vector<8x2048xi32>
    %slice3A_1157 = vector.extract_strided_slice %dot_general3A_20 {offsets = [1136, 0], sizes = [8, 2048], strides = [1, 1]} : vector<2048x2048xf32> to vector<8x2048xf32>
    %gt3A_1158 = arith.cmpf ogt, %slice3A_1157, %max3A_1153 : vector<8x2048xf32>
    %min3A_1159 = arith.minimumf %max3A_1153, %slice3A_1157 : vector<8x2048xf32>
    %max3A_1160 = arith.maximumf %max3A_1152, %min3A_1159 : vector<8x2048xf32>
    %max3A_1161 = arith.maximumf %max3A_1153, %slice3A_1157 : vector<8x2048xf32>
    %jit3A_1162 = arith.constant 142 : i32
    %broadcast_in_dim3A_1163 = vector.broadcast %jit3A_1162 : i32 to vector<8x2048xi32>
    %select_n3A_1164 = arith.select %gt3A_1158, %broadcast_in_dim3A_1163, %select_n3A_1156 : vector<8x2048xi1>, vector<8x2048xi32>
    %slice3A_1165 = vector.extract_strided_slice %dot_general3A_20 {offsets = [1144, 0], sizes = [8, 2048], strides = [1, 1]} : vector<2048x2048xf32> to vector<8x2048xf32>
    %gt3A_1166 = arith.cmpf ogt, %slice3A_1165, %max3A_1161 : vector<8x2048xf32>
    %min3A_1167 = arith.minimumf %max3A_1161, %slice3A_1165 : vector<8x2048xf32>
    %max3A_1168 = arith.maximumf %max3A_1160, %min3A_1167 : vector<8x2048xf32>
    %max3A_1169 = arith.maximumf %max3A_1161, %slice3A_1165 : vector<8x2048xf32>
    %jit3A_1170 = arith.constant 143 : i32
    %broadcast_in_dim3A_1171 = vector.broadcast %jit3A_1170 : i32 to vector<8x2048xi32>
    %select_n3A_1172 = arith.select %gt3A_1166, %broadcast_in_dim3A_1171, %select_n3A_1164 : vector<8x2048xi1>, vector<8x2048xi32>
    %slice3A_1173 = vector.extract_strided_slice %dot_general3A_20 {offsets = [1152, 0], sizes = [8, 2048], strides = [1, 1]} : vector<2048x2048xf32> to vector<8x2048xf32>
    %gt3A_1174 = arith.cmpf ogt, %slice3A_1173, %max3A_1169 : vector<8x2048xf32>
    %min3A_1175 = arith.minimumf %max3A_1169, %slice3A_1173 : vector<8x2048xf32>
    %max3A_1176 = arith.maximumf %max3A_1168, %min3A_1175 : vector<8x2048xf32>
    %max3A_1177 = arith.maximumf %max3A_1169, %slice3A_1173 : vector<8x2048xf32>
    %jit3A_1178 = arith.constant 144 : i32
    %broadcast_in_dim3A_1179 = vector.broadcast %jit3A_1178 : i32 to vector<8x2048xi32>
    %select_n3A_1180 = arith.select %gt3A_1174, %broadcast_in_dim3A_1179, %select_n3A_1172 : vector<8x2048xi1>, vector<8x2048xi32>
    %slice3A_1181 = vector.extract_strided_slice %dot_general3A_20 {offsets = [1160, 0], sizes = [8, 2048], strides = [1, 1]} : vector<2048x2048xf32> to vector<8x2048xf32>
    %gt3A_1182 = arith.cmpf ogt, %slice3A_1181, %max3A_1177 : vector<8x2048xf32>
    %min3A_1183 = arith.minimumf %max3A_1177, %slice3A_1181 : vector<8x2048xf32>
    %max3A_1184 = arith.maximumf %max3A_1176, %min3A_1183 : vector<8x2048xf32>
    %max3A_1185 = arith.maximumf %max3A_1177, %slice3A_1181 : vector<8x2048xf32>
    %jit3A_1186 = arith.constant 145 : i32
    %broadcast_in_dim3A_1187 = vector.broadcast %jit3A_1186 : i32 to vector<8x2048xi32>
    %select_n3A_1188 = arith.select %gt3A_1182, %broadcast_in_dim3A_1187, %select_n3A_1180 : vector<8x2048xi1>, vector<8x2048xi32>
    %slice3A_1189 = vector.extract_strided_slice %dot_general3A_20 {offsets = [1168, 0], sizes = [8, 2048], strides = [1, 1]} : vector<2048x2048xf32> to vector<8x2048xf32>
    %gt3A_1190 = arith.cmpf ogt, %slice3A_1189, %max3A_1185 : vector<8x2048xf32>
    %min3A_1191 = arith.minimumf %max3A_1185, %slice3A_1189 : vector<8x2048xf32>
    %max3A_1192 = arith.maximumf %max3A_1184, %min3A_1191 : vector<8x2048xf32>
    %max3A_1193 = arith.maximumf %max3A_1185, %slice3A_1189 : vector<8x2048xf32>
    %jit3A_1194 = arith.constant 146 : i32
    %broadcast_in_dim3A_1195 = vector.broadcast %jit3A_1194 : i32 to vector<8x2048xi32>
    %select_n3A_1196 = arith.select %gt3A_1190, %broadcast_in_dim3A_1195, %select_n3A_1188 : vector<8x2048xi1>, vector<8x2048xi32>
    %slice3A_1197 = vector.extract_strided_slice %dot_general3A_20 {offsets = [1176, 0], sizes = [8, 2048], strides = [1, 1]} : vector<2048x2048xf32> to vector<8x2048xf32>
    %gt3A_1198 = arith.cmpf ogt, %slice3A_1197, %max3A_1193 : vector<8x2048xf32>
    %min3A_1199 = arith.minimumf %max3A_1193, %slice3A_1197 : vector<8x2048xf32>
    %max3A_1200 = arith.maximumf %max3A_1192, %min3A_1199 : vector<8x2048xf32>
    %max3A_1201 = arith.maximumf %max3A_1193, %slice3A_1197 : vector<8x2048xf32>
    %jit3A_1202 = arith.constant 147 : i32
    %broadcast_in_dim3A_1203 = vector.broadcast %jit3A_1202 : i32 to vector<8x2048xi32>
    %select_n3A_1204 = arith.select %gt3A_1198, %broadcast_in_dim3A_1203, %select_n3A_1196 : vector<8x2048xi1>, vector<8x2048xi32>
    %slice3A_1205 = vector.extract_strided_slice %dot_general3A_20 {offsets = [1184, 0], sizes = [8, 2048], strides = [1, 1]} : vector<2048x2048xf32> to vector<8x2048xf32>
    %gt3A_1206 = arith.cmpf ogt, %slice3A_1205, %max3A_1201 : vector<8x2048xf32>
    %min3A_1207 = arith.minimumf %max3A_1201, %slice3A_1205 : vector<8x2048xf32>
    %max3A_1208 = arith.maximumf %max3A_1200, %min3A_1207 : vector<8x2048xf32>
    %max3A_1209 = arith.maximumf %max3A_1201, %slice3A_1205 : vector<8x2048xf32>
    %jit3A_1210 = arith.constant 148 : i32
    %broadcast_in_dim3A_1211 = vector.broadcast %jit3A_1210 : i32 to vector<8x2048xi32>
    %select_n3A_1212 = arith.select %gt3A_1206, %broadcast_in_dim3A_1211, %select_n3A_1204 : vector<8x2048xi1>, vector<8x2048xi32>
    %slice3A_1213 = vector.extract_strided_slice %dot_general3A_20 {offsets = [1192, 0], sizes = [8, 2048], strides = [1, 1]} : vector<2048x2048xf32> to vector<8x2048xf32>
    %gt3A_1214 = arith.cmpf ogt, %slice3A_1213, %max3A_1209 : vector<8x2048xf32>
    %min3A_1215 = arith.minimumf %max3A_1209, %slice3A_1213 : vector<8x2048xf32>
    %max3A_1216 = arith.maximumf %max3A_1208, %min3A_1215 : vector<8x2048xf32>
    %max3A_1217 = arith.maximumf %max3A_1209, %slice3A_1213 : vector<8x2048xf32>
    %jit3A_1218 = arith.constant 149 : i32
    %broadcast_in_dim3A_1219 = vector.broadcast %jit3A_1218 : i32 to vector<8x2048xi32>
    %select_n3A_1220 = arith.select %gt3A_1214, %broadcast_in_dim3A_1219, %select_n3A_1212 : vector<8x2048xi1>, vector<8x2048xi32>
    %slice3A_1221 = vector.extract_strided_slice %dot_general3A_20 {offsets = [1200, 0], sizes = [8, 2048], strides = [1, 1]} : vector<2048x2048xf32> to vector<8x2048xf32>
    %gt3A_1222 = arith.cmpf ogt, %slice3A_1221, %max3A_1217 : vector<8x2048xf32>
    %min3A_1223 = arith.minimumf %max3A_1217, %slice3A_1221 : vector<8x2048xf32>
    %max3A_1224 = arith.maximumf %max3A_1216, %min3A_1223 : vector<8x2048xf32>
    %max3A_1225 = arith.maximumf %max3A_1217, %slice3A_1221 : vector<8x2048xf32>
    %jit3A_1226 = arith.constant 150 : i32
    %broadcast_in_dim3A_1227 = vector.broadcast %jit3A_1226 : i32 to vector<8x2048xi32>
    %select_n3A_1228 = arith.select %gt3A_1222, %broadcast_in_dim3A_1227, %select_n3A_1220 : vector<8x2048xi1>, vector<8x2048xi32>
    %slice3A_1229 = vector.extract_strided_slice %dot_general3A_20 {offsets = [1208, 0], sizes = [8, 2048], strides = [1, 1]} : vector<2048x2048xf32> to vector<8x2048xf32>
    %gt3A_1230 = arith.cmpf ogt, %slice3A_1229, %max3A_1225 : vector<8x2048xf32>
    %min3A_1231 = arith.minimumf %max3A_1225, %slice3A_1229 : vector<8x2048xf32>
    %max3A_1232 = arith.maximumf %max3A_1224, %min3A_1231 : vector<8x2048xf32>
    %max3A_1233 = arith.maximumf %max3A_1225, %slice3A_1229 : vector<8x2048xf32>
    %jit3A_1234 = arith.constant 151 : i32
    %broadcast_in_dim3A_1235 = vector.broadcast %jit3A_1234 : i32 to vector<8x2048xi32>
    %select_n3A_1236 = arith.select %gt3A_1230, %broadcast_in_dim3A_1235, %select_n3A_1228 : vector<8x2048xi1>, vector<8x2048xi32>
    %slice3A_1237 = vector.extract_strided_slice %dot_general3A_20 {offsets = [1216, 0], sizes = [8, 2048], strides = [1, 1]} : vector<2048x2048xf32> to vector<8x2048xf32>
    %gt3A_1238 = arith.cmpf ogt, %slice3A_1237, %max3A_1233 : vector<8x2048xf32>
    %min3A_1239 = arith.minimumf %max3A_1233, %slice3A_1237 : vector<8x2048xf32>
    %max3A_1240 = arith.maximumf %max3A_1232, %min3A_1239 : vector<8x2048xf32>
    %max3A_1241 = arith.maximumf %max3A_1233, %slice3A_1237 : vector<8x2048xf32>
    %jit3A_1242 = arith.constant 152 : i32
    %broadcast_in_dim3A_1243 = vector.broadcast %jit3A_1242 : i32 to vector<8x2048xi32>
    %select_n3A_1244 = arith.select %gt3A_1238, %broadcast_in_dim3A_1243, %select_n3A_1236 : vector<8x2048xi1>, vector<8x2048xi32>
    %slice3A_1245 = vector.extract_strided_slice %dot_general3A_20 {offsets = [1224, 0], sizes = [8, 2048], strides = [1, 1]} : vector<2048x2048xf32> to vector<8x2048xf32>
    %gt3A_1246 = arith.cmpf ogt, %slice3A_1245, %max3A_1241 : vector<8x2048xf32>
    %min3A_1247 = arith.minimumf %max3A_1241, %slice3A_1245 : vector<8x2048xf32>
    %max3A_1248 = arith.maximumf %max3A_1240, %min3A_1247 : vector<8x2048xf32>
    %max3A_1249 = arith.maximumf %max3A_1241, %slice3A_1245 : vector<8x2048xf32>
    %jit3A_1250 = arith.constant 153 : i32
    %broadcast_in_dim3A_1251 = vector.broadcast %jit3A_1250 : i32 to vector<8x2048xi32>
    %select_n3A_1252 = arith.select %gt3A_1246, %broadcast_in_dim3A_1251, %select_n3A_1244 : vector<8x2048xi1>, vector<8x2048xi32>
    %slice3A_1253 = vector.extract_strided_slice %dot_general3A_20 {offsets = [1232, 0], sizes = [8, 2048], strides = [1, 1]} : vector<2048x2048xf32> to vector<8x2048xf32>
    %gt3A_1254 = arith.cmpf ogt, %slice3A_1253, %max3A_1249 : vector<8x2048xf32>
    %min3A_1255 = arith.minimumf %max3A_1249, %slice3A_1253 : vector<8x2048xf32>
    %max3A_1256 = arith.maximumf %max3A_1248, %min3A_1255 : vector<8x2048xf32>
    %max3A_1257 = arith.maximumf %max3A_1249, %slice3A_1253 : vector<8x2048xf32>
    %jit3A_1258 = arith.constant 154 : i32
    %broadcast_in_dim3A_1259 = vector.broadcast %jit3A_1258 : i32 to vector<8x2048xi32>
    %select_n3A_1260 = arith.select %gt3A_1254, %broadcast_in_dim3A_1259, %select_n3A_1252 : vector<8x2048xi1>, vector<8x2048xi32>
    %slice3A_1261 = vector.extract_strided_slice %dot_general3A_20 {offsets = [1240, 0], sizes = [8, 2048], strides = [1, 1]} : vector<2048x2048xf32> to vector<8x2048xf32>
    %gt3A_1262 = arith.cmpf ogt, %slice3A_1261, %max3A_1257 : vector<8x2048xf32>
    %min3A_1263 = arith.minimumf %max3A_1257, %slice3A_1261 : vector<8x2048xf32>
    %max3A_1264 = arith.maximumf %max3A_1256, %min3A_1263 : vector<8x2048xf32>
    %max3A_1265 = arith.maximumf %max3A_1257, %slice3A_1261 : vector<8x2048xf32>
    %jit3A_1266 = arith.constant 155 : i32
    %broadcast_in_dim3A_1267 = vector.broadcast %jit3A_1266 : i32 to vector<8x2048xi32>
    %select_n3A_1268 = arith.select %gt3A_1262, %broadcast_in_dim3A_1267, %select_n3A_1260 : vector<8x2048xi1>, vector<8x2048xi32>
    %slice3A_1269 = vector.extract_strided_slice %dot_general3A_20 {offsets = [1248, 0], sizes = [8, 2048], strides = [1, 1]} : vector<2048x2048xf32> to vector<8x2048xf32>
    %gt3A_1270 = arith.cmpf ogt, %slice3A_1269, %max3A_1265 : vector<8x2048xf32>
    %min3A_1271 = arith.minimumf %max3A_1265, %slice3A_1269 : vector<8x2048xf32>
    %max3A_1272 = arith.maximumf %max3A_1264, %min3A_1271 : vector<8x2048xf32>
    %max3A_1273 = arith.maximumf %max3A_1265, %slice3A_1269 : vector<8x2048xf32>
    %jit3A_1274 = arith.constant 156 : i32
    %broadcast_in_dim3A_1275 = vector.broadcast %jit3A_1274 : i32 to vector<8x2048xi32>
    %select_n3A_1276 = arith.select %gt3A_1270, %broadcast_in_dim3A_1275, %select_n3A_1268 : vector<8x2048xi1>, vector<8x2048xi32>
    %slice3A_1277 = vector.extract_strided_slice %dot_general3A_20 {offsets = [1256, 0], sizes = [8, 2048], strides = [1, 1]} : vector<2048x2048xf32> to vector<8x2048xf32>
    %gt3A_1278 = arith.cmpf ogt, %slice3A_1277, %max3A_1273 : vector<8x2048xf32>
    %min3A_1279 = arith.minimumf %max3A_1273, %slice3A_1277 : vector<8x2048xf32>
    %max3A_1280 = arith.maximumf %max3A_1272, %min3A_1279 : vector<8x2048xf32>
    %max3A_1281 = arith.maximumf %max3A_1273, %slice3A_1277 : vector<8x2048xf32>
    %jit3A_1282 = arith.constant 157 : i32
    %broadcast_in_dim3A_1283 = vector.broadcast %jit3A_1282 : i32 to vector<8x2048xi32>
    %select_n3A_1284 = arith.select %gt3A_1278, %broadcast_in_dim3A_1283, %select_n3A_1276 : vector<8x2048xi1>, vector<8x2048xi32>
    %slice3A_1285 = vector.extract_strided_slice %dot_general3A_20 {offsets = [1264, 0], sizes = [8, 2048], strides = [1, 1]} : vector<2048x2048xf32> to vector<8x2048xf32>
    %gt3A_1286 = arith.cmpf ogt, %slice3A_1285, %max3A_1281 : vector<8x2048xf32>
    %min3A_1287 = arith.minimumf %max3A_1281, %slice3A_1285 : vector<8x2048xf32>
    %max3A_1288 = arith.maximumf %max3A_1280, %min3A_1287 : vector<8x2048xf32>
    %max3A_1289 = arith.maximumf %max3A_1281, %slice3A_1285 : vector<8x2048xf32>
    %jit3A_1290 = arith.constant 158 : i32
    %broadcast_in_dim3A_1291 = vector.broadcast %jit3A_1290 : i32 to vector<8x2048xi32>
    %select_n3A_1292 = arith.select %gt3A_1286, %broadcast_in_dim3A_1291, %select_n3A_1284 : vector<8x2048xi1>, vector<8x2048xi32>
    %slice3A_1293 = vector.extract_strided_slice %dot_general3A_20 {offsets = [1272, 0], sizes = [8, 2048], strides = [1, 1]} : vector<2048x2048xf32> to vector<8x2048xf32>
    %gt3A_1294 = arith.cmpf ogt, %slice3A_1293, %max3A_1289 : vector<8x2048xf32>
    %min3A_1295 = arith.minimumf %max3A_1289, %slice3A_1293 : vector<8x2048xf32>
    %max3A_1296 = arith.maximumf %max3A_1288, %min3A_1295 : vector<8x2048xf32>
    %max3A_1297 = arith.maximumf %max3A_1289, %slice3A_1293 : vector<8x2048xf32>
    %jit3A_1298 = arith.constant 159 : i32
    %broadcast_in_dim3A_1299 = vector.broadcast %jit3A_1298 : i32 to vector<8x2048xi32>
    %select_n3A_1300 = arith.select %gt3A_1294, %broadcast_in_dim3A_1299, %select_n3A_1292 : vector<8x2048xi1>, vector<8x2048xi32>
    %slice3A_1301 = vector.extract_strided_slice %dot_general3A_20 {offsets = [1280, 0], sizes = [8, 2048], strides = [1, 1]} : vector<2048x2048xf32> to vector<8x2048xf32>
    %gt3A_1302 = arith.cmpf ogt, %slice3A_1301, %max3A_1297 : vector<8x2048xf32>
    %min3A_1303 = arith.minimumf %max3A_1297, %slice3A_1301 : vector<8x2048xf32>
    %max3A_1304 = arith.maximumf %max3A_1296, %min3A_1303 : vector<8x2048xf32>
    %max3A_1305 = arith.maximumf %max3A_1297, %slice3A_1301 : vector<8x2048xf32>
    %jit3A_1306 = arith.constant 160 : i32
    %broadcast_in_dim3A_1307 = vector.broadcast %jit3A_1306 : i32 to vector<8x2048xi32>
    %select_n3A_1308 = arith.select %gt3A_1302, %broadcast_in_dim3A_1307, %select_n3A_1300 : vector<8x2048xi1>, vector<8x2048xi32>
    %slice3A_1309 = vector.extract_strided_slice %dot_general3A_20 {offsets = [1288, 0], sizes = [8, 2048], strides = [1, 1]} : vector<2048x2048xf32> to vector<8x2048xf32>
    %gt3A_1310 = arith.cmpf ogt, %slice3A_1309, %max3A_1305 : vector<8x2048xf32>
    %min3A_1311 = arith.minimumf %max3A_1305, %slice3A_1309 : vector<8x2048xf32>
    %max3A_1312 = arith.maximumf %max3A_1304, %min3A_1311 : vector<8x2048xf32>
    %max3A_1313 = arith.maximumf %max3A_1305, %slice3A_1309 : vector<8x2048xf32>
    %jit3A_1314 = arith.constant 161 : i32
    %broadcast_in_dim3A_1315 = vector.broadcast %jit3A_1314 : i32 to vector<8x2048xi32>
    %select_n3A_1316 = arith.select %gt3A_1310, %broadcast_in_dim3A_1315, %select_n3A_1308 : vector<8x2048xi1>, vector<8x2048xi32>
    %slice3A_1317 = vector.extract_strided_slice %dot_general3A_20 {offsets = [1296, 0], sizes = [8, 2048], strides = [1, 1]} : vector<2048x2048xf32> to vector<8x2048xf32>
    %gt3A_1318 = arith.cmpf ogt, %slice3A_1317, %max3A_1313 : vector<8x2048xf32>
    %min3A_1319 = arith.minimumf %max3A_1313, %slice3A_1317 : vector<8x2048xf32>
    %max3A_1320 = arith.maximumf %max3A_1312, %min3A_1319 : vector<8x2048xf32>
    %max3A_1321 = arith.maximumf %max3A_1313, %slice3A_1317 : vector<8x2048xf32>
    %jit3A_1322 = arith.constant 162 : i32
    %broadcast_in_dim3A_1323 = vector.broadcast %jit3A_1322 : i32 to vector<8x2048xi32>
    %select_n3A_1324 = arith.select %gt3A_1318, %broadcast_in_dim3A_1323, %select_n3A_1316 : vector<8x2048xi1>, vector<8x2048xi32>
    %slice3A_1325 = vector.extract_strided_slice %dot_general3A_20 {offsets = [1304, 0], sizes = [8, 2048], strides = [1, 1]} : vector<2048x2048xf32> to vector<8x2048xf32>
    %gt3A_1326 = arith.cmpf ogt, %slice3A_1325, %max3A_1321 : vector<8x2048xf32>
    %min3A_1327 = arith.minimumf %max3A_1321, %slice3A_1325 : vector<8x2048xf32>
    %max3A_1328 = arith.maximumf %max3A_1320, %min3A_1327 : vector<8x2048xf32>
    %max3A_1329 = arith.maximumf %max3A_1321, %slice3A_1325 : vector<8x2048xf32>
    %jit3A_1330 = arith.constant 163 : i32
    %broadcast_in_dim3A_1331 = vector.broadcast %jit3A_1330 : i32 to vector<8x2048xi32>
    %select_n3A_1332 = arith.select %gt3A_1326, %broadcast_in_dim3A_1331, %select_n3A_1324 : vector<8x2048xi1>, vector<8x2048xi32>
    %slice3A_1333 = vector.extract_strided_slice %dot_general3A_20 {offsets = [1312, 0], sizes = [8, 2048], strides = [1, 1]} : vector<2048x2048xf32> to vector<8x2048xf32>
    %gt3A_1334 = arith.cmpf ogt, %slice3A_1333, %max3A_1329 : vector<8x2048xf32>
    %min3A_1335 = arith.minimumf %max3A_1329, %slice3A_1333 : vector<8x2048xf32>
    %max3A_1336 = arith.maximumf %max3A_1328, %min3A_1335 : vector<8x2048xf32>
    %max3A_1337 = arith.maximumf %max3A_1329, %slice3A_1333 : vector<8x2048xf32>
    %jit3A_1338 = arith.constant 164 : i32
    %broadcast_in_dim3A_1339 = vector.broadcast %jit3A_1338 : i32 to vector<8x2048xi32>
    %select_n3A_1340 = arith.select %gt3A_1334, %broadcast_in_dim3A_1339, %select_n3A_1332 : vector<8x2048xi1>, vector<8x2048xi32>
    %slice3A_1341 = vector.extract_strided_slice %dot_general3A_20 {offsets = [1320, 0], sizes = [8, 2048], strides = [1, 1]} : vector<2048x2048xf32> to vector<8x2048xf32>
    %gt3A_1342 = arith.cmpf ogt, %slice3A_1341, %max3A_1337 : vector<8x2048xf32>
    %min3A_1343 = arith.minimumf %max3A_1337, %slice3A_1341 : vector<8x2048xf32>
    %max3A_1344 = arith.maximumf %max3A_1336, %min3A_1343 : vector<8x2048xf32>
    %max3A_1345 = arith.maximumf %max3A_1337, %slice3A_1341 : vector<8x2048xf32>
    %jit3A_1346 = arith.constant 165 : i32
    %broadcast_in_dim3A_1347 = vector.broadcast %jit3A_1346 : i32 to vector<8x2048xi32>
    %select_n3A_1348 = arith.select %gt3A_1342, %broadcast_in_dim3A_1347, %select_n3A_1340 : vector<8x2048xi1>, vector<8x2048xi32>
    %slice3A_1349 = vector.extract_strided_slice %dot_general3A_20 {offsets = [1328, 0], sizes = [8, 2048], strides = [1, 1]} : vector<2048x2048xf32> to vector<8x2048xf32>
    %gt3A_1350 = arith.cmpf ogt, %slice3A_1349, %max3A_1345 : vector<8x2048xf32>
    %min3A_1351 = arith.minimumf %max3A_1345, %slice3A_1349 : vector<8x2048xf32>
    %max3A_1352 = arith.maximumf %max3A_1344, %min3A_1351 : vector<8x2048xf32>
    %max3A_1353 = arith.maximumf %max3A_1345, %slice3A_1349 : vector<8x2048xf32>
    %jit3A_1354 = arith.constant 166 : i32
    %broadcast_in_dim3A_1355 = vector.broadcast %jit3A_1354 : i32 to vector<8x2048xi32>
    %select_n3A_1356 = arith.select %gt3A_1350, %broadcast_in_dim3A_1355, %select_n3A_1348 : vector<8x2048xi1>, vector<8x2048xi32>
    %slice3A_1357 = vector.extract_strided_slice %dot_general3A_20 {offsets = [1336, 0], sizes = [8, 2048], strides = [1, 1]} : vector<2048x2048xf32> to vector<8x2048xf32>
    %gt3A_1358 = arith.cmpf ogt, %slice3A_1357, %max3A_1353 : vector<8x2048xf32>
    %min3A_1359 = arith.minimumf %max3A_1353, %slice3A_1357 : vector<8x2048xf32>
    %max3A_1360 = arith.maximumf %max3A_1352, %min3A_1359 : vector<8x2048xf32>
    %max3A_1361 = arith.maximumf %max3A_1353, %slice3A_1357 : vector<8x2048xf32>
    %jit3A_1362 = arith.constant 167 : i32
    %broadcast_in_dim3A_1363 = vector.broadcast %jit3A_1362 : i32 to vector<8x2048xi32>
    %select_n3A_1364 = arith.select %gt3A_1358, %broadcast_in_dim3A_1363, %select_n3A_1356 : vector<8x2048xi1>, vector<8x2048xi32>
    %slice3A_1365 = vector.extract_strided_slice %dot_general3A_20 {offsets = [1344, 0], sizes = [8, 2048], strides = [1, 1]} : vector<2048x2048xf32> to vector<8x2048xf32>
    %gt3A_1366 = arith.cmpf ogt, %slice3A_1365, %max3A_1361 : vector<8x2048xf32>
    %min3A_1367 = arith.minimumf %max3A_1361, %slice3A_1365 : vector<8x2048xf32>
    %max3A_1368 = arith.maximumf %max3A_1360, %min3A_1367 : vector<8x2048xf32>
    %max3A_1369 = arith.maximumf %max3A_1361, %slice3A_1365 : vector<8x2048xf32>
    %jit3A_1370 = arith.constant 168 : i32
    %broadcast_in_dim3A_1371 = vector.broadcast %jit3A_1370 : i32 to vector<8x2048xi32>
    %select_n3A_1372 = arith.select %gt3A_1366, %broadcast_in_dim3A_1371, %select_n3A_1364 : vector<8x2048xi1>, vector<8x2048xi32>
    %slice3A_1373 = vector.extract_strided_slice %dot_general3A_20 {offsets = [1352, 0], sizes = [8, 2048], strides = [1, 1]} : vector<2048x2048xf32> to vector<8x2048xf32>
    %gt3A_1374 = arith.cmpf ogt, %slice3A_1373, %max3A_1369 : vector<8x2048xf32>
    %min3A_1375 = arith.minimumf %max3A_1369, %slice3A_1373 : vector<8x2048xf32>
    %max3A_1376 = arith.maximumf %max3A_1368, %min3A_1375 : vector<8x2048xf32>
    %max3A_1377 = arith.maximumf %max3A_1369, %slice3A_1373 : vector<8x2048xf32>
    %jit3A_1378 = arith.constant 169 : i32
    %broadcast_in_dim3A_1379 = vector.broadcast %jit3A_1378 : i32 to vector<8x2048xi32>
    %select_n3A_1380 = arith.select %gt3A_1374, %broadcast_in_dim3A_1379, %select_n3A_1372 : vector<8x2048xi1>, vector<8x2048xi32>
    %slice3A_1381 = vector.extract_strided_slice %dot_general3A_20 {offsets = [1360, 0], sizes = [8, 2048], strides = [1, 1]} : vector<2048x2048xf32> to vector<8x2048xf32>
    %gt3A_1382 = arith.cmpf ogt, %slice3A_1381, %max3A_1377 : vector<8x2048xf32>
    %min3A_1383 = arith.minimumf %max3A_1377, %slice3A_1381 : vector<8x2048xf32>
    %max3A_1384 = arith.maximumf %max3A_1376, %min3A_1383 : vector<8x2048xf32>
    %max3A_1385 = arith.maximumf %max3A_1377, %slice3A_1381 : vector<8x2048xf32>
    %jit3A_1386 = arith.constant 170 : i32
    %broadcast_in_dim3A_1387 = vector.broadcast %jit3A_1386 : i32 to vector<8x2048xi32>
    %select_n3A_1388 = arith.select %gt3A_1382, %broadcast_in_dim3A_1387, %select_n3A_1380 : vector<8x2048xi1>, vector<8x2048xi32>
    %slice3A_1389 = vector.extract_strided_slice %dot_general3A_20 {offsets = [1368, 0], sizes = [8, 2048], strides = [1, 1]} : vector<2048x2048xf32> to vector<8x2048xf32>
    %gt3A_1390 = arith.cmpf ogt, %slice3A_1389, %max3A_1385 : vector<8x2048xf32>
    %min3A_1391 = arith.minimumf %max3A_1385, %slice3A_1389 : vector<8x2048xf32>
    %max3A_1392 = arith.maximumf %max3A_1384, %min3A_1391 : vector<8x2048xf32>
    %max3A_1393 = arith.maximumf %max3A_1385, %slice3A_1389 : vector<8x2048xf32>
    %jit3A_1394 = arith.constant 171 : i32
    %broadcast_in_dim3A_1395 = vector.broadcast %jit3A_1394 : i32 to vector<8x2048xi32>
    %select_n3A_1396 = arith.select %gt3A_1390, %broadcast_in_dim3A_1395, %select_n3A_1388 : vector<8x2048xi1>, vector<8x2048xi32>
    %slice3A_1397 = vector.extract_strided_slice %dot_general3A_20 {offsets = [1376, 0], sizes = [8, 2048], strides = [1, 1]} : vector<2048x2048xf32> to vector<8x2048xf32>
    %gt3A_1398 = arith.cmpf ogt, %slice3A_1397, %max3A_1393 : vector<8x2048xf32>
    %min3A_1399 = arith.minimumf %max3A_1393, %slice3A_1397 : vector<8x2048xf32>
    %max3A_1400 = arith.maximumf %max3A_1392, %min3A_1399 : vector<8x2048xf32>
    %max3A_1401 = arith.maximumf %max3A_1393, %slice3A_1397 : vector<8x2048xf32>
    %jit3A_1402 = arith.constant 172 : i32
    %broadcast_in_dim3A_1403 = vector.broadcast %jit3A_1402 : i32 to vector<8x2048xi32>
    %select_n3A_1404 = arith.select %gt3A_1398, %broadcast_in_dim3A_1403, %select_n3A_1396 : vector<8x2048xi1>, vector<8x2048xi32>
    %slice3A_1405 = vector.extract_strided_slice %dot_general3A_20 {offsets = [1384, 0], sizes = [8, 2048], strides = [1, 1]} : vector<2048x2048xf32> to vector<8x2048xf32>
    %gt3A_1406 = arith.cmpf ogt, %slice3A_1405, %max3A_1401 : vector<8x2048xf32>
    %min3A_1407 = arith.minimumf %max3A_1401, %slice3A_1405 : vector<8x2048xf32>
    %max3A_1408 = arith.maximumf %max3A_1400, %min3A_1407 : vector<8x2048xf32>
    %max3A_1409 = arith.maximumf %max3A_1401, %slice3A_1405 : vector<8x2048xf32>
    %jit3A_1410 = arith.constant 173 : i32
    %broadcast_in_dim3A_1411 = vector.broadcast %jit3A_1410 : i32 to vector<8x2048xi32>
    %select_n3A_1412 = arith.select %gt3A_1406, %broadcast_in_dim3A_1411, %select_n3A_1404 : vector<8x2048xi1>, vector<8x2048xi32>
    %slice3A_1413 = vector.extract_strided_slice %dot_general3A_20 {offsets = [1392, 0], sizes = [8, 2048], strides = [1, 1]} : vector<2048x2048xf32> to vector<8x2048xf32>
    %gt3A_1414 = arith.cmpf ogt, %slice3A_1413, %max3A_1409 : vector<8x2048xf32>
    %min3A_1415 = arith.minimumf %max3A_1409, %slice3A_1413 : vector<8x2048xf32>
    %max3A_1416 = arith.maximumf %max3A_1408, %min3A_1415 : vector<8x2048xf32>
    %max3A_1417 = arith.maximumf %max3A_1409, %slice3A_1413 : vector<8x2048xf32>
    %jit3A_1418 = arith.constant 174 : i32
    %broadcast_in_dim3A_1419 = vector.broadcast %jit3A_1418 : i32 to vector<8x2048xi32>
    %select_n3A_1420 = arith.select %gt3A_1414, %broadcast_in_dim3A_1419, %select_n3A_1412 : vector<8x2048xi1>, vector<8x2048xi32>
    %slice3A_1421 = vector.extract_strided_slice %dot_general3A_20 {offsets = [1400, 0], sizes = [8, 2048], strides = [1, 1]} : vector<2048x2048xf32> to vector<8x2048xf32>
    %gt3A_1422 = arith.cmpf ogt, %slice3A_1421, %max3A_1417 : vector<8x2048xf32>
    %min3A_1423 = arith.minimumf %max3A_1417, %slice3A_1421 : vector<8x2048xf32>
    %max3A_1424 = arith.maximumf %max3A_1416, %min3A_1423 : vector<8x2048xf32>
    %max3A_1425 = arith.maximumf %max3A_1417, %slice3A_1421 : vector<8x2048xf32>
    %jit3A_1426 = arith.constant 175 : i32
    %broadcast_in_dim3A_1427 = vector.broadcast %jit3A_1426 : i32 to vector<8x2048xi32>
    %select_n3A_1428 = arith.select %gt3A_1422, %broadcast_in_dim3A_1427, %select_n3A_1420 : vector<8x2048xi1>, vector<8x2048xi32>
    %slice3A_1429 = vector.extract_strided_slice %dot_general3A_20 {offsets = [1408, 0], sizes = [8, 2048], strides = [1, 1]} : vector<2048x2048xf32> to vector<8x2048xf32>
    %gt3A_1430 = arith.cmpf ogt, %slice3A_1429, %max3A_1425 : vector<8x2048xf32>
    %min3A_1431 = arith.minimumf %max3A_1425, %slice3A_1429 : vector<8x2048xf32>
    %max3A_1432 = arith.maximumf %max3A_1424, %min3A_1431 : vector<8x2048xf32>
    %max3A_1433 = arith.maximumf %max3A_1425, %slice3A_1429 : vector<8x2048xf32>
    %jit3A_1434 = arith.constant 176 : i32
    %broadcast_in_dim3A_1435 = vector.broadcast %jit3A_1434 : i32 to vector<8x2048xi32>
    %select_n3A_1436 = arith.select %gt3A_1430, %broadcast_in_dim3A_1435, %select_n3A_1428 : vector<8x2048xi1>, vector<8x2048xi32>
    %slice3A_1437 = vector.extract_strided_slice %dot_general3A_20 {offsets = [1416, 0], sizes = [8, 2048], strides = [1, 1]} : vector<2048x2048xf32> to vector<8x2048xf32>
    %gt3A_1438 = arith.cmpf ogt, %slice3A_1437, %max3A_1433 : vector<8x2048xf32>
    %min3A_1439 = arith.minimumf %max3A_1433, %slice3A_1437 : vector<8x2048xf32>
    %max3A_1440 = arith.maximumf %max3A_1432, %min3A_1439 : vector<8x2048xf32>
    %max3A_1441 = arith.maximumf %max3A_1433, %slice3A_1437 : vector<8x2048xf32>
    %jit3A_1442 = arith.constant 177 : i32
    %broadcast_in_dim3A_1443 = vector.broadcast %jit3A_1442 : i32 to vector<8x2048xi32>
    %select_n3A_1444 = arith.select %gt3A_1438, %broadcast_in_dim3A_1443, %select_n3A_1436 : vector<8x2048xi1>, vector<8x2048xi32>
    %slice3A_1445 = vector.extract_strided_slice %dot_general3A_20 {offsets = [1424, 0], sizes = [8, 2048], strides = [1, 1]} : vector<2048x2048xf32> to vector<8x2048xf32>
    %gt3A_1446 = arith.cmpf ogt, %slice3A_1445, %max3A_1441 : vector<8x2048xf32>
    %min3A_1447 = arith.minimumf %max3A_1441, %slice3A_1445 : vector<8x2048xf32>
    %max3A_1448 = arith.maximumf %max3A_1440, %min3A_1447 : vector<8x2048xf32>
    %max3A_1449 = arith.maximumf %max3A_1441, %slice3A_1445 : vector<8x2048xf32>
    %jit3A_1450 = arith.constant 178 : i32
    %broadcast_in_dim3A_1451 = vector.broadcast %jit3A_1450 : i32 to vector<8x2048xi32>
    %select_n3A_1452 = arith.select %gt3A_1446, %broadcast_in_dim3A_1451, %select_n3A_1444 : vector<8x2048xi1>, vector<8x2048xi32>
    %slice3A_1453 = vector.extract_strided_slice %dot_general3A_20 {offsets = [1432, 0], sizes = [8, 2048], strides = [1, 1]} : vector<2048x2048xf32> to vector<8x2048xf32>
    %gt3A_1454 = arith.cmpf ogt, %slice3A_1453, %max3A_1449 : vector<8x2048xf32>
    %min3A_1455 = arith.minimumf %max3A_1449, %slice3A_1453 : vector<8x2048xf32>
    %max3A_1456 = arith.maximumf %max3A_1448, %min3A_1455 : vector<8x2048xf32>
    %max3A_1457 = arith.maximumf %max3A_1449, %slice3A_1453 : vector<8x2048xf32>
    %jit3A_1458 = arith.constant 179 : i32
    %broadcast_in_dim3A_1459 = vector.broadcast %jit3A_1458 : i32 to vector<8x2048xi32>
    %select_n3A_1460 = arith.select %gt3A_1454, %broadcast_in_dim3A_1459, %select_n3A_1452 : vector<8x2048xi1>, vector<8x2048xi32>
    %slice3A_1461 = vector.extract_strided_slice %dot_general3A_20 {offsets = [1440, 0], sizes = [8, 2048], strides = [1, 1]} : vector<2048x2048xf32> to vector<8x2048xf32>
    %gt3A_1462 = arith.cmpf ogt, %slice3A_1461, %max3A_1457 : vector<8x2048xf32>
    %min3A_1463 = arith.minimumf %max3A_1457, %slice3A_1461 : vector<8x2048xf32>
    %max3A_1464 = arith.maximumf %max3A_1456, %min3A_1463 : vector<8x2048xf32>
    %max3A_1465 = arith.maximumf %max3A_1457, %slice3A_1461 : vector<8x2048xf32>
    %jit3A_1466 = arith.constant 180 : i32
    %broadcast_in_dim3A_1467 = vector.broadcast %jit3A_1466 : i32 to vector<8x2048xi32>
    %select_n3A_1468 = arith.select %gt3A_1462, %broadcast_in_dim3A_1467, %select_n3A_1460 : vector<8x2048xi1>, vector<8x2048xi32>
    %slice3A_1469 = vector.extract_strided_slice %dot_general3A_20 {offsets = [1448, 0], sizes = [8, 2048], strides = [1, 1]} : vector<2048x2048xf32> to vector<8x2048xf32>
    %gt3A_1470 = arith.cmpf ogt, %slice3A_1469, %max3A_1465 : vector<8x2048xf32>
    %min3A_1471 = arith.minimumf %max3A_1465, %slice3A_1469 : vector<8x2048xf32>
    %max3A_1472 = arith.maximumf %max3A_1464, %min3A_1471 : vector<8x2048xf32>
    %max3A_1473 = arith.maximumf %max3A_1465, %slice3A_1469 : vector<8x2048xf32>
    %jit3A_1474 = arith.constant 181 : i32
    %broadcast_in_dim3A_1475 = vector.broadcast %jit3A_1474 : i32 to vector<8x2048xi32>
    %select_n3A_1476 = arith.select %gt3A_1470, %broadcast_in_dim3A_1475, %select_n3A_1468 : vector<8x2048xi1>, vector<8x2048xi32>
    %slice3A_1477 = vector.extract_strided_slice %dot_general3A_20 {offsets = [1456, 0], sizes = [8, 2048], strides = [1, 1]} : vector<2048x2048xf32> to vector<8x2048xf32>
    %gt3A_1478 = arith.cmpf ogt, %slice3A_1477, %max3A_1473 : vector<8x2048xf32>
    %min3A_1479 = arith.minimumf %max3A_1473, %slice3A_1477 : vector<8x2048xf32>
    %max3A_1480 = arith.maximumf %max3A_1472, %min3A_1479 : vector<8x2048xf32>
    %max3A_1481 = arith.maximumf %max3A_1473, %slice3A_1477 : vector<8x2048xf32>
    %jit3A_1482 = arith.constant 182 : i32
    %broadcast_in_dim3A_1483 = vector.broadcast %jit3A_1482 : i32 to vector<8x2048xi32>
    %select_n3A_1484 = arith.select %gt3A_1478, %broadcast_in_dim3A_1483, %select_n3A_1476 : vector<8x2048xi1>, vector<8x2048xi32>
    %slice3A_1485 = vector.extract_strided_slice %dot_general3A_20 {offsets = [1464, 0], sizes = [8, 2048], strides = [1, 1]} : vector<2048x2048xf32> to vector<8x2048xf32>
    %gt3A_1486 = arith.cmpf ogt, %slice3A_1485, %max3A_1481 : vector<8x2048xf32>
    %min3A_1487 = arith.minimumf %max3A_1481, %slice3A_1485 : vector<8x2048xf32>
    %max3A_1488 = arith.maximumf %max3A_1480, %min3A_1487 : vector<8x2048xf32>
    %max3A_1489 = arith.maximumf %max3A_1481, %slice3A_1485 : vector<8x2048xf32>
    %jit3A_1490 = arith.constant 183 : i32
    %broadcast_in_dim3A_1491 = vector.broadcast %jit3A_1490 : i32 to vector<8x2048xi32>
    %select_n3A_1492 = arith.select %gt3A_1486, %broadcast_in_dim3A_1491, %select_n3A_1484 : vector<8x2048xi1>, vector<8x2048xi32>
    %slice3A_1493 = vector.extract_strided_slice %dot_general3A_20 {offsets = [1472, 0], sizes = [8, 2048], strides = [1, 1]} : vector<2048x2048xf32> to vector<8x2048xf32>
    %gt3A_1494 = arith.cmpf ogt, %slice3A_1493, %max3A_1489 : vector<8x2048xf32>
    %min3A_1495 = arith.minimumf %max3A_1489, %slice3A_1493 : vector<8x2048xf32>
    %max3A_1496 = arith.maximumf %max3A_1488, %min3A_1495 : vector<8x2048xf32>
    %max3A_1497 = arith.maximumf %max3A_1489, %slice3A_1493 : vector<8x2048xf32>
    %jit3A_1498 = arith.constant 184 : i32
    %broadcast_in_dim3A_1499 = vector.broadcast %jit3A_1498 : i32 to vector<8x2048xi32>
    %select_n3A_1500 = arith.select %gt3A_1494, %broadcast_in_dim3A_1499, %select_n3A_1492 : vector<8x2048xi1>, vector<8x2048xi32>
    %slice3A_1501 = vector.extract_strided_slice %dot_general3A_20 {offsets = [1480, 0], sizes = [8, 2048], strides = [1, 1]} : vector<2048x2048xf32> to vector<8x2048xf32>
    %gt3A_1502 = arith.cmpf ogt, %slice3A_1501, %max3A_1497 : vector<8x2048xf32>
    %min3A_1503 = arith.minimumf %max3A_1497, %slice3A_1501 : vector<8x2048xf32>
    %max3A_1504 = arith.maximumf %max3A_1496, %min3A_1503 : vector<8x2048xf32>
    %max3A_1505 = arith.maximumf %max3A_1497, %slice3A_1501 : vector<8x2048xf32>
    %jit3A_1506 = arith.constant 185 : i32
    %broadcast_in_dim3A_1507 = vector.broadcast %jit3A_1506 : i32 to vector<8x2048xi32>
    %select_n3A_1508 = arith.select %gt3A_1502, %broadcast_in_dim3A_1507, %select_n3A_1500 : vector<8x2048xi1>, vector<8x2048xi32>
    %slice3A_1509 = vector.extract_strided_slice %dot_general3A_20 {offsets = [1488, 0], sizes = [8, 2048], strides = [1, 1]} : vector<2048x2048xf32> to vector<8x2048xf32>
    %gt3A_1510 = arith.cmpf ogt, %slice3A_1509, %max3A_1505 : vector<8x2048xf32>
    %min3A_1511 = arith.minimumf %max3A_1505, %slice3A_1509 : vector<8x2048xf32>
    %max3A_1512 = arith.maximumf %max3A_1504, %min3A_1511 : vector<8x2048xf32>
    %max3A_1513 = arith.maximumf %max3A_1505, %slice3A_1509 : vector<8x2048xf32>
    %jit3A_1514 = arith.constant 186 : i32
    %broadcast_in_dim3A_1515 = vector.broadcast %jit3A_1514 : i32 to vector<8x2048xi32>
    %select_n3A_1516 = arith.select %gt3A_1510, %broadcast_in_dim3A_1515, %select_n3A_1508 : vector<8x2048xi1>, vector<8x2048xi32>
    %slice3A_1517 = vector.extract_strided_slice %dot_general3A_20 {offsets = [1496, 0], sizes = [8, 2048], strides = [1, 1]} : vector<2048x2048xf32> to vector<8x2048xf32>
    %gt3A_1518 = arith.cmpf ogt, %slice3A_1517, %max3A_1513 : vector<8x2048xf32>
    %min3A_1519 = arith.minimumf %max3A_1513, %slice3A_1517 : vector<8x2048xf32>
    %max3A_1520 = arith.maximumf %max3A_1512, %min3A_1519 : vector<8x2048xf32>
    %max3A_1521 = arith.maximumf %max3A_1513, %slice3A_1517 : vector<8x2048xf32>
    %jit3A_1522 = arith.constant 187 : i32
    %broadcast_in_dim3A_1523 = vector.broadcast %jit3A_1522 : i32 to vector<8x2048xi32>
    %select_n3A_1524 = arith.select %gt3A_1518, %broadcast_in_dim3A_1523, %select_n3A_1516 : vector<8x2048xi1>, vector<8x2048xi32>
    %slice3A_1525 = vector.extract_strided_slice %dot_general3A_20 {offsets = [1504, 0], sizes = [8, 2048], strides = [1, 1]} : vector<2048x2048xf32> to vector<8x2048xf32>
    %gt3A_1526 = arith.cmpf ogt, %slice3A_1525, %max3A_1521 : vector<8x2048xf32>
    %min3A_1527 = arith.minimumf %max3A_1521, %slice3A_1525 : vector<8x2048xf32>
    %max3A_1528 = arith.maximumf %max3A_1520, %min3A_1527 : vector<8x2048xf32>
    %max3A_1529 = arith.maximumf %max3A_1521, %slice3A_1525 : vector<8x2048xf32>
    %jit3A_1530 = arith.constant 188 : i32
    %broadcast_in_dim3A_1531 = vector.broadcast %jit3A_1530 : i32 to vector<8x2048xi32>
    %select_n3A_1532 = arith.select %gt3A_1526, %broadcast_in_dim3A_1531, %select_n3A_1524 : vector<8x2048xi1>, vector<8x2048xi32>
    %slice3A_1533 = vector.extract_strided_slice %dot_general3A_20 {offsets = [1512, 0], sizes = [8, 2048], strides = [1, 1]} : vector<2048x2048xf32> to vector<8x2048xf32>
    %gt3A_1534 = arith.cmpf ogt, %slice3A_1533, %max3A_1529 : vector<8x2048xf32>
    %min3A_1535 = arith.minimumf %max3A_1529, %slice3A_1533 : vector<8x2048xf32>
    %max3A_1536 = arith.maximumf %max3A_1528, %min3A_1535 : vector<8x2048xf32>
    %max3A_1537 = arith.maximumf %max3A_1529, %slice3A_1533 : vector<8x2048xf32>
    %jit3A_1538 = arith.constant 189 : i32
    %broadcast_in_dim3A_1539 = vector.broadcast %jit3A_1538 : i32 to vector<8x2048xi32>
    %select_n3A_1540 = arith.select %gt3A_1534, %broadcast_in_dim3A_1539, %select_n3A_1532 : vector<8x2048xi1>, vector<8x2048xi32>
    %slice3A_1541 = vector.extract_strided_slice %dot_general3A_20 {offsets = [1520, 0], sizes = [8, 2048], strides = [1, 1]} : vector<2048x2048xf32> to vector<8x2048xf32>
    %gt3A_1542 = arith.cmpf ogt, %slice3A_1541, %max3A_1537 : vector<8x2048xf32>
    %min3A_1543 = arith.minimumf %max3A_1537, %slice3A_1541 : vector<8x2048xf32>
    %max3A_1544 = arith.maximumf %max3A_1536, %min3A_1543 : vector<8x2048xf32>
    %max3A_1545 = arith.maximumf %max3A_1537, %slice3A_1541 : vector<8x2048xf32>
    %jit3A_1546 = arith.constant 190 : i32
    %broadcast_in_dim3A_1547 = vector.broadcast %jit3A_1546 : i32 to vector<8x2048xi32>
    %select_n3A_1548 = arith.select %gt3A_1542, %broadcast_in_dim3A_1547, %select_n3A_1540 : vector<8x2048xi1>, vector<8x2048xi32>
    %slice3A_1549 = vector.extract_strided_slice %dot_general3A_20 {offsets = [1528, 0], sizes = [8, 2048], strides = [1, 1]} : vector<2048x2048xf32> to vector<8x2048xf32>
    %gt3A_1550 = arith.cmpf ogt, %slice3A_1549, %max3A_1545 : vector<8x2048xf32>
    %min3A_1551 = arith.minimumf %max3A_1545, %slice3A_1549 : vector<8x2048xf32>
    %max3A_1552 = arith.maximumf %max3A_1544, %min3A_1551 : vector<8x2048xf32>
    %max3A_1553 = arith.maximumf %max3A_1545, %slice3A_1549 : vector<8x2048xf32>
    %jit3A_1554 = arith.constant 191 : i32
    %broadcast_in_dim3A_1555 = vector.broadcast %jit3A_1554 : i32 to vector<8x2048xi32>
    %select_n3A_1556 = arith.select %gt3A_1550, %broadcast_in_dim3A_1555, %select_n3A_1548 : vector<8x2048xi1>, vector<8x2048xi32>
    %slice3A_1557 = vector.extract_strided_slice %dot_general3A_20 {offsets = [1536, 0], sizes = [8, 2048], strides = [1, 1]} : vector<2048x2048xf32> to vector<8x2048xf32>
    %gt3A_1558 = arith.cmpf ogt, %slice3A_1557, %max3A_1553 : vector<8x2048xf32>
    %min3A_1559 = arith.minimumf %max3A_1553, %slice3A_1557 : vector<8x2048xf32>
    %max3A_1560 = arith.maximumf %max3A_1552, %min3A_1559 : vector<8x2048xf32>
    %max3A_1561 = arith.maximumf %max3A_1553, %slice3A_1557 : vector<8x2048xf32>
    %jit3A_1562 = arith.constant 192 : i32
    %broadcast_in_dim3A_1563 = vector.broadcast %jit3A_1562 : i32 to vector<8x2048xi32>
    %select_n3A_1564 = arith.select %gt3A_1558, %broadcast_in_dim3A_1563, %select_n3A_1556 : vector<8x2048xi1>, vector<8x2048xi32>
    %slice3A_1565 = vector.extract_strided_slice %dot_general3A_20 {offsets = [1544, 0], sizes = [8, 2048], strides = [1, 1]} : vector<2048x2048xf32> to vector<8x2048xf32>
    %gt3A_1566 = arith.cmpf ogt, %slice3A_1565, %max3A_1561 : vector<8x2048xf32>
    %min3A_1567 = arith.minimumf %max3A_1561, %slice3A_1565 : vector<8x2048xf32>
    %max3A_1568 = arith.maximumf %max3A_1560, %min3A_1567 : vector<8x2048xf32>
    %max3A_1569 = arith.maximumf %max3A_1561, %slice3A_1565 : vector<8x2048xf32>
    %jit3A_1570 = arith.constant 193 : i32
    %broadcast_in_dim3A_1571 = vector.broadcast %jit3A_1570 : i32 to vector<8x2048xi32>
    %select_n3A_1572 = arith.select %gt3A_1566, %broadcast_in_dim3A_1571, %select_n3A_1564 : vector<8x2048xi1>, vector<8x2048xi32>
    %slice3A_1573 = vector.extract_strided_slice %dot_general3A_20 {offsets = [1552, 0], sizes = [8, 2048], strides = [1, 1]} : vector<2048x2048xf32> to vector<8x2048xf32>
    %gt3A_1574 = arith.cmpf ogt, %slice3A_1573, %max3A_1569 : vector<8x2048xf32>
    %min3A_1575 = arith.minimumf %max3A_1569, %slice3A_1573 : vector<8x2048xf32>
    %max3A_1576 = arith.maximumf %max3A_1568, %min3A_1575 : vector<8x2048xf32>
    %max3A_1577 = arith.maximumf %max3A_1569, %slice3A_1573 : vector<8x2048xf32>
    %jit3A_1578 = arith.constant 194 : i32
    %broadcast_in_dim3A_1579 = vector.broadcast %jit3A_1578 : i32 to vector<8x2048xi32>
    %select_n3A_1580 = arith.select %gt3A_1574, %broadcast_in_dim3A_1579, %select_n3A_1572 : vector<8x2048xi1>, vector<8x2048xi32>
    %slice3A_1581 = vector.extract_strided_slice %dot_general3A_20 {offsets = [1560, 0], sizes = [8, 2048], strides = [1, 1]} : vector<2048x2048xf32> to vector<8x2048xf32>
    %gt3A_1582 = arith.cmpf ogt, %slice3A_1581, %max3A_1577 : vector<8x2048xf32>
    %min3A_1583 = arith.minimumf %max3A_1577, %slice3A_1581 : vector<8x2048xf32>
    %max3A_1584 = arith.maximumf %max3A_1576, %min3A_1583 : vector<8x2048xf32>
    %max3A_1585 = arith.maximumf %max3A_1577, %slice3A_1581 : vector<8x2048xf32>
    %jit3A_1586 = arith.constant 195 : i32
    %broadcast_in_dim3A_1587 = vector.broadcast %jit3A_1586 : i32 to vector<8x2048xi32>
    %select_n3A_1588 = arith.select %gt3A_1582, %broadcast_in_dim3A_1587, %select_n3A_1580 : vector<8x2048xi1>, vector<8x2048xi32>
    %slice3A_1589 = vector.extract_strided_slice %dot_general3A_20 {offsets = [1568, 0], sizes = [8, 2048], strides = [1, 1]} : vector<2048x2048xf32> to vector<8x2048xf32>
    %gt3A_1590 = arith.cmpf ogt, %slice3A_1589, %max3A_1585 : vector<8x2048xf32>
    %min3A_1591 = arith.minimumf %max3A_1585, %slice3A_1589 : vector<8x2048xf32>
    %max3A_1592 = arith.maximumf %max3A_1584, %min3A_1591 : vector<8x2048xf32>
    %max3A_1593 = arith.maximumf %max3A_1585, %slice3A_1589 : vector<8x2048xf32>
    %jit3A_1594 = arith.constant 196 : i32
    %broadcast_in_dim3A_1595 = vector.broadcast %jit3A_1594 : i32 to vector<8x2048xi32>
    %select_n3A_1596 = arith.select %gt3A_1590, %broadcast_in_dim3A_1595, %select_n3A_1588 : vector<8x2048xi1>, vector<8x2048xi32>
    %slice3A_1597 = vector.extract_strided_slice %dot_general3A_20 {offsets = [1576, 0], sizes = [8, 2048], strides = [1, 1]} : vector<2048x2048xf32> to vector<8x2048xf32>
    %gt3A_1598 = arith.cmpf ogt, %slice3A_1597, %max3A_1593 : vector<8x2048xf32>
    %min3A_1599 = arith.minimumf %max3A_1593, %slice3A_1597 : vector<8x2048xf32>
    %max3A_1600 = arith.maximumf %max3A_1592, %min3A_1599 : vector<8x2048xf32>
    %max3A_1601 = arith.maximumf %max3A_1593, %slice3A_1597 : vector<8x2048xf32>
    %jit3A_1602 = arith.constant 197 : i32
    %broadcast_in_dim3A_1603 = vector.broadcast %jit3A_1602 : i32 to vector<8x2048xi32>
    %select_n3A_1604 = arith.select %gt3A_1598, %broadcast_in_dim3A_1603, %select_n3A_1596 : vector<8x2048xi1>, vector<8x2048xi32>
    %slice3A_1605 = vector.extract_strided_slice %dot_general3A_20 {offsets = [1584, 0], sizes = [8, 2048], strides = [1, 1]} : vector<2048x2048xf32> to vector<8x2048xf32>
    %gt3A_1606 = arith.cmpf ogt, %slice3A_1605, %max3A_1601 : vector<8x2048xf32>
    %min3A_1607 = arith.minimumf %max3A_1601, %slice3A_1605 : vector<8x2048xf32>
    %max3A_1608 = arith.maximumf %max3A_1600, %min3A_1607 : vector<8x2048xf32>
    %max3A_1609 = arith.maximumf %max3A_1601, %slice3A_1605 : vector<8x2048xf32>
    %jit3A_1610 = arith.constant 198 : i32
    %broadcast_in_dim3A_1611 = vector.broadcast %jit3A_1610 : i32 to vector<8x2048xi32>
    %select_n3A_1612 = arith.select %gt3A_1606, %broadcast_in_dim3A_1611, %select_n3A_1604 : vector<8x2048xi1>, vector<8x2048xi32>
    %slice3A_1613 = vector.extract_strided_slice %dot_general3A_20 {offsets = [1592, 0], sizes = [8, 2048], strides = [1, 1]} : vector<2048x2048xf32> to vector<8x2048xf32>
    %gt3A_1614 = arith.cmpf ogt, %slice3A_1613, %max3A_1609 : vector<8x2048xf32>
    %min3A_1615 = arith.minimumf %max3A_1609, %slice3A_1613 : vector<8x2048xf32>
    %max3A_1616 = arith.maximumf %max3A_1608, %min3A_1615 : vector<8x2048xf32>
    %max3A_1617 = arith.maximumf %max3A_1609, %slice3A_1613 : vector<8x2048xf32>
    %jit3A_1618 = arith.constant 199 : i32
    %broadcast_in_dim3A_1619 = vector.broadcast %jit3A_1618 : i32 to vector<8x2048xi32>
    %select_n3A_1620 = arith.select %gt3A_1614, %broadcast_in_dim3A_1619, %select_n3A_1612 : vector<8x2048xi1>, vector<8x2048xi32>
    %slice3A_1621 = vector.extract_strided_slice %dot_general3A_20 {offsets = [1600, 0], sizes = [8, 2048], strides = [1, 1]} : vector<2048x2048xf32> to vector<8x2048xf32>
    %gt3A_1622 = arith.cmpf ogt, %slice3A_1621, %max3A_1617 : vector<8x2048xf32>
    %min3A_1623 = arith.minimumf %max3A_1617, %slice3A_1621 : vector<8x2048xf32>
    %max3A_1624 = arith.maximumf %max3A_1616, %min3A_1623 : vector<8x2048xf32>
    %max3A_1625 = arith.maximumf %max3A_1617, %slice3A_1621 : vector<8x2048xf32>
    %jit3A_1626 = arith.constant 200 : i32
    %broadcast_in_dim3A_1627 = vector.broadcast %jit3A_1626 : i32 to vector<8x2048xi32>
    %select_n3A_1628 = arith.select %gt3A_1622, %broadcast_in_dim3A_1627, %select_n3A_1620 : vector<8x2048xi1>, vector<8x2048xi32>
    %slice3A_1629 = vector.extract_strided_slice %dot_general3A_20 {offsets = [1608, 0], sizes = [8, 2048], strides = [1, 1]} : vector<2048x2048xf32> to vector<8x2048xf32>
    %gt3A_1630 = arith.cmpf ogt, %slice3A_1629, %max3A_1625 : vector<8x2048xf32>
    %min3A_1631 = arith.minimumf %max3A_1625, %slice3A_1629 : vector<8x2048xf32>
    %max3A_1632 = arith.maximumf %max3A_1624, %min3A_1631 : vector<8x2048xf32>
    %max3A_1633 = arith.maximumf %max3A_1625, %slice3A_1629 : vector<8x2048xf32>
    %jit3A_1634 = arith.constant 201 : i32
    %broadcast_in_dim3A_1635 = vector.broadcast %jit3A_1634 : i32 to vector<8x2048xi32>
    %select_n3A_1636 = arith.select %gt3A_1630, %broadcast_in_dim3A_1635, %select_n3A_1628 : vector<8x2048xi1>, vector<8x2048xi32>
    %slice3A_1637 = vector.extract_strided_slice %dot_general3A_20 {offsets = [1616, 0], sizes = [8, 2048], strides = [1, 1]} : vector<2048x2048xf32> to vector<8x2048xf32>
    %gt3A_1638 = arith.cmpf ogt, %slice3A_1637, %max3A_1633 : vector<8x2048xf32>
    %min3A_1639 = arith.minimumf %max3A_1633, %slice3A_1637 : vector<8x2048xf32>
    %max3A_1640 = arith.maximumf %max3A_1632, %min3A_1639 : vector<8x2048xf32>
    %max3A_1641 = arith.maximumf %max3A_1633, %slice3A_1637 : vector<8x2048xf32>
    %jit3A_1642 = arith.constant 202 : i32
    %broadcast_in_dim3A_1643 = vector.broadcast %jit3A_1642 : i32 to vector<8x2048xi32>
    %select_n3A_1644 = arith.select %gt3A_1638, %broadcast_in_dim3A_1643, %select_n3A_1636 : vector<8x2048xi1>, vector<8x2048xi32>
    %slice3A_1645 = vector.extract_strided_slice %dot_general3A_20 {offsets = [1624, 0], sizes = [8, 2048], strides = [1, 1]} : vector<2048x2048xf32> to vector<8x2048xf32>
    %gt3A_1646 = arith.cmpf ogt, %slice3A_1645, %max3A_1641 : vector<8x2048xf32>
    %min3A_1647 = arith.minimumf %max3A_1641, %slice3A_1645 : vector<8x2048xf32>
    %max3A_1648 = arith.maximumf %max3A_1640, %min3A_1647 : vector<8x2048xf32>
    %max3A_1649 = arith.maximumf %max3A_1641, %slice3A_1645 : vector<8x2048xf32>
    %jit3A_1650 = arith.constant 203 : i32
    %broadcast_in_dim3A_1651 = vector.broadcast %jit3A_1650 : i32 to vector<8x2048xi32>
    %select_n3A_1652 = arith.select %gt3A_1646, %broadcast_in_dim3A_1651, %select_n3A_1644 : vector<8x2048xi1>, vector<8x2048xi32>
    %slice3A_1653 = vector.extract_strided_slice %dot_general3A_20 {offsets = [1632, 0], sizes = [8, 2048], strides = [1, 1]} : vector<2048x2048xf32> to vector<8x2048xf32>
    %gt3A_1654 = arith.cmpf ogt, %slice3A_1653, %max3A_1649 : vector<8x2048xf32>
    %min3A_1655 = arith.minimumf %max3A_1649, %slice3A_1653 : vector<8x2048xf32>
    %max3A_1656 = arith.maximumf %max3A_1648, %min3A_1655 : vector<8x2048xf32>
    %max3A_1657 = arith.maximumf %max3A_1649, %slice3A_1653 : vector<8x2048xf32>
    %jit3A_1658 = arith.constant 204 : i32
    %broadcast_in_dim3A_1659 = vector.broadcast %jit3A_1658 : i32 to vector<8x2048xi32>
    %select_n3A_1660 = arith.select %gt3A_1654, %broadcast_in_dim3A_1659, %select_n3A_1652 : vector<8x2048xi1>, vector<8x2048xi32>
    %slice3A_1661 = vector.extract_strided_slice %dot_general3A_20 {offsets = [1640, 0], sizes = [8, 2048], strides = [1, 1]} : vector<2048x2048xf32> to vector<8x2048xf32>
    %gt3A_1662 = arith.cmpf ogt, %slice3A_1661, %max3A_1657 : vector<8x2048xf32>
    %min3A_1663 = arith.minimumf %max3A_1657, %slice3A_1661 : vector<8x2048xf32>
    %max3A_1664 = arith.maximumf %max3A_1656, %min3A_1663 : vector<8x2048xf32>
    %max3A_1665 = arith.maximumf %max3A_1657, %slice3A_1661 : vector<8x2048xf32>
    %jit3A_1666 = arith.constant 205 : i32
    %broadcast_in_dim3A_1667 = vector.broadcast %jit3A_1666 : i32 to vector<8x2048xi32>
    %select_n3A_1668 = arith.select %gt3A_1662, %broadcast_in_dim3A_1667, %select_n3A_1660 : vector<8x2048xi1>, vector<8x2048xi32>
    %slice3A_1669 = vector.extract_strided_slice %dot_general3A_20 {offsets = [1648, 0], sizes = [8, 2048], strides = [1, 1]} : vector<2048x2048xf32> to vector<8x2048xf32>
    %gt3A_1670 = arith.cmpf ogt, %slice3A_1669, %max3A_1665 : vector<8x2048xf32>
    %min3A_1671 = arith.minimumf %max3A_1665, %slice3A_1669 : vector<8x2048xf32>
    %max3A_1672 = arith.maximumf %max3A_1664, %min3A_1671 : vector<8x2048xf32>
    %max3A_1673 = arith.maximumf %max3A_1665, %slice3A_1669 : vector<8x2048xf32>
    %jit3A_1674 = arith.constant 206 : i32
    %broadcast_in_dim3A_1675 = vector.broadcast %jit3A_1674 : i32 to vector<8x2048xi32>
    %select_n3A_1676 = arith.select %gt3A_1670, %broadcast_in_dim3A_1675, %select_n3A_1668 : vector<8x2048xi1>, vector<8x2048xi32>
    %slice3A_1677 = vector.extract_strided_slice %dot_general3A_20 {offsets = [1656, 0], sizes = [8, 2048], strides = [1, 1]} : vector<2048x2048xf32> to vector<8x2048xf32>
    %gt3A_1678 = arith.cmpf ogt, %slice3A_1677, %max3A_1673 : vector<8x2048xf32>
    %min3A_1679 = arith.minimumf %max3A_1673, %slice3A_1677 : vector<8x2048xf32>
    %max3A_1680 = arith.maximumf %max3A_1672, %min3A_1679 : vector<8x2048xf32>
    %max3A_1681 = arith.maximumf %max3A_1673, %slice3A_1677 : vector<8x2048xf32>
    %jit3A_1682 = arith.constant 207 : i32
    %broadcast_in_dim3A_1683 = vector.broadcast %jit3A_1682 : i32 to vector<8x2048xi32>
    %select_n3A_1684 = arith.select %gt3A_1678, %broadcast_in_dim3A_1683, %select_n3A_1676 : vector<8x2048xi1>, vector<8x2048xi32>
    %slice3A_1685 = vector.extract_strided_slice %dot_general3A_20 {offsets = [1664, 0], sizes = [8, 2048], strides = [1, 1]} : vector<2048x2048xf32> to vector<8x2048xf32>
    %gt3A_1686 = arith.cmpf ogt, %slice3A_1685, %max3A_1681 : vector<8x2048xf32>
    %min3A_1687 = arith.minimumf %max3A_1681, %slice3A_1685 : vector<8x2048xf32>
    %max3A_1688 = arith.maximumf %max3A_1680, %min3A_1687 : vector<8x2048xf32>
    %max3A_1689 = arith.maximumf %max3A_1681, %slice3A_1685 : vector<8x2048xf32>
    %jit3A_1690 = arith.constant 208 : i32
    %broadcast_in_dim3A_1691 = vector.broadcast %jit3A_1690 : i32 to vector<8x2048xi32>
    %select_n3A_1692 = arith.select %gt3A_1686, %broadcast_in_dim3A_1691, %select_n3A_1684 : vector<8x2048xi1>, vector<8x2048xi32>
    %slice3A_1693 = vector.extract_strided_slice %dot_general3A_20 {offsets = [1672, 0], sizes = [8, 2048], strides = [1, 1]} : vector<2048x2048xf32> to vector<8x2048xf32>
    %gt3A_1694 = arith.cmpf ogt, %slice3A_1693, %max3A_1689 : vector<8x2048xf32>
    %min3A_1695 = arith.minimumf %max3A_1689, %slice3A_1693 : vector<8x2048xf32>
    %max3A_1696 = arith.maximumf %max3A_1688, %min3A_1695 : vector<8x2048xf32>
    %max3A_1697 = arith.maximumf %max3A_1689, %slice3A_1693 : vector<8x2048xf32>
    %jit3A_1698 = arith.constant 209 : i32
    %broadcast_in_dim3A_1699 = vector.broadcast %jit3A_1698 : i32 to vector<8x2048xi32>
    %select_n3A_1700 = arith.select %gt3A_1694, %broadcast_in_dim3A_1699, %select_n3A_1692 : vector<8x2048xi1>, vector<8x2048xi32>
    %slice3A_1701 = vector.extract_strided_slice %dot_general3A_20 {offsets = [1680, 0], sizes = [8, 2048], strides = [1, 1]} : vector<2048x2048xf32> to vector<8x2048xf32>
    %gt3A_1702 = arith.cmpf ogt, %slice3A_1701, %max3A_1697 : vector<8x2048xf32>
    %min3A_1703 = arith.minimumf %max3A_1697, %slice3A_1701 : vector<8x2048xf32>
    %max3A_1704 = arith.maximumf %max3A_1696, %min3A_1703 : vector<8x2048xf32>
    %max3A_1705 = arith.maximumf %max3A_1697, %slice3A_1701 : vector<8x2048xf32>
    %jit3A_1706 = arith.constant 210 : i32
    %broadcast_in_dim3A_1707 = vector.broadcast %jit3A_1706 : i32 to vector<8x2048xi32>
    %select_n3A_1708 = arith.select %gt3A_1702, %broadcast_in_dim3A_1707, %select_n3A_1700 : vector<8x2048xi1>, vector<8x2048xi32>
    %slice3A_1709 = vector.extract_strided_slice %dot_general3A_20 {offsets = [1688, 0], sizes = [8, 2048], strides = [1, 1]} : vector<2048x2048xf32> to vector<8x2048xf32>
    %gt3A_1710 = arith.cmpf ogt, %slice3A_1709, %max3A_1705 : vector<8x2048xf32>
    %min3A_1711 = arith.minimumf %max3A_1705, %slice3A_1709 : vector<8x2048xf32>
    %max3A_1712 = arith.maximumf %max3A_1704, %min3A_1711 : vector<8x2048xf32>
    %max3A_1713 = arith.maximumf %max3A_1705, %slice3A_1709 : vector<8x2048xf32>
    %jit3A_1714 = arith.constant 211 : i32
    %broadcast_in_dim3A_1715 = vector.broadcast %jit3A_1714 : i32 to vector<8x2048xi32>
    %select_n3A_1716 = arith.select %gt3A_1710, %broadcast_in_dim3A_1715, %select_n3A_1708 : vector<8x2048xi1>, vector<8x2048xi32>
    %slice3A_1717 = vector.extract_strided_slice %dot_general3A_20 {offsets = [1696, 0], sizes = [8, 2048], strides = [1, 1]} : vector<2048x2048xf32> to vector<8x2048xf32>
    %gt3A_1718 = arith.cmpf ogt, %slice3A_1717, %max3A_1713 : vector<8x2048xf32>
    %min3A_1719 = arith.minimumf %max3A_1713, %slice3A_1717 : vector<8x2048xf32>
    %max3A_1720 = arith.maximumf %max3A_1712, %min3A_1719 : vector<8x2048xf32>
    %max3A_1721 = arith.maximumf %max3A_1713, %slice3A_1717 : vector<8x2048xf32>
    %jit3A_1722 = arith.constant 212 : i32
    %broadcast_in_dim3A_1723 = vector.broadcast %jit3A_1722 : i32 to vector<8x2048xi32>
    %select_n3A_1724 = arith.select %gt3A_1718, %broadcast_in_dim3A_1723, %select_n3A_1716 : vector<8x2048xi1>, vector<8x2048xi32>
    %slice3A_1725 = vector.extract_strided_slice %dot_general3A_20 {offsets = [1704, 0], sizes = [8, 2048], strides = [1, 1]} : vector<2048x2048xf32> to vector<8x2048xf32>
    %gt3A_1726 = arith.cmpf ogt, %slice3A_1725, %max3A_1721 : vector<8x2048xf32>
    %min3A_1727 = arith.minimumf %max3A_1721, %slice3A_1725 : vector<8x2048xf32>
    %max3A_1728 = arith.maximumf %max3A_1720, %min3A_1727 : vector<8x2048xf32>
    %max3A_1729 = arith.maximumf %max3A_1721, %slice3A_1725 : vector<8x2048xf32>
    %jit3A_1730 = arith.constant 213 : i32
    %broadcast_in_dim3A_1731 = vector.broadcast %jit3A_1730 : i32 to vector<8x2048xi32>
    %select_n3A_1732 = arith.select %gt3A_1726, %broadcast_in_dim3A_1731, %select_n3A_1724 : vector<8x2048xi1>, vector<8x2048xi32>
    %slice3A_1733 = vector.extract_strided_slice %dot_general3A_20 {offsets = [1712, 0], sizes = [8, 2048], strides = [1, 1]} : vector<2048x2048xf32> to vector<8x2048xf32>
    %gt3A_1734 = arith.cmpf ogt, %slice3A_1733, %max3A_1729 : vector<8x2048xf32>
    %min3A_1735 = arith.minimumf %max3A_1729, %slice3A_1733 : vector<8x2048xf32>
    %max3A_1736 = arith.maximumf %max3A_1728, %min3A_1735 : vector<8x2048xf32>
    %max3A_1737 = arith.maximumf %max3A_1729, %slice3A_1733 : vector<8x2048xf32>
    %jit3A_1738 = arith.constant 214 : i32
    %broadcast_in_dim3A_1739 = vector.broadcast %jit3A_1738 : i32 to vector<8x2048xi32>
    %select_n3A_1740 = arith.select %gt3A_1734, %broadcast_in_dim3A_1739, %select_n3A_1732 : vector<8x2048xi1>, vector<8x2048xi32>
    %slice3A_1741 = vector.extract_strided_slice %dot_general3A_20 {offsets = [1720, 0], sizes = [8, 2048], strides = [1, 1]} : vector<2048x2048xf32> to vector<8x2048xf32>
    %gt3A_1742 = arith.cmpf ogt, %slice3A_1741, %max3A_1737 : vector<8x2048xf32>
    %min3A_1743 = arith.minimumf %max3A_1737, %slice3A_1741 : vector<8x2048xf32>
    %max3A_1744 = arith.maximumf %max3A_1736, %min3A_1743 : vector<8x2048xf32>
    %max3A_1745 = arith.maximumf %max3A_1737, %slice3A_1741 : vector<8x2048xf32>
    %jit3A_1746 = arith.constant 215 : i32
    %broadcast_in_dim3A_1747 = vector.broadcast %jit3A_1746 : i32 to vector<8x2048xi32>
    %select_n3A_1748 = arith.select %gt3A_1742, %broadcast_in_dim3A_1747, %select_n3A_1740 : vector<8x2048xi1>, vector<8x2048xi32>
    %slice3A_1749 = vector.extract_strided_slice %dot_general3A_20 {offsets = [1728, 0], sizes = [8, 2048], strides = [1, 1]} : vector<2048x2048xf32> to vector<8x2048xf32>
    %gt3A_1750 = arith.cmpf ogt, %slice3A_1749, %max3A_1745 : vector<8x2048xf32>
    %min3A_1751 = arith.minimumf %max3A_1745, %slice3A_1749 : vector<8x2048xf32>
    %max3A_1752 = arith.maximumf %max3A_1744, %min3A_1751 : vector<8x2048xf32>
    %max3A_1753 = arith.maximumf %max3A_1745, %slice3A_1749 : vector<8x2048xf32>
    %jit3A_1754 = arith.constant 216 : i32
    %broadcast_in_dim3A_1755 = vector.broadcast %jit3A_1754 : i32 to vector<8x2048xi32>
    %select_n3A_1756 = arith.select %gt3A_1750, %broadcast_in_dim3A_1755, %select_n3A_1748 : vector<8x2048xi1>, vector<8x2048xi32>
    %slice3A_1757 = vector.extract_strided_slice %dot_general3A_20 {offsets = [1736, 0], sizes = [8, 2048], strides = [1, 1]} : vector<2048x2048xf32> to vector<8x2048xf32>
    %gt3A_1758 = arith.cmpf ogt, %slice3A_1757, %max3A_1753 : vector<8x2048xf32>
    %min3A_1759 = arith.minimumf %max3A_1753, %slice3A_1757 : vector<8x2048xf32>
    %max3A_1760 = arith.maximumf %max3A_1752, %min3A_1759 : vector<8x2048xf32>
    %max3A_1761 = arith.maximumf %max3A_1753, %slice3A_1757 : vector<8x2048xf32>
    %jit3A_1762 = arith.constant 217 : i32
    %broadcast_in_dim3A_1763 = vector.broadcast %jit3A_1762 : i32 to vector<8x2048xi32>
    %select_n3A_1764 = arith.select %gt3A_1758, %broadcast_in_dim3A_1763, %select_n3A_1756 : vector<8x2048xi1>, vector<8x2048xi32>
    %slice3A_1765 = vector.extract_strided_slice %dot_general3A_20 {offsets = [1744, 0], sizes = [8, 2048], strides = [1, 1]} : vector<2048x2048xf32> to vector<8x2048xf32>
    %gt3A_1766 = arith.cmpf ogt, %slice3A_1765, %max3A_1761 : vector<8x2048xf32>
    %min3A_1767 = arith.minimumf %max3A_1761, %slice3A_1765 : vector<8x2048xf32>
    %max3A_1768 = arith.maximumf %max3A_1760, %min3A_1767 : vector<8x2048xf32>
    %max3A_1769 = arith.maximumf %max3A_1761, %slice3A_1765 : vector<8x2048xf32>
    %jit3A_1770 = arith.constant 218 : i32
    %broadcast_in_dim3A_1771 = vector.broadcast %jit3A_1770 : i32 to vector<8x2048xi32>
    %select_n3A_1772 = arith.select %gt3A_1766, %broadcast_in_dim3A_1771, %select_n3A_1764 : vector<8x2048xi1>, vector<8x2048xi32>
    %slice3A_1773 = vector.extract_strided_slice %dot_general3A_20 {offsets = [1752, 0], sizes = [8, 2048], strides = [1, 1]} : vector<2048x2048xf32> to vector<8x2048xf32>
    %gt3A_1774 = arith.cmpf ogt, %slice3A_1773, %max3A_1769 : vector<8x2048xf32>
    %min3A_1775 = arith.minimumf %max3A_1769, %slice3A_1773 : vector<8x2048xf32>
    %max3A_1776 = arith.maximumf %max3A_1768, %min3A_1775 : vector<8x2048xf32>
    %max3A_1777 = arith.maximumf %max3A_1769, %slice3A_1773 : vector<8x2048xf32>
    %jit3A_1778 = arith.constant 219 : i32
    %broadcast_in_dim3A_1779 = vector.broadcast %jit3A_1778 : i32 to vector<8x2048xi32>
    %select_n3A_1780 = arith.select %gt3A_1774, %broadcast_in_dim3A_1779, %select_n3A_1772 : vector<8x2048xi1>, vector<8x2048xi32>
    %slice3A_1781 = vector.extract_strided_slice %dot_general3A_20 {offsets = [1760, 0], sizes = [8, 2048], strides = [1, 1]} : vector<2048x2048xf32> to vector<8x2048xf32>
    %gt3A_1782 = arith.cmpf ogt, %slice3A_1781, %max3A_1777 : vector<8x2048xf32>
    %min3A_1783 = arith.minimumf %max3A_1777, %slice3A_1781 : vector<8x2048xf32>
    %max3A_1784 = arith.maximumf %max3A_1776, %min3A_1783 : vector<8x2048xf32>
    %max3A_1785 = arith.maximumf %max3A_1777, %slice3A_1781 : vector<8x2048xf32>
    %jit3A_1786 = arith.constant 220 : i32
    %broadcast_in_dim3A_1787 = vector.broadcast %jit3A_1786 : i32 to vector<8x2048xi32>
    %select_n3A_1788 = arith.select %gt3A_1782, %broadcast_in_dim3A_1787, %select_n3A_1780 : vector<8x2048xi1>, vector<8x2048xi32>
    %slice3A_1789 = vector.extract_strided_slice %dot_general3A_20 {offsets = [1768, 0], sizes = [8, 2048], strides = [1, 1]} : vector<2048x2048xf32> to vector<8x2048xf32>
    %gt3A_1790 = arith.cmpf ogt, %slice3A_1789, %max3A_1785 : vector<8x2048xf32>
    %min3A_1791 = arith.minimumf %max3A_1785, %slice3A_1789 : vector<8x2048xf32>
    %max3A_1792 = arith.maximumf %max3A_1784, %min3A_1791 : vector<8x2048xf32>
    %max3A_1793 = arith.maximumf %max3A_1785, %slice3A_1789 : vector<8x2048xf32>
    %jit3A_1794 = arith.constant 221 : i32
    %broadcast_in_dim3A_1795 = vector.broadcast %jit3A_1794 : i32 to vector<8x2048xi32>
    %select_n3A_1796 = arith.select %gt3A_1790, %broadcast_in_dim3A_1795, %select_n3A_1788 : vector<8x2048xi1>, vector<8x2048xi32>
    %slice3A_1797 = vector.extract_strided_slice %dot_general3A_20 {offsets = [1776, 0], sizes = [8, 2048], strides = [1, 1]} : vector<2048x2048xf32> to vector<8x2048xf32>
    %gt3A_1798 = arith.cmpf ogt, %slice3A_1797, %max3A_1793 : vector<8x2048xf32>
    %min3A_1799 = arith.minimumf %max3A_1793, %slice3A_1797 : vector<8x2048xf32>
    %max3A_1800 = arith.maximumf %max3A_1792, %min3A_1799 : vector<8x2048xf32>
    %max3A_1801 = arith.maximumf %max3A_1793, %slice3A_1797 : vector<8x2048xf32>
    %jit3A_1802 = arith.constant 222 : i32
    %broadcast_in_dim3A_1803 = vector.broadcast %jit3A_1802 : i32 to vector<8x2048xi32>
    %select_n3A_1804 = arith.select %gt3A_1798, %broadcast_in_dim3A_1803, %select_n3A_1796 : vector<8x2048xi1>, vector<8x2048xi32>
    %slice3A_1805 = vector.extract_strided_slice %dot_general3A_20 {offsets = [1784, 0], sizes = [8, 2048], strides = [1, 1]} : vector<2048x2048xf32> to vector<8x2048xf32>
    %gt3A_1806 = arith.cmpf ogt, %slice3A_1805, %max3A_1801 : vector<8x2048xf32>
    %min3A_1807 = arith.minimumf %max3A_1801, %slice3A_1805 : vector<8x2048xf32>
    %max3A_1808 = arith.maximumf %max3A_1800, %min3A_1807 : vector<8x2048xf32>
    %max3A_1809 = arith.maximumf %max3A_1801, %slice3A_1805 : vector<8x2048xf32>
    %jit3A_1810 = arith.constant 223 : i32
    %broadcast_in_dim3A_1811 = vector.broadcast %jit3A_1810 : i32 to vector<8x2048xi32>
    %select_n3A_1812 = arith.select %gt3A_1806, %broadcast_in_dim3A_1811, %select_n3A_1804 : vector<8x2048xi1>, vector<8x2048xi32>
    %slice3A_1813 = vector.extract_strided_slice %dot_general3A_20 {offsets = [1792, 0], sizes = [8, 2048], strides = [1, 1]} : vector<2048x2048xf32> to vector<8x2048xf32>
    %gt3A_1814 = arith.cmpf ogt, %slice3A_1813, %max3A_1809 : vector<8x2048xf32>
    %min3A_1815 = arith.minimumf %max3A_1809, %slice3A_1813 : vector<8x2048xf32>
    %max3A_1816 = arith.maximumf %max3A_1808, %min3A_1815 : vector<8x2048xf32>
    %max3A_1817 = arith.maximumf %max3A_1809, %slice3A_1813 : vector<8x2048xf32>
    %jit3A_1818 = arith.constant 224 : i32
    %broadcast_in_dim3A_1819 = vector.broadcast %jit3A_1818 : i32 to vector<8x2048xi32>
    %select_n3A_1820 = arith.select %gt3A_1814, %broadcast_in_dim3A_1819, %select_n3A_1812 : vector<8x2048xi1>, vector<8x2048xi32>
    %slice3A_1821 = vector.extract_strided_slice %dot_general3A_20 {offsets = [1800, 0], sizes = [8, 2048], strides = [1, 1]} : vector<2048x2048xf32> to vector<8x2048xf32>
    %gt3A_1822 = arith.cmpf ogt, %slice3A_1821, %max3A_1817 : vector<8x2048xf32>
    %min3A_1823 = arith.minimumf %max3A_1817, %slice3A_1821 : vector<8x2048xf32>
    %max3A_1824 = arith.maximumf %max3A_1816, %min3A_1823 : vector<8x2048xf32>
    %max3A_1825 = arith.maximumf %max3A_1817, %slice3A_1821 : vector<8x2048xf32>
    %jit3A_1826 = arith.constant 225 : i32
    %broadcast_in_dim3A_1827 = vector.broadcast %jit3A_1826 : i32 to vector<8x2048xi32>
    %select_n3A_1828 = arith.select %gt3A_1822, %broadcast_in_dim3A_1827, %select_n3A_1820 : vector<8x2048xi1>, vector<8x2048xi32>
    %slice3A_1829 = vector.extract_strided_slice %dot_general3A_20 {offsets = [1808, 0], sizes = [8, 2048], strides = [1, 1]} : vector<2048x2048xf32> to vector<8x2048xf32>
    %gt3A_1830 = arith.cmpf ogt, %slice3A_1829, %max3A_1825 : vector<8x2048xf32>
    %min3A_1831 = arith.minimumf %max3A_1825, %slice3A_1829 : vector<8x2048xf32>
    %max3A_1832 = arith.maximumf %max3A_1824, %min3A_1831 : vector<8x2048xf32>
    %max3A_1833 = arith.maximumf %max3A_1825, %slice3A_1829 : vector<8x2048xf32>
    %jit3A_1834 = arith.constant 226 : i32
    %broadcast_in_dim3A_1835 = vector.broadcast %jit3A_1834 : i32 to vector<8x2048xi32>
    %select_n3A_1836 = arith.select %gt3A_1830, %broadcast_in_dim3A_1835, %select_n3A_1828 : vector<8x2048xi1>, vector<8x2048xi32>
    %slice3A_1837 = vector.extract_strided_slice %dot_general3A_20 {offsets = [1816, 0], sizes = [8, 2048], strides = [1, 1]} : vector<2048x2048xf32> to vector<8x2048xf32>
    %gt3A_1838 = arith.cmpf ogt, %slice3A_1837, %max3A_1833 : vector<8x2048xf32>
    %min3A_1839 = arith.minimumf %max3A_1833, %slice3A_1837 : vector<8x2048xf32>
    %max3A_1840 = arith.maximumf %max3A_1832, %min3A_1839 : vector<8x2048xf32>
    %max3A_1841 = arith.maximumf %max3A_1833, %slice3A_1837 : vector<8x2048xf32>
    %jit3A_1842 = arith.constant 227 : i32
    %broadcast_in_dim3A_1843 = vector.broadcast %jit3A_1842 : i32 to vector<8x2048xi32>
    %select_n3A_1844 = arith.select %gt3A_1838, %broadcast_in_dim3A_1843, %select_n3A_1836 : vector<8x2048xi1>, vector<8x2048xi32>
    %slice3A_1845 = vector.extract_strided_slice %dot_general3A_20 {offsets = [1824, 0], sizes = [8, 2048], strides = [1, 1]} : vector<2048x2048xf32> to vector<8x2048xf32>
    %gt3A_1846 = arith.cmpf ogt, %slice3A_1845, %max3A_1841 : vector<8x2048xf32>
    %min3A_1847 = arith.minimumf %max3A_1841, %slice3A_1845 : vector<8x2048xf32>
    %max3A_1848 = arith.maximumf %max3A_1840, %min3A_1847 : vector<8x2048xf32>
    %max3A_1849 = arith.maximumf %max3A_1841, %slice3A_1845 : vector<8x2048xf32>
    %jit3A_1850 = arith.constant 228 : i32
    %broadcast_in_dim3A_1851 = vector.broadcast %jit3A_1850 : i32 to vector<8x2048xi32>
    %select_n3A_1852 = arith.select %gt3A_1846, %broadcast_in_dim3A_1851, %select_n3A_1844 : vector<8x2048xi1>, vector<8x2048xi32>
    %slice3A_1853 = vector.extract_strided_slice %dot_general3A_20 {offsets = [1832, 0], sizes = [8, 2048], strides = [1, 1]} : vector<2048x2048xf32> to vector<8x2048xf32>
    %gt3A_1854 = arith.cmpf ogt, %slice3A_1853, %max3A_1849 : vector<8x2048xf32>
    %min3A_1855 = arith.minimumf %max3A_1849, %slice3A_1853 : vector<8x2048xf32>
    %max3A_1856 = arith.maximumf %max3A_1848, %min3A_1855 : vector<8x2048xf32>
    %max3A_1857 = arith.maximumf %max3A_1849, %slice3A_1853 : vector<8x2048xf32>
    %jit3A_1858 = arith.constant 229 : i32
    %broadcast_in_dim3A_1859 = vector.broadcast %jit3A_1858 : i32 to vector<8x2048xi32>
    %select_n3A_1860 = arith.select %gt3A_1854, %broadcast_in_dim3A_1859, %select_n3A_1852 : vector<8x2048xi1>, vector<8x2048xi32>
    %slice3A_1861 = vector.extract_strided_slice %dot_general3A_20 {offsets = [1840, 0], sizes = [8, 2048], strides = [1, 1]} : vector<2048x2048xf32> to vector<8x2048xf32>
    %gt3A_1862 = arith.cmpf ogt, %slice3A_1861, %max3A_1857 : vector<8x2048xf32>
    %min3A_1863 = arith.minimumf %max3A_1857, %slice3A_1861 : vector<8x2048xf32>
    %max3A_1864 = arith.maximumf %max3A_1856, %min3A_1863 : vector<8x2048xf32>
    %max3A_1865 = arith.maximumf %max3A_1857, %slice3A_1861 : vector<8x2048xf32>
    %jit3A_1866 = arith.constant 230 : i32
    %broadcast_in_dim3A_1867 = vector.broadcast %jit3A_1866 : i32 to vector<8x2048xi32>
    %select_n3A_1868 = arith.select %gt3A_1862, %broadcast_in_dim3A_1867, %select_n3A_1860 : vector<8x2048xi1>, vector<8x2048xi32>
    %slice3A_1869 = vector.extract_strided_slice %dot_general3A_20 {offsets = [1848, 0], sizes = [8, 2048], strides = [1, 1]} : vector<2048x2048xf32> to vector<8x2048xf32>
    %gt3A_1870 = arith.cmpf ogt, %slice3A_1869, %max3A_1865 : vector<8x2048xf32>
    %min3A_1871 = arith.minimumf %max3A_1865, %slice3A_1869 : vector<8x2048xf32>
    %max3A_1872 = arith.maximumf %max3A_1864, %min3A_1871 : vector<8x2048xf32>
    %max3A_1873 = arith.maximumf %max3A_1865, %slice3A_1869 : vector<8x2048xf32>
    %jit3A_1874 = arith.constant 231 : i32
    %broadcast_in_dim3A_1875 = vector.broadcast %jit3A_1874 : i32 to vector<8x2048xi32>
    %select_n3A_1876 = arith.select %gt3A_1870, %broadcast_in_dim3A_1875, %select_n3A_1868 : vector<8x2048xi1>, vector<8x2048xi32>
    %slice3A_1877 = vector.extract_strided_slice %dot_general3A_20 {offsets = [1856, 0], sizes = [8, 2048], strides = [1, 1]} : vector<2048x2048xf32> to vector<8x2048xf32>
    %gt3A_1878 = arith.cmpf ogt, %slice3A_1877, %max3A_1873 : vector<8x2048xf32>
    %min3A_1879 = arith.minimumf %max3A_1873, %slice3A_1877 : vector<8x2048xf32>
    %max3A_1880 = arith.maximumf %max3A_1872, %min3A_1879 : vector<8x2048xf32>
    %max3A_1881 = arith.maximumf %max3A_1873, %slice3A_1877 : vector<8x2048xf32>
    %jit3A_1882 = arith.constant 232 : i32
    %broadcast_in_dim3A_1883 = vector.broadcast %jit3A_1882 : i32 to vector<8x2048xi32>
    %select_n3A_1884 = arith.select %gt3A_1878, %broadcast_in_dim3A_1883, %select_n3A_1876 : vector<8x2048xi1>, vector<8x2048xi32>
    %slice3A_1885 = vector.extract_strided_slice %dot_general3A_20 {offsets = [1864, 0], sizes = [8, 2048], strides = [1, 1]} : vector<2048x2048xf32> to vector<8x2048xf32>
    %gt3A_1886 = arith.cmpf ogt, %slice3A_1885, %max3A_1881 : vector<8x2048xf32>
    %min3A_1887 = arith.minimumf %max3A_1881, %slice3A_1885 : vector<8x2048xf32>
    %max3A_1888 = arith.maximumf %max3A_1880, %min3A_1887 : vector<8x2048xf32>
    %max3A_1889 = arith.maximumf %max3A_1881, %slice3A_1885 : vector<8x2048xf32>
    %jit3A_1890 = arith.constant 233 : i32
    %broadcast_in_dim3A_1891 = vector.broadcast %jit3A_1890 : i32 to vector<8x2048xi32>
    %select_n3A_1892 = arith.select %gt3A_1886, %broadcast_in_dim3A_1891, %select_n3A_1884 : vector<8x2048xi1>, vector<8x2048xi32>
    %slice3A_1893 = vector.extract_strided_slice %dot_general3A_20 {offsets = [1872, 0], sizes = [8, 2048], strides = [1, 1]} : vector<2048x2048xf32> to vector<8x2048xf32>
    %gt3A_1894 = arith.cmpf ogt, %slice3A_1893, %max3A_1889 : vector<8x2048xf32>
    %min3A_1895 = arith.minimumf %max3A_1889, %slice3A_1893 : vector<8x2048xf32>
    %max3A_1896 = arith.maximumf %max3A_1888, %min3A_1895 : vector<8x2048xf32>
    %max3A_1897 = arith.maximumf %max3A_1889, %slice3A_1893 : vector<8x2048xf32>
    %jit3A_1898 = arith.constant 234 : i32
    %broadcast_in_dim3A_1899 = vector.broadcast %jit3A_1898 : i32 to vector<8x2048xi32>
    %select_n3A_1900 = arith.select %gt3A_1894, %broadcast_in_dim3A_1899, %select_n3A_1892 : vector<8x2048xi1>, vector<8x2048xi32>
    %slice3A_1901 = vector.extract_strided_slice %dot_general3A_20 {offsets = [1880, 0], sizes = [8, 2048], strides = [1, 1]} : vector<2048x2048xf32> to vector<8x2048xf32>
    %gt3A_1902 = arith.cmpf ogt, %slice3A_1901, %max3A_1897 : vector<8x2048xf32>
    %min3A_1903 = arith.minimumf %max3A_1897, %slice3A_1901 : vector<8x2048xf32>
    %max3A_1904 = arith.maximumf %max3A_1896, %min3A_1903 : vector<8x2048xf32>
    %max3A_1905 = arith.maximumf %max3A_1897, %slice3A_1901 : vector<8x2048xf32>
    %jit3A_1906 = arith.constant 235 : i32
    %broadcast_in_dim3A_1907 = vector.broadcast %jit3A_1906 : i32 to vector<8x2048xi32>
    %select_n3A_1908 = arith.select %gt3A_1902, %broadcast_in_dim3A_1907, %select_n3A_1900 : vector<8x2048xi1>, vector<8x2048xi32>
    %slice3A_1909 = vector.extract_strided_slice %dot_general3A_20 {offsets = [1888, 0], sizes = [8, 2048], strides = [1, 1]} : vector<2048x2048xf32> to vector<8x2048xf32>
    %gt3A_1910 = arith.cmpf ogt, %slice3A_1909, %max3A_1905 : vector<8x2048xf32>
    %min3A_1911 = arith.minimumf %max3A_1905, %slice3A_1909 : vector<8x2048xf32>
    %max3A_1912 = arith.maximumf %max3A_1904, %min3A_1911 : vector<8x2048xf32>
    %max3A_1913 = arith.maximumf %max3A_1905, %slice3A_1909 : vector<8x2048xf32>
    %jit3A_1914 = arith.constant 236 : i32
    %broadcast_in_dim3A_1915 = vector.broadcast %jit3A_1914 : i32 to vector<8x2048xi32>
    %select_n3A_1916 = arith.select %gt3A_1910, %broadcast_in_dim3A_1915, %select_n3A_1908 : vector<8x2048xi1>, vector<8x2048xi32>
    %slice3A_1917 = vector.extract_strided_slice %dot_general3A_20 {offsets = [1896, 0], sizes = [8, 2048], strides = [1, 1]} : vector<2048x2048xf32> to vector<8x2048xf32>
    %gt3A_1918 = arith.cmpf ogt, %slice3A_1917, %max3A_1913 : vector<8x2048xf32>
    %min3A_1919 = arith.minimumf %max3A_1913, %slice3A_1917 : vector<8x2048xf32>
    %max3A_1920 = arith.maximumf %max3A_1912, %min3A_1919 : vector<8x2048xf32>
    %max3A_1921 = arith.maximumf %max3A_1913, %slice3A_1917 : vector<8x2048xf32>
    %jit3A_1922 = arith.constant 237 : i32
    %broadcast_in_dim3A_1923 = vector.broadcast %jit3A_1922 : i32 to vector<8x2048xi32>
    %select_n3A_1924 = arith.select %gt3A_1918, %broadcast_in_dim3A_1923, %select_n3A_1916 : vector<8x2048xi1>, vector<8x2048xi32>
    %slice3A_1925 = vector.extract_strided_slice %dot_general3A_20 {offsets = [1904, 0], sizes = [8, 2048], strides = [1, 1]} : vector<2048x2048xf32> to vector<8x2048xf32>
    %gt3A_1926 = arith.cmpf ogt, %slice3A_1925, %max3A_1921 : vector<8x2048xf32>
    %min3A_1927 = arith.minimumf %max3A_1921, %slice3A_1925 : vector<8x2048xf32>
    %max3A_1928 = arith.maximumf %max3A_1920, %min3A_1927 : vector<8x2048xf32>
    %max3A_1929 = arith.maximumf %max3A_1921, %slice3A_1925 : vector<8x2048xf32>
    %jit3A_1930 = arith.constant 238 : i32
    %broadcast_in_dim3A_1931 = vector.broadcast %jit3A_1930 : i32 to vector<8x2048xi32>
    %select_n3A_1932 = arith.select %gt3A_1926, %broadcast_in_dim3A_1931, %select_n3A_1924 : vector<8x2048xi1>, vector<8x2048xi32>
    %slice3A_1933 = vector.extract_strided_slice %dot_general3A_20 {offsets = [1912, 0], sizes = [8, 2048], strides = [1, 1]} : vector<2048x2048xf32> to vector<8x2048xf32>
    %gt3A_1934 = arith.cmpf ogt, %slice3A_1933, %max3A_1929 : vector<8x2048xf32>
    %min3A_1935 = arith.minimumf %max3A_1929, %slice3A_1933 : vector<8x2048xf32>
    %max3A_1936 = arith.maximumf %max3A_1928, %min3A_1935 : vector<8x2048xf32>
    %max3A_1937 = arith.maximumf %max3A_1929, %slice3A_1933 : vector<8x2048xf32>
    %jit3A_1938 = arith.constant 239 : i32
    %broadcast_in_dim3A_1939 = vector.broadcast %jit3A_1938 : i32 to vector<8x2048xi32>
    %select_n3A_1940 = arith.select %gt3A_1934, %broadcast_in_dim3A_1939, %select_n3A_1932 : vector<8x2048xi1>, vector<8x2048xi32>
    %slice3A_1941 = vector.extract_strided_slice %dot_general3A_20 {offsets = [1920, 0], sizes = [8, 2048], strides = [1, 1]} : vector<2048x2048xf32> to vector<8x2048xf32>
    %gt3A_1942 = arith.cmpf ogt, %slice3A_1941, %max3A_1937 : vector<8x2048xf32>
    %min3A_1943 = arith.minimumf %max3A_1937, %slice3A_1941 : vector<8x2048xf32>
    %max3A_1944 = arith.maximumf %max3A_1936, %min3A_1943 : vector<8x2048xf32>
    %max3A_1945 = arith.maximumf %max3A_1937, %slice3A_1941 : vector<8x2048xf32>
    %jit3A_1946 = arith.constant 240 : i32
    %broadcast_in_dim3A_1947 = vector.broadcast %jit3A_1946 : i32 to vector<8x2048xi32>
    %select_n3A_1948 = arith.select %gt3A_1942, %broadcast_in_dim3A_1947, %select_n3A_1940 : vector<8x2048xi1>, vector<8x2048xi32>
    %slice3A_1949 = vector.extract_strided_slice %dot_general3A_20 {offsets = [1928, 0], sizes = [8, 2048], strides = [1, 1]} : vector<2048x2048xf32> to vector<8x2048xf32>
    %gt3A_1950 = arith.cmpf ogt, %slice3A_1949, %max3A_1945 : vector<8x2048xf32>
    %min3A_1951 = arith.minimumf %max3A_1945, %slice3A_1949 : vector<8x2048xf32>
    %max3A_1952 = arith.maximumf %max3A_1944, %min3A_1951 : vector<8x2048xf32>
    %max3A_1953 = arith.maximumf %max3A_1945, %slice3A_1949 : vector<8x2048xf32>
    %jit3A_1954 = arith.constant 241 : i32
    %broadcast_in_dim3A_1955 = vector.broadcast %jit3A_1954 : i32 to vector<8x2048xi32>
    %select_n3A_1956 = arith.select %gt3A_1950, %broadcast_in_dim3A_1955, %select_n3A_1948 : vector<8x2048xi1>, vector<8x2048xi32>
    %slice3A_1957 = vector.extract_strided_slice %dot_general3A_20 {offsets = [1936, 0], sizes = [8, 2048], strides = [1, 1]} : vector<2048x2048xf32> to vector<8x2048xf32>
    %gt3A_1958 = arith.cmpf ogt, %slice3A_1957, %max3A_1953 : vector<8x2048xf32>
    %min3A_1959 = arith.minimumf %max3A_1953, %slice3A_1957 : vector<8x2048xf32>
    %max3A_1960 = arith.maximumf %max3A_1952, %min3A_1959 : vector<8x2048xf32>
    %max3A_1961 = arith.maximumf %max3A_1953, %slice3A_1957 : vector<8x2048xf32>
    %jit3A_1962 = arith.constant 242 : i32
    %broadcast_in_dim3A_1963 = vector.broadcast %jit3A_1962 : i32 to vector<8x2048xi32>
    %select_n3A_1964 = arith.select %gt3A_1958, %broadcast_in_dim3A_1963, %select_n3A_1956 : vector<8x2048xi1>, vector<8x2048xi32>
    %slice3A_1965 = vector.extract_strided_slice %dot_general3A_20 {offsets = [1944, 0], sizes = [8, 2048], strides = [1, 1]} : vector<2048x2048xf32> to vector<8x2048xf32>
    %gt3A_1966 = arith.cmpf ogt, %slice3A_1965, %max3A_1961 : vector<8x2048xf32>
    %min3A_1967 = arith.minimumf %max3A_1961, %slice3A_1965 : vector<8x2048xf32>
    %max3A_1968 = arith.maximumf %max3A_1960, %min3A_1967 : vector<8x2048xf32>
    %max3A_1969 = arith.maximumf %max3A_1961, %slice3A_1965 : vector<8x2048xf32>
    %jit3A_1970 = arith.constant 243 : i32
    %broadcast_in_dim3A_1971 = vector.broadcast %jit3A_1970 : i32 to vector<8x2048xi32>
    %select_n3A_1972 = arith.select %gt3A_1966, %broadcast_in_dim3A_1971, %select_n3A_1964 : vector<8x2048xi1>, vector<8x2048xi32>
    %slice3A_1973 = vector.extract_strided_slice %dot_general3A_20 {offsets = [1952, 0], sizes = [8, 2048], strides = [1, 1]} : vector<2048x2048xf32> to vector<8x2048xf32>
    %gt3A_1974 = arith.cmpf ogt, %slice3A_1973, %max3A_1969 : vector<8x2048xf32>
    %min3A_1975 = arith.minimumf %max3A_1969, %slice3A_1973 : vector<8x2048xf32>
    %max3A_1976 = arith.maximumf %max3A_1968, %min3A_1975 : vector<8x2048xf32>
    %max3A_1977 = arith.maximumf %max3A_1969, %slice3A_1973 : vector<8x2048xf32>
    %jit3A_1978 = arith.constant 244 : i32
    %broadcast_in_dim3A_1979 = vector.broadcast %jit3A_1978 : i32 to vector<8x2048xi32>
    %select_n3A_1980 = arith.select %gt3A_1974, %broadcast_in_dim3A_1979, %select_n3A_1972 : vector<8x2048xi1>, vector<8x2048xi32>
    %slice3A_1981 = vector.extract_strided_slice %dot_general3A_20 {offsets = [1960, 0], sizes = [8, 2048], strides = [1, 1]} : vector<2048x2048xf32> to vector<8x2048xf32>
    %gt3A_1982 = arith.cmpf ogt, %slice3A_1981, %max3A_1977 : vector<8x2048xf32>
    %min3A_1983 = arith.minimumf %max3A_1977, %slice3A_1981 : vector<8x2048xf32>
    %max3A_1984 = arith.maximumf %max3A_1976, %min3A_1983 : vector<8x2048xf32>
    %max3A_1985 = arith.maximumf %max3A_1977, %slice3A_1981 : vector<8x2048xf32>
    %jit3A_1986 = arith.constant 245 : i32
    %broadcast_in_dim3A_1987 = vector.broadcast %jit3A_1986 : i32 to vector<8x2048xi32>
    %select_n3A_1988 = arith.select %gt3A_1982, %broadcast_in_dim3A_1987, %select_n3A_1980 : vector<8x2048xi1>, vector<8x2048xi32>
    %slice3A_1989 = vector.extract_strided_slice %dot_general3A_20 {offsets = [1968, 0], sizes = [8, 2048], strides = [1, 1]} : vector<2048x2048xf32> to vector<8x2048xf32>
    %gt3A_1990 = arith.cmpf ogt, %slice3A_1989, %max3A_1985 : vector<8x2048xf32>
    %min3A_1991 = arith.minimumf %max3A_1985, %slice3A_1989 : vector<8x2048xf32>
    %max3A_1992 = arith.maximumf %max3A_1984, %min3A_1991 : vector<8x2048xf32>
    %max3A_1993 = arith.maximumf %max3A_1985, %slice3A_1989 : vector<8x2048xf32>
    %jit3A_1994 = arith.constant 246 : i32
    %broadcast_in_dim3A_1995 = vector.broadcast %jit3A_1994 : i32 to vector<8x2048xi32>
    %select_n3A_1996 = arith.select %gt3A_1990, %broadcast_in_dim3A_1995, %select_n3A_1988 : vector<8x2048xi1>, vector<8x2048xi32>
    %slice3A_1997 = vector.extract_strided_slice %dot_general3A_20 {offsets = [1976, 0], sizes = [8, 2048], strides = [1, 1]} : vector<2048x2048xf32> to vector<8x2048xf32>
    %gt3A_1998 = arith.cmpf ogt, %slice3A_1997, %max3A_1993 : vector<8x2048xf32>
    %min3A_1999 = arith.minimumf %max3A_1993, %slice3A_1997 : vector<8x2048xf32>
    %max3A_2000 = arith.maximumf %max3A_1992, %min3A_1999 : vector<8x2048xf32>
    %max3A_2001 = arith.maximumf %max3A_1993, %slice3A_1997 : vector<8x2048xf32>
    %jit3A_2002 = arith.constant 247 : i32
    %broadcast_in_dim3A_2003 = vector.broadcast %jit3A_2002 : i32 to vector<8x2048xi32>
    %select_n3A_2004 = arith.select %gt3A_1998, %broadcast_in_dim3A_2003, %select_n3A_1996 : vector<8x2048xi1>, vector<8x2048xi32>
    %slice3A_2005 = vector.extract_strided_slice %dot_general3A_20 {offsets = [1984, 0], sizes = [8, 2048], strides = [1, 1]} : vector<2048x2048xf32> to vector<8x2048xf32>
    %gt3A_2006 = arith.cmpf ogt, %slice3A_2005, %max3A_2001 : vector<8x2048xf32>
    %min3A_2007 = arith.minimumf %max3A_2001, %slice3A_2005 : vector<8x2048xf32>
    %max3A_2008 = arith.maximumf %max3A_2000, %min3A_2007 : vector<8x2048xf32>
    %max3A_2009 = arith.maximumf %max3A_2001, %slice3A_2005 : vector<8x2048xf32>
    %jit3A_2010 = arith.constant 248 : i32
    %broadcast_in_dim3A_2011 = vector.broadcast %jit3A_2010 : i32 to vector<8x2048xi32>
    %select_n3A_2012 = arith.select %gt3A_2006, %broadcast_in_dim3A_2011, %select_n3A_2004 : vector<8x2048xi1>, vector<8x2048xi32>
    %slice3A_2013 = vector.extract_strided_slice %dot_general3A_20 {offsets = [1992, 0], sizes = [8, 2048], strides = [1, 1]} : vector<2048x2048xf32> to vector<8x2048xf32>
    %gt3A_2014 = arith.cmpf ogt, %slice3A_2013, %max3A_2009 : vector<8x2048xf32>
    %min3A_2015 = arith.minimumf %max3A_2009, %slice3A_2013 : vector<8x2048xf32>
    %max3A_2016 = arith.maximumf %max3A_2008, %min3A_2015 : vector<8x2048xf32>
    %max3A_2017 = arith.maximumf %max3A_2009, %slice3A_2013 : vector<8x2048xf32>
    %jit3A_2018 = arith.constant 249 : i32
    %broadcast_in_dim3A_2019 = vector.broadcast %jit3A_2018 : i32 to vector<8x2048xi32>
    %select_n3A_2020 = arith.select %gt3A_2014, %broadcast_in_dim3A_2019, %select_n3A_2012 : vector<8x2048xi1>, vector<8x2048xi32>
    %slice3A_2021 = vector.extract_strided_slice %dot_general3A_20 {offsets = [2000, 0], sizes = [8, 2048], strides = [1, 1]} : vector<2048x2048xf32> to vector<8x2048xf32>
    %gt3A_2022 = arith.cmpf ogt, %slice3A_2021, %max3A_2017 : vector<8x2048xf32>
    %min3A_2023 = arith.minimumf %max3A_2017, %slice3A_2021 : vector<8x2048xf32>
    %max3A_2024 = arith.maximumf %max3A_2016, %min3A_2023 : vector<8x2048xf32>
    %max3A_2025 = arith.maximumf %max3A_2017, %slice3A_2021 : vector<8x2048xf32>
    %jit3A_2026 = arith.constant 250 : i32
    %broadcast_in_dim3A_2027 = vector.broadcast %jit3A_2026 : i32 to vector<8x2048xi32>
    %select_n3A_2028 = arith.select %gt3A_2022, %broadcast_in_dim3A_2027, %select_n3A_2020 : vector<8x2048xi1>, vector<8x2048xi32>
    %slice3A_2029 = vector.extract_strided_slice %dot_general3A_20 {offsets = [2008, 0], sizes = [8, 2048], strides = [1, 1]} : vector<2048x2048xf32> to vector<8x2048xf32>
    %gt3A_2030 = arith.cmpf ogt, %slice3A_2029, %max3A_2025 : vector<8x2048xf32>
    %min3A_2031 = arith.minimumf %max3A_2025, %slice3A_2029 : vector<8x2048xf32>
    %max3A_2032 = arith.maximumf %max3A_2024, %min3A_2031 : vector<8x2048xf32>
    %max3A_2033 = arith.maximumf %max3A_2025, %slice3A_2029 : vector<8x2048xf32>
    %jit3A_2034 = arith.constant 251 : i32
    %broadcast_in_dim3A_2035 = vector.broadcast %jit3A_2034 : i32 to vector<8x2048xi32>
    %select_n3A_2036 = arith.select %gt3A_2030, %broadcast_in_dim3A_2035, %select_n3A_2028 : vector<8x2048xi1>, vector<8x2048xi32>
    %slice3A_2037 = vector.extract_strided_slice %dot_general3A_20 {offsets = [2016, 0], sizes = [8, 2048], strides = [1, 1]} : vector<2048x2048xf32> to vector<8x2048xf32>
    %gt3A_2038 = arith.cmpf ogt, %slice3A_2037, %max3A_2033 : vector<8x2048xf32>
    %min3A_2039 = arith.minimumf %max3A_2033, %slice3A_2037 : vector<8x2048xf32>
    %max3A_2040 = arith.maximumf %max3A_2032, %min3A_2039 : vector<8x2048xf32>
    %max3A_2041 = arith.maximumf %max3A_2033, %slice3A_2037 : vector<8x2048xf32>
    %jit3A_2042 = arith.constant 252 : i32
    %broadcast_in_dim3A_2043 = vector.broadcast %jit3A_2042 : i32 to vector<8x2048xi32>
    %select_n3A_2044 = arith.select %gt3A_2038, %broadcast_in_dim3A_2043, %select_n3A_2036 : vector<8x2048xi1>, vector<8x2048xi32>
    %slice3A_2045 = vector.extract_strided_slice %dot_general3A_20 {offsets = [2024, 0], sizes = [8, 2048], strides = [1, 1]} : vector<2048x2048xf32> to vector<8x2048xf32>
    %gt3A_2046 = arith.cmpf ogt, %slice3A_2045, %max3A_2041 : vector<8x2048xf32>
    %min3A_2047 = arith.minimumf %max3A_2041, %slice3A_2045 : vector<8x2048xf32>
    %max3A_2048 = arith.maximumf %max3A_2040, %min3A_2047 : vector<8x2048xf32>
    %max3A_2049 = arith.maximumf %max3A_2041, %slice3A_2045 : vector<8x2048xf32>
    %jit3A_2050 = arith.constant 253 : i32
    %broadcast_in_dim3A_2051 = vector.broadcast %jit3A_2050 : i32 to vector<8x2048xi32>
    %select_n3A_2052 = arith.select %gt3A_2046, %broadcast_in_dim3A_2051, %select_n3A_2044 : vector<8x2048xi1>, vector<8x2048xi32>
    %slice3A_2053 = vector.extract_strided_slice %dot_general3A_20 {offsets = [2032, 0], sizes = [8, 2048], strides = [1, 1]} : vector<2048x2048xf32> to vector<8x2048xf32>
    %gt3A_2054 = arith.cmpf ogt, %slice3A_2053, %max3A_2049 : vector<8x2048xf32>
    %min3A_2055 = arith.minimumf %max3A_2049, %slice3A_2053 : vector<8x2048xf32>
    %max3A_2056 = arith.maximumf %max3A_2048, %min3A_2055 : vector<8x2048xf32>
    %max3A_2057 = arith.maximumf %max3A_2049, %slice3A_2053 : vector<8x2048xf32>
    %jit3A_2058 = arith.constant 254 : i32
    %broadcast_in_dim3A_2059 = vector.broadcast %jit3A_2058 : i32 to vector<8x2048xi32>
    %select_n3A_2060 = arith.select %gt3A_2054, %broadcast_in_dim3A_2059, %select_n3A_2052 : vector<8x2048xi1>, vector<8x2048xi32>
    %slice3A_2061 = vector.extract_strided_slice %dot_general3A_20 {offsets = [2040, 0], sizes = [8, 2048], strides = [1, 1]} : vector<2048x2048xf32> to vector<8x2048xf32>
    %gt3A_2062 = arith.cmpf ogt, %slice3A_2061, %max3A_2057 : vector<8x2048xf32>
    %min3A_2063 = arith.minimumf %max3A_2057, %slice3A_2061 : vector<8x2048xf32>
    %max3A_2064 = arith.maximumf %max3A_2056, %min3A_2063 : vector<8x2048xf32>
    %max3A_2065 = arith.maximumf %max3A_2057, %slice3A_2061 : vector<8x2048xf32>
    %jit3A_2066 = arith.constant 255 : i32
    %broadcast_in_dim3A_2067 = vector.broadcast %jit3A_2066 : i32 to vector<8x2048xi32>
    %select_n3A_2068 = arith.select %gt3A_2062, %broadcast_in_dim3A_2067, %select_n3A_2060 : vector<8x2048xi1>, vector<8x2048xi32>
    %iota3A = tpu.iota {dimensions = array<i32: 0>} : vector<8x2048xi32>
    %mul3A = arith.constant 8 : i32
    %mul3A_2069 = vector.broadcast %mul3A : i32 to vector<8x2048xi32>
    %mul3A_2070 = arith.muli %select_n3A_2068, %mul3A_2069 : vector<8x2048xi32>
    %add3A = arith.addi %mul3A_2070, %iota3A : vector<8x2048xi32>
    %reduce_max3A = arith.constant dense<0xFF800000> : vector<2048xf32>
    %reduce_max3A_2071 = vector.multi_reduction <maximumf>, %max3A_2065, %reduce_max3A [0] : vector<8x2048xf32> to vector<2048xf32>
    %broadcast_in_dim3A_2072 = vector.shape_cast %reduce_max3A_2071 : vector<2048xf32> to vector<1x2048xf32>
    %eq3A = vector.broadcast %broadcast_in_dim3A_2072 : vector<1x2048xf32> to vector<8x2048xf32>
    %eq3A_2073 = arith.cmpf oeq, %max3A_2065, %eq3A : vector<8x2048xf32>
    %jit3A_2074 = arith.constant 2048 : i32
    %broadcast_in_dim3A_2075 = vector.broadcast %jit3A_2074 : i32 to vector<8x2048xi32>
    %select_n3A_2076 = arith.select %eq3A_2073, %add3A, %broadcast_in_dim3A_2075 : vector<8x2048xi1>, vector<8x2048xi32>
    %reduce_min3A = arith.constant dense<2147483647> : vector<2048xi32>
    %reduce_min3A_2077 = vector.multi_reduction <minsi>, %select_n3A_2076, %reduce_min3A [0] : vector<8x2048xi32> to vector<2048xi32>
    %broadcast_in_dim3A_2078 = vector.shape_cast %reduce_min3A_2077 : vector<2048xi32> to vector<1x2048xi32>
    %and3A = arith.constant 7 : i32
    %and3A_2079 = vector.broadcast %and3A : i32 to vector<1x2048xi32>
    %and3A_2080 = arith.andi %broadcast_in_dim3A_2078, %and3A_2079 : vector<1x2048xi32>
    %eq3A_2081 = vector.broadcast %and3A_2080 : vector<1x2048xi32> to vector<8x2048xi32>
    %eq3A_2082 = arith.cmpi eq, %iota3A, %eq3A_2081 : vector<8x2048xi32>
    %jit3A_2083 = arith.constant 0xFF800000 : f32
    %broadcast_in_dim3A_2084 = vector.broadcast %jit3A_2083 : f32 to vector<8x2048xf32>
    %select_n3A_2085 = arith.select %eq3A_2082, %broadcast_in_dim3A_2084, %max3A_2065 : vector<8x2048xi1>, vector<8x2048xf32>
    %reduce_max3A_2086 = arith.constant dense<0xFF800000> : vector<2048xf32>
    %reduce_max3A_2087 = vector.multi_reduction <maximumf>, %select_n3A_2085, %reduce_max3A_2086 [0] : vector<8x2048xf32> to vector<2048xf32>
    %broadcast_in_dim3A_2088 = vector.shape_cast %reduce_max3A_2087 : vector<2048xf32> to vector<1x2048xf32>
    %reduce_max3A_2089 = arith.constant dense<0xFF800000> : vector<2048xf32>
    %reduce_max3A_2090 = vector.multi_reduction <maximumf>, %max3A_2064, %reduce_max3A_2089 [0] : vector<8x2048xf32> to vector<2048xf32>
    %broadcast_in_dim3A_2091 = vector.shape_cast %reduce_max3A_2090 : vector<2048xf32> to vector<1x2048xf32>
    %max3A_2092 = arith.maximumf %broadcast_in_dim3A_2088, %broadcast_in_dim3A_2091 : vector<1x2048xf32>
    %add3A_2093 = arith.constant 0 : i32
    %add3A_2094 = vector.broadcast %add3A_2093 : i32 to vector<1x2048xi32>
    %add3A_2095 = arith.addi %broadcast_in_dim3A_2078, %add3A_2094 : vector<1x2048xi32>
    %gt3A_2096 = arith.cmpf ogt, %broadcast_in_dim3A_2072, %broadcast_in_dim3A_9 : vector<1x2048xf32>
    %select_n3A_2097 = arith.select %gt3A_2096, %add3A_2095, %broadcast_in_dim3A_11 : vector<1x2048xi1>, vector<1x2048xi32>
    %min3A_2098 = arith.minimumf %broadcast_in_dim3A_9, %broadcast_in_dim3A_2072 : vector<1x2048xf32>
    %max3A_2099 = arith.maximumf %broadcast_in_dim3A_13, %max3A_2092 : vector<1x2048xf32>
    %max3A_2100 = arith.maximumf %min3A_2098, %max3A_2099 : vector<1x2048xf32>
    %max3A_2101 = arith.maximumf %broadcast_in_dim3A_9, %broadcast_in_dim3A_2072 : vector<1x2048xf32>
    %dot_general3A_2102 = arith.constant dense<0.000000e+00> : vector<2048x2048xf32>
    %dot_general3A_2103 = tpu.matmul %get3A_3, %get3A_8, %dot_general3A_2102 {dimension_numbers = #tpu.dot_dimension_numbers<[0], [0], [1], [1], [0, 1, 1, 1], [], []>, transpose_lhs_hint = false} : vector<256x2048xf32>, vector<256x2048xf32>, vector<2048x2048xf32> -> vector<2048x2048xf32>
    %broadcast_in_dim3A_2104 = arith.constant 0xFF800000 : f32
    %broadcast_in_dim3A_2105 = vector.broadcast %broadcast_in_dim3A_2104 : f32 to vector<8x2048xf32>
    %broadcast_in_dim3A_2106 = arith.constant 0 : i32
    %broadcast_in_dim3A_2107 = vector.broadcast %broadcast_in_dim3A_2106 : i32 to vector<8x2048xi32>
    %broadcast_in_dim3A_2108 = arith.constant 0xFF800000 : f32
    %broadcast_in_dim3A_2109 = vector.broadcast %broadcast_in_dim3A_2108 : f32 to vector<8x2048xf32>
    %slice3A_2110 = vector.extract_strided_slice %dot_general3A_2103 {offsets = [0, 0], sizes = [8, 2048], strides = [1, 1]} : vector<2048x2048xf32> to vector<8x2048xf32>
    %gt3A_2111 = arith.cmpf ogt, %slice3A_2110, %broadcast_in_dim3A_2105 : vector<8x2048xf32>
    %min3A_2112 = arith.minimumf %broadcast_in_dim3A_2105, %slice3A_2110 : vector<8x2048xf32>
    %max3A_2113 = arith.maximumf %broadcast_in_dim3A_2109, %min3A_2112 : vector<8x2048xf32>
    %max3A_2114 = arith.maximumf %broadcast_in_dim3A_2105, %slice3A_2110 : vector<8x2048xf32>
    %jit3A_2115 = arith.constant 0 : i32
    %broadcast_in_dim3A_2116 = vector.broadcast %jit3A_2115 : i32 to vector<8x2048xi32>
    %select_n3A_2117 = arith.select %gt3A_2111, %broadcast_in_dim3A_2116, %broadcast_in_dim3A_2107 : vector<8x2048xi1>, vector<8x2048xi32>
    %slice3A_2118 = vector.extract_strided_slice %dot_general3A_2103 {offsets = [8, 0], sizes = [8, 2048], strides = [1, 1]} : vector<2048x2048xf32> to vector<8x2048xf32>
    %gt3A_2119 = arith.cmpf ogt, %slice3A_2118, %max3A_2114 : vector<8x2048xf32>
    %min3A_2120 = arith.minimumf %max3A_2114, %slice3A_2118 : vector<8x2048xf32>
    %max3A_2121 = arith.maximumf %max3A_2113, %min3A_2120 : vector<8x2048xf32>
    %max3A_2122 = arith.maximumf %max3A_2114, %slice3A_2118 : vector<8x2048xf32>
    %jit3A_2123 = arith.constant 1 : i32
    %broadcast_in_dim3A_2124 = vector.broadcast %jit3A_2123 : i32 to vector<8x2048xi32>
    %select_n3A_2125 = arith.select %gt3A_2119, %broadcast_in_dim3A_2124, %select_n3A_2117 : vector<8x2048xi1>, vector<8x2048xi32>
    %slice3A_2126 = vector.extract_strided_slice %dot_general3A_2103 {offsets = [16, 0], sizes = [8, 2048], strides = [1, 1]} : vector<2048x2048xf32> to vector<8x2048xf32>
    %gt3A_2127 = arith.cmpf ogt, %slice3A_2126, %max3A_2122 : vector<8x2048xf32>
    %min3A_2128 = arith.minimumf %max3A_2122, %slice3A_2126 : vector<8x2048xf32>
    %max3A_2129 = arith.maximumf %max3A_2121, %min3A_2128 : vector<8x2048xf32>
    %max3A_2130 = arith.maximumf %max3A_2122, %slice3A_2126 : vector<8x2048xf32>
    %jit3A_2131 = arith.constant 2 : i32
    %broadcast_in_dim3A_2132 = vector.broadcast %jit3A_2131 : i32 to vector<8x2048xi32>
    %select_n3A_2133 = arith.select %gt3A_2127, %broadcast_in_dim3A_2132, %select_n3A_2125 : vector<8x2048xi1>, vector<8x2048xi32>
    %slice3A_2134 = vector.extract_strided_slice %dot_general3A_2103 {offsets = [24, 0], sizes = [8, 2048], strides = [1, 1]} : vector<2048x2048xf32> to vector<8x2048xf32>
    %gt3A_2135 = arith.cmpf ogt, %slice3A_2134, %max3A_2130 : vector<8x2048xf32>
    %min3A_2136 = arith.minimumf %max3A_2130, %slice3A_2134 : vector<8x2048xf32>
    %max3A_2137 = arith.maximumf %max3A_2129, %min3A_2136 : vector<8x2048xf32>
    %max3A_2138 = arith.maximumf %max3A_2130, %slice3A_2134 : vector<8x2048xf32>
    %jit3A_2139 = arith.constant 3 : i32
    %broadcast_in_dim3A_2140 = vector.broadcast %jit3A_2139 : i32 to vector<8x2048xi32>
    %select_n3A_2141 = arith.select %gt3A_2135, %broadcast_in_dim3A_2140, %select_n3A_2133 : vector<8x2048xi1>, vector<8x2048xi32>
    %slice3A_2142 = vector.extract_strided_slice %dot_general3A_2103 {offsets = [32, 0], sizes = [8, 2048], strides = [1, 1]} : vector<2048x2048xf32> to vector<8x2048xf32>
    %gt3A_2143 = arith.cmpf ogt, %slice3A_2142, %max3A_2138 : vector<8x2048xf32>
    %min3A_2144 = arith.minimumf %max3A_2138, %slice3A_2142 : vector<8x2048xf32>
    %max3A_2145 = arith.maximumf %max3A_2137, %min3A_2144 : vector<8x2048xf32>
    %max3A_2146 = arith.maximumf %max3A_2138, %slice3A_2142 : vector<8x2048xf32>
    %jit3A_2147 = arith.constant 4 : i32
    %broadcast_in_dim3A_2148 = vector.broadcast %jit3A_2147 : i32 to vector<8x2048xi32>
    %select_n3A_2149 = arith.select %gt3A_2143, %broadcast_in_dim3A_2148, %select_n3A_2141 : vector<8x2048xi1>, vector<8x2048xi32>
    %slice3A_2150 = vector.extract_strided_slice %dot_general3A_2103 {offsets = [40, 0], sizes = [8, 2048], strides = [1, 1]} : vector<2048x2048xf32> to vector<8x2048xf32>
    %gt3A_2151 = arith.cmpf ogt, %slice3A_2150, %max3A_2146 : vector<8x2048xf32>
    %min3A_2152 = arith.minimumf %max3A_2146, %slice3A_2150 : vector<8x2048xf32>
    %max3A_2153 = arith.maximumf %max3A_2145, %min3A_2152 : vector<8x2048xf32>
    %max3A_2154 = arith.maximumf %max3A_2146, %slice3A_2150 : vector<8x2048xf32>
    %jit3A_2155 = arith.constant 5 : i32
    %broadcast_in_dim3A_2156 = vector.broadcast %jit3A_2155 : i32 to vector<8x2048xi32>
    %select_n3A_2157 = arith.select %gt3A_2151, %broadcast_in_dim3A_2156, %select_n3A_2149 : vector<8x2048xi1>, vector<8x2048xi32>
    %slice3A_2158 = vector.extract_strided_slice %dot_general3A_2103 {offsets = [48, 0], sizes = [8, 2048], strides = [1, 1]} : vector<2048x2048xf32> to vector<8x2048xf32>
    %gt3A_2159 = arith.cmpf ogt, %slice3A_2158, %max3A_2154 : vector<8x2048xf32>
    %min3A_2160 = arith.minimumf %max3A_2154, %slice3A_2158 : vector<8x2048xf32>
    %max3A_2161 = arith.maximumf %max3A_2153, %min3A_2160 : vector<8x2048xf32>
    %max3A_2162 = arith.maximumf %max3A_2154, %slice3A_2158 : vector<8x2048xf32>
    %jit3A_2163 = arith.constant 6 : i32
    %broadcast_in_dim3A_2164 = vector.broadcast %jit3A_2163 : i32 to vector<8x2048xi32>
    %select_n3A_2165 = arith.select %gt3A_2159, %broadcast_in_dim3A_2164, %select_n3A_2157 : vector<8x2048xi1>, vector<8x2048xi32>
    %slice3A_2166 = vector.extract_strided_slice %dot_general3A_2103 {offsets = [56, 0], sizes = [8, 2048], strides = [1, 1]} : vector<2048x2048xf32> to vector<8x2048xf32>
    %gt3A_2167 = arith.cmpf ogt, %slice3A_2166, %max3A_2162 : vector<8x2048xf32>
    %min3A_2168 = arith.minimumf %max3A_2162, %slice3A_2166 : vector<8x2048xf32>
    %max3A_2169 = arith.maximumf %max3A_2161, %min3A_2168 : vector<8x2048xf32>
    %max3A_2170 = arith.maximumf %max3A_2162, %slice3A_2166 : vector<8x2048xf32>
    %jit3A_2171 = arith.constant 7 : i32
    %broadcast_in_dim3A_2172 = vector.broadcast %jit3A_2171 : i32 to vector<8x2048xi32>
    %select_n3A_2173 = arith.select %gt3A_2167, %broadcast_in_dim3A_2172, %select_n3A_2165 : vector<8x2048xi1>, vector<8x2048xi32>
    %slice3A_2174 = vector.extract_strided_slice %dot_general3A_2103 {offsets = [64, 0], sizes = [8, 2048], strides = [1, 1]} : vector<2048x2048xf32> to vector<8x2048xf32>
    %gt3A_2175 = arith.cmpf ogt, %slice3A_2174, %max3A_2170 : vector<8x2048xf32>
    %min3A_2176 = arith.minimumf %max3A_2170, %slice3A_2174 : vector<8x2048xf32>
    %max3A_2177 = arith.maximumf %max3A_2169, %min3A_2176 : vector<8x2048xf32>
    %max3A_2178 = arith.maximumf %max3A_2170, %slice3A_2174 : vector<8x2048xf32>
    %jit3A_2179 = arith.constant 8 : i32
    %broadcast_in_dim3A_2180 = vector.broadcast %jit3A_2179 : i32 to vector<8x2048xi32>
    %select_n3A_2181 = arith.select %gt3A_2175, %broadcast_in_dim3A_2180, %select_n3A_2173 : vector<8x2048xi1>, vector<8x2048xi32>
    %slice3A_2182 = vector.extract_strided_slice %dot_general3A_2103 {offsets = [72, 0], sizes = [8, 2048], strides = [1, 1]} : vector<2048x2048xf32> to vector<8x2048xf32>
    %gt3A_2183 = arith.cmpf ogt, %slice3A_2182, %max3A_2178 : vector<8x2048xf32>
    %min3A_2184 = arith.minimumf %max3A_2178, %slice3A_2182 : vector<8x2048xf32>
    %max3A_2185 = arith.maximumf %max3A_2177, %min3A_2184 : vector<8x2048xf32>
    %max3A_2186 = arith.maximumf %max3A_2178, %slice3A_2182 : vector<8x2048xf32>
    %jit3A_2187 = arith.constant 9 : i32
    %broadcast_in_dim3A_2188 = vector.broadcast %jit3A_2187 : i32 to vector<8x2048xi32>
    %select_n3A_2189 = arith.select %gt3A_2183, %broadcast_in_dim3A_2188, %select_n3A_2181 : vector<8x2048xi1>, vector<8x2048xi32>
    %slice3A_2190 = vector.extract_strided_slice %dot_general3A_2103 {offsets = [80, 0], sizes = [8, 2048], strides = [1, 1]} : vector<2048x2048xf32> to vector<8x2048xf32>
    %gt3A_2191 = arith.cmpf ogt, %slice3A_2190, %max3A_2186 : vector<8x2048xf32>
    %min3A_2192 = arith.minimumf %max3A_2186, %slice3A_2190 : vector<8x2048xf32>
    %max3A_2193 = arith.maximumf %max3A_2185, %min3A_2192 : vector<8x2048xf32>
    %max3A_2194 = arith.maximumf %max3A_2186, %slice3A_2190 : vector<8x2048xf32>
    %jit3A_2195 = arith.constant 10 : i32
    %broadcast_in_dim3A_2196 = vector.broadcast %jit3A_2195 : i32 to vector<8x2048xi32>
    %select_n3A_2197 = arith.select %gt3A_2191, %broadcast_in_dim3A_2196, %select_n3A_2189 : vector<8x2048xi1>, vector<8x2048xi32>
    %slice3A_2198 = vector.extract_strided_slice %dot_general3A_2103 {offsets = [88, 0], sizes = [8, 2048], strides = [1, 1]} : vector<2048x2048xf32> to vector<8x2048xf32>
    %gt3A_2199 = arith.cmpf ogt, %slice3A_2198, %max3A_2194 : vector<8x2048xf32>
    %min3A_2200 = arith.minimumf %max3A_2194, %slice3A_2198 : vector<8x2048xf32>
    %max3A_2201 = arith.maximumf %max3A_2193, %min3A_2200 : vector<8x2048xf32>
    %max3A_2202 = arith.maximumf %max3A_2194, %slice3A_2198 : vector<8x2048xf32>
    %jit3A_2203 = arith.constant 11 : i32
    %broadcast_in_dim3A_2204 = vector.broadcast %jit3A_2203 : i32 to vector<8x2048xi32>
    %select_n3A_2205 = arith.select %gt3A_2199, %broadcast_in_dim3A_2204, %select_n3A_2197 : vector<8x2048xi1>, vector<8x2048xi32>
    %slice3A_2206 = vector.extract_strided_slice %dot_general3A_2103 {offsets = [96, 0], sizes = [8, 2048], strides = [1, 1]} : vector<2048x2048xf32> to vector<8x2048xf32>
    %gt3A_2207 = arith.cmpf ogt, %slice3A_2206, %max3A_2202 : vector<8x2048xf32>
    %min3A_2208 = arith.minimumf %max3A_2202, %slice3A_2206 : vector<8x2048xf32>
    %max3A_2209 = arith.maximumf %max3A_2201, %min3A_2208 : vector<8x2048xf32>
    %max3A_2210 = arith.maximumf %max3A_2202, %slice3A_2206 : vector<8x2048xf32>
    %jit3A_2211 = arith.constant 12 : i32
    %broadcast_in_dim3A_2212 = vector.broadcast %jit3A_2211 : i32 to vector<8x2048xi32>
    %select_n3A_2213 = arith.select %gt3A_2207, %broadcast_in_dim3A_2212, %select_n3A_2205 : vector<8x2048xi1>, vector<8x2048xi32>
    %slice3A_2214 = vector.extract_strided_slice %dot_general3A_2103 {offsets = [104, 0], sizes = [8, 2048], strides = [1, 1]} : vector<2048x2048xf32> to vector<8x2048xf32>
    %gt3A_2215 = arith.cmpf ogt, %slice3A_2214, %max3A_2210 : vector<8x2048xf32>
    %min3A_2216 = arith.minimumf %max3A_2210, %slice3A_2214 : vector<8x2048xf32>
    %max3A_2217 = arith.maximumf %max3A_2209, %min3A_2216 : vector<8x2048xf32>
    %max3A_2218 = arith.maximumf %max3A_2210, %slice3A_2214 : vector<8x2048xf32>
    %jit3A_2219 = arith.constant 13 : i32
    %broadcast_in_dim3A_2220 = vector.broadcast %jit3A_2219 : i32 to vector<8x2048xi32>
    %select_n3A_2221 = arith.select %gt3A_2215, %broadcast_in_dim3A_2220, %select_n3A_2213 : vector<8x2048xi1>, vector<8x2048xi32>
    %slice3A_2222 = vector.extract_strided_slice %dot_general3A_2103 {offsets = [112, 0], sizes = [8, 2048], strides = [1, 1]} : vector<2048x2048xf32> to vector<8x2048xf32>
    %gt3A_2223 = arith.cmpf ogt, %slice3A_2222, %max3A_2218 : vector<8x2048xf32>
    %min3A_2224 = arith.minimumf %max3A_2218, %slice3A_2222 : vector<8x2048xf32>
    %max3A_2225 = arith.maximumf %max3A_2217, %min3A_2224 : vector<8x2048xf32>
    %max3A_2226 = arith.maximumf %max3A_2218, %slice3A_2222 : vector<8x2048xf32>
    %jit3A_2227 = arith.constant 14 : i32
    %broadcast_in_dim3A_2228 = vector.broadcast %jit3A_2227 : i32 to vector<8x2048xi32>
    %select_n3A_2229 = arith.select %gt3A_2223, %broadcast_in_dim3A_2228, %select_n3A_2221 : vector<8x2048xi1>, vector<8x2048xi32>
    %slice3A_2230 = vector.extract_strided_slice %dot_general3A_2103 {offsets = [120, 0], sizes = [8, 2048], strides = [1, 1]} : vector<2048x2048xf32> to vector<8x2048xf32>
    %gt3A_2231 = arith.cmpf ogt, %slice3A_2230, %max3A_2226 : vector<8x2048xf32>
    %min3A_2232 = arith.minimumf %max3A_2226, %slice3A_2230 : vector<8x2048xf32>
    %max3A_2233 = arith.maximumf %max3A_2225, %min3A_2232 : vector<8x2048xf32>
    %max3A_2234 = arith.maximumf %max3A_2226, %slice3A_2230 : vector<8x2048xf32>
    %jit3A_2235 = arith.constant 15 : i32
    %broadcast_in_dim3A_2236 = vector.broadcast %jit3A_2235 : i32 to vector<8x2048xi32>
    %select_n3A_2237 = arith.select %gt3A_2231, %broadcast_in_dim3A_2236, %select_n3A_2229 : vector<8x2048xi1>, vector<8x2048xi32>
    %slice3A_2238 = vector.extract_strided_slice %dot_general3A_2103 {offsets = [128, 0], sizes = [8, 2048], strides = [1, 1]} : vector<2048x2048xf32> to vector<8x2048xf32>
    %gt3A_2239 = arith.cmpf ogt, %slice3A_2238, %max3A_2234 : vector<8x2048xf32>
    %min3A_2240 = arith.minimumf %max3A_2234, %slice3A_2238 : vector<8x2048xf32>
    %max3A_2241 = arith.maximumf %max3A_2233, %min3A_2240 : vector<8x2048xf32>
    %max3A_2242 = arith.maximumf %max3A_2234, %slice3A_2238 : vector<8x2048xf32>
    %jit3A_2243 = arith.constant 16 : i32
    %broadcast_in_dim3A_2244 = vector.broadcast %jit3A_2243 : i32 to vector<8x2048xi32>
    %select_n3A_2245 = arith.select %gt3A_2239, %broadcast_in_dim3A_2244, %select_n3A_2237 : vector<8x2048xi1>, vector<8x2048xi32>
    %slice3A_2246 = vector.extract_strided_slice %dot_general3A_2103 {offsets = [136, 0], sizes = [8, 2048], strides = [1, 1]} : vector<2048x2048xf32> to vector<8x2048xf32>
    %gt3A_2247 = arith.cmpf ogt, %slice3A_2246, %max3A_2242 : vector<8x2048xf32>
    %min3A_2248 = arith.minimumf %max3A_2242, %slice3A_2246 : vector<8x2048xf32>
    %max3A_2249 = arith.maximumf %max3A_2241, %min3A_2248 : vector<8x2048xf32>
    %max3A_2250 = arith.maximumf %max3A_2242, %slice3A_2246 : vector<8x2048xf32>
    %jit3A_2251 = arith.constant 17 : i32
    %broadcast_in_dim3A_2252 = vector.broadcast %jit3A_2251 : i32 to vector<8x2048xi32>
    %select_n3A_2253 = arith.select %gt3A_2247, %broadcast_in_dim3A_2252, %select_n3A_2245 : vector<8x2048xi1>, vector<8x2048xi32>
    %slice3A_2254 = vector.extract_strided_slice %dot_general3A_2103 {offsets = [144, 0], sizes = [8, 2048], strides = [1, 1]} : vector<2048x2048xf32> to vector<8x2048xf32>
    %gt3A_2255 = arith.cmpf ogt, %slice3A_2254, %max3A_2250 : vector<8x2048xf32>
    %min3A_2256 = arith.minimumf %max3A_2250, %slice3A_2254 : vector<8x2048xf32>
    %max3A_2257 = arith.maximumf %max3A_2249, %min3A_2256 : vector<8x2048xf32>
    %max3A_2258 = arith.maximumf %max3A_2250, %slice3A_2254 : vector<8x2048xf32>
    %jit3A_2259 = arith.constant 18 : i32
    %broadcast_in_dim3A_2260 = vector.broadcast %jit3A_2259 : i32 to vector<8x2048xi32>
    %select_n3A_2261 = arith.select %gt3A_2255, %broadcast_in_dim3A_2260, %select_n3A_2253 : vector<8x2048xi1>, vector<8x2048xi32>
    %slice3A_2262 = vector.extract_strided_slice %dot_general3A_2103 {offsets = [152, 0], sizes = [8, 2048], strides = [1, 1]} : vector<2048x2048xf32> to vector<8x2048xf32>
    %gt3A_2263 = arith.cmpf ogt, %slice3A_2262, %max3A_2258 : vector<8x2048xf32>
    %min3A_2264 = arith.minimumf %max3A_2258, %slice3A_2262 : vector<8x2048xf32>
    %max3A_2265 = arith.maximumf %max3A_2257, %min3A_2264 : vector<8x2048xf32>
    %max3A_2266 = arith.maximumf %max3A_2258, %slice3A_2262 : vector<8x2048xf32>
    %jit3A_2267 = arith.constant 19 : i32
    %broadcast_in_dim3A_2268 = vector.broadcast %jit3A_2267 : i32 to vector<8x2048xi32>
    %select_n3A_2269 = arith.select %gt3A_2263, %broadcast_in_dim3A_2268, %select_n3A_2261 : vector<8x2048xi1>, vector<8x2048xi32>
    %slice3A_2270 = vector.extract_strided_slice %dot_general3A_2103 {offsets = [160, 0], sizes = [8, 2048], strides = [1, 1]} : vector<2048x2048xf32> to vector<8x2048xf32>
    %gt3A_2271 = arith.cmpf ogt, %slice3A_2270, %max3A_2266 : vector<8x2048xf32>
    %min3A_2272 = arith.minimumf %max3A_2266, %slice3A_2270 : vector<8x2048xf32>
    %max3A_2273 = arith.maximumf %max3A_2265, %min3A_2272 : vector<8x2048xf32>
    %max3A_2274 = arith.maximumf %max3A_2266, %slice3A_2270 : vector<8x2048xf32>
    %jit3A_2275 = arith.constant 20 : i32
    %broadcast_in_dim3A_2276 = vector.broadcast %jit3A_2275 : i32 to vector<8x2048xi32>
    %select_n3A_2277 = arith.select %gt3A_2271, %broadcast_in_dim3A_2276, %select_n3A_2269 : vector<8x2048xi1>, vector<8x2048xi32>
    %slice3A_2278 = vector.extract_strided_slice %dot_general3A_2103 {offsets = [168, 0], sizes = [8, 2048], strides = [1, 1]} : vector<2048x2048xf32> to vector<8x2048xf32>
    %gt3A_2279 = arith.cmpf ogt, %slice3A_2278, %max3A_2274 : vector<8x2048xf32>
    %min3A_2280 = arith.minimumf %max3A_2274, %slice3A_2278 : vector<8x2048xf32>
    %max3A_2281 = arith.maximumf %max3A_2273, %min3A_2280 : vector<8x2048xf32>
    %max3A_2282 = arith.maximumf %max3A_2274, %slice3A_2278 : vector<8x2048xf32>
    %jit3A_2283 = arith.constant 21 : i32
    %broadcast_in_dim3A_2284 = vector.broadcast %jit3A_2283 : i32 to vector<8x2048xi32>
    %select_n3A_2285 = arith.select %gt3A_2279, %broadcast_in_dim3A_2284, %select_n3A_2277 : vector<8x2048xi1>, vector<8x2048xi32>
    %slice3A_2286 = vector.extract_strided_slice %dot_general3A_2103 {offsets = [176, 0], sizes = [8, 2048], strides = [1, 1]} : vector<2048x2048xf32> to vector<8x2048xf32>
    %gt3A_2287 = arith.cmpf ogt, %slice3A_2286, %max3A_2282 : vector<8x2048xf32>
    %min3A_2288 = arith.minimumf %max3A_2282, %slice3A_2286 : vector<8x2048xf32>
    %max3A_2289 = arith.maximumf %max3A_2281, %min3A_2288 : vector<8x2048xf32>
    %max3A_2290 = arith.maximumf %max3A_2282, %slice3A_2286 : vector<8x2048xf32>
    %jit3A_2291 = arith.constant 22 : i32
    %broadcast_in_dim3A_2292 = vector.broadcast %jit3A_2291 : i32 to vector<8x2048xi32>
    %select_n3A_2293 = arith.select %gt3A_2287, %broadcast_in_dim3A_2292, %select_n3A_2285 : vector<8x2048xi1>, vector<8x2048xi32>
    %slice3A_2294 = vector.extract_strided_slice %dot_general3A_2103 {offsets = [184, 0], sizes = [8, 2048], strides = [1, 1]} : vector<2048x2048xf32> to vector<8x2048xf32>
    %gt3A_2295 = arith.cmpf ogt, %slice3A_2294, %max3A_2290 : vector<8x2048xf32>
    %min3A_2296 = arith.minimumf %max3A_2290, %slice3A_2294 : vector<8x2048xf32>
    %max3A_2297 = arith.maximumf %max3A_2289, %min3A_2296 : vector<8x2048xf32>
    %max3A_2298 = arith.maximumf %max3A_2290, %slice3A_2294 : vector<8x2048xf32>
    %jit3A_2299 = arith.constant 23 : i32
    %broadcast_in_dim3A_2300 = vector.broadcast %jit3A_2299 : i32 to vector<8x2048xi32>
    %select_n3A_2301 = arith.select %gt3A_2295, %broadcast_in_dim3A_2300, %select_n3A_2293 : vector<8x2048xi1>, vector<8x2048xi32>
    %slice3A_2302 = vector.extract_strided_slice %dot_general3A_2103 {offsets = [192, 0], sizes = [8, 2048], strides = [1, 1]} : vector<2048x2048xf32> to vector<8x2048xf32>
    %gt3A_2303 = arith.cmpf ogt, %slice3A_2302, %max3A_2298 : vector<8x2048xf32>
    %min3A_2304 = arith.minimumf %max3A_2298, %slice3A_2302 : vector<8x2048xf32>
    %max3A_2305 = arith.maximumf %max3A_2297, %min3A_2304 : vector<8x2048xf32>
    %max3A_2306 = arith.maximumf %max3A_2298, %slice3A_2302 : vector<8x2048xf32>
    %jit3A_2307 = arith.constant 24 : i32
    %broadcast_in_dim3A_2308 = vector.broadcast %jit3A_2307 : i32 to vector<8x2048xi32>
    %select_n3A_2309 = arith.select %gt3A_2303, %broadcast_in_dim3A_2308, %select_n3A_2301 : vector<8x2048xi1>, vector<8x2048xi32>
    %slice3A_2310 = vector.extract_strided_slice %dot_general3A_2103 {offsets = [200, 0], sizes = [8, 2048], strides = [1, 1]} : vector<2048x2048xf32> to vector<8x2048xf32>
    %gt3A_2311 = arith.cmpf ogt, %slice3A_2310, %max3A_2306 : vector<8x2048xf32>
    %min3A_2312 = arith.minimumf %max3A_2306, %slice3A_2310 : vector<8x2048xf32>
    %max3A_2313 = arith.maximumf %max3A_2305, %min3A_2312 : vector<8x2048xf32>
    %max3A_2314 = arith.maximumf %max3A_2306, %slice3A_2310 : vector<8x2048xf32>
    %jit3A_2315 = arith.constant 25 : i32
    %broadcast_in_dim3A_2316 = vector.broadcast %jit3A_2315 : i32 to vector<8x2048xi32>
    %select_n3A_2317 = arith.select %gt3A_2311, %broadcast_in_dim3A_2316, %select_n3A_2309 : vector<8x2048xi1>, vector<8x2048xi32>
    %slice3A_2318 = vector.extract_strided_slice %dot_general3A_2103 {offsets = [208, 0], sizes = [8, 2048], strides = [1, 1]} : vector<2048x2048xf32> to vector<8x2048xf32>
    %gt3A_2319 = arith.cmpf ogt, %slice3A_2318, %max3A_2314 : vector<8x2048xf32>
    %min3A_2320 = arith.minimumf %max3A_2314, %slice3A_2318 : vector<8x2048xf32>
    %max3A_2321 = arith.maximumf %max3A_2313, %min3A_2320 : vector<8x2048xf32>
    %max3A_2322 = arith.maximumf %max3A_2314, %slice3A_2318 : vector<8x2048xf32>
    %jit3A_2323 = arith.constant 26 : i32
    %broadcast_in_dim3A_2324 = vector.broadcast %jit3A_2323 : i32 to vector<8x2048xi32>
    %select_n3A_2325 = arith.select %gt3A_2319, %broadcast_in_dim3A_2324, %select_n3A_2317 : vector<8x2048xi1>, vector<8x2048xi32>
    %slice3A_2326 = vector.extract_strided_slice %dot_general3A_2103 {offsets = [216, 0], sizes = [8, 2048], strides = [1, 1]} : vector<2048x2048xf32> to vector<8x2048xf32>
    %gt3A_2327 = arith.cmpf ogt, %slice3A_2326, %max3A_2322 : vector<8x2048xf32>
    %min3A_2328 = arith.minimumf %max3A_2322, %slice3A_2326 : vector<8x2048xf32>
    %max3A_2329 = arith.maximumf %max3A_2321, %min3A_2328 : vector<8x2048xf32>
    %max3A_2330 = arith.maximumf %max3A_2322, %slice3A_2326 : vector<8x2048xf32>
    %jit3A_2331 = arith.constant 27 : i32
    %broadcast_in_dim3A_2332 = vector.broadcast %jit3A_2331 : i32 to vector<8x2048xi32>
    %select_n3A_2333 = arith.select %gt3A_2327, %broadcast_in_dim3A_2332, %select_n3A_2325 : vector<8x2048xi1>, vector<8x2048xi32>
    %slice3A_2334 = vector.extract_strided_slice %dot_general3A_2103 {offsets = [224, 0], sizes = [8, 2048], strides = [1, 1]} : vector<2048x2048xf32> to vector<8x2048xf32>
    %gt3A_2335 = arith.cmpf ogt, %slice3A_2334, %max3A_2330 : vector<8x2048xf32>
    %min3A_2336 = arith.minimumf %max3A_2330, %slice3A_2334 : vector<8x2048xf32>
    %max3A_2337 = arith.maximumf %max3A_2329, %min3A_2336 : vector<8x2048xf32>
    %max3A_2338 = arith.maximumf %max3A_2330, %slice3A_2334 : vector<8x2048xf32>
    %jit3A_2339 = arith.constant 28 : i32
    %broadcast_in_dim3A_2340 = vector.broadcast %jit3A_2339 : i32 to vector<8x2048xi32>
    %select_n3A_2341 = arith.select %gt3A_2335, %broadcast_in_dim3A_2340, %select_n3A_2333 : vector<8x2048xi1>, vector<8x2048xi32>
    %slice3A_2342 = vector.extract_strided_slice %dot_general3A_2103 {offsets = [232, 0], sizes = [8, 2048], strides = [1, 1]} : vector<2048x2048xf32> to vector<8x2048xf32>
    %gt3A_2343 = arith.cmpf ogt, %slice3A_2342, %max3A_2338 : vector<8x2048xf32>
    %min3A_2344 = arith.minimumf %max3A_2338, %slice3A_2342 : vector<8x2048xf32>
    %max3A_2345 = arith.maximumf %max3A_2337, %min3A_2344 : vector<8x2048xf32>
    %max3A_2346 = arith.maximumf %max3A_2338, %slice3A_2342 : vector<8x2048xf32>
    %jit3A_2347 = arith.constant 29 : i32
    %broadcast_in_dim3A_2348 = vector.broadcast %jit3A_2347 : i32 to vector<8x2048xi32>
    %select_n3A_2349 = arith.select %gt3A_2343, %broadcast_in_dim3A_2348, %select_n3A_2341 : vector<8x2048xi1>, vector<8x2048xi32>
    %slice3A_2350 = vector.extract_strided_slice %dot_general3A_2103 {offsets = [240, 0], sizes = [8, 2048], strides = [1, 1]} : vector<2048x2048xf32> to vector<8x2048xf32>
    %gt3A_2351 = arith.cmpf ogt, %slice3A_2350, %max3A_2346 : vector<8x2048xf32>
    %min3A_2352 = arith.minimumf %max3A_2346, %slice3A_2350 : vector<8x2048xf32>
    %max3A_2353 = arith.maximumf %max3A_2345, %min3A_2352 : vector<8x2048xf32>
    %max3A_2354 = arith.maximumf %max3A_2346, %slice3A_2350 : vector<8x2048xf32>
    %jit3A_2355 = arith.constant 30 : i32
    %broadcast_in_dim3A_2356 = vector.broadcast %jit3A_2355 : i32 to vector<8x2048xi32>
    %select_n3A_2357 = arith.select %gt3A_2351, %broadcast_in_dim3A_2356, %select_n3A_2349 : vector<8x2048xi1>, vector<8x2048xi32>
    %slice3A_2358 = vector.extract_strided_slice %dot_general3A_2103 {offsets = [248, 0], sizes = [8, 2048], strides = [1, 1]} : vector<2048x2048xf32> to vector<8x2048xf32>
    %gt3A_2359 = arith.cmpf ogt, %slice3A_2358, %max3A_2354 : vector<8x2048xf32>
    %min3A_2360 = arith.minimumf %max3A_2354, %slice3A_2358 : vector<8x2048xf32>
    %max3A_2361 = arith.maximumf %max3A_2353, %min3A_2360 : vector<8x2048xf32>
    %max3A_2362 = arith.maximumf %max3A_2354, %slice3A_2358 : vector<8x2048xf32>
    %jit3A_2363 = arith.constant 31 : i32
    %broadcast_in_dim3A_2364 = vector.broadcast %jit3A_2363 : i32 to vector<8x2048xi32>
    %select_n3A_2365 = arith.select %gt3A_2359, %broadcast_in_dim3A_2364, %select_n3A_2357 : vector<8x2048xi1>, vector<8x2048xi32>
    %slice3A_2366 = vector.extract_strided_slice %dot_general3A_2103 {offsets = [256, 0], sizes = [8, 2048], strides = [1, 1]} : vector<2048x2048xf32> to vector<8x2048xf32>
    %gt3A_2367 = arith.cmpf ogt, %slice3A_2366, %max3A_2362 : vector<8x2048xf32>
    %min3A_2368 = arith.minimumf %max3A_2362, %slice3A_2366 : vector<8x2048xf32>
    %max3A_2369 = arith.maximumf %max3A_2361, %min3A_2368 : vector<8x2048xf32>
    %max3A_2370 = arith.maximumf %max3A_2362, %slice3A_2366 : vector<8x2048xf32>
    %jit3A_2371 = arith.constant 32 : i32
    %broadcast_in_dim3A_2372 = vector.broadcast %jit3A_2371 : i32 to vector<8x2048xi32>
    %select_n3A_2373 = arith.select %gt3A_2367, %broadcast_in_dim3A_2372, %select_n3A_2365 : vector<8x2048xi1>, vector<8x2048xi32>
    %slice3A_2374 = vector.extract_strided_slice %dot_general3A_2103 {offsets = [264, 0], sizes = [8, 2048], strides = [1, 1]} : vector<2048x2048xf32> to vector<8x2048xf32>
    %gt3A_2375 = arith.cmpf ogt, %slice3A_2374, %max3A_2370 : vector<8x2048xf32>
    %min3A_2376 = arith.minimumf %max3A_2370, %slice3A_2374 : vector<8x2048xf32>
    %max3A_2377 = arith.maximumf %max3A_2369, %min3A_2376 : vector<8x2048xf32>
    %max3A_2378 = arith.maximumf %max3A_2370, %slice3A_2374 : vector<8x2048xf32>
    %jit3A_2379 = arith.constant 33 : i32
    %broadcast_in_dim3A_2380 = vector.broadcast %jit3A_2379 : i32 to vector<8x2048xi32>
    %select_n3A_2381 = arith.select %gt3A_2375, %broadcast_in_dim3A_2380, %select_n3A_2373 : vector<8x2048xi1>, vector<8x2048xi32>
    %slice3A_2382 = vector.extract_strided_slice %dot_general3A_2103 {offsets = [272, 0], sizes = [8, 2048], strides = [1, 1]} : vector<2048x2048xf32> to vector<8x2048xf32>
    %gt3A_2383 = arith.cmpf ogt, %slice3A_2382, %max3A_2378 : vector<8x2048xf32>
    %min3A_2384 = arith.minimumf %max3A_2378, %slice3A_2382 : vector<8x2048xf32>
    %max3A_2385 = arith.maximumf %max3A_2377, %min3A_2384 : vector<8x2048xf32>
    %max3A_2386 = arith.maximumf %max3A_2378, %slice3A_2382 : vector<8x2048xf32>
    %jit3A_2387 = arith.constant 34 : i32
    %broadcast_in_dim3A_2388 = vector.broadcast %jit3A_2387 : i32 to vector<8x2048xi32>
    %select_n3A_2389 = arith.select %gt3A_2383, %broadcast_in_dim3A_2388, %select_n3A_2381 : vector<8x2048xi1>, vector<8x2048xi32>
    %slice3A_2390 = vector.extract_strided_slice %dot_general3A_2103 {offsets = [280, 0], sizes = [8, 2048], strides = [1, 1]} : vector<2048x2048xf32> to vector<8x2048xf32>
    %gt3A_2391 = arith.cmpf ogt, %slice3A_2390, %max3A_2386 : vector<8x2048xf32>
    %min3A_2392 = arith.minimumf %max3A_2386, %slice3A_2390 : vector<8x2048xf32>
    %max3A_2393 = arith.maximumf %max3A_2385, %min3A_2392 : vector<8x2048xf32>
    %max3A_2394 = arith.maximumf %max3A_2386, %slice3A_2390 : vector<8x2048xf32>
    %jit3A_2395 = arith.constant 35 : i32
    %broadcast_in_dim3A_2396 = vector.broadcast %jit3A_2395 : i32 to vector<8x2048xi32>
    %select_n3A_2397 = arith.select %gt3A_2391, %broadcast_in_dim3A_2396, %select_n3A_2389 : vector<8x2048xi1>, vector<8x2048xi32>
    %slice3A_2398 = vector.extract_strided_slice %dot_general3A_2103 {offsets = [288, 0], sizes = [8, 2048], strides = [1, 1]} : vector<2048x2048xf32> to vector<8x2048xf32>
    %gt3A_2399 = arith.cmpf ogt, %slice3A_2398, %max3A_2394 : vector<8x2048xf32>
    %min3A_2400 = arith.minimumf %max3A_2394, %slice3A_2398 : vector<8x2048xf32>
    %max3A_2401 = arith.maximumf %max3A_2393, %min3A_2400 : vector<8x2048xf32>
    %max3A_2402 = arith.maximumf %max3A_2394, %slice3A_2398 : vector<8x2048xf32>
    %jit3A_2403 = arith.constant 36 : i32
    %broadcast_in_dim3A_2404 = vector.broadcast %jit3A_2403 : i32 to vector<8x2048xi32>
    %select_n3A_2405 = arith.select %gt3A_2399, %broadcast_in_dim3A_2404, %select_n3A_2397 : vector<8x2048xi1>, vector<8x2048xi32>
    %slice3A_2406 = vector.extract_strided_slice %dot_general3A_2103 {offsets = [296, 0], sizes = [8, 2048], strides = [1, 1]} : vector<2048x2048xf32> to vector<8x2048xf32>
    %gt3A_2407 = arith.cmpf ogt, %slice3A_2406, %max3A_2402 : vector<8x2048xf32>
    %min3A_2408 = arith.minimumf %max3A_2402, %slice3A_2406 : vector<8x2048xf32>
    %max3A_2409 = arith.maximumf %max3A_2401, %min3A_2408 : vector<8x2048xf32>
    %max3A_2410 = arith.maximumf %max3A_2402, %slice3A_2406 : vector<8x2048xf32>
    %jit3A_2411 = arith.constant 37 : i32
    %broadcast_in_dim3A_2412 = vector.broadcast %jit3A_2411 : i32 to vector<8x2048xi32>
    %select_n3A_2413 = arith.select %gt3A_2407, %broadcast_in_dim3A_2412, %select_n3A_2405 : vector<8x2048xi1>, vector<8x2048xi32>
    %slice3A_2414 = vector.extract_strided_slice %dot_general3A_2103 {offsets = [304, 0], sizes = [8, 2048], strides = [1, 1]} : vector<2048x2048xf32> to vector<8x2048xf32>
    %gt3A_2415 = arith.cmpf ogt, %slice3A_2414, %max3A_2410 : vector<8x2048xf32>
    %min3A_2416 = arith.minimumf %max3A_2410, %slice3A_2414 : vector<8x2048xf32>
    %max3A_2417 = arith.maximumf %max3A_2409, %min3A_2416 : vector<8x2048xf32>
    %max3A_2418 = arith.maximumf %max3A_2410, %slice3A_2414 : vector<8x2048xf32>
    %jit3A_2419 = arith.constant 38 : i32
    %broadcast_in_dim3A_2420 = vector.broadcast %jit3A_2419 : i32 to vector<8x2048xi32>
    %select_n3A_2421 = arith.select %gt3A_2415, %broadcast_in_dim3A_2420, %select_n3A_2413 : vector<8x2048xi1>, vector<8x2048xi32>
    %slice3A_2422 = vector.extract_strided_slice %dot_general3A_2103 {offsets = [312, 0], sizes = [8, 2048], strides = [1, 1]} : vector<2048x2048xf32> to vector<8x2048xf32>
    %gt3A_2423 = arith.cmpf ogt, %slice3A_2422, %max3A_2418 : vector<8x2048xf32>
    %min3A_2424 = arith.minimumf %max3A_2418, %slice3A_2422 : vector<8x2048xf32>
    %max3A_2425 = arith.maximumf %max3A_2417, %min3A_2424 : vector<8x2048xf32>
    %max3A_2426 = arith.maximumf %max3A_2418, %slice3A_2422 : vector<8x2048xf32>
    %jit3A_2427 = arith.constant 39 : i32
    %broadcast_in_dim3A_2428 = vector.broadcast %jit3A_2427 : i32 to vector<8x2048xi32>
    %select_n3A_2429 = arith.select %gt3A_2423, %broadcast_in_dim3A_2428, %select_n3A_2421 : vector<8x2048xi1>, vector<8x2048xi32>
    %slice3A_2430 = vector.extract_strided_slice %dot_general3A_2103 {offsets = [320, 0], sizes = [8, 2048], strides = [1, 1]} : vector<2048x2048xf32> to vector<8x2048xf32>
    %gt3A_2431 = arith.cmpf ogt, %slice3A_2430, %max3A_2426 : vector<8x2048xf32>
    %min3A_2432 = arith.minimumf %max3A_2426, %slice3A_2430 : vector<8x2048xf32>
    %max3A_2433 = arith.maximumf %max3A_2425, %min3A_2432 : vector<8x2048xf32>
    %max3A_2434 = arith.maximumf %max3A_2426, %slice3A_2430 : vector<8x2048xf32>
    %jit3A_2435 = arith.constant 40 : i32
    %broadcast_in_dim3A_2436 = vector.broadcast %jit3A_2435 : i32 to vector<8x2048xi32>
    %select_n3A_2437 = arith.select %gt3A_2431, %broadcast_in_dim3A_2436, %select_n3A_2429 : vector<8x2048xi1>, vector<8x2048xi32>
    %slice3A_2438 = vector.extract_strided_slice %dot_general3A_2103 {offsets = [328, 0], sizes = [8, 2048], strides = [1, 1]} : vector<2048x2048xf32> to vector<8x2048xf32>
    %gt3A_2439 = arith.cmpf ogt, %slice3A_2438, %max3A_2434 : vector<8x2048xf32>
    %min3A_2440 = arith.minimumf %max3A_2434, %slice3A_2438 : vector<8x2048xf32>
    %max3A_2441 = arith.maximumf %max3A_2433, %min3A_2440 : vector<8x2048xf32>
    %max3A_2442 = arith.maximumf %max3A_2434, %slice3A_2438 : vector<8x2048xf32>
    %jit3A_2443 = arith.constant 41 : i32
    %broadcast_in_dim3A_2444 = vector.broadcast %jit3A_2443 : i32 to vector<8x2048xi32>
    %select_n3A_2445 = arith.select %gt3A_2439, %broadcast_in_dim3A_2444, %select_n3A_2437 : vector<8x2048xi1>, vector<8x2048xi32>
    %slice3A_2446 = vector.extract_strided_slice %dot_general3A_2103 {offsets = [336, 0], sizes = [8, 2048], strides = [1, 1]} : vector<2048x2048xf32> to vector<8x2048xf32>
    %gt3A_2447 = arith.cmpf ogt, %slice3A_2446, %max3A_2442 : vector<8x2048xf32>
    %min3A_2448 = arith.minimumf %max3A_2442, %slice3A_2446 : vector<8x2048xf32>
    %max3A_2449 = arith.maximumf %max3A_2441, %min3A_2448 : vector<8x2048xf32>
    %max3A_2450 = arith.maximumf %max3A_2442, %slice3A_2446 : vector<8x2048xf32>
    %jit3A_2451 = arith.constant 42 : i32
    %broadcast_in_dim3A_2452 = vector.broadcast %jit3A_2451 : i32 to vector<8x2048xi32>
    %select_n3A_2453 = arith.select %gt3A_2447, %broadcast_in_dim3A_2452, %select_n3A_2445 : vector<8x2048xi1>, vector<8x2048xi32>
    %slice3A_2454 = vector.extract_strided_slice %dot_general3A_2103 {offsets = [344, 0], sizes = [8, 2048], strides = [1, 1]} : vector<2048x2048xf32> to vector<8x2048xf32>
    %gt3A_2455 = arith.cmpf ogt, %slice3A_2454, %max3A_2450 : vector<8x2048xf32>
    %min3A_2456 = arith.minimumf %max3A_2450, %slice3A_2454 : vector<8x2048xf32>
    %max3A_2457 = arith.maximumf %max3A_2449, %min3A_2456 : vector<8x2048xf32>
    %max3A_2458 = arith.maximumf %max3A_2450, %slice3A_2454 : vector<8x2048xf32>
    %jit3A_2459 = arith.constant 43 : i32
    %broadcast_in_dim3A_2460 = vector.broadcast %jit3A_2459 : i32 to vector<8x2048xi32>
    %select_n3A_2461 = arith.select %gt3A_2455, %broadcast_in_dim3A_2460, %select_n3A_2453 : vector<8x2048xi1>, vector<8x2048xi32>
    %slice3A_2462 = vector.extract_strided_slice %dot_general3A_2103 {offsets = [352, 0], sizes = [8, 2048], strides = [1, 1]} : vector<2048x2048xf32> to vector<8x2048xf32>
    %gt3A_2463 = arith.cmpf ogt, %slice3A_2462, %max3A_2458 : vector<8x2048xf32>
    %min3A_2464 = arith.minimumf %max3A_2458, %slice3A_2462 : vector<8x2048xf32>
    %max3A_2465 = arith.maximumf %max3A_2457, %min3A_2464 : vector<8x2048xf32>
    %max3A_2466 = arith.maximumf %max3A_2458, %slice3A_2462 : vector<8x2048xf32>
    %jit3A_2467 = arith.constant 44 : i32
    %broadcast_in_dim3A_2468 = vector.broadcast %jit3A_2467 : i32 to vector<8x2048xi32>
    %select_n3A_2469 = arith.select %gt3A_2463, %broadcast_in_dim3A_2468, %select_n3A_2461 : vector<8x2048xi1>, vector<8x2048xi32>
    %slice3A_2470 = vector.extract_strided_slice %dot_general3A_2103 {offsets = [360, 0], sizes = [8, 2048], strides = [1, 1]} : vector<2048x2048xf32> to vector<8x2048xf32>
    %gt3A_2471 = arith.cmpf ogt, %slice3A_2470, %max3A_2466 : vector<8x2048xf32>
    %min3A_2472 = arith.minimumf %max3A_2466, %slice3A_2470 : vector<8x2048xf32>
    %max3A_2473 = arith.maximumf %max3A_2465, %min3A_2472 : vector<8x2048xf32>
    %max3A_2474 = arith.maximumf %max3A_2466, %slice3A_2470 : vector<8x2048xf32>
    %jit3A_2475 = arith.constant 45 : i32
    %broadcast_in_dim3A_2476 = vector.broadcast %jit3A_2475 : i32 to vector<8x2048xi32>
    %select_n3A_2477 = arith.select %gt3A_2471, %broadcast_in_dim3A_2476, %select_n3A_2469 : vector<8x2048xi1>, vector<8x2048xi32>
    %slice3A_2478 = vector.extract_strided_slice %dot_general3A_2103 {offsets = [368, 0], sizes = [8, 2048], strides = [1, 1]} : vector<2048x2048xf32> to vector<8x2048xf32>
    %gt3A_2479 = arith.cmpf ogt, %slice3A_2478, %max3A_2474 : vector<8x2048xf32>
    %min3A_2480 = arith.minimumf %max3A_2474, %slice3A_2478 : vector<8x2048xf32>
    %max3A_2481 = arith.maximumf %max3A_2473, %min3A_2480 : vector<8x2048xf32>
    %max3A_2482 = arith.maximumf %max3A_2474, %slice3A_2478 : vector<8x2048xf32>
    %jit3A_2483 = arith.constant 46 : i32
    %broadcast_in_dim3A_2484 = vector.broadcast %jit3A_2483 : i32 to vector<8x2048xi32>
    %select_n3A_2485 = arith.select %gt3A_2479, %broadcast_in_dim3A_2484, %select_n3A_2477 : vector<8x2048xi1>, vector<8x2048xi32>
    %slice3A_2486 = vector.extract_strided_slice %dot_general3A_2103 {offsets = [376, 0], sizes = [8, 2048], strides = [1, 1]} : vector<2048x2048xf32> to vector<8x2048xf32>
    %gt3A_2487 = arith.cmpf ogt, %slice3A_2486, %max3A_2482 : vector<8x2048xf32>
    %min3A_2488 = arith.minimumf %max3A_2482, %slice3A_2486 : vector<8x2048xf32>
    %max3A_2489 = arith.maximumf %max3A_2481, %min3A_2488 : vector<8x2048xf32>
    %max3A_2490 = arith.maximumf %max3A_2482, %slice3A_2486 : vector<8x2048xf32>
    %jit3A_2491 = arith.constant 47 : i32
    %broadcast_in_dim3A_2492 = vector.broadcast %jit3A_2491 : i32 to vector<8x2048xi32>
    %select_n3A_2493 = arith.select %gt3A_2487, %broadcast_in_dim3A_2492, %select_n3A_2485 : vector<8x2048xi1>, vector<8x2048xi32>
    %slice3A_2494 = vector.extract_strided_slice %dot_general3A_2103 {offsets = [384, 0], sizes = [8, 2048], strides = [1, 1]} : vector<2048x2048xf32> to vector<8x2048xf32>
    %gt3A_2495 = arith.cmpf ogt, %slice3A_2494, %max3A_2490 : vector<8x2048xf32>
    %min3A_2496 = arith.minimumf %max3A_2490, %slice3A_2494 : vector<8x2048xf32>
    %max3A_2497 = arith.maximumf %max3A_2489, %min3A_2496 : vector<8x2048xf32>
    %max3A_2498 = arith.maximumf %max3A_2490, %slice3A_2494 : vector<8x2048xf32>
    %jit3A_2499 = arith.constant 48 : i32
    %broadcast_in_dim3A_2500 = vector.broadcast %jit3A_2499 : i32 to vector<8x2048xi32>
    %select_n3A_2501 = arith.select %gt3A_2495, %broadcast_in_dim3A_2500, %select_n3A_2493 : vector<8x2048xi1>, vector<8x2048xi32>
    %slice3A_2502 = vector.extract_strided_slice %dot_general3A_2103 {offsets = [392, 0], sizes = [8, 2048], strides = [1, 1]} : vector<2048x2048xf32> to vector<8x2048xf32>
    %gt3A_2503 = arith.cmpf ogt, %slice3A_2502, %max3A_2498 : vector<8x2048xf32>
    %min3A_2504 = arith.minimumf %max3A_2498, %slice3A_2502 : vector<8x2048xf32>
    %max3A_2505 = arith.maximumf %max3A_2497, %min3A_2504 : vector<8x2048xf32>
    %max3A_2506 = arith.maximumf %max3A_2498, %slice3A_2502 : vector<8x2048xf32>
    %jit3A_2507 = arith.constant 49 : i32
    %broadcast_in_dim3A_2508 = vector.broadcast %jit3A_2507 : i32 to vector<8x2048xi32>
    %select_n3A_2509 = arith.select %gt3A_2503, %broadcast_in_dim3A_2508, %select_n3A_2501 : vector<8x2048xi1>, vector<8x2048xi32>
    %slice3A_2510 = vector.extract_strided_slice %dot_general3A_2103 {offsets = [400, 0], sizes = [8, 2048], strides = [1, 1]} : vector<2048x2048xf32> to vector<8x2048xf32>
    %gt3A_2511 = arith.cmpf ogt, %slice3A_2510, %max3A_2506 : vector<8x2048xf32>
    %min3A_2512 = arith.minimumf %max3A_2506, %slice3A_2510 : vector<8x2048xf32>
    %max3A_2513 = arith.maximumf %max3A_2505, %min3A_2512 : vector<8x2048xf32>
    %max3A_2514 = arith.maximumf %max3A_2506, %slice3A_2510 : vector<8x2048xf32>
    %jit3A_2515 = arith.constant 50 : i32
    %broadcast_in_dim3A_2516 = vector.broadcast %jit3A_2515 : i32 to vector<8x2048xi32>
    %select_n3A_2517 = arith.select %gt3A_2511, %broadcast_in_dim3A_2516, %select_n3A_2509 : vector<8x2048xi1>, vector<8x2048xi32>
    %slice3A_2518 = vector.extract_strided_slice %dot_general3A_2103 {offsets = [408, 0], sizes = [8, 2048], strides = [1, 1]} : vector<2048x2048xf32> to vector<8x2048xf32>
    %gt3A_2519 = arith.cmpf ogt, %slice3A_2518, %max3A_2514 : vector<8x2048xf32>
    %min3A_2520 = arith.minimumf %max3A_2514, %slice3A_2518 : vector<8x2048xf32>
    %max3A_2521 = arith.maximumf %max3A_2513, %min3A_2520 : vector<8x2048xf32>
    %max3A_2522 = arith.maximumf %max3A_2514, %slice3A_2518 : vector<8x2048xf32>
    %jit3A_2523 = arith.constant 51 : i32
    %broadcast_in_dim3A_2524 = vector.broadcast %jit3A_2523 : i32 to vector<8x2048xi32>
    %select_n3A_2525 = arith.select %gt3A_2519, %broadcast_in_dim3A_2524, %select_n3A_2517 : vector<8x2048xi1>, vector<8x2048xi32>
    %slice3A_2526 = vector.extract_strided_slice %dot_general3A_2103 {offsets = [416, 0], sizes = [8, 2048], strides = [1, 1]} : vector<2048x2048xf32> to vector<8x2048xf32>
    %gt3A_2527 = arith.cmpf ogt, %slice3A_2526, %max3A_2522 : vector<8x2048xf32>
    %min3A_2528 = arith.minimumf %max3A_2522, %slice3A_2526 : vector<8x2048xf32>
    %max3A_2529 = arith.maximumf %max3A_2521, %min3A_2528 : vector<8x2048xf32>
    %max3A_2530 = arith.maximumf %max3A_2522, %slice3A_2526 : vector<8x2048xf32>
    %jit3A_2531 = arith.constant 52 : i32
    %broadcast_in_dim3A_2532 = vector.broadcast %jit3A_2531 : i32 to vector<8x2048xi32>
    %select_n3A_2533 = arith.select %gt3A_2527, %broadcast_in_dim3A_2532, %select_n3A_2525 : vector<8x2048xi1>, vector<8x2048xi32>
    %slice3A_2534 = vector.extract_strided_slice %dot_general3A_2103 {offsets = [424, 0], sizes = [8, 2048], strides = [1, 1]} : vector<2048x2048xf32> to vector<8x2048xf32>
    %gt3A_2535 = arith.cmpf ogt, %slice3A_2534, %max3A_2530 : vector<8x2048xf32>
    %min3A_2536 = arith.minimumf %max3A_2530, %slice3A_2534 : vector<8x2048xf32>
    %max3A_2537 = arith.maximumf %max3A_2529, %min3A_2536 : vector<8x2048xf32>
    %max3A_2538 = arith.maximumf %max3A_2530, %slice3A_2534 : vector<8x2048xf32>
    %jit3A_2539 = arith.constant 53 : i32
    %broadcast_in_dim3A_2540 = vector.broadcast %jit3A_2539 : i32 to vector<8x2048xi32>
    %select_n3A_2541 = arith.select %gt3A_2535, %broadcast_in_dim3A_2540, %select_n3A_2533 : vector<8x2048xi1>, vector<8x2048xi32>
    %slice3A_2542 = vector.extract_strided_slice %dot_general3A_2103 {offsets = [432, 0], sizes = [8, 2048], strides = [1, 1]} : vector<2048x2048xf32> to vector<8x2048xf32>
    %gt3A_2543 = arith.cmpf ogt, %slice3A_2542, %max3A_2538 : vector<8x2048xf32>
    %min3A_2544 = arith.minimumf %max3A_2538, %slice3A_2542 : vector<8x2048xf32>
    %max3A_2545 = arith.maximumf %max3A_2537, %min3A_2544 : vector<8x2048xf32>
    %max3A_2546 = arith.maximumf %max3A_2538, %slice3A_2542 : vector<8x2048xf32>
    %jit3A_2547 = arith.constant 54 : i32
    %broadcast_in_dim3A_2548 = vector.broadcast %jit3A_2547 : i32 to vector<8x2048xi32>
    %select_n3A_2549 = arith.select %gt3A_2543, %broadcast_in_dim3A_2548, %select_n3A_2541 : vector<8x2048xi1>, vector<8x2048xi32>
    %slice3A_2550 = vector.extract_strided_slice %dot_general3A_2103 {offsets = [440, 0], sizes = [8, 2048], strides = [1, 1]} : vector<2048x2048xf32> to vector<8x2048xf32>
    %gt3A_2551 = arith.cmpf ogt, %slice3A_2550, %max3A_2546 : vector<8x2048xf32>
    %min3A_2552 = arith.minimumf %max3A_2546, %slice3A_2550 : vector<8x2048xf32>
    %max3A_2553 = arith.maximumf %max3A_2545, %min3A_2552 : vector<8x2048xf32>
    %max3A_2554 = arith.maximumf %max3A_2546, %slice3A_2550 : vector<8x2048xf32>
    %jit3A_2555 = arith.constant 55 : i32
    %broadcast_in_dim3A_2556 = vector.broadcast %jit3A_2555 : i32 to vector<8x2048xi32>
    %select_n3A_2557 = arith.select %gt3A_2551, %broadcast_in_dim3A_2556, %select_n3A_2549 : vector<8x2048xi1>, vector<8x2048xi32>
    %slice3A_2558 = vector.extract_strided_slice %dot_general3A_2103 {offsets = [448, 0], sizes = [8, 2048], strides = [1, 1]} : vector<2048x2048xf32> to vector<8x2048xf32>
    %gt3A_2559 = arith.cmpf ogt, %slice3A_2558, %max3A_2554 : vector<8x2048xf32>
    %min3A_2560 = arith.minimumf %max3A_2554, %slice3A_2558 : vector<8x2048xf32>
    %max3A_2561 = arith.maximumf %max3A_2553, %min3A_2560 : vector<8x2048xf32>
    %max3A_2562 = arith.maximumf %max3A_2554, %slice3A_2558 : vector<8x2048xf32>
    %jit3A_2563 = arith.constant 56 : i32
    %broadcast_in_dim3A_2564 = vector.broadcast %jit3A_2563 : i32 to vector<8x2048xi32>
    %select_n3A_2565 = arith.select %gt3A_2559, %broadcast_in_dim3A_2564, %select_n3A_2557 : vector<8x2048xi1>, vector<8x2048xi32>
    %slice3A_2566 = vector.extract_strided_slice %dot_general3A_2103 {offsets = [456, 0], sizes = [8, 2048], strides = [1, 1]} : vector<2048x2048xf32> to vector<8x2048xf32>
    %gt3A_2567 = arith.cmpf ogt, %slice3A_2566, %max3A_2562 : vector<8x2048xf32>
    %min3A_2568 = arith.minimumf %max3A_2562, %slice3A_2566 : vector<8x2048xf32>
    %max3A_2569 = arith.maximumf %max3A_2561, %min3A_2568 : vector<8x2048xf32>
    %max3A_2570 = arith.maximumf %max3A_2562, %slice3A_2566 : vector<8x2048xf32>
    %jit3A_2571 = arith.constant 57 : i32
    %broadcast_in_dim3A_2572 = vector.broadcast %jit3A_2571 : i32 to vector<8x2048xi32>
    %select_n3A_2573 = arith.select %gt3A_2567, %broadcast_in_dim3A_2572, %select_n3A_2565 : vector<8x2048xi1>, vector<8x2048xi32>
    %slice3A_2574 = vector.extract_strided_slice %dot_general3A_2103 {offsets = [464, 0], sizes = [8, 2048], strides = [1, 1]} : vector<2048x2048xf32> to vector<8x2048xf32>
    %gt3A_2575 = arith.cmpf ogt, %slice3A_2574, %max3A_2570 : vector<8x2048xf32>
    %min3A_2576 = arith.minimumf %max3A_2570, %slice3A_2574 : vector<8x2048xf32>
    %max3A_2577 = arith.maximumf %max3A_2569, %min3A_2576 : vector<8x2048xf32>
    %max3A_2578 = arith.maximumf %max3A_2570, %slice3A_2574 : vector<8x2048xf32>
    %jit3A_2579 = arith.constant 58 : i32
    %broadcast_in_dim3A_2580 = vector.broadcast %jit3A_2579 : i32 to vector<8x2048xi32>
    %select_n3A_2581 = arith.select %gt3A_2575, %broadcast_in_dim3A_2580, %select_n3A_2573 : vector<8x2048xi1>, vector<8x2048xi32>
    %slice3A_2582 = vector.extract_strided_slice %dot_general3A_2103 {offsets = [472, 0], sizes = [8, 2048], strides = [1, 1]} : vector<2048x2048xf32> to vector<8x2048xf32>
    %gt3A_2583 = arith.cmpf ogt, %slice3A_2582, %max3A_2578 : vector<8x2048xf32>
    %min3A_2584 = arith.minimumf %max3A_2578, %slice3A_2582 : vector<8x2048xf32>
    %max3A_2585 = arith.maximumf %max3A_2577, %min3A_2584 : vector<8x2048xf32>
    %max3A_2586 = arith.maximumf %max3A_2578, %slice3A_2582 : vector<8x2048xf32>
    %jit3A_2587 = arith.constant 59 : i32
    %broadcast_in_dim3A_2588 = vector.broadcast %jit3A_2587 : i32 to vector<8x2048xi32>
    %select_n3A_2589 = arith.select %gt3A_2583, %broadcast_in_dim3A_2588, %select_n3A_2581 : vector<8x2048xi1>, vector<8x2048xi32>
    %slice3A_2590 = vector.extract_strided_slice %dot_general3A_2103 {offsets = [480, 0], sizes = [8, 2048], strides = [1, 1]} : vector<2048x2048xf32> to vector<8x2048xf32>
    %gt3A_2591 = arith.cmpf ogt, %slice3A_2590, %max3A_2586 : vector<8x2048xf32>
    %min3A_2592 = arith.minimumf %max3A_2586, %slice3A_2590 : vector<8x2048xf32>
    %max3A_2593 = arith.maximumf %max3A_2585, %min3A_2592 : vector<8x2048xf32>
    %max3A_2594 = arith.maximumf %max3A_2586, %slice3A_2590 : vector<8x2048xf32>
    %jit3A_2595 = arith.constant 60 : i32
    %broadcast_in_dim3A_2596 = vector.broadcast %jit3A_2595 : i32 to vector<8x2048xi32>
    %select_n3A_2597 = arith.select %gt3A_2591, %broadcast_in_dim3A_2596, %select_n3A_2589 : vector<8x2048xi1>, vector<8x2048xi32>
    %slice3A_2598 = vector.extract_strided_slice %dot_general3A_2103 {offsets = [488, 0], sizes = [8, 2048], strides = [1, 1]} : vector<2048x2048xf32> to vector<8x2048xf32>
    %gt3A_2599 = arith.cmpf ogt, %slice3A_2598, %max3A_2594 : vector<8x2048xf32>
    %min3A_2600 = arith.minimumf %max3A_2594, %slice3A_2598 : vector<8x2048xf32>
    %max3A_2601 = arith.maximumf %max3A_2593, %min3A_2600 : vector<8x2048xf32>
    %max3A_2602 = arith.maximumf %max3A_2594, %slice3A_2598 : vector<8x2048xf32>
    %jit3A_2603 = arith.constant 61 : i32
    %broadcast_in_dim3A_2604 = vector.broadcast %jit3A_2603 : i32 to vector<8x2048xi32>
    %select_n3A_2605 = arith.select %gt3A_2599, %broadcast_in_dim3A_2604, %select_n3A_2597 : vector<8x2048xi1>, vector<8x2048xi32>
    %slice3A_2606 = vector.extract_strided_slice %dot_general3A_2103 {offsets = [496, 0], sizes = [8, 2048], strides = [1, 1]} : vector<2048x2048xf32> to vector<8x2048xf32>
    %gt3A_2607 = arith.cmpf ogt, %slice3A_2606, %max3A_2602 : vector<8x2048xf32>
    %min3A_2608 = arith.minimumf %max3A_2602, %slice3A_2606 : vector<8x2048xf32>
    %max3A_2609 = arith.maximumf %max3A_2601, %min3A_2608 : vector<8x2048xf32>
    %max3A_2610 = arith.maximumf %max3A_2602, %slice3A_2606 : vector<8x2048xf32>
    %jit3A_2611 = arith.constant 62 : i32
    %broadcast_in_dim3A_2612 = vector.broadcast %jit3A_2611 : i32 to vector<8x2048xi32>
    %select_n3A_2613 = arith.select %gt3A_2607, %broadcast_in_dim3A_2612, %select_n3A_2605 : vector<8x2048xi1>, vector<8x2048xi32>
    %slice3A_2614 = vector.extract_strided_slice %dot_general3A_2103 {offsets = [504, 0], sizes = [8, 2048], strides = [1, 1]} : vector<2048x2048xf32> to vector<8x2048xf32>
    %gt3A_2615 = arith.cmpf ogt, %slice3A_2614, %max3A_2610 : vector<8x2048xf32>
    %min3A_2616 = arith.minimumf %max3A_2610, %slice3A_2614 : vector<8x2048xf32>
    %max3A_2617 = arith.maximumf %max3A_2609, %min3A_2616 : vector<8x2048xf32>
    %max3A_2618 = arith.maximumf %max3A_2610, %slice3A_2614 : vector<8x2048xf32>
    %jit3A_2619 = arith.constant 63 : i32
    %broadcast_in_dim3A_2620 = vector.broadcast %jit3A_2619 : i32 to vector<8x2048xi32>
    %select_n3A_2621 = arith.select %gt3A_2615, %broadcast_in_dim3A_2620, %select_n3A_2613 : vector<8x2048xi1>, vector<8x2048xi32>
    %slice3A_2622 = vector.extract_strided_slice %dot_general3A_2103 {offsets = [512, 0], sizes = [8, 2048], strides = [1, 1]} : vector<2048x2048xf32> to vector<8x2048xf32>
    %gt3A_2623 = arith.cmpf ogt, %slice3A_2622, %max3A_2618 : vector<8x2048xf32>
    %min3A_2624 = arith.minimumf %max3A_2618, %slice3A_2622 : vector<8x2048xf32>
    %max3A_2625 = arith.maximumf %max3A_2617, %min3A_2624 : vector<8x2048xf32>
    %max3A_2626 = arith.maximumf %max3A_2618, %slice3A_2622 : vector<8x2048xf32>
    %jit3A_2627 = arith.constant 64 : i32
    %broadcast_in_dim3A_2628 = vector.broadcast %jit3A_2627 : i32 to vector<8x2048xi32>
    %select_n3A_2629 = arith.select %gt3A_2623, %broadcast_in_dim3A_2628, %select_n3A_2621 : vector<8x2048xi1>, vector<8x2048xi32>
    %slice3A_2630 = vector.extract_strided_slice %dot_general3A_2103 {offsets = [520, 0], sizes = [8, 2048], strides = [1, 1]} : vector<2048x2048xf32> to vector<8x2048xf32>
    %gt3A_2631 = arith.cmpf ogt, %slice3A_2630, %max3A_2626 : vector<8x2048xf32>
    %min3A_2632 = arith.minimumf %max3A_2626, %slice3A_2630 : vector<8x2048xf32>
    %max3A_2633 = arith.maximumf %max3A_2625, %min3A_2632 : vector<8x2048xf32>
    %max3A_2634 = arith.maximumf %max3A_2626, %slice3A_2630 : vector<8x2048xf32>
    %jit3A_2635 = arith.constant 65 : i32
    %broadcast_in_dim3A_2636 = vector.broadcast %jit3A_2635 : i32 to vector<8x2048xi32>
    %select_n3A_2637 = arith.select %gt3A_2631, %broadcast_in_dim3A_2636, %select_n3A_2629 : vector<8x2048xi1>, vector<8x2048xi32>
    %slice3A_2638 = vector.extract_strided_slice %dot_general3A_2103 {offsets = [528, 0], sizes = [8, 2048], strides = [1, 1]} : vector<2048x2048xf32> to vector<8x2048xf32>
    %gt3A_2639 = arith.cmpf ogt, %slice3A_2638, %max3A_2634 : vector<8x2048xf32>
    %min3A_2640 = arith.minimumf %max3A_2634, %slice3A_2638 : vector<8x2048xf32>
    %max3A_2641 = arith.maximumf %max3A_2633, %min3A_2640 : vector<8x2048xf32>
    %max3A_2642 = arith.maximumf %max3A_2634, %slice3A_2638 : vector<8x2048xf32>
    %jit3A_2643 = arith.constant 66 : i32
    %broadcast_in_dim3A_2644 = vector.broadcast %jit3A_2643 : i32 to vector<8x2048xi32>
    %select_n3A_2645 = arith.select %gt3A_2639, %broadcast_in_dim3A_2644, %select_n3A_2637 : vector<8x2048xi1>, vector<8x2048xi32>
    %slice3A_2646 = vector.extract_strided_slice %dot_general3A_2103 {offsets = [536, 0], sizes = [8, 2048], strides = [1, 1]} : vector<2048x2048xf32> to vector<8x2048xf32>
    %gt3A_2647 = arith.cmpf ogt, %slice3A_2646, %max3A_2642 : vector<8x2048xf32>
    %min3A_2648 = arith.minimumf %max3A_2642, %slice3A_2646 : vector<8x2048xf32>
    %max3A_2649 = arith.maximumf %max3A_2641, %min3A_2648 : vector<8x2048xf32>
    %max3A_2650 = arith.maximumf %max3A_2642, %slice3A_2646 : vector<8x2048xf32>
    %jit3A_2651 = arith.constant 67 : i32
    %broadcast_in_dim3A_2652 = vector.broadcast %jit3A_2651 : i32 to vector<8x2048xi32>
    %select_n3A_2653 = arith.select %gt3A_2647, %broadcast_in_dim3A_2652, %select_n3A_2645 : vector<8x2048xi1>, vector<8x2048xi32>
    %slice3A_2654 = vector.extract_strided_slice %dot_general3A_2103 {offsets = [544, 0], sizes = [8, 2048], strides = [1, 1]} : vector<2048x2048xf32> to vector<8x2048xf32>
    %gt3A_2655 = arith.cmpf ogt, %slice3A_2654, %max3A_2650 : vector<8x2048xf32>
    %min3A_2656 = arith.minimumf %max3A_2650, %slice3A_2654 : vector<8x2048xf32>
    %max3A_2657 = arith.maximumf %max3A_2649, %min3A_2656 : vector<8x2048xf32>
    %max3A_2658 = arith.maximumf %max3A_2650, %slice3A_2654 : vector<8x2048xf32>
    %jit3A_2659 = arith.constant 68 : i32
    %broadcast_in_dim3A_2660 = vector.broadcast %jit3A_2659 : i32 to vector<8x2048xi32>
    %select_n3A_2661 = arith.select %gt3A_2655, %broadcast_in_dim3A_2660, %select_n3A_2653 : vector<8x2048xi1>, vector<8x2048xi32>
    %slice3A_2662 = vector.extract_strided_slice %dot_general3A_2103 {offsets = [552, 0], sizes = [8, 2048], strides = [1, 1]} : vector<2048x2048xf32> to vector<8x2048xf32>
    %gt3A_2663 = arith.cmpf ogt, %slice3A_2662, %max3A_2658 : vector<8x2048xf32>
    %min3A_2664 = arith.minimumf %max3A_2658, %slice3A_2662 : vector<8x2048xf32>
    %max3A_2665 = arith.maximumf %max3A_2657, %min3A_2664 : vector<8x2048xf32>
    %max3A_2666 = arith.maximumf %max3A_2658, %slice3A_2662 : vector<8x2048xf32>
    %jit3A_2667 = arith.constant 69 : i32
    %broadcast_in_dim3A_2668 = vector.broadcast %jit3A_2667 : i32 to vector<8x2048xi32>
    %select_n3A_2669 = arith.select %gt3A_2663, %broadcast_in_dim3A_2668, %select_n3A_2661 : vector<8x2048xi1>, vector<8x2048xi32>
    %slice3A_2670 = vector.extract_strided_slice %dot_general3A_2103 {offsets = [560, 0], sizes = [8, 2048], strides = [1, 1]} : vector<2048x2048xf32> to vector<8x2048xf32>
    %gt3A_2671 = arith.cmpf ogt, %slice3A_2670, %max3A_2666 : vector<8x2048xf32>
    %min3A_2672 = arith.minimumf %max3A_2666, %slice3A_2670 : vector<8x2048xf32>
    %max3A_2673 = arith.maximumf %max3A_2665, %min3A_2672 : vector<8x2048xf32>
    %max3A_2674 = arith.maximumf %max3A_2666, %slice3A_2670 : vector<8x2048xf32>
    %jit3A_2675 = arith.constant 70 : i32
    %broadcast_in_dim3A_2676 = vector.broadcast %jit3A_2675 : i32 to vector<8x2048xi32>
    %select_n3A_2677 = arith.select %gt3A_2671, %broadcast_in_dim3A_2676, %select_n3A_2669 : vector<8x2048xi1>, vector<8x2048xi32>
    %slice3A_2678 = vector.extract_strided_slice %dot_general3A_2103 {offsets = [568, 0], sizes = [8, 2048], strides = [1, 1]} : vector<2048x2048xf32> to vector<8x2048xf32>
    %gt3A_2679 = arith.cmpf ogt, %slice3A_2678, %max3A_2674 : vector<8x2048xf32>
    %min3A_2680 = arith.minimumf %max3A_2674, %slice3A_2678 : vector<8x2048xf32>
    %max3A_2681 = arith.maximumf %max3A_2673, %min3A_2680 : vector<8x2048xf32>
    %max3A_2682 = arith.maximumf %max3A_2674, %slice3A_2678 : vector<8x2048xf32>
    %jit3A_2683 = arith.constant 71 : i32
    %broadcast_in_dim3A_2684 = vector.broadcast %jit3A_2683 : i32 to vector<8x2048xi32>
    %select_n3A_2685 = arith.select %gt3A_2679, %broadcast_in_dim3A_2684, %select_n3A_2677 : vector<8x2048xi1>, vector<8x2048xi32>
    %slice3A_2686 = vector.extract_strided_slice %dot_general3A_2103 {offsets = [576, 0], sizes = [8, 2048], strides = [1, 1]} : vector<2048x2048xf32> to vector<8x2048xf32>
    %gt3A_2687 = arith.cmpf ogt, %slice3A_2686, %max3A_2682 : vector<8x2048xf32>
    %min3A_2688 = arith.minimumf %max3A_2682, %slice3A_2686 : vector<8x2048xf32>
    %max3A_2689 = arith.maximumf %max3A_2681, %min3A_2688 : vector<8x2048xf32>
    %max3A_2690 = arith.maximumf %max3A_2682, %slice3A_2686 : vector<8x2048xf32>
    %jit3A_2691 = arith.constant 72 : i32
    %broadcast_in_dim3A_2692 = vector.broadcast %jit3A_2691 : i32 to vector<8x2048xi32>
    %select_n3A_2693 = arith.select %gt3A_2687, %broadcast_in_dim3A_2692, %select_n3A_2685 : vector<8x2048xi1>, vector<8x2048xi32>
    %slice3A_2694 = vector.extract_strided_slice %dot_general3A_2103 {offsets = [584, 0], sizes = [8, 2048], strides = [1, 1]} : vector<2048x2048xf32> to vector<8x2048xf32>
    %gt3A_2695 = arith.cmpf ogt, %slice3A_2694, %max3A_2690 : vector<8x2048xf32>
    %min3A_2696 = arith.minimumf %max3A_2690, %slice3A_2694 : vector<8x2048xf32>
    %max3A_2697 = arith.maximumf %max3A_2689, %min3A_2696 : vector<8x2048xf32>
    %max3A_2698 = arith.maximumf %max3A_2690, %slice3A_2694 : vector<8x2048xf32>
    %jit3A_2699 = arith.constant 73 : i32
    %broadcast_in_dim3A_2700 = vector.broadcast %jit3A_2699 : i32 to vector<8x2048xi32>
    %select_n3A_2701 = arith.select %gt3A_2695, %broadcast_in_dim3A_2700, %select_n3A_2693 : vector<8x2048xi1>, vector<8x2048xi32>
    %slice3A_2702 = vector.extract_strided_slice %dot_general3A_2103 {offsets = [592, 0], sizes = [8, 2048], strides = [1, 1]} : vector<2048x2048xf32> to vector<8x2048xf32>
    %gt3A_2703 = arith.cmpf ogt, %slice3A_2702, %max3A_2698 : vector<8x2048xf32>
    %min3A_2704 = arith.minimumf %max3A_2698, %slice3A_2702 : vector<8x2048xf32>
    %max3A_2705 = arith.maximumf %max3A_2697, %min3A_2704 : vector<8x2048xf32>
    %max3A_2706 = arith.maximumf %max3A_2698, %slice3A_2702 : vector<8x2048xf32>
    %jit3A_2707 = arith.constant 74 : i32
    %broadcast_in_dim3A_2708 = vector.broadcast %jit3A_2707 : i32 to vector<8x2048xi32>
    %select_n3A_2709 = arith.select %gt3A_2703, %broadcast_in_dim3A_2708, %select_n3A_2701 : vector<8x2048xi1>, vector<8x2048xi32>
    %slice3A_2710 = vector.extract_strided_slice %dot_general3A_2103 {offsets = [600, 0], sizes = [8, 2048], strides = [1, 1]} : vector<2048x2048xf32> to vector<8x2048xf32>
    %gt3A_2711 = arith.cmpf ogt, %slice3A_2710, %max3A_2706 : vector<8x2048xf32>
    %min3A_2712 = arith.minimumf %max3A_2706, %slice3A_2710 : vector<8x2048xf32>
    %max3A_2713 = arith.maximumf %max3A_2705, %min3A_2712 : vector<8x2048xf32>
    %max3A_2714 = arith.maximumf %max3A_2706, %slice3A_2710 : vector<8x2048xf32>
    %jit3A_2715 = arith.constant 75 : i32
    %broadcast_in_dim3A_2716 = vector.broadcast %jit3A_2715 : i32 to vector<8x2048xi32>
    %select_n3A_2717 = arith.select %gt3A_2711, %broadcast_in_dim3A_2716, %select_n3A_2709 : vector<8x2048xi1>, vector<8x2048xi32>
    %slice3A_2718 = vector.extract_strided_slice %dot_general3A_2103 {offsets = [608, 0], sizes = [8, 2048], strides = [1, 1]} : vector<2048x2048xf32> to vector<8x2048xf32>
    %gt3A_2719 = arith.cmpf ogt, %slice3A_2718, %max3A_2714 : vector<8x2048xf32>
    %min3A_2720 = arith.minimumf %max3A_2714, %slice3A_2718 : vector<8x2048xf32>
    %max3A_2721 = arith.maximumf %max3A_2713, %min3A_2720 : vector<8x2048xf32>
    %max3A_2722 = arith.maximumf %max3A_2714, %slice3A_2718 : vector<8x2048xf32>
    %jit3A_2723 = arith.constant 76 : i32
    %broadcast_in_dim3A_2724 = vector.broadcast %jit3A_2723 : i32 to vector<8x2048xi32>
    %select_n3A_2725 = arith.select %gt3A_2719, %broadcast_in_dim3A_2724, %select_n3A_2717 : vector<8x2048xi1>, vector<8x2048xi32>
    %slice3A_2726 = vector.extract_strided_slice %dot_general3A_2103 {offsets = [616, 0], sizes = [8, 2048], strides = [1, 1]} : vector<2048x2048xf32> to vector<8x2048xf32>
    %gt3A_2727 = arith.cmpf ogt, %slice3A_2726, %max3A_2722 : vector<8x2048xf32>
    %min3A_2728 = arith.minimumf %max3A_2722, %slice3A_2726 : vector<8x2048xf32>
    %max3A_2729 = arith.maximumf %max3A_2721, %min3A_2728 : vector<8x2048xf32>
    %max3A_2730 = arith.maximumf %max3A_2722, %slice3A_2726 : vector<8x2048xf32>
    %jit3A_2731 = arith.constant 77 : i32
    %broadcast_in_dim3A_2732 = vector.broadcast %jit3A_2731 : i32 to vector<8x2048xi32>
    %select_n3A_2733 = arith.select %gt3A_2727, %broadcast_in_dim3A_2732, %select_n3A_2725 : vector<8x2048xi1>, vector<8x2048xi32>
    %slice3A_2734 = vector.extract_strided_slice %dot_general3A_2103 {offsets = [624, 0], sizes = [8, 2048], strides = [1, 1]} : vector<2048x2048xf32> to vector<8x2048xf32>
    %gt3A_2735 = arith.cmpf ogt, %slice3A_2734, %max3A_2730 : vector<8x2048xf32>
    %min3A_2736 = arith.minimumf %max3A_2730, %slice3A_2734 : vector<8x2048xf32>
    %max3A_2737 = arith.maximumf %max3A_2729, %min3A_2736 : vector<8x2048xf32>
    %max3A_2738 = arith.maximumf %max3A_2730, %slice3A_2734 : vector<8x2048xf32>
    %jit3A_2739 = arith.constant 78 : i32
    %broadcast_in_dim3A_2740 = vector.broadcast %jit3A_2739 : i32 to vector<8x2048xi32>
    %select_n3A_2741 = arith.select %gt3A_2735, %broadcast_in_dim3A_2740, %select_n3A_2733 : vector<8x2048xi1>, vector<8x2048xi32>
    %slice3A_2742 = vector.extract_strided_slice %dot_general3A_2103 {offsets = [632, 0], sizes = [8, 2048], strides = [1, 1]} : vector<2048x2048xf32> to vector<8x2048xf32>
    %gt3A_2743 = arith.cmpf ogt, %slice3A_2742, %max3A_2738 : vector<8x2048xf32>
    %min3A_2744 = arith.minimumf %max3A_2738, %slice3A_2742 : vector<8x2048xf32>
    %max3A_2745 = arith.maximumf %max3A_2737, %min3A_2744 : vector<8x2048xf32>
    %max3A_2746 = arith.maximumf %max3A_2738, %slice3A_2742 : vector<8x2048xf32>
    %jit3A_2747 = arith.constant 79 : i32
    %broadcast_in_dim3A_2748 = vector.broadcast %jit3A_2747 : i32 to vector<8x2048xi32>
    %select_n3A_2749 = arith.select %gt3A_2743, %broadcast_in_dim3A_2748, %select_n3A_2741 : vector<8x2048xi1>, vector<8x2048xi32>
    %slice3A_2750 = vector.extract_strided_slice %dot_general3A_2103 {offsets = [640, 0], sizes = [8, 2048], strides = [1, 1]} : vector<2048x2048xf32> to vector<8x2048xf32>
    %gt3A_2751 = arith.cmpf ogt, %slice3A_2750, %max3A_2746 : vector<8x2048xf32>
    %min3A_2752 = arith.minimumf %max3A_2746, %slice3A_2750 : vector<8x2048xf32>
    %max3A_2753 = arith.maximumf %max3A_2745, %min3A_2752 : vector<8x2048xf32>
    %max3A_2754 = arith.maximumf %max3A_2746, %slice3A_2750 : vector<8x2048xf32>
    %jit3A_2755 = arith.constant 80 : i32
    %broadcast_in_dim3A_2756 = vector.broadcast %jit3A_2755 : i32 to vector<8x2048xi32>
    %select_n3A_2757 = arith.select %gt3A_2751, %broadcast_in_dim3A_2756, %select_n3A_2749 : vector<8x2048xi1>, vector<8x2048xi32>
    %slice3A_2758 = vector.extract_strided_slice %dot_general3A_2103 {offsets = [648, 0], sizes = [8, 2048], strides = [1, 1]} : vector<2048x2048xf32> to vector<8x2048xf32>
    %gt3A_2759 = arith.cmpf ogt, %slice3A_2758, %max3A_2754 : vector<8x2048xf32>
    %min3A_2760 = arith.minimumf %max3A_2754, %slice3A_2758 : vector<8x2048xf32>
    %max3A_2761 = arith.maximumf %max3A_2753, %min3A_2760 : vector<8x2048xf32>
    %max3A_2762 = arith.maximumf %max3A_2754, %slice3A_2758 : vector<8x2048xf32>
    %jit3A_2763 = arith.constant 81 : i32
    %broadcast_in_dim3A_2764 = vector.broadcast %jit3A_2763 : i32 to vector<8x2048xi32>
    %select_n3A_2765 = arith.select %gt3A_2759, %broadcast_in_dim3A_2764, %select_n3A_2757 : vector<8x2048xi1>, vector<8x2048xi32>
    %slice3A_2766 = vector.extract_strided_slice %dot_general3A_2103 {offsets = [656, 0], sizes = [8, 2048], strides = [1, 1]} : vector<2048x2048xf32> to vector<8x2048xf32>
    %gt3A_2767 = arith.cmpf ogt, %slice3A_2766, %max3A_2762 : vector<8x2048xf32>
    %min3A_2768 = arith.minimumf %max3A_2762, %slice3A_2766 : vector<8x2048xf32>
    %max3A_2769 = arith.maximumf %max3A_2761, %min3A_2768 : vector<8x2048xf32>
    %max3A_2770 = arith.maximumf %max3A_2762, %slice3A_2766 : vector<8x2048xf32>
    %jit3A_2771 = arith.constant 82 : i32
    %broadcast_in_dim3A_2772 = vector.broadcast %jit3A_2771 : i32 to vector<8x2048xi32>
    %select_n3A_2773 = arith.select %gt3A_2767, %broadcast_in_dim3A_2772, %select_n3A_2765 : vector<8x2048xi1>, vector<8x2048xi32>
    %slice3A_2774 = vector.extract_strided_slice %dot_general3A_2103 {offsets = [664, 0], sizes = [8, 2048], strides = [1, 1]} : vector<2048x2048xf32> to vector<8x2048xf32>
    %gt3A_2775 = arith.cmpf ogt, %slice3A_2774, %max3A_2770 : vector<8x2048xf32>
    %min3A_2776 = arith.minimumf %max3A_2770, %slice3A_2774 : vector<8x2048xf32>
    %max3A_2777 = arith.maximumf %max3A_2769, %min3A_2776 : vector<8x2048xf32>
    %max3A_2778 = arith.maximumf %max3A_2770, %slice3A_2774 : vector<8x2048xf32>
    %jit3A_2779 = arith.constant 83 : i32
    %broadcast_in_dim3A_2780 = vector.broadcast %jit3A_2779 : i32 to vector<8x2048xi32>
    %select_n3A_2781 = arith.select %gt3A_2775, %broadcast_in_dim3A_2780, %select_n3A_2773 : vector<8x2048xi1>, vector<8x2048xi32>
    %slice3A_2782 = vector.extract_strided_slice %dot_general3A_2103 {offsets = [672, 0], sizes = [8, 2048], strides = [1, 1]} : vector<2048x2048xf32> to vector<8x2048xf32>
    %gt3A_2783 = arith.cmpf ogt, %slice3A_2782, %max3A_2778 : vector<8x2048xf32>
    %min3A_2784 = arith.minimumf %max3A_2778, %slice3A_2782 : vector<8x2048xf32>
    %max3A_2785 = arith.maximumf %max3A_2777, %min3A_2784 : vector<8x2048xf32>
    %max3A_2786 = arith.maximumf %max3A_2778, %slice3A_2782 : vector<8x2048xf32>
    %jit3A_2787 = arith.constant 84 : i32
    %broadcast_in_dim3A_2788 = vector.broadcast %jit3A_2787 : i32 to vector<8x2048xi32>
    %select_n3A_2789 = arith.select %gt3A_2783, %broadcast_in_dim3A_2788, %select_n3A_2781 : vector<8x2048xi1>, vector<8x2048xi32>
    %slice3A_2790 = vector.extract_strided_slice %dot_general3A_2103 {offsets = [680, 0], sizes = [8, 2048], strides = [1, 1]} : vector<2048x2048xf32> to vector<8x2048xf32>
    %gt3A_2791 = arith.cmpf ogt, %slice3A_2790, %max3A_2786 : vector<8x2048xf32>
    %min3A_2792 = arith.minimumf %max3A_2786, %slice3A_2790 : vector<8x2048xf32>
    %max3A_2793 = arith.maximumf %max3A_2785, %min3A_2792 : vector<8x2048xf32>
    %max3A_2794 = arith.maximumf %max3A_2786, %slice3A_2790 : vector<8x2048xf32>
    %jit3A_2795 = arith.constant 85 : i32
    %broadcast_in_dim3A_2796 = vector.broadcast %jit3A_2795 : i32 to vector<8x2048xi32>
    %select_n3A_2797 = arith.select %gt3A_2791, %broadcast_in_dim3A_2796, %select_n3A_2789 : vector<8x2048xi1>, vector<8x2048xi32>
    %slice3A_2798 = vector.extract_strided_slice %dot_general3A_2103 {offsets = [688, 0], sizes = [8, 2048], strides = [1, 1]} : vector<2048x2048xf32> to vector<8x2048xf32>
    %gt3A_2799 = arith.cmpf ogt, %slice3A_2798, %max3A_2794 : vector<8x2048xf32>
    %min3A_2800 = arith.minimumf %max3A_2794, %slice3A_2798 : vector<8x2048xf32>
    %max3A_2801 = arith.maximumf %max3A_2793, %min3A_2800 : vector<8x2048xf32>
    %max3A_2802 = arith.maximumf %max3A_2794, %slice3A_2798 : vector<8x2048xf32>
    %jit3A_2803 = arith.constant 86 : i32
    %broadcast_in_dim3A_2804 = vector.broadcast %jit3A_2803 : i32 to vector<8x2048xi32>
    %select_n3A_2805 = arith.select %gt3A_2799, %broadcast_in_dim3A_2804, %select_n3A_2797 : vector<8x2048xi1>, vector<8x2048xi32>
    %slice3A_2806 = vector.extract_strided_slice %dot_general3A_2103 {offsets = [696, 0], sizes = [8, 2048], strides = [1, 1]} : vector<2048x2048xf32> to vector<8x2048xf32>
    %gt3A_2807 = arith.cmpf ogt, %slice3A_2806, %max3A_2802 : vector<8x2048xf32>
    %min3A_2808 = arith.minimumf %max3A_2802, %slice3A_2806 : vector<8x2048xf32>
    %max3A_2809 = arith.maximumf %max3A_2801, %min3A_2808 : vector<8x2048xf32>
    %max3A_2810 = arith.maximumf %max3A_2802, %slice3A_2806 : vector<8x2048xf32>
    %jit3A_2811 = arith.constant 87 : i32
    %broadcast_in_dim3A_2812 = vector.broadcast %jit3A_2811 : i32 to vector<8x2048xi32>
    %select_n3A_2813 = arith.select %gt3A_2807, %broadcast_in_dim3A_2812, %select_n3A_2805 : vector<8x2048xi1>, vector<8x2048xi32>
    %slice3A_2814 = vector.extract_strided_slice %dot_general3A_2103 {offsets = [704, 0], sizes = [8, 2048], strides = [1, 1]} : vector<2048x2048xf32> to vector<8x2048xf32>
    %gt3A_2815 = arith.cmpf ogt, %slice3A_2814, %max3A_2810 : vector<8x2048xf32>
    %min3A_2816 = arith.minimumf %max3A_2810, %slice3A_2814 : vector<8x2048xf32>
    %max3A_2817 = arith.maximumf %max3A_2809, %min3A_2816 : vector<8x2048xf32>
    %max3A_2818 = arith.maximumf %max3A_2810, %slice3A_2814 : vector<8x2048xf32>
    %jit3A_2819 = arith.constant 88 : i32
    %broadcast_in_dim3A_2820 = vector.broadcast %jit3A_2819 : i32 to vector<8x2048xi32>
    %select_n3A_2821 = arith.select %gt3A_2815, %broadcast_in_dim3A_2820, %select_n3A_2813 : vector<8x2048xi1>, vector<8x2048xi32>
    %slice3A_2822 = vector.extract_strided_slice %dot_general3A_2103 {offsets = [712, 0], sizes = [8, 2048], strides = [1, 1]} : vector<2048x2048xf32> to vector<8x2048xf32>
    %gt3A_2823 = arith.cmpf ogt, %slice3A_2822, %max3A_2818 : vector<8x2048xf32>
    %min3A_2824 = arith.minimumf %max3A_2818, %slice3A_2822 : vector<8x2048xf32>
    %max3A_2825 = arith.maximumf %max3A_2817, %min3A_2824 : vector<8x2048xf32>
    %max3A_2826 = arith.maximumf %max3A_2818, %slice3A_2822 : vector<8x2048xf32>
    %jit3A_2827 = arith.constant 89 : i32
    %broadcast_in_dim3A_2828 = vector.broadcast %jit3A_2827 : i32 to vector<8x2048xi32>
    %select_n3A_2829 = arith.select %gt3A_2823, %broadcast_in_dim3A_2828, %select_n3A_2821 : vector<8x2048xi1>, vector<8x2048xi32>
    %slice3A_2830 = vector.extract_strided_slice %dot_general3A_2103 {offsets = [720, 0], sizes = [8, 2048], strides = [1, 1]} : vector<2048x2048xf32> to vector<8x2048xf32>
    %gt3A_2831 = arith.cmpf ogt, %slice3A_2830, %max3A_2826 : vector<8x2048xf32>
    %min3A_2832 = arith.minimumf %max3A_2826, %slice3A_2830 : vector<8x2048xf32>
    %max3A_2833 = arith.maximumf %max3A_2825, %min3A_2832 : vector<8x2048xf32>
    %max3A_2834 = arith.maximumf %max3A_2826, %slice3A_2830 : vector<8x2048xf32>
    %jit3A_2835 = arith.constant 90 : i32
    %broadcast_in_dim3A_2836 = vector.broadcast %jit3A_2835 : i32 to vector<8x2048xi32>
    %select_n3A_2837 = arith.select %gt3A_2831, %broadcast_in_dim3A_2836, %select_n3A_2829 : vector<8x2048xi1>, vector<8x2048xi32>
    %slice3A_2838 = vector.extract_strided_slice %dot_general3A_2103 {offsets = [728, 0], sizes = [8, 2048], strides = [1, 1]} : vector<2048x2048xf32> to vector<8x2048xf32>
    %gt3A_2839 = arith.cmpf ogt, %slice3A_2838, %max3A_2834 : vector<8x2048xf32>
    %min3A_2840 = arith.minimumf %max3A_2834, %slice3A_2838 : vector<8x2048xf32>
    %max3A_2841 = arith.maximumf %max3A_2833, %min3A_2840 : vector<8x2048xf32>
    %max3A_2842 = arith.maximumf %max3A_2834, %slice3A_2838 : vector<8x2048xf32>
    %jit3A_2843 = arith.constant 91 : i32
    %broadcast_in_dim3A_2844 = vector.broadcast %jit3A_2843 : i32 to vector<8x2048xi32>
    %select_n3A_2845 = arith.select %gt3A_2839, %broadcast_in_dim3A_2844, %select_n3A_2837 : vector<8x2048xi1>, vector<8x2048xi32>
    %slice3A_2846 = vector.extract_strided_slice %dot_general3A_2103 {offsets = [736, 0], sizes = [8, 2048], strides = [1, 1]} : vector<2048x2048xf32> to vector<8x2048xf32>
    %gt3A_2847 = arith.cmpf ogt, %slice3A_2846, %max3A_2842 : vector<8x2048xf32>
    %min3A_2848 = arith.minimumf %max3A_2842, %slice3A_2846 : vector<8x2048xf32>
    %max3A_2849 = arith.maximumf %max3A_2841, %min3A_2848 : vector<8x2048xf32>
    %max3A_2850 = arith.maximumf %max3A_2842, %slice3A_2846 : vector<8x2048xf32>
    %jit3A_2851 = arith.constant 92 : i32
    %broadcast_in_dim3A_2852 = vector.broadcast %jit3A_2851 : i32 to vector<8x2048xi32>
    %select_n3A_2853 = arith.select %gt3A_2847, %broadcast_in_dim3A_2852, %select_n3A_2845 : vector<8x2048xi1>, vector<8x2048xi32>
    %slice3A_2854 = vector.extract_strided_slice %dot_general3A_2103 {offsets = [744, 0], sizes = [8, 2048], strides = [1, 1]} : vector<2048x2048xf32> to vector<8x2048xf32>
    %gt3A_2855 = arith.cmpf ogt, %slice3A_2854, %max3A_2850 : vector<8x2048xf32>
    %min3A_2856 = arith.minimumf %max3A_2850, %slice3A_2854 : vector<8x2048xf32>
    %max3A_2857 = arith.maximumf %max3A_2849, %min3A_2856 : vector<8x2048xf32>
    %max3A_2858 = arith.maximumf %max3A_2850, %slice3A_2854 : vector<8x2048xf32>
    %jit3A_2859 = arith.constant 93 : i32
    %broadcast_in_dim3A_2860 = vector.broadcast %jit3A_2859 : i32 to vector<8x2048xi32>
    %select_n3A_2861 = arith.select %gt3A_2855, %broadcast_in_dim3A_2860, %select_n3A_2853 : vector<8x2048xi1>, vector<8x2048xi32>
    %slice3A_2862 = vector.extract_strided_slice %dot_general3A_2103 {offsets = [752, 0], sizes = [8, 2048], strides = [1, 1]} : vector<2048x2048xf32> to vector<8x2048xf32>
    %gt3A_2863 = arith.cmpf ogt, %slice3A_2862, %max3A_2858 : vector<8x2048xf32>
    %min3A_2864 = arith.minimumf %max3A_2858, %slice3A_2862 : vector<8x2048xf32>
    %max3A_2865 = arith.maximumf %max3A_2857, %min3A_2864 : vector<8x2048xf32>
    %max3A_2866 = arith.maximumf %max3A_2858, %slice3A_2862 : vector<8x2048xf32>
    %jit3A_2867 = arith.constant 94 : i32
    %broadcast_in_dim3A_2868 = vector.broadcast %jit3A_2867 : i32 to vector<8x2048xi32>
    %select_n3A_2869 = arith.select %gt3A_2863, %broadcast_in_dim3A_2868, %select_n3A_2861 : vector<8x2048xi1>, vector<8x2048xi32>
    %slice3A_2870 = vector.extract_strided_slice %dot_general3A_2103 {offsets = [760, 0], sizes = [8, 2048], strides = [1, 1]} : vector<2048x2048xf32> to vector<8x2048xf32>
    %gt3A_2871 = arith.cmpf ogt, %slice3A_2870, %max3A_2866 : vector<8x2048xf32>
    %min3A_2872 = arith.minimumf %max3A_2866, %slice3A_2870 : vector<8x2048xf32>
    %max3A_2873 = arith.maximumf %max3A_2865, %min3A_2872 : vector<8x2048xf32>
    %max3A_2874 = arith.maximumf %max3A_2866, %slice3A_2870 : vector<8x2048xf32>
    %jit3A_2875 = arith.constant 95 : i32
    %broadcast_in_dim3A_2876 = vector.broadcast %jit3A_2875 : i32 to vector<8x2048xi32>
    %select_n3A_2877 = arith.select %gt3A_2871, %broadcast_in_dim3A_2876, %select_n3A_2869 : vector<8x2048xi1>, vector<8x2048xi32>
    %slice3A_2878 = vector.extract_strided_slice %dot_general3A_2103 {offsets = [768, 0], sizes = [8, 2048], strides = [1, 1]} : vector<2048x2048xf32> to vector<8x2048xf32>
    %gt3A_2879 = arith.cmpf ogt, %slice3A_2878, %max3A_2874 : vector<8x2048xf32>
    %min3A_2880 = arith.minimumf %max3A_2874, %slice3A_2878 : vector<8x2048xf32>
    %max3A_2881 = arith.maximumf %max3A_2873, %min3A_2880 : vector<8x2048xf32>
    %max3A_2882 = arith.maximumf %max3A_2874, %slice3A_2878 : vector<8x2048xf32>
    %jit3A_2883 = arith.constant 96 : i32
    %broadcast_in_dim3A_2884 = vector.broadcast %jit3A_2883 : i32 to vector<8x2048xi32>
    %select_n3A_2885 = arith.select %gt3A_2879, %broadcast_in_dim3A_2884, %select_n3A_2877 : vector<8x2048xi1>, vector<8x2048xi32>
    %slice3A_2886 = vector.extract_strided_slice %dot_general3A_2103 {offsets = [776, 0], sizes = [8, 2048], strides = [1, 1]} : vector<2048x2048xf32> to vector<8x2048xf32>
    %gt3A_2887 = arith.cmpf ogt, %slice3A_2886, %max3A_2882 : vector<8x2048xf32>
    %min3A_2888 = arith.minimumf %max3A_2882, %slice3A_2886 : vector<8x2048xf32>
    %max3A_2889 = arith.maximumf %max3A_2881, %min3A_2888 : vector<8x2048xf32>
    %max3A_2890 = arith.maximumf %max3A_2882, %slice3A_2886 : vector<8x2048xf32>
    %jit3A_2891 = arith.constant 97 : i32
    %broadcast_in_dim3A_2892 = vector.broadcast %jit3A_2891 : i32 to vector<8x2048xi32>
    %select_n3A_2893 = arith.select %gt3A_2887, %broadcast_in_dim3A_2892, %select_n3A_2885 : vector<8x2048xi1>, vector<8x2048xi32>
    %slice3A_2894 = vector.extract_strided_slice %dot_general3A_2103 {offsets = [784, 0], sizes = [8, 2048], strides = [1, 1]} : vector<2048x2048xf32> to vector<8x2048xf32>
    %gt3A_2895 = arith.cmpf ogt, %slice3A_2894, %max3A_2890 : vector<8x2048xf32>
    %min3A_2896 = arith.minimumf %max3A_2890, %slice3A_2894 : vector<8x2048xf32>
    %max3A_2897 = arith.maximumf %max3A_2889, %min3A_2896 : vector<8x2048xf32>
    %max3A_2898 = arith.maximumf %max3A_2890, %slice3A_2894 : vector<8x2048xf32>
    %jit3A_2899 = arith.constant 98 : i32
    %broadcast_in_dim3A_2900 = vector.broadcast %jit3A_2899 : i32 to vector<8x2048xi32>
    %select_n3A_2901 = arith.select %gt3A_2895, %broadcast_in_dim3A_2900, %select_n3A_2893 : vector<8x2048xi1>, vector<8x2048xi32>
    %slice3A_2902 = vector.extract_strided_slice %dot_general3A_2103 {offsets = [792, 0], sizes = [8, 2048], strides = [1, 1]} : vector<2048x2048xf32> to vector<8x2048xf32>
    %gt3A_2903 = arith.cmpf ogt, %slice3A_2902, %max3A_2898 : vector<8x2048xf32>
    %min3A_2904 = arith.minimumf %max3A_2898, %slice3A_2902 : vector<8x2048xf32>
    %max3A_2905 = arith.maximumf %max3A_2897, %min3A_2904 : vector<8x2048xf32>
    %max3A_2906 = arith.maximumf %max3A_2898, %slice3A_2902 : vector<8x2048xf32>
    %jit3A_2907 = arith.constant 99 : i32
    %broadcast_in_dim3A_2908 = vector.broadcast %jit3A_2907 : i32 to vector<8x2048xi32>
    %select_n3A_2909 = arith.select %gt3A_2903, %broadcast_in_dim3A_2908, %select_n3A_2901 : vector<8x2048xi1>, vector<8x2048xi32>
    %slice3A_2910 = vector.extract_strided_slice %dot_general3A_2103 {offsets = [800, 0], sizes = [8, 2048], strides = [1, 1]} : vector<2048x2048xf32> to vector<8x2048xf32>
    %gt3A_2911 = arith.cmpf ogt, %slice3A_2910, %max3A_2906 : vector<8x2048xf32>
    %min3A_2912 = arith.minimumf %max3A_2906, %slice3A_2910 : vector<8x2048xf32>
    %max3A_2913 = arith.maximumf %max3A_2905, %min3A_2912 : vector<8x2048xf32>
    %max3A_2914 = arith.maximumf %max3A_2906, %slice3A_2910 : vector<8x2048xf32>
    %jit3A_2915 = arith.constant 100 : i32
    %broadcast_in_dim3A_2916 = vector.broadcast %jit3A_2915 : i32 to vector<8x2048xi32>
    %select_n3A_2917 = arith.select %gt3A_2911, %broadcast_in_dim3A_2916, %select_n3A_2909 : vector<8x2048xi1>, vector<8x2048xi32>
    %slice3A_2918 = vector.extract_strided_slice %dot_general3A_2103 {offsets = [808, 0], sizes = [8, 2048], strides = [1, 1]} : vector<2048x2048xf32> to vector<8x2048xf32>
    %gt3A_2919 = arith.cmpf ogt, %slice3A_2918, %max3A_2914 : vector<8x2048xf32>
    %min3A_2920 = arith.minimumf %max3A_2914, %slice3A_2918 : vector<8x2048xf32>
    %max3A_2921 = arith.maximumf %max3A_2913, %min3A_2920 : vector<8x2048xf32>
    %max3A_2922 = arith.maximumf %max3A_2914, %slice3A_2918 : vector<8x2048xf32>
    %jit3A_2923 = arith.constant 101 : i32
    %broadcast_in_dim3A_2924 = vector.broadcast %jit3A_2923 : i32 to vector<8x2048xi32>
    %select_n3A_2925 = arith.select %gt3A_2919, %broadcast_in_dim3A_2924, %select_n3A_2917 : vector<8x2048xi1>, vector<8x2048xi32>
    %slice3A_2926 = vector.extract_strided_slice %dot_general3A_2103 {offsets = [816, 0], sizes = [8, 2048], strides = [1, 1]} : vector<2048x2048xf32> to vector<8x2048xf32>
    %gt3A_2927 = arith.cmpf ogt, %slice3A_2926, %max3A_2922 : vector<8x2048xf32>
    %min3A_2928 = arith.minimumf %max3A_2922, %slice3A_2926 : vector<8x2048xf32>
    %max3A_2929 = arith.maximumf %max3A_2921, %min3A_2928 : vector<8x2048xf32>
    %max3A_2930 = arith.maximumf %max3A_2922, %slice3A_2926 : vector<8x2048xf32>
    %jit3A_2931 = arith.constant 102 : i32
    %broadcast_in_dim3A_2932 = vector.broadcast %jit3A_2931 : i32 to vector<8x2048xi32>
    %select_n3A_2933 = arith.select %gt3A_2927, %broadcast_in_dim3A_2932, %select_n3A_2925 : vector<8x2048xi1>, vector<8x2048xi32>
    %slice3A_2934 = vector.extract_strided_slice %dot_general3A_2103 {offsets = [824, 0], sizes = [8, 2048], strides = [1, 1]} : vector<2048x2048xf32> to vector<8x2048xf32>
    %gt3A_2935 = arith.cmpf ogt, %slice3A_2934, %max3A_2930 : vector<8x2048xf32>
    %min3A_2936 = arith.minimumf %max3A_2930, %slice3A_2934 : vector<8x2048xf32>
    %max3A_2937 = arith.maximumf %max3A_2929, %min3A_2936 : vector<8x2048xf32>
    %max3A_2938 = arith.maximumf %max3A_2930, %slice3A_2934 : vector<8x2048xf32>
    %jit3A_2939 = arith.constant 103 : i32
    %broadcast_in_dim3A_2940 = vector.broadcast %jit3A_2939 : i32 to vector<8x2048xi32>
    %select_n3A_2941 = arith.select %gt3A_2935, %broadcast_in_dim3A_2940, %select_n3A_2933 : vector<8x2048xi1>, vector<8x2048xi32>
    %slice3A_2942 = vector.extract_strided_slice %dot_general3A_2103 {offsets = [832, 0], sizes = [8, 2048], strides = [1, 1]} : vector<2048x2048xf32> to vector<8x2048xf32>
    %gt3A_2943 = arith.cmpf ogt, %slice3A_2942, %max3A_2938 : vector<8x2048xf32>
    %min3A_2944 = arith.minimumf %max3A_2938, %slice3A_2942 : vector<8x2048xf32>
    %max3A_2945 = arith.maximumf %max3A_2937, %min3A_2944 : vector<8x2048xf32>
    %max3A_2946 = arith.maximumf %max3A_2938, %slice3A_2942 : vector<8x2048xf32>
    %jit3A_2947 = arith.constant 104 : i32
    %broadcast_in_dim3A_2948 = vector.broadcast %jit3A_2947 : i32 to vector<8x2048xi32>
    %select_n3A_2949 = arith.select %gt3A_2943, %broadcast_in_dim3A_2948, %select_n3A_2941 : vector<8x2048xi1>, vector<8x2048xi32>
    %slice3A_2950 = vector.extract_strided_slice %dot_general3A_2103 {offsets = [840, 0], sizes = [8, 2048], strides = [1, 1]} : vector<2048x2048xf32> to vector<8x2048xf32>
    %gt3A_2951 = arith.cmpf ogt, %slice3A_2950, %max3A_2946 : vector<8x2048xf32>
    %min3A_2952 = arith.minimumf %max3A_2946, %slice3A_2950 : vector<8x2048xf32>
    %max3A_2953 = arith.maximumf %max3A_2945, %min3A_2952 : vector<8x2048xf32>
    %max3A_2954 = arith.maximumf %max3A_2946, %slice3A_2950 : vector<8x2048xf32>
    %jit3A_2955 = arith.constant 105 : i32
    %broadcast_in_dim3A_2956 = vector.broadcast %jit3A_2955 : i32 to vector<8x2048xi32>
    %select_n3A_2957 = arith.select %gt3A_2951, %broadcast_in_dim3A_2956, %select_n3A_2949 : vector<8x2048xi1>, vector<8x2048xi32>
    %slice3A_2958 = vector.extract_strided_slice %dot_general3A_2103 {offsets = [848, 0], sizes = [8, 2048], strides = [1, 1]} : vector<2048x2048xf32> to vector<8x2048xf32>
    %gt3A_2959 = arith.cmpf ogt, %slice3A_2958, %max3A_2954 : vector<8x2048xf32>
    %min3A_2960 = arith.minimumf %max3A_2954, %slice3A_2958 : vector<8x2048xf32>
    %max3A_2961 = arith.maximumf %max3A_2953, %min3A_2960 : vector<8x2048xf32>
    %max3A_2962 = arith.maximumf %max3A_2954, %slice3A_2958 : vector<8x2048xf32>
    %jit3A_2963 = arith.constant 106 : i32
    %broadcast_in_dim3A_2964 = vector.broadcast %jit3A_2963 : i32 to vector<8x2048xi32>
    %select_n3A_2965 = arith.select %gt3A_2959, %broadcast_in_dim3A_2964, %select_n3A_2957 : vector<8x2048xi1>, vector<8x2048xi32>
    %slice3A_2966 = vector.extract_strided_slice %dot_general3A_2103 {offsets = [856, 0], sizes = [8, 2048], strides = [1, 1]} : vector<2048x2048xf32> to vector<8x2048xf32>
    %gt3A_2967 = arith.cmpf ogt, %slice3A_2966, %max3A_2962 : vector<8x2048xf32>
    %min3A_2968 = arith.minimumf %max3A_2962, %slice3A_2966 : vector<8x2048xf32>
    %max3A_2969 = arith.maximumf %max3A_2961, %min3A_2968 : vector<8x2048xf32>
    %max3A_2970 = arith.maximumf %max3A_2962, %slice3A_2966 : vector<8x2048xf32>
    %jit3A_2971 = arith.constant 107 : i32
    %broadcast_in_dim3A_2972 = vector.broadcast %jit3A_2971 : i32 to vector<8x2048xi32>
    %select_n3A_2973 = arith.select %gt3A_2967, %broadcast_in_dim3A_2972, %select_n3A_2965 : vector<8x2048xi1>, vector<8x2048xi32>
    %slice3A_2974 = vector.extract_strided_slice %dot_general3A_2103 {offsets = [864, 0], sizes = [8, 2048], strides = [1, 1]} : vector<2048x2048xf32> to vector<8x2048xf32>
    %gt3A_2975 = arith.cmpf ogt, %slice3A_2974, %max3A_2970 : vector<8x2048xf32>
    %min3A_2976 = arith.minimumf %max3A_2970, %slice3A_2974 : vector<8x2048xf32>
    %max3A_2977 = arith.maximumf %max3A_2969, %min3A_2976 : vector<8x2048xf32>
    %max3A_2978 = arith.maximumf %max3A_2970, %slice3A_2974 : vector<8x2048xf32>
    %jit3A_2979 = arith.constant 108 : i32
    %broadcast_in_dim3A_2980 = vector.broadcast %jit3A_2979 : i32 to vector<8x2048xi32>
    %select_n3A_2981 = arith.select %gt3A_2975, %broadcast_in_dim3A_2980, %select_n3A_2973 : vector<8x2048xi1>, vector<8x2048xi32>
    %slice3A_2982 = vector.extract_strided_slice %dot_general3A_2103 {offsets = [872, 0], sizes = [8, 2048], strides = [1, 1]} : vector<2048x2048xf32> to vector<8x2048xf32>
    %gt3A_2983 = arith.cmpf ogt, %slice3A_2982, %max3A_2978 : vector<8x2048xf32>
    %min3A_2984 = arith.minimumf %max3A_2978, %slice3A_2982 : vector<8x2048xf32>
    %max3A_2985 = arith.maximumf %max3A_2977, %min3A_2984 : vector<8x2048xf32>
    %max3A_2986 = arith.maximumf %max3A_2978, %slice3A_2982 : vector<8x2048xf32>
    %jit3A_2987 = arith.constant 109 : i32
    %broadcast_in_dim3A_2988 = vector.broadcast %jit3A_2987 : i32 to vector<8x2048xi32>
    %select_n3A_2989 = arith.select %gt3A_2983, %broadcast_in_dim3A_2988, %select_n3A_2981 : vector<8x2048xi1>, vector<8x2048xi32>
    %slice3A_2990 = vector.extract_strided_slice %dot_general3A_2103 {offsets = [880, 0], sizes = [8, 2048], strides = [1, 1]} : vector<2048x2048xf32> to vector<8x2048xf32>
    %gt3A_2991 = arith.cmpf ogt, %slice3A_2990, %max3A_2986 : vector<8x2048xf32>
    %min3A_2992 = arith.minimumf %max3A_2986, %slice3A_2990 : vector<8x2048xf32>
    %max3A_2993 = arith.maximumf %max3A_2985, %min3A_2992 : vector<8x2048xf32>
    %max3A_2994 = arith.maximumf %max3A_2986, %slice3A_2990 : vector<8x2048xf32>
    %jit3A_2995 = arith.constant 110 : i32
    %broadcast_in_dim3A_2996 = vector.broadcast %jit3A_2995 : i32 to vector<8x2048xi32>
    %select_n3A_2997 = arith.select %gt3A_2991, %broadcast_in_dim3A_2996, %select_n3A_2989 : vector<8x2048xi1>, vector<8x2048xi32>
    %slice3A_2998 = vector.extract_strided_slice %dot_general3A_2103 {offsets = [888, 0], sizes = [8, 2048], strides = [1, 1]} : vector<2048x2048xf32> to vector<8x2048xf32>
    %gt3A_2999 = arith.cmpf ogt, %slice3A_2998, %max3A_2994 : vector<8x2048xf32>
    %min3A_3000 = arith.minimumf %max3A_2994, %slice3A_2998 : vector<8x2048xf32>
    %max3A_3001 = arith.maximumf %max3A_2993, %min3A_3000 : vector<8x2048xf32>
    %max3A_3002 = arith.maximumf %max3A_2994, %slice3A_2998 : vector<8x2048xf32>
    %jit3A_3003 = arith.constant 111 : i32
    %broadcast_in_dim3A_3004 = vector.broadcast %jit3A_3003 : i32 to vector<8x2048xi32>
    %select_n3A_3005 = arith.select %gt3A_2999, %broadcast_in_dim3A_3004, %select_n3A_2997 : vector<8x2048xi1>, vector<8x2048xi32>
    %slice3A_3006 = vector.extract_strided_slice %dot_general3A_2103 {offsets = [896, 0], sizes = [8, 2048], strides = [1, 1]} : vector<2048x2048xf32> to vector<8x2048xf32>
    %gt3A_3007 = arith.cmpf ogt, %slice3A_3006, %max3A_3002 : vector<8x2048xf32>
    %min3A_3008 = arith.minimumf %max3A_3002, %slice3A_3006 : vector<8x2048xf32>
    %max3A_3009 = arith.maximumf %max3A_3001, %min3A_3008 : vector<8x2048xf32>
    %max3A_3010 = arith.maximumf %max3A_3002, %slice3A_3006 : vector<8x2048xf32>
    %jit3A_3011 = arith.constant 112 : i32
    %broadcast_in_dim3A_3012 = vector.broadcast %jit3A_3011 : i32 to vector<8x2048xi32>
    %select_n3A_3013 = arith.select %gt3A_3007, %broadcast_in_dim3A_3012, %select_n3A_3005 : vector<8x2048xi1>, vector<8x2048xi32>
    %slice3A_3014 = vector.extract_strided_slice %dot_general3A_2103 {offsets = [904, 0], sizes = [8, 2048], strides = [1, 1]} : vector<2048x2048xf32> to vector<8x2048xf32>
    %gt3A_3015 = arith.cmpf ogt, %slice3A_3014, %max3A_3010 : vector<8x2048xf32>
    %min3A_3016 = arith.minimumf %max3A_3010, %slice3A_3014 : vector<8x2048xf32>
    %max3A_3017 = arith.maximumf %max3A_3009, %min3A_3016 : vector<8x2048xf32>
    %max3A_3018 = arith.maximumf %max3A_3010, %slice3A_3014 : vector<8x2048xf32>
    %jit3A_3019 = arith.constant 113 : i32
    %broadcast_in_dim3A_3020 = vector.broadcast %jit3A_3019 : i32 to vector<8x2048xi32>
    %select_n3A_3021 = arith.select %gt3A_3015, %broadcast_in_dim3A_3020, %select_n3A_3013 : vector<8x2048xi1>, vector<8x2048xi32>
    %slice3A_3022 = vector.extract_strided_slice %dot_general3A_2103 {offsets = [912, 0], sizes = [8, 2048], strides = [1, 1]} : vector<2048x2048xf32> to vector<8x2048xf32>
    %gt3A_3023 = arith.cmpf ogt, %slice3A_3022, %max3A_3018 : vector<8x2048xf32>
    %min3A_3024 = arith.minimumf %max3A_3018, %slice3A_3022 : vector<8x2048xf32>
    %max3A_3025 = arith.maximumf %max3A_3017, %min3A_3024 : vector<8x2048xf32>
    %max3A_3026 = arith.maximumf %max3A_3018, %slice3A_3022 : vector<8x2048xf32>
    %jit3A_3027 = arith.constant 114 : i32
    %broadcast_in_dim3A_3028 = vector.broadcast %jit3A_3027 : i32 to vector<8x2048xi32>
    %select_n3A_3029 = arith.select %gt3A_3023, %broadcast_in_dim3A_3028, %select_n3A_3021 : vector<8x2048xi1>, vector<8x2048xi32>
    %slice3A_3030 = vector.extract_strided_slice %dot_general3A_2103 {offsets = [920, 0], sizes = [8, 2048], strides = [1, 1]} : vector<2048x2048xf32> to vector<8x2048xf32>
    %gt3A_3031 = arith.cmpf ogt, %slice3A_3030, %max3A_3026 : vector<8x2048xf32>
    %min3A_3032 = arith.minimumf %max3A_3026, %slice3A_3030 : vector<8x2048xf32>
    %max3A_3033 = arith.maximumf %max3A_3025, %min3A_3032 : vector<8x2048xf32>
    %max3A_3034 = arith.maximumf %max3A_3026, %slice3A_3030 : vector<8x2048xf32>
    %jit3A_3035 = arith.constant 115 : i32
    %broadcast_in_dim3A_3036 = vector.broadcast %jit3A_3035 : i32 to vector<8x2048xi32>
    %select_n3A_3037 = arith.select %gt3A_3031, %broadcast_in_dim3A_3036, %select_n3A_3029 : vector<8x2048xi1>, vector<8x2048xi32>
    %slice3A_3038 = vector.extract_strided_slice %dot_general3A_2103 {offsets = [928, 0], sizes = [8, 2048], strides = [1, 1]} : vector<2048x2048xf32> to vector<8x2048xf32>
    %gt3A_3039 = arith.cmpf ogt, %slice3A_3038, %max3A_3034 : vector<8x2048xf32>
    %min3A_3040 = arith.minimumf %max3A_3034, %slice3A_3038 : vector<8x2048xf32>
    %max3A_3041 = arith.maximumf %max3A_3033, %min3A_3040 : vector<8x2048xf32>
    %max3A_3042 = arith.maximumf %max3A_3034, %slice3A_3038 : vector<8x2048xf32>
    %jit3A_3043 = arith.constant 116 : i32
    %broadcast_in_dim3A_3044 = vector.broadcast %jit3A_3043 : i32 to vector<8x2048xi32>
    %select_n3A_3045 = arith.select %gt3A_3039, %broadcast_in_dim3A_3044, %select_n3A_3037 : vector<8x2048xi1>, vector<8x2048xi32>
    %slice3A_3046 = vector.extract_strided_slice %dot_general3A_2103 {offsets = [936, 0], sizes = [8, 2048], strides = [1, 1]} : vector<2048x2048xf32> to vector<8x2048xf32>
    %gt3A_3047 = arith.cmpf ogt, %slice3A_3046, %max3A_3042 : vector<8x2048xf32>
    %min3A_3048 = arith.minimumf %max3A_3042, %slice3A_3046 : vector<8x2048xf32>
    %max3A_3049 = arith.maximumf %max3A_3041, %min3A_3048 : vector<8x2048xf32>
    %max3A_3050 = arith.maximumf %max3A_3042, %slice3A_3046 : vector<8x2048xf32>
    %jit3A_3051 = arith.constant 117 : i32
    %broadcast_in_dim3A_3052 = vector.broadcast %jit3A_3051 : i32 to vector<8x2048xi32>
    %select_n3A_3053 = arith.select %gt3A_3047, %broadcast_in_dim3A_3052, %select_n3A_3045 : vector<8x2048xi1>, vector<8x2048xi32>
    %slice3A_3054 = vector.extract_strided_slice %dot_general3A_2103 {offsets = [944, 0], sizes = [8, 2048], strides = [1, 1]} : vector<2048x2048xf32> to vector<8x2048xf32>
    %gt3A_3055 = arith.cmpf ogt, %slice3A_3054, %max3A_3050 : vector<8x2048xf32>
    %min3A_3056 = arith.minimumf %max3A_3050, %slice3A_3054 : vector<8x2048xf32>
    %max3A_3057 = arith.maximumf %max3A_3049, %min3A_3056 : vector<8x2048xf32>
    %max3A_3058 = arith.maximumf %max3A_3050, %slice3A_3054 : vector<8x2048xf32>
    %jit3A_3059 = arith.constant 118 : i32
    %broadcast_in_dim3A_3060 = vector.broadcast %jit3A_3059 : i32 to vector<8x2048xi32>
    %select_n3A_3061 = arith.select %gt3A_3055, %broadcast_in_dim3A_3060, %select_n3A_3053 : vector<8x2048xi1>, vector<8x2048xi32>
    %slice3A_3062 = vector.extract_strided_slice %dot_general3A_2103 {offsets = [952, 0], sizes = [8, 2048], strides = [1, 1]} : vector<2048x2048xf32> to vector<8x2048xf32>
    %gt3A_3063 = arith.cmpf ogt, %slice3A_3062, %max3A_3058 : vector<8x2048xf32>
    %min3A_3064 = arith.minimumf %max3A_3058, %slice3A_3062 : vector<8x2048xf32>
    %max3A_3065 = arith.maximumf %max3A_3057, %min3A_3064 : vector<8x2048xf32>
    %max3A_3066 = arith.maximumf %max3A_3058, %slice3A_3062 : vector<8x2048xf32>
    %jit3A_3067 = arith.constant 119 : i32
    %broadcast_in_dim3A_3068 = vector.broadcast %jit3A_3067 : i32 to vector<8x2048xi32>
    %select_n3A_3069 = arith.select %gt3A_3063, %broadcast_in_dim3A_3068, %select_n3A_3061 : vector<8x2048xi1>, vector<8x2048xi32>
    %slice3A_3070 = vector.extract_strided_slice %dot_general3A_2103 {offsets = [960, 0], sizes = [8, 2048], strides = [1, 1]} : vector<2048x2048xf32> to vector<8x2048xf32>
    %gt3A_3071 = arith.cmpf ogt, %slice3A_3070, %max3A_3066 : vector<8x2048xf32>
    %min3A_3072 = arith.minimumf %max3A_3066, %slice3A_3070 : vector<8x2048xf32>
    %max3A_3073 = arith.maximumf %max3A_3065, %min3A_3072 : vector<8x2048xf32>
    %max3A_3074 = arith.maximumf %max3A_3066, %slice3A_3070 : vector<8x2048xf32>
    %jit3A_3075 = arith.constant 120 : i32
    %broadcast_in_dim3A_3076 = vector.broadcast %jit3A_3075 : i32 to vector<8x2048xi32>
    %select_n3A_3077 = arith.select %gt3A_3071, %broadcast_in_dim3A_3076, %select_n3A_3069 : vector<8x2048xi1>, vector<8x2048xi32>
    %slice3A_3078 = vector.extract_strided_slice %dot_general3A_2103 {offsets = [968, 0], sizes = [8, 2048], strides = [1, 1]} : vector<2048x2048xf32> to vector<8x2048xf32>
    %gt3A_3079 = arith.cmpf ogt, %slice3A_3078, %max3A_3074 : vector<8x2048xf32>
    %min3A_3080 = arith.minimumf %max3A_3074, %slice3A_3078 : vector<8x2048xf32>
    %max3A_3081 = arith.maximumf %max3A_3073, %min3A_3080 : vector<8x2048xf32>
    %max3A_3082 = arith.maximumf %max3A_3074, %slice3A_3078 : vector<8x2048xf32>
    %jit3A_3083 = arith.constant 121 : i32
    %broadcast_in_dim3A_3084 = vector.broadcast %jit3A_3083 : i32 to vector<8x2048xi32>
    %select_n3A_3085 = arith.select %gt3A_3079, %broadcast_in_dim3A_3084, %select_n3A_3077 : vector<8x2048xi1>, vector<8x2048xi32>
    %slice3A_3086 = vector.extract_strided_slice %dot_general3A_2103 {offsets = [976, 0], sizes = [8, 2048], strides = [1, 1]} : vector<2048x2048xf32> to vector<8x2048xf32>
    %gt3A_3087 = arith.cmpf ogt, %slice3A_3086, %max3A_3082 : vector<8x2048xf32>
    %min3A_3088 = arith.minimumf %max3A_3082, %slice3A_3086 : vector<8x2048xf32>
    %max3A_3089 = arith.maximumf %max3A_3081, %min3A_3088 : vector<8x2048xf32>
    %max3A_3090 = arith.maximumf %max3A_3082, %slice3A_3086 : vector<8x2048xf32>
    %jit3A_3091 = arith.constant 122 : i32
    %broadcast_in_dim3A_3092 = vector.broadcast %jit3A_3091 : i32 to vector<8x2048xi32>
    %select_n3A_3093 = arith.select %gt3A_3087, %broadcast_in_dim3A_3092, %select_n3A_3085 : vector<8x2048xi1>, vector<8x2048xi32>
    %slice3A_3094 = vector.extract_strided_slice %dot_general3A_2103 {offsets = [984, 0], sizes = [8, 2048], strides = [1, 1]} : vector<2048x2048xf32> to vector<8x2048xf32>
    %gt3A_3095 = arith.cmpf ogt, %slice3A_3094, %max3A_3090 : vector<8x2048xf32>
    %min3A_3096 = arith.minimumf %max3A_3090, %slice3A_3094 : vector<8x2048xf32>
    %max3A_3097 = arith.maximumf %max3A_3089, %min3A_3096 : vector<8x2048xf32>
    %max3A_3098 = arith.maximumf %max3A_3090, %slice3A_3094 : vector<8x2048xf32>
    %jit3A_3099 = arith.constant 123 : i32
    %broadcast_in_dim3A_3100 = vector.broadcast %jit3A_3099 : i32 to vector<8x2048xi32>
    %select_n3A_3101 = arith.select %gt3A_3095, %broadcast_in_dim3A_3100, %select_n3A_3093 : vector<8x2048xi1>, vector<8x2048xi32>
    %slice3A_3102 = vector.extract_strided_slice %dot_general3A_2103 {offsets = [992, 0], sizes = [8, 2048], strides = [1, 1]} : vector<2048x2048xf32> to vector<8x2048xf32>
    %gt3A_3103 = arith.cmpf ogt, %slice3A_3102, %max3A_3098 : vector<8x2048xf32>
    %min3A_3104 = arith.minimumf %max3A_3098, %slice3A_3102 : vector<8x2048xf32>
    %max3A_3105 = arith.maximumf %max3A_3097, %min3A_3104 : vector<8x2048xf32>
    %max3A_3106 = arith.maximumf %max3A_3098, %slice3A_3102 : vector<8x2048xf32>
    %jit3A_3107 = arith.constant 124 : i32
    %broadcast_in_dim3A_3108 = vector.broadcast %jit3A_3107 : i32 to vector<8x2048xi32>
    %select_n3A_3109 = arith.select %gt3A_3103, %broadcast_in_dim3A_3108, %select_n3A_3101 : vector<8x2048xi1>, vector<8x2048xi32>
    %slice3A_3110 = vector.extract_strided_slice %dot_general3A_2103 {offsets = [1000, 0], sizes = [8, 2048], strides = [1, 1]} : vector<2048x2048xf32> to vector<8x2048xf32>
    %gt3A_3111 = arith.cmpf ogt, %slice3A_3110, %max3A_3106 : vector<8x2048xf32>
    %min3A_3112 = arith.minimumf %max3A_3106, %slice3A_3110 : vector<8x2048xf32>
    %max3A_3113 = arith.maximumf %max3A_3105, %min3A_3112 : vector<8x2048xf32>
    %max3A_3114 = arith.maximumf %max3A_3106, %slice3A_3110 : vector<8x2048xf32>
    %jit3A_3115 = arith.constant 125 : i32
    %broadcast_in_dim3A_3116 = vector.broadcast %jit3A_3115 : i32 to vector<8x2048xi32>
    %select_n3A_3117 = arith.select %gt3A_3111, %broadcast_in_dim3A_3116, %select_n3A_3109 : vector<8x2048xi1>, vector<8x2048xi32>
    %slice3A_3118 = vector.extract_strided_slice %dot_general3A_2103 {offsets = [1008, 0], sizes = [8, 2048], strides = [1, 1]} : vector<2048x2048xf32> to vector<8x2048xf32>
    %gt3A_3119 = arith.cmpf ogt, %slice3A_3118, %max3A_3114 : vector<8x2048xf32>
    %min3A_3120 = arith.minimumf %max3A_3114, %slice3A_3118 : vector<8x2048xf32>
    %max3A_3121 = arith.maximumf %max3A_3113, %min3A_3120 : vector<8x2048xf32>
    %max3A_3122 = arith.maximumf %max3A_3114, %slice3A_3118 : vector<8x2048xf32>
    %jit3A_3123 = arith.constant 126 : i32
    %broadcast_in_dim3A_3124 = vector.broadcast %jit3A_3123 : i32 to vector<8x2048xi32>
    %select_n3A_3125 = arith.select %gt3A_3119, %broadcast_in_dim3A_3124, %select_n3A_3117 : vector<8x2048xi1>, vector<8x2048xi32>
    %slice3A_3126 = vector.extract_strided_slice %dot_general3A_2103 {offsets = [1016, 0], sizes = [8, 2048], strides = [1, 1]} : vector<2048x2048xf32> to vector<8x2048xf32>
    %gt3A_3127 = arith.cmpf ogt, %slice3A_3126, %max3A_3122 : vector<8x2048xf32>
    %min3A_3128 = arith.minimumf %max3A_3122, %slice3A_3126 : vector<8x2048xf32>
    %max3A_3129 = arith.maximumf %max3A_3121, %min3A_3128 : vector<8x2048xf32>
    %max3A_3130 = arith.maximumf %max3A_3122, %slice3A_3126 : vector<8x2048xf32>
    %jit3A_3131 = arith.constant 127 : i32
    %broadcast_in_dim3A_3132 = vector.broadcast %jit3A_3131 : i32 to vector<8x2048xi32>
    %select_n3A_3133 = arith.select %gt3A_3127, %broadcast_in_dim3A_3132, %select_n3A_3125 : vector<8x2048xi1>, vector<8x2048xi32>
    %slice3A_3134 = vector.extract_strided_slice %dot_general3A_2103 {offsets = [1024, 0], sizes = [8, 2048], strides = [1, 1]} : vector<2048x2048xf32> to vector<8x2048xf32>
    %gt3A_3135 = arith.cmpf ogt, %slice3A_3134, %max3A_3130 : vector<8x2048xf32>
    %min3A_3136 = arith.minimumf %max3A_3130, %slice3A_3134 : vector<8x2048xf32>
    %max3A_3137 = arith.maximumf %max3A_3129, %min3A_3136 : vector<8x2048xf32>
    %max3A_3138 = arith.maximumf %max3A_3130, %slice3A_3134 : vector<8x2048xf32>
    %jit3A_3139 = arith.constant 128 : i32
    %broadcast_in_dim3A_3140 = vector.broadcast %jit3A_3139 : i32 to vector<8x2048xi32>
    %select_n3A_3141 = arith.select %gt3A_3135, %broadcast_in_dim3A_3140, %select_n3A_3133 : vector<8x2048xi1>, vector<8x2048xi32>
    %slice3A_3142 = vector.extract_strided_slice %dot_general3A_2103 {offsets = [1032, 0], sizes = [8, 2048], strides = [1, 1]} : vector<2048x2048xf32> to vector<8x2048xf32>
    %gt3A_3143 = arith.cmpf ogt, %slice3A_3142, %max3A_3138 : vector<8x2048xf32>
    %min3A_3144 = arith.minimumf %max3A_3138, %slice3A_3142 : vector<8x2048xf32>
    %max3A_3145 = arith.maximumf %max3A_3137, %min3A_3144 : vector<8x2048xf32>
    %max3A_3146 = arith.maximumf %max3A_3138, %slice3A_3142 : vector<8x2048xf32>
    %jit3A_3147 = arith.constant 129 : i32
    %broadcast_in_dim3A_3148 = vector.broadcast %jit3A_3147 : i32 to vector<8x2048xi32>
    %select_n3A_3149 = arith.select %gt3A_3143, %broadcast_in_dim3A_3148, %select_n3A_3141 : vector<8x2048xi1>, vector<8x2048xi32>
    %slice3A_3150 = vector.extract_strided_slice %dot_general3A_2103 {offsets = [1040, 0], sizes = [8, 2048], strides = [1, 1]} : vector<2048x2048xf32> to vector<8x2048xf32>
    %gt3A_3151 = arith.cmpf ogt, %slice3A_3150, %max3A_3146 : vector<8x2048xf32>
    %min3A_3152 = arith.minimumf %max3A_3146, %slice3A_3150 : vector<8x2048xf32>
    %max3A_3153 = arith.maximumf %max3A_3145, %min3A_3152 : vector<8x2048xf32>
    %max3A_3154 = arith.maximumf %max3A_3146, %slice3A_3150 : vector<8x2048xf32>
    %jit3A_3155 = arith.constant 130 : i32
    %broadcast_in_dim3A_3156 = vector.broadcast %jit3A_3155 : i32 to vector<8x2048xi32>
    %select_n3A_3157 = arith.select %gt3A_3151, %broadcast_in_dim3A_3156, %select_n3A_3149 : vector<8x2048xi1>, vector<8x2048xi32>
    %slice3A_3158 = vector.extract_strided_slice %dot_general3A_2103 {offsets = [1048, 0], sizes = [8, 2048], strides = [1, 1]} : vector<2048x2048xf32> to vector<8x2048xf32>
    %gt3A_3159 = arith.cmpf ogt, %slice3A_3158, %max3A_3154 : vector<8x2048xf32>
    %min3A_3160 = arith.minimumf %max3A_3154, %slice3A_3158 : vector<8x2048xf32>
    %max3A_3161 = arith.maximumf %max3A_3153, %min3A_3160 : vector<8x2048xf32>
    %max3A_3162 = arith.maximumf %max3A_3154, %slice3A_3158 : vector<8x2048xf32>
    %jit3A_3163 = arith.constant 131 : i32
    %broadcast_in_dim3A_3164 = vector.broadcast %jit3A_3163 : i32 to vector<8x2048xi32>
    %select_n3A_3165 = arith.select %gt3A_3159, %broadcast_in_dim3A_3164, %select_n3A_3157 : vector<8x2048xi1>, vector<8x2048xi32>
    %slice3A_3166 = vector.extract_strided_slice %dot_general3A_2103 {offsets = [1056, 0], sizes = [8, 2048], strides = [1, 1]} : vector<2048x2048xf32> to vector<8x2048xf32>
    %gt3A_3167 = arith.cmpf ogt, %slice3A_3166, %max3A_3162 : vector<8x2048xf32>
    %min3A_3168 = arith.minimumf %max3A_3162, %slice3A_3166 : vector<8x2048xf32>
    %max3A_3169 = arith.maximumf %max3A_3161, %min3A_3168 : vector<8x2048xf32>
    %max3A_3170 = arith.maximumf %max3A_3162, %slice3A_3166 : vector<8x2048xf32>
    %jit3A_3171 = arith.constant 132 : i32
    %broadcast_in_dim3A_3172 = vector.broadcast %jit3A_3171 : i32 to vector<8x2048xi32>
    %select_n3A_3173 = arith.select %gt3A_3167, %broadcast_in_dim3A_3172, %select_n3A_3165 : vector<8x2048xi1>, vector<8x2048xi32>
    %slice3A_3174 = vector.extract_strided_slice %dot_general3A_2103 {offsets = [1064, 0], sizes = [8, 2048], strides = [1, 1]} : vector<2048x2048xf32> to vector<8x2048xf32>
    %gt3A_3175 = arith.cmpf ogt, %slice3A_3174, %max3A_3170 : vector<8x2048xf32>
    %min3A_3176 = arith.minimumf %max3A_3170, %slice3A_3174 : vector<8x2048xf32>
    %max3A_3177 = arith.maximumf %max3A_3169, %min3A_3176 : vector<8x2048xf32>
    %max3A_3178 = arith.maximumf %max3A_3170, %slice3A_3174 : vector<8x2048xf32>
    %jit3A_3179 = arith.constant 133 : i32
    %broadcast_in_dim3A_3180 = vector.broadcast %jit3A_3179 : i32 to vector<8x2048xi32>
    %select_n3A_3181 = arith.select %gt3A_3175, %broadcast_in_dim3A_3180, %select_n3A_3173 : vector<8x2048xi1>, vector<8x2048xi32>
    %slice3A_3182 = vector.extract_strided_slice %dot_general3A_2103 {offsets = [1072, 0], sizes = [8, 2048], strides = [1, 1]} : vector<2048x2048xf32> to vector<8x2048xf32>
    %gt3A_3183 = arith.cmpf ogt, %slice3A_3182, %max3A_3178 : vector<8x2048xf32>
    %min3A_3184 = arith.minimumf %max3A_3178, %slice3A_3182 : vector<8x2048xf32>
    %max3A_3185 = arith.maximumf %max3A_3177, %min3A_3184 : vector<8x2048xf32>
    %max3A_3186 = arith.maximumf %max3A_3178, %slice3A_3182 : vector<8x2048xf32>
    %jit3A_3187 = arith.constant 134 : i32
    %broadcast_in_dim3A_3188 = vector.broadcast %jit3A_3187 : i32 to vector<8x2048xi32>
    %select_n3A_3189 = arith.select %gt3A_3183, %broadcast_in_dim3A_3188, %select_n3A_3181 : vector<8x2048xi1>, vector<8x2048xi32>
    %slice3A_3190 = vector.extract_strided_slice %dot_general3A_2103 {offsets = [1080, 0], sizes = [8, 2048], strides = [1, 1]} : vector<2048x2048xf32> to vector<8x2048xf32>
    %gt3A_3191 = arith.cmpf ogt, %slice3A_3190, %max3A_3186 : vector<8x2048xf32>
    %min3A_3192 = arith.minimumf %max3A_3186, %slice3A_3190 : vector<8x2048xf32>
    %max3A_3193 = arith.maximumf %max3A_3185, %min3A_3192 : vector<8x2048xf32>
    %max3A_3194 = arith.maximumf %max3A_3186, %slice3A_3190 : vector<8x2048xf32>
    %jit3A_3195 = arith.constant 135 : i32
    %broadcast_in_dim3A_3196 = vector.broadcast %jit3A_3195 : i32 to vector<8x2048xi32>
    %select_n3A_3197 = arith.select %gt3A_3191, %broadcast_in_dim3A_3196, %select_n3A_3189 : vector<8x2048xi1>, vector<8x2048xi32>
    %slice3A_3198 = vector.extract_strided_slice %dot_general3A_2103 {offsets = [1088, 0], sizes = [8, 2048], strides = [1, 1]} : vector<2048x2048xf32> to vector<8x2048xf32>
    %gt3A_3199 = arith.cmpf ogt, %slice3A_3198, %max3A_3194 : vector<8x2048xf32>
    %min3A_3200 = arith.minimumf %max3A_3194, %slice3A_3198 : vector<8x2048xf32>
    %max3A_3201 = arith.maximumf %max3A_3193, %min3A_3200 : vector<8x2048xf32>
    %max3A_3202 = arith.maximumf %max3A_3194, %slice3A_3198 : vector<8x2048xf32>
    %jit3A_3203 = arith.constant 136 : i32
    %broadcast_in_dim3A_3204 = vector.broadcast %jit3A_3203 : i32 to vector<8x2048xi32>
    %select_n3A_3205 = arith.select %gt3A_3199, %broadcast_in_dim3A_3204, %select_n3A_3197 : vector<8x2048xi1>, vector<8x2048xi32>
    %slice3A_3206 = vector.extract_strided_slice %dot_general3A_2103 {offsets = [1096, 0], sizes = [8, 2048], strides = [1, 1]} : vector<2048x2048xf32> to vector<8x2048xf32>
    %gt3A_3207 = arith.cmpf ogt, %slice3A_3206, %max3A_3202 : vector<8x2048xf32>
    %min3A_3208 = arith.minimumf %max3A_3202, %slice3A_3206 : vector<8x2048xf32>
    %max3A_3209 = arith.maximumf %max3A_3201, %min3A_3208 : vector<8x2048xf32>
    %max3A_3210 = arith.maximumf %max3A_3202, %slice3A_3206 : vector<8x2048xf32>
    %jit3A_3211 = arith.constant 137 : i32
    %broadcast_in_dim3A_3212 = vector.broadcast %jit3A_3211 : i32 to vector<8x2048xi32>
    %select_n3A_3213 = arith.select %gt3A_3207, %broadcast_in_dim3A_3212, %select_n3A_3205 : vector<8x2048xi1>, vector<8x2048xi32>
    %slice3A_3214 = vector.extract_strided_slice %dot_general3A_2103 {offsets = [1104, 0], sizes = [8, 2048], strides = [1, 1]} : vector<2048x2048xf32> to vector<8x2048xf32>
    %gt3A_3215 = arith.cmpf ogt, %slice3A_3214, %max3A_3210 : vector<8x2048xf32>
    %min3A_3216 = arith.minimumf %max3A_3210, %slice3A_3214 : vector<8x2048xf32>
    %max3A_3217 = arith.maximumf %max3A_3209, %min3A_3216 : vector<8x2048xf32>
    %max3A_3218 = arith.maximumf %max3A_3210, %slice3A_3214 : vector<8x2048xf32>
    %jit3A_3219 = arith.constant 138 : i32
    %broadcast_in_dim3A_3220 = vector.broadcast %jit3A_3219 : i32 to vector<8x2048xi32>
    %select_n3A_3221 = arith.select %gt3A_3215, %broadcast_in_dim3A_3220, %select_n3A_3213 : vector<8x2048xi1>, vector<8x2048xi32>
    %slice3A_3222 = vector.extract_strided_slice %dot_general3A_2103 {offsets = [1112, 0], sizes = [8, 2048], strides = [1, 1]} : vector<2048x2048xf32> to vector<8x2048xf32>
    %gt3A_3223 = arith.cmpf ogt, %slice3A_3222, %max3A_3218 : vector<8x2048xf32>
    %min3A_3224 = arith.minimumf %max3A_3218, %slice3A_3222 : vector<8x2048xf32>
    %max3A_3225 = arith.maximumf %max3A_3217, %min3A_3224 : vector<8x2048xf32>
    %max3A_3226 = arith.maximumf %max3A_3218, %slice3A_3222 : vector<8x2048xf32>
    %jit3A_3227 = arith.constant 139 : i32
    %broadcast_in_dim3A_3228 = vector.broadcast %jit3A_3227 : i32 to vector<8x2048xi32>
    %select_n3A_3229 = arith.select %gt3A_3223, %broadcast_in_dim3A_3228, %select_n3A_3221 : vector<8x2048xi1>, vector<8x2048xi32>
    %slice3A_3230 = vector.extract_strided_slice %dot_general3A_2103 {offsets = [1120, 0], sizes = [8, 2048], strides = [1, 1]} : vector<2048x2048xf32> to vector<8x2048xf32>
    %gt3A_3231 = arith.cmpf ogt, %slice3A_3230, %max3A_3226 : vector<8x2048xf32>
    %min3A_3232 = arith.minimumf %max3A_3226, %slice3A_3230 : vector<8x2048xf32>
    %max3A_3233 = arith.maximumf %max3A_3225, %min3A_3232 : vector<8x2048xf32>
    %max3A_3234 = arith.maximumf %max3A_3226, %slice3A_3230 : vector<8x2048xf32>
    %jit3A_3235 = arith.constant 140 : i32
    %broadcast_in_dim3A_3236 = vector.broadcast %jit3A_3235 : i32 to vector<8x2048xi32>
    %select_n3A_3237 = arith.select %gt3A_3231, %broadcast_in_dim3A_3236, %select_n3A_3229 : vector<8x2048xi1>, vector<8x2048xi32>
    %slice3A_3238 = vector.extract_strided_slice %dot_general3A_2103 {offsets = [1128, 0], sizes = [8, 2048], strides = [1, 1]} : vector<2048x2048xf32> to vector<8x2048xf32>
    %gt3A_3239 = arith.cmpf ogt, %slice3A_3238, %max3A_3234 : vector<8x2048xf32>
    %min3A_3240 = arith.minimumf %max3A_3234, %slice3A_3238 : vector<8x2048xf32>
    %max3A_3241 = arith.maximumf %max3A_3233, %min3A_3240 : vector<8x2048xf32>
    %max3A_3242 = arith.maximumf %max3A_3234, %slice3A_3238 : vector<8x2048xf32>
    %jit3A_3243 = arith.constant 141 : i32
    %broadcast_in_dim3A_3244 = vector.broadcast %jit3A_3243 : i32 to vector<8x2048xi32>
    %select_n3A_3245 = arith.select %gt3A_3239, %broadcast_in_dim3A_3244, %select_n3A_3237 : vector<8x2048xi1>, vector<8x2048xi32>
    %slice3A_3246 = vector.extract_strided_slice %dot_general3A_2103 {offsets = [1136, 0], sizes = [8, 2048], strides = [1, 1]} : vector<2048x2048xf32> to vector<8x2048xf32>
    %gt3A_3247 = arith.cmpf ogt, %slice3A_3246, %max3A_3242 : vector<8x2048xf32>
    %min3A_3248 = arith.minimumf %max3A_3242, %slice3A_3246 : vector<8x2048xf32>
    %max3A_3249 = arith.maximumf %max3A_3241, %min3A_3248 : vector<8x2048xf32>
    %max3A_3250 = arith.maximumf %max3A_3242, %slice3A_3246 : vector<8x2048xf32>
    %jit3A_3251 = arith.constant 142 : i32
    %broadcast_in_dim3A_3252 = vector.broadcast %jit3A_3251 : i32 to vector<8x2048xi32>
    %select_n3A_3253 = arith.select %gt3A_3247, %broadcast_in_dim3A_3252, %select_n3A_3245 : vector<8x2048xi1>, vector<8x2048xi32>
    %slice3A_3254 = vector.extract_strided_slice %dot_general3A_2103 {offsets = [1144, 0], sizes = [8, 2048], strides = [1, 1]} : vector<2048x2048xf32> to vector<8x2048xf32>
    %gt3A_3255 = arith.cmpf ogt, %slice3A_3254, %max3A_3250 : vector<8x2048xf32>
    %min3A_3256 = arith.minimumf %max3A_3250, %slice3A_3254 : vector<8x2048xf32>
    %max3A_3257 = arith.maximumf %max3A_3249, %min3A_3256 : vector<8x2048xf32>
    %max3A_3258 = arith.maximumf %max3A_3250, %slice3A_3254 : vector<8x2048xf32>
    %jit3A_3259 = arith.constant 143 : i32
    %broadcast_in_dim3A_3260 = vector.broadcast %jit3A_3259 : i32 to vector<8x2048xi32>
    %select_n3A_3261 = arith.select %gt3A_3255, %broadcast_in_dim3A_3260, %select_n3A_3253 : vector<8x2048xi1>, vector<8x2048xi32>
    %slice3A_3262 = vector.extract_strided_slice %dot_general3A_2103 {offsets = [1152, 0], sizes = [8, 2048], strides = [1, 1]} : vector<2048x2048xf32> to vector<8x2048xf32>
    %gt3A_3263 = arith.cmpf ogt, %slice3A_3262, %max3A_3258 : vector<8x2048xf32>
    %min3A_3264 = arith.minimumf %max3A_3258, %slice3A_3262 : vector<8x2048xf32>
    %max3A_3265 = arith.maximumf %max3A_3257, %min3A_3264 : vector<8x2048xf32>
    %max3A_3266 = arith.maximumf %max3A_3258, %slice3A_3262 : vector<8x2048xf32>
    %jit3A_3267 = arith.constant 144 : i32
    %broadcast_in_dim3A_3268 = vector.broadcast %jit3A_3267 : i32 to vector<8x2048xi32>
    %select_n3A_3269 = arith.select %gt3A_3263, %broadcast_in_dim3A_3268, %select_n3A_3261 : vector<8x2048xi1>, vector<8x2048xi32>
    %slice3A_3270 = vector.extract_strided_slice %dot_general3A_2103 {offsets = [1160, 0], sizes = [8, 2048], strides = [1, 1]} : vector<2048x2048xf32> to vector<8x2048xf32>
    %gt3A_3271 = arith.cmpf ogt, %slice3A_3270, %max3A_3266 : vector<8x2048xf32>
    %min3A_3272 = arith.minimumf %max3A_3266, %slice3A_3270 : vector<8x2048xf32>
    %max3A_3273 = arith.maximumf %max3A_3265, %min3A_3272 : vector<8x2048xf32>
    %max3A_3274 = arith.maximumf %max3A_3266, %slice3A_3270 : vector<8x2048xf32>
    %jit3A_3275 = arith.constant 145 : i32
    %broadcast_in_dim3A_3276 = vector.broadcast %jit3A_3275 : i32 to vector<8x2048xi32>
    %select_n3A_3277 = arith.select %gt3A_3271, %broadcast_in_dim3A_3276, %select_n3A_3269 : vector<8x2048xi1>, vector<8x2048xi32>
    %slice3A_3278 = vector.extract_strided_slice %dot_general3A_2103 {offsets = [1168, 0], sizes = [8, 2048], strides = [1, 1]} : vector<2048x2048xf32> to vector<8x2048xf32>
    %gt3A_3279 = arith.cmpf ogt, %slice3A_3278, %max3A_3274 : vector<8x2048xf32>
    %min3A_3280 = arith.minimumf %max3A_3274, %slice3A_3278 : vector<8x2048xf32>
    %max3A_3281 = arith.maximumf %max3A_3273, %min3A_3280 : vector<8x2048xf32>
    %max3A_3282 = arith.maximumf %max3A_3274, %slice3A_3278 : vector<8x2048xf32>
    %jit3A_3283 = arith.constant 146 : i32
    %broadcast_in_dim3A_3284 = vector.broadcast %jit3A_3283 : i32 to vector<8x2048xi32>
    %select_n3A_3285 = arith.select %gt3A_3279, %broadcast_in_dim3A_3284, %select_n3A_3277 : vector<8x2048xi1>, vector<8x2048xi32>
    %slice3A_3286 = vector.extract_strided_slice %dot_general3A_2103 {offsets = [1176, 0], sizes = [8, 2048], strides = [1, 1]} : vector<2048x2048xf32> to vector<8x2048xf32>
    %gt3A_3287 = arith.cmpf ogt, %slice3A_3286, %max3A_3282 : vector<8x2048xf32>
    %min3A_3288 = arith.minimumf %max3A_3282, %slice3A_3286 : vector<8x2048xf32>
    %max3A_3289 = arith.maximumf %max3A_3281, %min3A_3288 : vector<8x2048xf32>
    %max3A_3290 = arith.maximumf %max3A_3282, %slice3A_3286 : vector<8x2048xf32>
    %jit3A_3291 = arith.constant 147 : i32
    %broadcast_in_dim3A_3292 = vector.broadcast %jit3A_3291 : i32 to vector<8x2048xi32>
    %select_n3A_3293 = arith.select %gt3A_3287, %broadcast_in_dim3A_3292, %select_n3A_3285 : vector<8x2048xi1>, vector<8x2048xi32>
    %slice3A_3294 = vector.extract_strided_slice %dot_general3A_2103 {offsets = [1184, 0], sizes = [8, 2048], strides = [1, 1]} : vector<2048x2048xf32> to vector<8x2048xf32>
    %gt3A_3295 = arith.cmpf ogt, %slice3A_3294, %max3A_3290 : vector<8x2048xf32>
    %min3A_3296 = arith.minimumf %max3A_3290, %slice3A_3294 : vector<8x2048xf32>
    %max3A_3297 = arith.maximumf %max3A_3289, %min3A_3296 : vector<8x2048xf32>
    %max3A_3298 = arith.maximumf %max3A_3290, %slice3A_3294 : vector<8x2048xf32>
    %jit3A_3299 = arith.constant 148 : i32
    %broadcast_in_dim3A_3300 = vector.broadcast %jit3A_3299 : i32 to vector<8x2048xi32>
    %select_n3A_3301 = arith.select %gt3A_3295, %broadcast_in_dim3A_3300, %select_n3A_3293 : vector<8x2048xi1>, vector<8x2048xi32>
    %slice3A_3302 = vector.extract_strided_slice %dot_general3A_2103 {offsets = [1192, 0], sizes = [8, 2048], strides = [1, 1]} : vector<2048x2048xf32> to vector<8x2048xf32>
    %gt3A_3303 = arith.cmpf ogt, %slice3A_3302, %max3A_3298 : vector<8x2048xf32>
    %min3A_3304 = arith.minimumf %max3A_3298, %slice3A_3302 : vector<8x2048xf32>
    %max3A_3305 = arith.maximumf %max3A_3297, %min3A_3304 : vector<8x2048xf32>
    %max3A_3306 = arith.maximumf %max3A_3298, %slice3A_3302 : vector<8x2048xf32>
    %jit3A_3307 = arith.constant 149 : i32
    %broadcast_in_dim3A_3308 = vector.broadcast %jit3A_3307 : i32 to vector<8x2048xi32>
    %select_n3A_3309 = arith.select %gt3A_3303, %broadcast_in_dim3A_3308, %select_n3A_3301 : vector<8x2048xi1>, vector<8x2048xi32>
    %slice3A_3310 = vector.extract_strided_slice %dot_general3A_2103 {offsets = [1200, 0], sizes = [8, 2048], strides = [1, 1]} : vector<2048x2048xf32> to vector<8x2048xf32>
    %gt3A_3311 = arith.cmpf ogt, %slice3A_3310, %max3A_3306 : vector<8x2048xf32>
    %min3A_3312 = arith.minimumf %max3A_3306, %slice3A_3310 : vector<8x2048xf32>
    %max3A_3313 = arith.maximumf %max3A_3305, %min3A_3312 : vector<8x2048xf32>
    %max3A_3314 = arith.maximumf %max3A_3306, %slice3A_3310 : vector<8x2048xf32>
    %jit3A_3315 = arith.constant 150 : i32
    %broadcast_in_dim3A_3316 = vector.broadcast %jit3A_3315 : i32 to vector<8x2048xi32>
    %select_n3A_3317 = arith.select %gt3A_3311, %broadcast_in_dim3A_3316, %select_n3A_3309 : vector<8x2048xi1>, vector<8x2048xi32>
    %slice3A_3318 = vector.extract_strided_slice %dot_general3A_2103 {offsets = [1208, 0], sizes = [8, 2048], strides = [1, 1]} : vector<2048x2048xf32> to vector<8x2048xf32>
    %gt3A_3319 = arith.cmpf ogt, %slice3A_3318, %max3A_3314 : vector<8x2048xf32>
    %min3A_3320 = arith.minimumf %max3A_3314, %slice3A_3318 : vector<8x2048xf32>
    %max3A_3321 = arith.maximumf %max3A_3313, %min3A_3320 : vector<8x2048xf32>
    %max3A_3322 = arith.maximumf %max3A_3314, %slice3A_3318 : vector<8x2048xf32>
    %jit3A_3323 = arith.constant 151 : i32
    %broadcast_in_dim3A_3324 = vector.broadcast %jit3A_3323 : i32 to vector<8x2048xi32>
    %select_n3A_3325 = arith.select %gt3A_3319, %broadcast_in_dim3A_3324, %select_n3A_3317 : vector<8x2048xi1>, vector<8x2048xi32>
    %slice3A_3326 = vector.extract_strided_slice %dot_general3A_2103 {offsets = [1216, 0], sizes = [8, 2048], strides = [1, 1]} : vector<2048x2048xf32> to vector<8x2048xf32>
    %gt3A_3327 = arith.cmpf ogt, %slice3A_3326, %max3A_3322 : vector<8x2048xf32>
    %min3A_3328 = arith.minimumf %max3A_3322, %slice3A_3326 : vector<8x2048xf32>
    %max3A_3329 = arith.maximumf %max3A_3321, %min3A_3328 : vector<8x2048xf32>
    %max3A_3330 = arith.maximumf %max3A_3322, %slice3A_3326 : vector<8x2048xf32>
    %jit3A_3331 = arith.constant 152 : i32
    %broadcast_in_dim3A_3332 = vector.broadcast %jit3A_3331 : i32 to vector<8x2048xi32>
    %select_n3A_3333 = arith.select %gt3A_3327, %broadcast_in_dim3A_3332, %select_n3A_3325 : vector<8x2048xi1>, vector<8x2048xi32>
    %slice3A_3334 = vector.extract_strided_slice %dot_general3A_2103 {offsets = [1224, 0], sizes = [8, 2048], strides = [1, 1]} : vector<2048x2048xf32> to vector<8x2048xf32>
    %gt3A_3335 = arith.cmpf ogt, %slice3A_3334, %max3A_3330 : vector<8x2048xf32>
    %min3A_3336 = arith.minimumf %max3A_3330, %slice3A_3334 : vector<8x2048xf32>
    %max3A_3337 = arith.maximumf %max3A_3329, %min3A_3336 : vector<8x2048xf32>
    %max3A_3338 = arith.maximumf %max3A_3330, %slice3A_3334 : vector<8x2048xf32>
    %jit3A_3339 = arith.constant 153 : i32
    %broadcast_in_dim3A_3340 = vector.broadcast %jit3A_3339 : i32 to vector<8x2048xi32>
    %select_n3A_3341 = arith.select %gt3A_3335, %broadcast_in_dim3A_3340, %select_n3A_3333 : vector<8x2048xi1>, vector<8x2048xi32>
    %slice3A_3342 = vector.extract_strided_slice %dot_general3A_2103 {offsets = [1232, 0], sizes = [8, 2048], strides = [1, 1]} : vector<2048x2048xf32> to vector<8x2048xf32>
    %gt3A_3343 = arith.cmpf ogt, %slice3A_3342, %max3A_3338 : vector<8x2048xf32>
    %min3A_3344 = arith.minimumf %max3A_3338, %slice3A_3342 : vector<8x2048xf32>
    %max3A_3345 = arith.maximumf %max3A_3337, %min3A_3344 : vector<8x2048xf32>
    %max3A_3346 = arith.maximumf %max3A_3338, %slice3A_3342 : vector<8x2048xf32>
    %jit3A_3347 = arith.constant 154 : i32
    %broadcast_in_dim3A_3348 = vector.broadcast %jit3A_3347 : i32 to vector<8x2048xi32>
    %select_n3A_3349 = arith.select %gt3A_3343, %broadcast_in_dim3A_3348, %select_n3A_3341 : vector<8x2048xi1>, vector<8x2048xi32>
    %slice3A_3350 = vector.extract_strided_slice %dot_general3A_2103 {offsets = [1240, 0], sizes = [8, 2048], strides = [1, 1]} : vector<2048x2048xf32> to vector<8x2048xf32>
    %gt3A_3351 = arith.cmpf ogt, %slice3A_3350, %max3A_3346 : vector<8x2048xf32>
    %min3A_3352 = arith.minimumf %max3A_3346, %slice3A_3350 : vector<8x2048xf32>
    %max3A_3353 = arith.maximumf %max3A_3345, %min3A_3352 : vector<8x2048xf32>
    %max3A_3354 = arith.maximumf %max3A_3346, %slice3A_3350 : vector<8x2048xf32>
    %jit3A_3355 = arith.constant 155 : i32
    %broadcast_in_dim3A_3356 = vector.broadcast %jit3A_3355 : i32 to vector<8x2048xi32>
    %select_n3A_3357 = arith.select %gt3A_3351, %broadcast_in_dim3A_3356, %select_n3A_3349 : vector<8x2048xi1>, vector<8x2048xi32>
    %slice3A_3358 = vector.extract_strided_slice %dot_general3A_2103 {offsets = [1248, 0], sizes = [8, 2048], strides = [1, 1]} : vector<2048x2048xf32> to vector<8x2048xf32>
    %gt3A_3359 = arith.cmpf ogt, %slice3A_3358, %max3A_3354 : vector<8x2048xf32>
    %min3A_3360 = arith.minimumf %max3A_3354, %slice3A_3358 : vector<8x2048xf32>
    %max3A_3361 = arith.maximumf %max3A_3353, %min3A_3360 : vector<8x2048xf32>
    %max3A_3362 = arith.maximumf %max3A_3354, %slice3A_3358 : vector<8x2048xf32>
    %jit3A_3363 = arith.constant 156 : i32
    %broadcast_in_dim3A_3364 = vector.broadcast %jit3A_3363 : i32 to vector<8x2048xi32>
    %select_n3A_3365 = arith.select %gt3A_3359, %broadcast_in_dim3A_3364, %select_n3A_3357 : vector<8x2048xi1>, vector<8x2048xi32>
    %slice3A_3366 = vector.extract_strided_slice %dot_general3A_2103 {offsets = [1256, 0], sizes = [8, 2048], strides = [1, 1]} : vector<2048x2048xf32> to vector<8x2048xf32>
    %gt3A_3367 = arith.cmpf ogt, %slice3A_3366, %max3A_3362 : vector<8x2048xf32>
    %min3A_3368 = arith.minimumf %max3A_3362, %slice3A_3366 : vector<8x2048xf32>
    %max3A_3369 = arith.maximumf %max3A_3361, %min3A_3368 : vector<8x2048xf32>
    %max3A_3370 = arith.maximumf %max3A_3362, %slice3A_3366 : vector<8x2048xf32>
    %jit3A_3371 = arith.constant 157 : i32
    %broadcast_in_dim3A_3372 = vector.broadcast %jit3A_3371 : i32 to vector<8x2048xi32>
    %select_n3A_3373 = arith.select %gt3A_3367, %broadcast_in_dim3A_3372, %select_n3A_3365 : vector<8x2048xi1>, vector<8x2048xi32>
    %slice3A_3374 = vector.extract_strided_slice %dot_general3A_2103 {offsets = [1264, 0], sizes = [8, 2048], strides = [1, 1]} : vector<2048x2048xf32> to vector<8x2048xf32>
    %gt3A_3375 = arith.cmpf ogt, %slice3A_3374, %max3A_3370 : vector<8x2048xf32>
    %min3A_3376 = arith.minimumf %max3A_3370, %slice3A_3374 : vector<8x2048xf32>
    %max3A_3377 = arith.maximumf %max3A_3369, %min3A_3376 : vector<8x2048xf32>
    %max3A_3378 = arith.maximumf %max3A_3370, %slice3A_3374 : vector<8x2048xf32>
    %jit3A_3379 = arith.constant 158 : i32
    %broadcast_in_dim3A_3380 = vector.broadcast %jit3A_3379 : i32 to vector<8x2048xi32>
    %select_n3A_3381 = arith.select %gt3A_3375, %broadcast_in_dim3A_3380, %select_n3A_3373 : vector<8x2048xi1>, vector<8x2048xi32>
    %slice3A_3382 = vector.extract_strided_slice %dot_general3A_2103 {offsets = [1272, 0], sizes = [8, 2048], strides = [1, 1]} : vector<2048x2048xf32> to vector<8x2048xf32>
    %gt3A_3383 = arith.cmpf ogt, %slice3A_3382, %max3A_3378 : vector<8x2048xf32>
    %min3A_3384 = arith.minimumf %max3A_3378, %slice3A_3382 : vector<8x2048xf32>
    %max3A_3385 = arith.maximumf %max3A_3377, %min3A_3384 : vector<8x2048xf32>
    %max3A_3386 = arith.maximumf %max3A_3378, %slice3A_3382 : vector<8x2048xf32>
    %jit3A_3387 = arith.constant 159 : i32
    %broadcast_in_dim3A_3388 = vector.broadcast %jit3A_3387 : i32 to vector<8x2048xi32>
    %select_n3A_3389 = arith.select %gt3A_3383, %broadcast_in_dim3A_3388, %select_n3A_3381 : vector<8x2048xi1>, vector<8x2048xi32>
    %slice3A_3390 = vector.extract_strided_slice %dot_general3A_2103 {offsets = [1280, 0], sizes = [8, 2048], strides = [1, 1]} : vector<2048x2048xf32> to vector<8x2048xf32>
    %gt3A_3391 = arith.cmpf ogt, %slice3A_3390, %max3A_3386 : vector<8x2048xf32>
    %min3A_3392 = arith.minimumf %max3A_3386, %slice3A_3390 : vector<8x2048xf32>
    %max3A_3393 = arith.maximumf %max3A_3385, %min3A_3392 : vector<8x2048xf32>
    %max3A_3394 = arith.maximumf %max3A_3386, %slice3A_3390 : vector<8x2048xf32>
    %jit3A_3395 = arith.constant 160 : i32
    %broadcast_in_dim3A_3396 = vector.broadcast %jit3A_3395 : i32 to vector<8x2048xi32>
    %select_n3A_3397 = arith.select %gt3A_3391, %broadcast_in_dim3A_3396, %select_n3A_3389 : vector<8x2048xi1>, vector<8x2048xi32>
    %slice3A_3398 = vector.extract_strided_slice %dot_general3A_2103 {offsets = [1288, 0], sizes = [8, 2048], strides = [1, 1]} : vector<2048x2048xf32> to vector<8x2048xf32>
    %gt3A_3399 = arith.cmpf ogt, %slice3A_3398, %max3A_3394 : vector<8x2048xf32>
    %min3A_3400 = arith.minimumf %max3A_3394, %slice3A_3398 : vector<8x2048xf32>
    %max3A_3401 = arith.maximumf %max3A_3393, %min3A_3400 : vector<8x2048xf32>
    %max3A_3402 = arith.maximumf %max3A_3394, %slice3A_3398 : vector<8x2048xf32>
    %jit3A_3403 = arith.constant 161 : i32
    %broadcast_in_dim3A_3404 = vector.broadcast %jit3A_3403 : i32 to vector<8x2048xi32>
    %select_n3A_3405 = arith.select %gt3A_3399, %broadcast_in_dim3A_3404, %select_n3A_3397 : vector<8x2048xi1>, vector<8x2048xi32>
    %slice3A_3406 = vector.extract_strided_slice %dot_general3A_2103 {offsets = [1296, 0], sizes = [8, 2048], strides = [1, 1]} : vector<2048x2048xf32> to vector<8x2048xf32>
    %gt3A_3407 = arith.cmpf ogt, %slice3A_3406, %max3A_3402 : vector<8x2048xf32>
    %min3A_3408 = arith.minimumf %max3A_3402, %slice3A_3406 : vector<8x2048xf32>
    %max3A_3409 = arith.maximumf %max3A_3401, %min3A_3408 : vector<8x2048xf32>
    %max3A_3410 = arith.maximumf %max3A_3402, %slice3A_3406 : vector<8x2048xf32>
    %jit3A_3411 = arith.constant 162 : i32
    %broadcast_in_dim3A_3412 = vector.broadcast %jit3A_3411 : i32 to vector<8x2048xi32>
    %select_n3A_3413 = arith.select %gt3A_3407, %broadcast_in_dim3A_3412, %select_n3A_3405 : vector<8x2048xi1>, vector<8x2048xi32>
    %slice3A_3414 = vector.extract_strided_slice %dot_general3A_2103 {offsets = [1304, 0], sizes = [8, 2048], strides = [1, 1]} : vector<2048x2048xf32> to vector<8x2048xf32>
    %gt3A_3415 = arith.cmpf ogt, %slice3A_3414, %max3A_3410 : vector<8x2048xf32>
    %min3A_3416 = arith.minimumf %max3A_3410, %slice3A_3414 : vector<8x2048xf32>
    %max3A_3417 = arith.maximumf %max3A_3409, %min3A_3416 : vector<8x2048xf32>
    %max3A_3418 = arith.maximumf %max3A_3410, %slice3A_3414 : vector<8x2048xf32>
    %jit3A_3419 = arith.constant 163 : i32
    %broadcast_in_dim3A_3420 = vector.broadcast %jit3A_3419 : i32 to vector<8x2048xi32>
    %select_n3A_3421 = arith.select %gt3A_3415, %broadcast_in_dim3A_3420, %select_n3A_3413 : vector<8x2048xi1>, vector<8x2048xi32>
    %slice3A_3422 = vector.extract_strided_slice %dot_general3A_2103 {offsets = [1312, 0], sizes = [8, 2048], strides = [1, 1]} : vector<2048x2048xf32> to vector<8x2048xf32>
    %gt3A_3423 = arith.cmpf ogt, %slice3A_3422, %max3A_3418 : vector<8x2048xf32>
    %min3A_3424 = arith.minimumf %max3A_3418, %slice3A_3422 : vector<8x2048xf32>
    %max3A_3425 = arith.maximumf %max3A_3417, %min3A_3424 : vector<8x2048xf32>
    %max3A_3426 = arith.maximumf %max3A_3418, %slice3A_3422 : vector<8x2048xf32>
    %jit3A_3427 = arith.constant 164 : i32
    %broadcast_in_dim3A_3428 = vector.broadcast %jit3A_3427 : i32 to vector<8x2048xi32>
    %select_n3A_3429 = arith.select %gt3A_3423, %broadcast_in_dim3A_3428, %select_n3A_3421 : vector<8x2048xi1>, vector<8x2048xi32>
    %slice3A_3430 = vector.extract_strided_slice %dot_general3A_2103 {offsets = [1320, 0], sizes = [8, 2048], strides = [1, 1]} : vector<2048x2048xf32> to vector<8x2048xf32>
    %gt3A_3431 = arith.cmpf ogt, %slice3A_3430, %max3A_3426 : vector<8x2048xf32>
    %min3A_3432 = arith.minimumf %max3A_3426, %slice3A_3430 : vector<8x2048xf32>
    %max3A_3433 = arith.maximumf %max3A_3425, %min3A_3432 : vector<8x2048xf32>
    %max3A_3434 = arith.maximumf %max3A_3426, %slice3A_3430 : vector<8x2048xf32>
    %jit3A_3435 = arith.constant 165 : i32
    %broadcast_in_dim3A_3436 = vector.broadcast %jit3A_3435 : i32 to vector<8x2048xi32>
    %select_n3A_3437 = arith.select %gt3A_3431, %broadcast_in_dim3A_3436, %select_n3A_3429 : vector<8x2048xi1>, vector<8x2048xi32>
    %slice3A_3438 = vector.extract_strided_slice %dot_general3A_2103 {offsets = [1328, 0], sizes = [8, 2048], strides = [1, 1]} : vector<2048x2048xf32> to vector<8x2048xf32>
    %gt3A_3439 = arith.cmpf ogt, %slice3A_3438, %max3A_3434 : vector<8x2048xf32>
    %min3A_3440 = arith.minimumf %max3A_3434, %slice3A_3438 : vector<8x2048xf32>
    %max3A_3441 = arith.maximumf %max3A_3433, %min3A_3440 : vector<8x2048xf32>
    %max3A_3442 = arith.maximumf %max3A_3434, %slice3A_3438 : vector<8x2048xf32>
    %jit3A_3443 = arith.constant 166 : i32
    %broadcast_in_dim3A_3444 = vector.broadcast %jit3A_3443 : i32 to vector<8x2048xi32>
    %select_n3A_3445 = arith.select %gt3A_3439, %broadcast_in_dim3A_3444, %select_n3A_3437 : vector<8x2048xi1>, vector<8x2048xi32>
    %slice3A_3446 = vector.extract_strided_slice %dot_general3A_2103 {offsets = [1336, 0], sizes = [8, 2048], strides = [1, 1]} : vector<2048x2048xf32> to vector<8x2048xf32>
    %gt3A_3447 = arith.cmpf ogt, %slice3A_3446, %max3A_3442 : vector<8x2048xf32>
    %min3A_3448 = arith.minimumf %max3A_3442, %slice3A_3446 : vector<8x2048xf32>
    %max3A_3449 = arith.maximumf %max3A_3441, %min3A_3448 : vector<8x2048xf32>
    %max3A_3450 = arith.maximumf %max3A_3442, %slice3A_3446 : vector<8x2048xf32>
    %jit3A_3451 = arith.constant 167 : i32
    %broadcast_in_dim3A_3452 = vector.broadcast %jit3A_3451 : i32 to vector<8x2048xi32>
    %select_n3A_3453 = arith.select %gt3A_3447, %broadcast_in_dim3A_3452, %select_n3A_3445 : vector<8x2048xi1>, vector<8x2048xi32>
    %slice3A_3454 = vector.extract_strided_slice %dot_general3A_2103 {offsets = [1344, 0], sizes = [8, 2048], strides = [1, 1]} : vector<2048x2048xf32> to vector<8x2048xf32>
    %gt3A_3455 = arith.cmpf ogt, %slice3A_3454, %max3A_3450 : vector<8x2048xf32>
    %min3A_3456 = arith.minimumf %max3A_3450, %slice3A_3454 : vector<8x2048xf32>
    %max3A_3457 = arith.maximumf %max3A_3449, %min3A_3456 : vector<8x2048xf32>
    %max3A_3458 = arith.maximumf %max3A_3450, %slice3A_3454 : vector<8x2048xf32>
    %jit3A_3459 = arith.constant 168 : i32
    %broadcast_in_dim3A_3460 = vector.broadcast %jit3A_3459 : i32 to vector<8x2048xi32>
    %select_n3A_3461 = arith.select %gt3A_3455, %broadcast_in_dim3A_3460, %select_n3A_3453 : vector<8x2048xi1>, vector<8x2048xi32>
    %slice3A_3462 = vector.extract_strided_slice %dot_general3A_2103 {offsets = [1352, 0], sizes = [8, 2048], strides = [1, 1]} : vector<2048x2048xf32> to vector<8x2048xf32>
    %gt3A_3463 = arith.cmpf ogt, %slice3A_3462, %max3A_3458 : vector<8x2048xf32>
    %min3A_3464 = arith.minimumf %max3A_3458, %slice3A_3462 : vector<8x2048xf32>
    %max3A_3465 = arith.maximumf %max3A_3457, %min3A_3464 : vector<8x2048xf32>
    %max3A_3466 = arith.maximumf %max3A_3458, %slice3A_3462 : vector<8x2048xf32>
    %jit3A_3467 = arith.constant 169 : i32
    %broadcast_in_dim3A_3468 = vector.broadcast %jit3A_3467 : i32 to vector<8x2048xi32>
    %select_n3A_3469 = arith.select %gt3A_3463, %broadcast_in_dim3A_3468, %select_n3A_3461 : vector<8x2048xi1>, vector<8x2048xi32>
    %slice3A_3470 = vector.extract_strided_slice %dot_general3A_2103 {offsets = [1360, 0], sizes = [8, 2048], strides = [1, 1]} : vector<2048x2048xf32> to vector<8x2048xf32>
    %gt3A_3471 = arith.cmpf ogt, %slice3A_3470, %max3A_3466 : vector<8x2048xf32>
    %min3A_3472 = arith.minimumf %max3A_3466, %slice3A_3470 : vector<8x2048xf32>
    %max3A_3473 = arith.maximumf %max3A_3465, %min3A_3472 : vector<8x2048xf32>
    %max3A_3474 = arith.maximumf %max3A_3466, %slice3A_3470 : vector<8x2048xf32>
    %jit3A_3475 = arith.constant 170 : i32
    %broadcast_in_dim3A_3476 = vector.broadcast %jit3A_3475 : i32 to vector<8x2048xi32>
    %select_n3A_3477 = arith.select %gt3A_3471, %broadcast_in_dim3A_3476, %select_n3A_3469 : vector<8x2048xi1>, vector<8x2048xi32>
    %slice3A_3478 = vector.extract_strided_slice %dot_general3A_2103 {offsets = [1368, 0], sizes = [8, 2048], strides = [1, 1]} : vector<2048x2048xf32> to vector<8x2048xf32>
    %gt3A_3479 = arith.cmpf ogt, %slice3A_3478, %max3A_3474 : vector<8x2048xf32>
    %min3A_3480 = arith.minimumf %max3A_3474, %slice3A_3478 : vector<8x2048xf32>
    %max3A_3481 = arith.maximumf %max3A_3473, %min3A_3480 : vector<8x2048xf32>
    %max3A_3482 = arith.maximumf %max3A_3474, %slice3A_3478 : vector<8x2048xf32>
    %jit3A_3483 = arith.constant 171 : i32
    %broadcast_in_dim3A_3484 = vector.broadcast %jit3A_3483 : i32 to vector<8x2048xi32>
    %select_n3A_3485 = arith.select %gt3A_3479, %broadcast_in_dim3A_3484, %select_n3A_3477 : vector<8x2048xi1>, vector<8x2048xi32>
    %slice3A_3486 = vector.extract_strided_slice %dot_general3A_2103 {offsets = [1376, 0], sizes = [8, 2048], strides = [1, 1]} : vector<2048x2048xf32> to vector<8x2048xf32>
    %gt3A_3487 = arith.cmpf ogt, %slice3A_3486, %max3A_3482 : vector<8x2048xf32>
    %min3A_3488 = arith.minimumf %max3A_3482, %slice3A_3486 : vector<8x2048xf32>
    %max3A_3489 = arith.maximumf %max3A_3481, %min3A_3488 : vector<8x2048xf32>
    %max3A_3490 = arith.maximumf %max3A_3482, %slice3A_3486 : vector<8x2048xf32>
    %jit3A_3491 = arith.constant 172 : i32
    %broadcast_in_dim3A_3492 = vector.broadcast %jit3A_3491 : i32 to vector<8x2048xi32>
    %select_n3A_3493 = arith.select %gt3A_3487, %broadcast_in_dim3A_3492, %select_n3A_3485 : vector<8x2048xi1>, vector<8x2048xi32>
    %slice3A_3494 = vector.extract_strided_slice %dot_general3A_2103 {offsets = [1384, 0], sizes = [8, 2048], strides = [1, 1]} : vector<2048x2048xf32> to vector<8x2048xf32>
    %gt3A_3495 = arith.cmpf ogt, %slice3A_3494, %max3A_3490 : vector<8x2048xf32>
    %min3A_3496 = arith.minimumf %max3A_3490, %slice3A_3494 : vector<8x2048xf32>
    %max3A_3497 = arith.maximumf %max3A_3489, %min3A_3496 : vector<8x2048xf32>
    %max3A_3498 = arith.maximumf %max3A_3490, %slice3A_3494 : vector<8x2048xf32>
    %jit3A_3499 = arith.constant 173 : i32
    %broadcast_in_dim3A_3500 = vector.broadcast %jit3A_3499 : i32 to vector<8x2048xi32>
    %select_n3A_3501 = arith.select %gt3A_3495, %broadcast_in_dim3A_3500, %select_n3A_3493 : vector<8x2048xi1>, vector<8x2048xi32>
    %slice3A_3502 = vector.extract_strided_slice %dot_general3A_2103 {offsets = [1392, 0], sizes = [8, 2048], strides = [1, 1]} : vector<2048x2048xf32> to vector<8x2048xf32>
    %gt3A_3503 = arith.cmpf ogt, %slice3A_3502, %max3A_3498 : vector<8x2048xf32>
    %min3A_3504 = arith.minimumf %max3A_3498, %slice3A_3502 : vector<8x2048xf32>
    %max3A_3505 = arith.maximumf %max3A_3497, %min3A_3504 : vector<8x2048xf32>
    %max3A_3506 = arith.maximumf %max3A_3498, %slice3A_3502 : vector<8x2048xf32>
    %jit3A_3507 = arith.constant 174 : i32
    %broadcast_in_dim3A_3508 = vector.broadcast %jit3A_3507 : i32 to vector<8x2048xi32>
    %select_n3A_3509 = arith.select %gt3A_3503, %broadcast_in_dim3A_3508, %select_n3A_3501 : vector<8x2048xi1>, vector<8x2048xi32>
    %slice3A_3510 = vector.extract_strided_slice %dot_general3A_2103 {offsets = [1400, 0], sizes = [8, 2048], strides = [1, 1]} : vector<2048x2048xf32> to vector<8x2048xf32>
    %gt3A_3511 = arith.cmpf ogt, %slice3A_3510, %max3A_3506 : vector<8x2048xf32>
    %min3A_3512 = arith.minimumf %max3A_3506, %slice3A_3510 : vector<8x2048xf32>
    %max3A_3513 = arith.maximumf %max3A_3505, %min3A_3512 : vector<8x2048xf32>
    %max3A_3514 = arith.maximumf %max3A_3506, %slice3A_3510 : vector<8x2048xf32>
    %jit3A_3515 = arith.constant 175 : i32
    %broadcast_in_dim3A_3516 = vector.broadcast %jit3A_3515 : i32 to vector<8x2048xi32>
    %select_n3A_3517 = arith.select %gt3A_3511, %broadcast_in_dim3A_3516, %select_n3A_3509 : vector<8x2048xi1>, vector<8x2048xi32>
    %slice3A_3518 = vector.extract_strided_slice %dot_general3A_2103 {offsets = [1408, 0], sizes = [8, 2048], strides = [1, 1]} : vector<2048x2048xf32> to vector<8x2048xf32>
    %gt3A_3519 = arith.cmpf ogt, %slice3A_3518, %max3A_3514 : vector<8x2048xf32>
    %min3A_3520 = arith.minimumf %max3A_3514, %slice3A_3518 : vector<8x2048xf32>
    %max3A_3521 = arith.maximumf %max3A_3513, %min3A_3520 : vector<8x2048xf32>
    %max3A_3522 = arith.maximumf %max3A_3514, %slice3A_3518 : vector<8x2048xf32>
    %jit3A_3523 = arith.constant 176 : i32
    %broadcast_in_dim3A_3524 = vector.broadcast %jit3A_3523 : i32 to vector<8x2048xi32>
    %select_n3A_3525 = arith.select %gt3A_3519, %broadcast_in_dim3A_3524, %select_n3A_3517 : vector<8x2048xi1>, vector<8x2048xi32>
    %slice3A_3526 = vector.extract_strided_slice %dot_general3A_2103 {offsets = [1416, 0], sizes = [8, 2048], strides = [1, 1]} : vector<2048x2048xf32> to vector<8x2048xf32>
    %gt3A_3527 = arith.cmpf ogt, %slice3A_3526, %max3A_3522 : vector<8x2048xf32>
    %min3A_3528 = arith.minimumf %max3A_3522, %slice3A_3526 : vector<8x2048xf32>
    %max3A_3529 = arith.maximumf %max3A_3521, %min3A_3528 : vector<8x2048xf32>
    %max3A_3530 = arith.maximumf %max3A_3522, %slice3A_3526 : vector<8x2048xf32>
    %jit3A_3531 = arith.constant 177 : i32
    %broadcast_in_dim3A_3532 = vector.broadcast %jit3A_3531 : i32 to vector<8x2048xi32>
    %select_n3A_3533 = arith.select %gt3A_3527, %broadcast_in_dim3A_3532, %select_n3A_3525 : vector<8x2048xi1>, vector<8x2048xi32>
    %slice3A_3534 = vector.extract_strided_slice %dot_general3A_2103 {offsets = [1424, 0], sizes = [8, 2048], strides = [1, 1]} : vector<2048x2048xf32> to vector<8x2048xf32>
    %gt3A_3535 = arith.cmpf ogt, %slice3A_3534, %max3A_3530 : vector<8x2048xf32>
    %min3A_3536 = arith.minimumf %max3A_3530, %slice3A_3534 : vector<8x2048xf32>
    %max3A_3537 = arith.maximumf %max3A_3529, %min3A_3536 : vector<8x2048xf32>
    %max3A_3538 = arith.maximumf %max3A_3530, %slice3A_3534 : vector<8x2048xf32>
    %jit3A_3539 = arith.constant 178 : i32
    %broadcast_in_dim3A_3540 = vector.broadcast %jit3A_3539 : i32 to vector<8x2048xi32>
    %select_n3A_3541 = arith.select %gt3A_3535, %broadcast_in_dim3A_3540, %select_n3A_3533 : vector<8x2048xi1>, vector<8x2048xi32>
    %slice3A_3542 = vector.extract_strided_slice %dot_general3A_2103 {offsets = [1432, 0], sizes = [8, 2048], strides = [1, 1]} : vector<2048x2048xf32> to vector<8x2048xf32>
    %gt3A_3543 = arith.cmpf ogt, %slice3A_3542, %max3A_3538 : vector<8x2048xf32>
    %min3A_3544 = arith.minimumf %max3A_3538, %slice3A_3542 : vector<8x2048xf32>
    %max3A_3545 = arith.maximumf %max3A_3537, %min3A_3544 : vector<8x2048xf32>
    %max3A_3546 = arith.maximumf %max3A_3538, %slice3A_3542 : vector<8x2048xf32>
    %jit3A_3547 = arith.constant 179 : i32
    %broadcast_in_dim3A_3548 = vector.broadcast %jit3A_3547 : i32 to vector<8x2048xi32>
    %select_n3A_3549 = arith.select %gt3A_3543, %broadcast_in_dim3A_3548, %select_n3A_3541 : vector<8x2048xi1>, vector<8x2048xi32>
    %slice3A_3550 = vector.extract_strided_slice %dot_general3A_2103 {offsets = [1440, 0], sizes = [8, 2048], strides = [1, 1]} : vector<2048x2048xf32> to vector<8x2048xf32>
    %gt3A_3551 = arith.cmpf ogt, %slice3A_3550, %max3A_3546 : vector<8x2048xf32>
    %min3A_3552 = arith.minimumf %max3A_3546, %slice3A_3550 : vector<8x2048xf32>
    %max3A_3553 = arith.maximumf %max3A_3545, %min3A_3552 : vector<8x2048xf32>
    %max3A_3554 = arith.maximumf %max3A_3546, %slice3A_3550 : vector<8x2048xf32>
    %jit3A_3555 = arith.constant 180 : i32
    %broadcast_in_dim3A_3556 = vector.broadcast %jit3A_3555 : i32 to vector<8x2048xi32>
    %select_n3A_3557 = arith.select %gt3A_3551, %broadcast_in_dim3A_3556, %select_n3A_3549 : vector<8x2048xi1>, vector<8x2048xi32>
    %slice3A_3558 = vector.extract_strided_slice %dot_general3A_2103 {offsets = [1448, 0], sizes = [8, 2048], strides = [1, 1]} : vector<2048x2048xf32> to vector<8x2048xf32>
    %gt3A_3559 = arith.cmpf ogt, %slice3A_3558, %max3A_3554 : vector<8x2048xf32>
    %min3A_3560 = arith.minimumf %max3A_3554, %slice3A_3558 : vector<8x2048xf32>
    %max3A_3561 = arith.maximumf %max3A_3553, %min3A_3560 : vector<8x2048xf32>
    %max3A_3562 = arith.maximumf %max3A_3554, %slice3A_3558 : vector<8x2048xf32>
    %jit3A_3563 = arith.constant 181 : i32
    %broadcast_in_dim3A_3564 = vector.broadcast %jit3A_3563 : i32 to vector<8x2048xi32>
    %select_n3A_3565 = arith.select %gt3A_3559, %broadcast_in_dim3A_3564, %select_n3A_3557 : vector<8x2048xi1>, vector<8x2048xi32>
    %slice3A_3566 = vector.extract_strided_slice %dot_general3A_2103 {offsets = [1456, 0], sizes = [8, 2048], strides = [1, 1]} : vector<2048x2048xf32> to vector<8x2048xf32>
    %gt3A_3567 = arith.cmpf ogt, %slice3A_3566, %max3A_3562 : vector<8x2048xf32>
    %min3A_3568 = arith.minimumf %max3A_3562, %slice3A_3566 : vector<8x2048xf32>
    %max3A_3569 = arith.maximumf %max3A_3561, %min3A_3568 : vector<8x2048xf32>
    %max3A_3570 = arith.maximumf %max3A_3562, %slice3A_3566 : vector<8x2048xf32>
    %jit3A_3571 = arith.constant 182 : i32
    %broadcast_in_dim3A_3572 = vector.broadcast %jit3A_3571 : i32 to vector<8x2048xi32>
    %select_n3A_3573 = arith.select %gt3A_3567, %broadcast_in_dim3A_3572, %select_n3A_3565 : vector<8x2048xi1>, vector<8x2048xi32>
    %slice3A_3574 = vector.extract_strided_slice %dot_general3A_2103 {offsets = [1464, 0], sizes = [8, 2048], strides = [1, 1]} : vector<2048x2048xf32> to vector<8x2048xf32>
    %gt3A_3575 = arith.cmpf ogt, %slice3A_3574, %max3A_3570 : vector<8x2048xf32>
    %min3A_3576 = arith.minimumf %max3A_3570, %slice3A_3574 : vector<8x2048xf32>
    %max3A_3577 = arith.maximumf %max3A_3569, %min3A_3576 : vector<8x2048xf32>
    %max3A_3578 = arith.maximumf %max3A_3570, %slice3A_3574 : vector<8x2048xf32>
    %jit3A_3579 = arith.constant 183 : i32
    %broadcast_in_dim3A_3580 = vector.broadcast %jit3A_3579 : i32 to vector<8x2048xi32>
    %select_n3A_3581 = arith.select %gt3A_3575, %broadcast_in_dim3A_3580, %select_n3A_3573 : vector<8x2048xi1>, vector<8x2048xi32>
    %slice3A_3582 = vector.extract_strided_slice %dot_general3A_2103 {offsets = [1472, 0], sizes = [8, 2048], strides = [1, 1]} : vector<2048x2048xf32> to vector<8x2048xf32>
    %gt3A_3583 = arith.cmpf ogt, %slice3A_3582, %max3A_3578 : vector<8x2048xf32>
    %min3A_3584 = arith.minimumf %max3A_3578, %slice3A_3582 : vector<8x2048xf32>
    %max3A_3585 = arith.maximumf %max3A_3577, %min3A_3584 : vector<8x2048xf32>
    %max3A_3586 = arith.maximumf %max3A_3578, %slice3A_3582 : vector<8x2048xf32>
    %jit3A_3587 = arith.constant 184 : i32
    %broadcast_in_dim3A_3588 = vector.broadcast %jit3A_3587 : i32 to vector<8x2048xi32>
    %select_n3A_3589 = arith.select %gt3A_3583, %broadcast_in_dim3A_3588, %select_n3A_3581 : vector<8x2048xi1>, vector<8x2048xi32>
    %slice3A_3590 = vector.extract_strided_slice %dot_general3A_2103 {offsets = [1480, 0], sizes = [8, 2048], strides = [1, 1]} : vector<2048x2048xf32> to vector<8x2048xf32>
    %gt3A_3591 = arith.cmpf ogt, %slice3A_3590, %max3A_3586 : vector<8x2048xf32>
    %min3A_3592 = arith.minimumf %max3A_3586, %slice3A_3590 : vector<8x2048xf32>
    %max3A_3593 = arith.maximumf %max3A_3585, %min3A_3592 : vector<8x2048xf32>
    %max3A_3594 = arith.maximumf %max3A_3586, %slice3A_3590 : vector<8x2048xf32>
    %jit3A_3595 = arith.constant 185 : i32
    %broadcast_in_dim3A_3596 = vector.broadcast %jit3A_3595 : i32 to vector<8x2048xi32>
    %select_n3A_3597 = arith.select %gt3A_3591, %broadcast_in_dim3A_3596, %select_n3A_3589 : vector<8x2048xi1>, vector<8x2048xi32>
    %slice3A_3598 = vector.extract_strided_slice %dot_general3A_2103 {offsets = [1488, 0], sizes = [8, 2048], strides = [1, 1]} : vector<2048x2048xf32> to vector<8x2048xf32>
    %gt3A_3599 = arith.cmpf ogt, %slice3A_3598, %max3A_3594 : vector<8x2048xf32>
    %min3A_3600 = arith.minimumf %max3A_3594, %slice3A_3598 : vector<8x2048xf32>
    %max3A_3601 = arith.maximumf %max3A_3593, %min3A_3600 : vector<8x2048xf32>
    %max3A_3602 = arith.maximumf %max3A_3594, %slice3A_3598 : vector<8x2048xf32>
    %jit3A_3603 = arith.constant 186 : i32
    %broadcast_in_dim3A_3604 = vector.broadcast %jit3A_3603 : i32 to vector<8x2048xi32>
    %select_n3A_3605 = arith.select %gt3A_3599, %broadcast_in_dim3A_3604, %select_n3A_3597 : vector<8x2048xi1>, vector<8x2048xi32>
    %slice3A_3606 = vector.extract_strided_slice %dot_general3A_2103 {offsets = [1496, 0], sizes = [8, 2048], strides = [1, 1]} : vector<2048x2048xf32> to vector<8x2048xf32>
    %gt3A_3607 = arith.cmpf ogt, %slice3A_3606, %max3A_3602 : vector<8x2048xf32>
    %min3A_3608 = arith.minimumf %max3A_3602, %slice3A_3606 : vector<8x2048xf32>
    %max3A_3609 = arith.maximumf %max3A_3601, %min3A_3608 : vector<8x2048xf32>
    %max3A_3610 = arith.maximumf %max3A_3602, %slice3A_3606 : vector<8x2048xf32>
    %jit3A_3611 = arith.constant 187 : i32
    %broadcast_in_dim3A_3612 = vector.broadcast %jit3A_3611 : i32 to vector<8x2048xi32>
    %select_n3A_3613 = arith.select %gt3A_3607, %broadcast_in_dim3A_3612, %select_n3A_3605 : vector<8x2048xi1>, vector<8x2048xi32>
    %slice3A_3614 = vector.extract_strided_slice %dot_general3A_2103 {offsets = [1504, 0], sizes = [8, 2048], strides = [1, 1]} : vector<2048x2048xf32> to vector<8x2048xf32>
    %gt3A_3615 = arith.cmpf ogt, %slice3A_3614, %max3A_3610 : vector<8x2048xf32>
    %min3A_3616 = arith.minimumf %max3A_3610, %slice3A_3614 : vector<8x2048xf32>
    %max3A_3617 = arith.maximumf %max3A_3609, %min3A_3616 : vector<8x2048xf32>
    %max3A_3618 = arith.maximumf %max3A_3610, %slice3A_3614 : vector<8x2048xf32>
    %jit3A_3619 = arith.constant 188 : i32
    %broadcast_in_dim3A_3620 = vector.broadcast %jit3A_3619 : i32 to vector<8x2048xi32>
    %select_n3A_3621 = arith.select %gt3A_3615, %broadcast_in_dim3A_3620, %select_n3A_3613 : vector<8x2048xi1>, vector<8x2048xi32>
    %slice3A_3622 = vector.extract_strided_slice %dot_general3A_2103 {offsets = [1512, 0], sizes = [8, 2048], strides = [1, 1]} : vector<2048x2048xf32> to vector<8x2048xf32>
    %gt3A_3623 = arith.cmpf ogt, %slice3A_3622, %max3A_3618 : vector<8x2048xf32>
    %min3A_3624 = arith.minimumf %max3A_3618, %slice3A_3622 : vector<8x2048xf32>
    %max3A_3625 = arith.maximumf %max3A_3617, %min3A_3624 : vector<8x2048xf32>
    %max3A_3626 = arith.maximumf %max3A_3618, %slice3A_3622 : vector<8x2048xf32>
    %jit3A_3627 = arith.constant 189 : i32
    %broadcast_in_dim3A_3628 = vector.broadcast %jit3A_3627 : i32 to vector<8x2048xi32>
    %select_n3A_3629 = arith.select %gt3A_3623, %broadcast_in_dim3A_3628, %select_n3A_3621 : vector<8x2048xi1>, vector<8x2048xi32>
    %slice3A_3630 = vector.extract_strided_slice %dot_general3A_2103 {offsets = [1520, 0], sizes = [8, 2048], strides = [1, 1]} : vector<2048x2048xf32> to vector<8x2048xf32>
    %gt3A_3631 = arith.cmpf ogt, %slice3A_3630, %max3A_3626 : vector<8x2048xf32>
    %min3A_3632 = arith.minimumf %max3A_3626, %slice3A_3630 : vector<8x2048xf32>
    %max3A_3633 = arith.maximumf %max3A_3625, %min3A_3632 : vector<8x2048xf32>
    %max3A_3634 = arith.maximumf %max3A_3626, %slice3A_3630 : vector<8x2048xf32>
    %jit3A_3635 = arith.constant 190 : i32
    %broadcast_in_dim3A_3636 = vector.broadcast %jit3A_3635 : i32 to vector<8x2048xi32>
    %select_n3A_3637 = arith.select %gt3A_3631, %broadcast_in_dim3A_3636, %select_n3A_3629 : vector<8x2048xi1>, vector<8x2048xi32>
    %slice3A_3638 = vector.extract_strided_slice %dot_general3A_2103 {offsets = [1528, 0], sizes = [8, 2048], strides = [1, 1]} : vector<2048x2048xf32> to vector<8x2048xf32>
    %gt3A_3639 = arith.cmpf ogt, %slice3A_3638, %max3A_3634 : vector<8x2048xf32>
    %min3A_3640 = arith.minimumf %max3A_3634, %slice3A_3638 : vector<8x2048xf32>
    %max3A_3641 = arith.maximumf %max3A_3633, %min3A_3640 : vector<8x2048xf32>
    %max3A_3642 = arith.maximumf %max3A_3634, %slice3A_3638 : vector<8x2048xf32>
    %jit3A_3643 = arith.constant 191 : i32
    %broadcast_in_dim3A_3644 = vector.broadcast %jit3A_3643 : i32 to vector<8x2048xi32>
    %select_n3A_3645 = arith.select %gt3A_3639, %broadcast_in_dim3A_3644, %select_n3A_3637 : vector<8x2048xi1>, vector<8x2048xi32>
    %slice3A_3646 = vector.extract_strided_slice %dot_general3A_2103 {offsets = [1536, 0], sizes = [8, 2048], strides = [1, 1]} : vector<2048x2048xf32> to vector<8x2048xf32>
    %gt3A_3647 = arith.cmpf ogt, %slice3A_3646, %max3A_3642 : vector<8x2048xf32>
    %min3A_3648 = arith.minimumf %max3A_3642, %slice3A_3646 : vector<8x2048xf32>
    %max3A_3649 = arith.maximumf %max3A_3641, %min3A_3648 : vector<8x2048xf32>
    %max3A_3650 = arith.maximumf %max3A_3642, %slice3A_3646 : vector<8x2048xf32>
    %jit3A_3651 = arith.constant 192 : i32
    %broadcast_in_dim3A_3652 = vector.broadcast %jit3A_3651 : i32 to vector<8x2048xi32>
    %select_n3A_3653 = arith.select %gt3A_3647, %broadcast_in_dim3A_3652, %select_n3A_3645 : vector<8x2048xi1>, vector<8x2048xi32>
    %slice3A_3654 = vector.extract_strided_slice %dot_general3A_2103 {offsets = [1544, 0], sizes = [8, 2048], strides = [1, 1]} : vector<2048x2048xf32> to vector<8x2048xf32>
    %gt3A_3655 = arith.cmpf ogt, %slice3A_3654, %max3A_3650 : vector<8x2048xf32>
    %min3A_3656 = arith.minimumf %max3A_3650, %slice3A_3654 : vector<8x2048xf32>
    %max3A_3657 = arith.maximumf %max3A_3649, %min3A_3656 : vector<8x2048xf32>
    %max3A_3658 = arith.maximumf %max3A_3650, %slice3A_3654 : vector<8x2048xf32>
    %jit3A_3659 = arith.constant 193 : i32
    %broadcast_in_dim3A_3660 = vector.broadcast %jit3A_3659 : i32 to vector<8x2048xi32>
    %select_n3A_3661 = arith.select %gt3A_3655, %broadcast_in_dim3A_3660, %select_n3A_3653 : vector<8x2048xi1>, vector<8x2048xi32>
    %slice3A_3662 = vector.extract_strided_slice %dot_general3A_2103 {offsets = [1552, 0], sizes = [8, 2048], strides = [1, 1]} : vector<2048x2048xf32> to vector<8x2048xf32>
    %gt3A_3663 = arith.cmpf ogt, %slice3A_3662, %max3A_3658 : vector<8x2048xf32>
    %min3A_3664 = arith.minimumf %max3A_3658, %slice3A_3662 : vector<8x2048xf32>
    %max3A_3665 = arith.maximumf %max3A_3657, %min3A_3664 : vector<8x2048xf32>
    %max3A_3666 = arith.maximumf %max3A_3658, %slice3A_3662 : vector<8x2048xf32>
    %jit3A_3667 = arith.constant 194 : i32
    %broadcast_in_dim3A_3668 = vector.broadcast %jit3A_3667 : i32 to vector<8x2048xi32>
    %select_n3A_3669 = arith.select %gt3A_3663, %broadcast_in_dim3A_3668, %select_n3A_3661 : vector<8x2048xi1>, vector<8x2048xi32>
    %slice3A_3670 = vector.extract_strided_slice %dot_general3A_2103 {offsets = [1560, 0], sizes = [8, 2048], strides = [1, 1]} : vector<2048x2048xf32> to vector<8x2048xf32>
    %gt3A_3671 = arith.cmpf ogt, %slice3A_3670, %max3A_3666 : vector<8x2048xf32>
    %min3A_3672 = arith.minimumf %max3A_3666, %slice3A_3670 : vector<8x2048xf32>
    %max3A_3673 = arith.maximumf %max3A_3665, %min3A_3672 : vector<8x2048xf32>
    %max3A_3674 = arith.maximumf %max3A_3666, %slice3A_3670 : vector<8x2048xf32>
    %jit3A_3675 = arith.constant 195 : i32
    %broadcast_in_dim3A_3676 = vector.broadcast %jit3A_3675 : i32 to vector<8x2048xi32>
    %select_n3A_3677 = arith.select %gt3A_3671, %broadcast_in_dim3A_3676, %select_n3A_3669 : vector<8x2048xi1>, vector<8x2048xi32>
    %slice3A_3678 = vector.extract_strided_slice %dot_general3A_2103 {offsets = [1568, 0], sizes = [8, 2048], strides = [1, 1]} : vector<2048x2048xf32> to vector<8x2048xf32>
    %gt3A_3679 = arith.cmpf ogt, %slice3A_3678, %max3A_3674 : vector<8x2048xf32>
    %min3A_3680 = arith.minimumf %max3A_3674, %slice3A_3678 : vector<8x2048xf32>
    %max3A_3681 = arith.maximumf %max3A_3673, %min3A_3680 : vector<8x2048xf32>
    %max3A_3682 = arith.maximumf %max3A_3674, %slice3A_3678 : vector<8x2048xf32>
    %jit3A_3683 = arith.constant 196 : i32
    %broadcast_in_dim3A_3684 = vector.broadcast %jit3A_3683 : i32 to vector<8x2048xi32>
    %select_n3A_3685 = arith.select %gt3A_3679, %broadcast_in_dim3A_3684, %select_n3A_3677 : vector<8x2048xi1>, vector<8x2048xi32>
    %slice3A_3686 = vector.extract_strided_slice %dot_general3A_2103 {offsets = [1576, 0], sizes = [8, 2048], strides = [1, 1]} : vector<2048x2048xf32> to vector<8x2048xf32>
    %gt3A_3687 = arith.cmpf ogt, %slice3A_3686, %max3A_3682 : vector<8x2048xf32>
    %min3A_3688 = arith.minimumf %max3A_3682, %slice3A_3686 : vector<8x2048xf32>
    %max3A_3689 = arith.maximumf %max3A_3681, %min3A_3688 : vector<8x2048xf32>
    %max3A_3690 = arith.maximumf %max3A_3682, %slice3A_3686 : vector<8x2048xf32>
    %jit3A_3691 = arith.constant 197 : i32
    %broadcast_in_dim3A_3692 = vector.broadcast %jit3A_3691 : i32 to vector<8x2048xi32>
    %select_n3A_3693 = arith.select %gt3A_3687, %broadcast_in_dim3A_3692, %select_n3A_3685 : vector<8x2048xi1>, vector<8x2048xi32>
    %slice3A_3694 = vector.extract_strided_slice %dot_general3A_2103 {offsets = [1584, 0], sizes = [8, 2048], strides = [1, 1]} : vector<2048x2048xf32> to vector<8x2048xf32>
    %gt3A_3695 = arith.cmpf ogt, %slice3A_3694, %max3A_3690 : vector<8x2048xf32>
    %min3A_3696 = arith.minimumf %max3A_3690, %slice3A_3694 : vector<8x2048xf32>
    %max3A_3697 = arith.maximumf %max3A_3689, %min3A_3696 : vector<8x2048xf32>
    %max3A_3698 = arith.maximumf %max3A_3690, %slice3A_3694 : vector<8x2048xf32>
    %jit3A_3699 = arith.constant 198 : i32
    %broadcast_in_dim3A_3700 = vector.broadcast %jit3A_3699 : i32 to vector<8x2048xi32>
    %select_n3A_3701 = arith.select %gt3A_3695, %broadcast_in_dim3A_3700, %select_n3A_3693 : vector<8x2048xi1>, vector<8x2048xi32>
    %slice3A_3702 = vector.extract_strided_slice %dot_general3A_2103 {offsets = [1592, 0], sizes = [8, 2048], strides = [1, 1]} : vector<2048x2048xf32> to vector<8x2048xf32>
    %gt3A_3703 = arith.cmpf ogt, %slice3A_3702, %max3A_3698 : vector<8x2048xf32>
    %min3A_3704 = arith.minimumf %max3A_3698, %slice3A_3702 : vector<8x2048xf32>
    %max3A_3705 = arith.maximumf %max3A_3697, %min3A_3704 : vector<8x2048xf32>
    %max3A_3706 = arith.maximumf %max3A_3698, %slice3A_3702 : vector<8x2048xf32>
    %jit3A_3707 = arith.constant 199 : i32
    %broadcast_in_dim3A_3708 = vector.broadcast %jit3A_3707 : i32 to vector<8x2048xi32>
    %select_n3A_3709 = arith.select %gt3A_3703, %broadcast_in_dim3A_3708, %select_n3A_3701 : vector<8x2048xi1>, vector<8x2048xi32>
    %slice3A_3710 = vector.extract_strided_slice %dot_general3A_2103 {offsets = [1600, 0], sizes = [8, 2048], strides = [1, 1]} : vector<2048x2048xf32> to vector<8x2048xf32>
    %gt3A_3711 = arith.cmpf ogt, %slice3A_3710, %max3A_3706 : vector<8x2048xf32>
    %min3A_3712 = arith.minimumf %max3A_3706, %slice3A_3710 : vector<8x2048xf32>
    %max3A_3713 = arith.maximumf %max3A_3705, %min3A_3712 : vector<8x2048xf32>
    %max3A_3714 = arith.maximumf %max3A_3706, %slice3A_3710 : vector<8x2048xf32>
    %jit3A_3715 = arith.constant 200 : i32
    %broadcast_in_dim3A_3716 = vector.broadcast %jit3A_3715 : i32 to vector<8x2048xi32>
    %select_n3A_3717 = arith.select %gt3A_3711, %broadcast_in_dim3A_3716, %select_n3A_3709 : vector<8x2048xi1>, vector<8x2048xi32>
    %slice3A_3718 = vector.extract_strided_slice %dot_general3A_2103 {offsets = [1608, 0], sizes = [8, 2048], strides = [1, 1]} : vector<2048x2048xf32> to vector<8x2048xf32>
    %gt3A_3719 = arith.cmpf ogt, %slice3A_3718, %max3A_3714 : vector<8x2048xf32>
    %min3A_3720 = arith.minimumf %max3A_3714, %slice3A_3718 : vector<8x2048xf32>
    %max3A_3721 = arith.maximumf %max3A_3713, %min3A_3720 : vector<8x2048xf32>
    %max3A_3722 = arith.maximumf %max3A_3714, %slice3A_3718 : vector<8x2048xf32>
    %jit3A_3723 = arith.constant 201 : i32
    %broadcast_in_dim3A_3724 = vector.broadcast %jit3A_3723 : i32 to vector<8x2048xi32>
    %select_n3A_3725 = arith.select %gt3A_3719, %broadcast_in_dim3A_3724, %select_n3A_3717 : vector<8x2048xi1>, vector<8x2048xi32>
    %slice3A_3726 = vector.extract_strided_slice %dot_general3A_2103 {offsets = [1616, 0], sizes = [8, 2048], strides = [1, 1]} : vector<2048x2048xf32> to vector<8x2048xf32>
    %gt3A_3727 = arith.cmpf ogt, %slice3A_3726, %max3A_3722 : vector<8x2048xf32>
    %min3A_3728 = arith.minimumf %max3A_3722, %slice3A_3726 : vector<8x2048xf32>
    %max3A_3729 = arith.maximumf %max3A_3721, %min3A_3728 : vector<8x2048xf32>
    %max3A_3730 = arith.maximumf %max3A_3722, %slice3A_3726 : vector<8x2048xf32>
    %jit3A_3731 = arith.constant 202 : i32
    %broadcast_in_dim3A_3732 = vector.broadcast %jit3A_3731 : i32 to vector<8x2048xi32>
    %select_n3A_3733 = arith.select %gt3A_3727, %broadcast_in_dim3A_3732, %select_n3A_3725 : vector<8x2048xi1>, vector<8x2048xi32>
    %slice3A_3734 = vector.extract_strided_slice %dot_general3A_2103 {offsets = [1624, 0], sizes = [8, 2048], strides = [1, 1]} : vector<2048x2048xf32> to vector<8x2048xf32>
    %gt3A_3735 = arith.cmpf ogt, %slice3A_3734, %max3A_3730 : vector<8x2048xf32>
    %min3A_3736 = arith.minimumf %max3A_3730, %slice3A_3734 : vector<8x2048xf32>
    %max3A_3737 = arith.maximumf %max3A_3729, %min3A_3736 : vector<8x2048xf32>
    %max3A_3738 = arith.maximumf %max3A_3730, %slice3A_3734 : vector<8x2048xf32>
    %jit3A_3739 = arith.constant 203 : i32
    %broadcast_in_dim3A_3740 = vector.broadcast %jit3A_3739 : i32 to vector<8x2048xi32>
    %select_n3A_3741 = arith.select %gt3A_3735, %broadcast_in_dim3A_3740, %select_n3A_3733 : vector<8x2048xi1>, vector<8x2048xi32>
    %slice3A_3742 = vector.extract_strided_slice %dot_general3A_2103 {offsets = [1632, 0], sizes = [8, 2048], strides = [1, 1]} : vector<2048x2048xf32> to vector<8x2048xf32>
    %gt3A_3743 = arith.cmpf ogt, %slice3A_3742, %max3A_3738 : vector<8x2048xf32>
    %min3A_3744 = arith.minimumf %max3A_3738, %slice3A_3742 : vector<8x2048xf32>
    %max3A_3745 = arith.maximumf %max3A_3737, %min3A_3744 : vector<8x2048xf32>
    %max3A_3746 = arith.maximumf %max3A_3738, %slice3A_3742 : vector<8x2048xf32>
    %jit3A_3747 = arith.constant 204 : i32
    %broadcast_in_dim3A_3748 = vector.broadcast %jit3A_3747 : i32 to vector<8x2048xi32>
    %select_n3A_3749 = arith.select %gt3A_3743, %broadcast_in_dim3A_3748, %select_n3A_3741 : vector<8x2048xi1>, vector<8x2048xi32>
    %slice3A_3750 = vector.extract_strided_slice %dot_general3A_2103 {offsets = [1640, 0], sizes = [8, 2048], strides = [1, 1]} : vector<2048x2048xf32> to vector<8x2048xf32>
    %gt3A_3751 = arith.cmpf ogt, %slice3A_3750, %max3A_3746 : vector<8x2048xf32>
    %min3A_3752 = arith.minimumf %max3A_3746, %slice3A_3750 : vector<8x2048xf32>
    %max3A_3753 = arith.maximumf %max3A_3745, %min3A_3752 : vector<8x2048xf32>
    %max3A_3754 = arith.maximumf %max3A_3746, %slice3A_3750 : vector<8x2048xf32>
    %jit3A_3755 = arith.constant 205 : i32
    %broadcast_in_dim3A_3756 = vector.broadcast %jit3A_3755 : i32 to vector<8x2048xi32>
    %select_n3A_3757 = arith.select %gt3A_3751, %broadcast_in_dim3A_3756, %select_n3A_3749 : vector<8x2048xi1>, vector<8x2048xi32>
    %slice3A_3758 = vector.extract_strided_slice %dot_general3A_2103 {offsets = [1648, 0], sizes = [8, 2048], strides = [1, 1]} : vector<2048x2048xf32> to vector<8x2048xf32>
    %gt3A_3759 = arith.cmpf ogt, %slice3A_3758, %max3A_3754 : vector<8x2048xf32>
    %min3A_3760 = arith.minimumf %max3A_3754, %slice3A_3758 : vector<8x2048xf32>
    %max3A_3761 = arith.maximumf %max3A_3753, %min3A_3760 : vector<8x2048xf32>
    %max3A_3762 = arith.maximumf %max3A_3754, %slice3A_3758 : vector<8x2048xf32>
    %jit3A_3763 = arith.constant 206 : i32
    %broadcast_in_dim3A_3764 = vector.broadcast %jit3A_3763 : i32 to vector<8x2048xi32>
    %select_n3A_3765 = arith.select %gt3A_3759, %broadcast_in_dim3A_3764, %select_n3A_3757 : vector<8x2048xi1>, vector<8x2048xi32>
    %slice3A_3766 = vector.extract_strided_slice %dot_general3A_2103 {offsets = [1656, 0], sizes = [8, 2048], strides = [1, 1]} : vector<2048x2048xf32> to vector<8x2048xf32>
    %gt3A_3767 = arith.cmpf ogt, %slice3A_3766, %max3A_3762 : vector<8x2048xf32>
    %min3A_3768 = arith.minimumf %max3A_3762, %slice3A_3766 : vector<8x2048xf32>
    %max3A_3769 = arith.maximumf %max3A_3761, %min3A_3768 : vector<8x2048xf32>
    %max3A_3770 = arith.maximumf %max3A_3762, %slice3A_3766 : vector<8x2048xf32>
    %jit3A_3771 = arith.constant 207 : i32
    %broadcast_in_dim3A_3772 = vector.broadcast %jit3A_3771 : i32 to vector<8x2048xi32>
    %select_n3A_3773 = arith.select %gt3A_3767, %broadcast_in_dim3A_3772, %select_n3A_3765 : vector<8x2048xi1>, vector<8x2048xi32>
    %slice3A_3774 = vector.extract_strided_slice %dot_general3A_2103 {offsets = [1664, 0], sizes = [8, 2048], strides = [1, 1]} : vector<2048x2048xf32> to vector<8x2048xf32>
    %gt3A_3775 = arith.cmpf ogt, %slice3A_3774, %max3A_3770 : vector<8x2048xf32>
    %min3A_3776 = arith.minimumf %max3A_3770, %slice3A_3774 : vector<8x2048xf32>
    %max3A_3777 = arith.maximumf %max3A_3769, %min3A_3776 : vector<8x2048xf32>
    %max3A_3778 = arith.maximumf %max3A_3770, %slice3A_3774 : vector<8x2048xf32>
    %jit3A_3779 = arith.constant 208 : i32
    %broadcast_in_dim3A_3780 = vector.broadcast %jit3A_3779 : i32 to vector<8x2048xi32>
    %select_n3A_3781 = arith.select %gt3A_3775, %broadcast_in_dim3A_3780, %select_n3A_3773 : vector<8x2048xi1>, vector<8x2048xi32>
    %slice3A_3782 = vector.extract_strided_slice %dot_general3A_2103 {offsets = [1672, 0], sizes = [8, 2048], strides = [1, 1]} : vector<2048x2048xf32> to vector<8x2048xf32>
    %gt3A_3783 = arith.cmpf ogt, %slice3A_3782, %max3A_3778 : vector<8x2048xf32>
    %min3A_3784 = arith.minimumf %max3A_3778, %slice3A_3782 : vector<8x2048xf32>
    %max3A_3785 = arith.maximumf %max3A_3777, %min3A_3784 : vector<8x2048xf32>
    %max3A_3786 = arith.maximumf %max3A_3778, %slice3A_3782 : vector<8x2048xf32>
    %jit3A_3787 = arith.constant 209 : i32
    %broadcast_in_dim3A_3788 = vector.broadcast %jit3A_3787 : i32 to vector<8x2048xi32>
    %select_n3A_3789 = arith.select %gt3A_3783, %broadcast_in_dim3A_3788, %select_n3A_3781 : vector<8x2048xi1>, vector<8x2048xi32>
    %slice3A_3790 = vector.extract_strided_slice %dot_general3A_2103 {offsets = [1680, 0], sizes = [8, 2048], strides = [1, 1]} : vector<2048x2048xf32> to vector<8x2048xf32>
    %gt3A_3791 = arith.cmpf ogt, %slice3A_3790, %max3A_3786 : vector<8x2048xf32>
    %min3A_3792 = arith.minimumf %max3A_3786, %slice3A_3790 : vector<8x2048xf32>
    %max3A_3793 = arith.maximumf %max3A_3785, %min3A_3792 : vector<8x2048xf32>
    %max3A_3794 = arith.maximumf %max3A_3786, %slice3A_3790 : vector<8x2048xf32>
    %jit3A_3795 = arith.constant 210 : i32
    %broadcast_in_dim3A_3796 = vector.broadcast %jit3A_3795 : i32 to vector<8x2048xi32>
    %select_n3A_3797 = arith.select %gt3A_3791, %broadcast_in_dim3A_3796, %select_n3A_3789 : vector<8x2048xi1>, vector<8x2048xi32>
    %slice3A_3798 = vector.extract_strided_slice %dot_general3A_2103 {offsets = [1688, 0], sizes = [8, 2048], strides = [1, 1]} : vector<2048x2048xf32> to vector<8x2048xf32>
    %gt3A_3799 = arith.cmpf ogt, %slice3A_3798, %max3A_3794 : vector<8x2048xf32>
    %min3A_3800 = arith.minimumf %max3A_3794, %slice3A_3798 : vector<8x2048xf32>
    %max3A_3801 = arith.maximumf %max3A_3793, %min3A_3800 : vector<8x2048xf32>
    %max3A_3802 = arith.maximumf %max3A_3794, %slice3A_3798 : vector<8x2048xf32>
    %jit3A_3803 = arith.constant 211 : i32
    %broadcast_in_dim3A_3804 = vector.broadcast %jit3A_3803 : i32 to vector<8x2048xi32>
    %select_n3A_3805 = arith.select %gt3A_3799, %broadcast_in_dim3A_3804, %select_n3A_3797 : vector<8x2048xi1>, vector<8x2048xi32>
    %slice3A_3806 = vector.extract_strided_slice %dot_general3A_2103 {offsets = [1696, 0], sizes = [8, 2048], strides = [1, 1]} : vector<2048x2048xf32> to vector<8x2048xf32>
    %gt3A_3807 = arith.cmpf ogt, %slice3A_3806, %max3A_3802 : vector<8x2048xf32>
    %min3A_3808 = arith.minimumf %max3A_3802, %slice3A_3806 : vector<8x2048xf32>
    %max3A_3809 = arith.maximumf %max3A_3801, %min3A_3808 : vector<8x2048xf32>
    %max3A_3810 = arith.maximumf %max3A_3802, %slice3A_3806 : vector<8x2048xf32>
    %jit3A_3811 = arith.constant 212 : i32
    %broadcast_in_dim3A_3812 = vector.broadcast %jit3A_3811 : i32 to vector<8x2048xi32>
    %select_n3A_3813 = arith.select %gt3A_3807, %broadcast_in_dim3A_3812, %select_n3A_3805 : vector<8x2048xi1>, vector<8x2048xi32>
    %slice3A_3814 = vector.extract_strided_slice %dot_general3A_2103 {offsets = [1704, 0], sizes = [8, 2048], strides = [1, 1]} : vector<2048x2048xf32> to vector<8x2048xf32>
    %gt3A_3815 = arith.cmpf ogt, %slice3A_3814, %max3A_3810 : vector<8x2048xf32>
    %min3A_3816 = arith.minimumf %max3A_3810, %slice3A_3814 : vector<8x2048xf32>
    %max3A_3817 = arith.maximumf %max3A_3809, %min3A_3816 : vector<8x2048xf32>
    %max3A_3818 = arith.maximumf %max3A_3810, %slice3A_3814 : vector<8x2048xf32>
    %jit3A_3819 = arith.constant 213 : i32
    %broadcast_in_dim3A_3820 = vector.broadcast %jit3A_3819 : i32 to vector<8x2048xi32>
    %select_n3A_3821 = arith.select %gt3A_3815, %broadcast_in_dim3A_3820, %select_n3A_3813 : vector<8x2048xi1>, vector<8x2048xi32>
    %slice3A_3822 = vector.extract_strided_slice %dot_general3A_2103 {offsets = [1712, 0], sizes = [8, 2048], strides = [1, 1]} : vector<2048x2048xf32> to vector<8x2048xf32>
    %gt3A_3823 = arith.cmpf ogt, %slice3A_3822, %max3A_3818 : vector<8x2048xf32>
    %min3A_3824 = arith.minimumf %max3A_3818, %slice3A_3822 : vector<8x2048xf32>
    %max3A_3825 = arith.maximumf %max3A_3817, %min3A_3824 : vector<8x2048xf32>
    %max3A_3826 = arith.maximumf %max3A_3818, %slice3A_3822 : vector<8x2048xf32>
    %jit3A_3827 = arith.constant 214 : i32
    %broadcast_in_dim3A_3828 = vector.broadcast %jit3A_3827 : i32 to vector<8x2048xi32>
    %select_n3A_3829 = arith.select %gt3A_3823, %broadcast_in_dim3A_3828, %select_n3A_3821 : vector<8x2048xi1>, vector<8x2048xi32>
    %slice3A_3830 = vector.extract_strided_slice %dot_general3A_2103 {offsets = [1720, 0], sizes = [8, 2048], strides = [1, 1]} : vector<2048x2048xf32> to vector<8x2048xf32>
    %gt3A_3831 = arith.cmpf ogt, %slice3A_3830, %max3A_3826 : vector<8x2048xf32>
    %min3A_3832 = arith.minimumf %max3A_3826, %slice3A_3830 : vector<8x2048xf32>
    %max3A_3833 = arith.maximumf %max3A_3825, %min3A_3832 : vector<8x2048xf32>
    %max3A_3834 = arith.maximumf %max3A_3826, %slice3A_3830 : vector<8x2048xf32>
    %jit3A_3835 = arith.constant 215 : i32
    %broadcast_in_dim3A_3836 = vector.broadcast %jit3A_3835 : i32 to vector<8x2048xi32>
    %select_n3A_3837 = arith.select %gt3A_3831, %broadcast_in_dim3A_3836, %select_n3A_3829 : vector<8x2048xi1>, vector<8x2048xi32>
    %slice3A_3838 = vector.extract_strided_slice %dot_general3A_2103 {offsets = [1728, 0], sizes = [8, 2048], strides = [1, 1]} : vector<2048x2048xf32> to vector<8x2048xf32>
    %gt3A_3839 = arith.cmpf ogt, %slice3A_3838, %max3A_3834 : vector<8x2048xf32>
    %min3A_3840 = arith.minimumf %max3A_3834, %slice3A_3838 : vector<8x2048xf32>
    %max3A_3841 = arith.maximumf %max3A_3833, %min3A_3840 : vector<8x2048xf32>
    %max3A_3842 = arith.maximumf %max3A_3834, %slice3A_3838 : vector<8x2048xf32>
    %jit3A_3843 = arith.constant 216 : i32
    %broadcast_in_dim3A_3844 = vector.broadcast %jit3A_3843 : i32 to vector<8x2048xi32>
    %select_n3A_3845 = arith.select %gt3A_3839, %broadcast_in_dim3A_3844, %select_n3A_3837 : vector<8x2048xi1>, vector<8x2048xi32>
    %slice3A_3846 = vector.extract_strided_slice %dot_general3A_2103 {offsets = [1736, 0], sizes = [8, 2048], strides = [1, 1]} : vector<2048x2048xf32> to vector<8x2048xf32>
    %gt3A_3847 = arith.cmpf ogt, %slice3A_3846, %max3A_3842 : vector<8x2048xf32>
    %min3A_3848 = arith.minimumf %max3A_3842, %slice3A_3846 : vector<8x2048xf32>
    %max3A_3849 = arith.maximumf %max3A_3841, %min3A_3848 : vector<8x2048xf32>
    %max3A_3850 = arith.maximumf %max3A_3842, %slice3A_3846 : vector<8x2048xf32>
    %jit3A_3851 = arith.constant 217 : i32
    %broadcast_in_dim3A_3852 = vector.broadcast %jit3A_3851 : i32 to vector<8x2048xi32>
    %select_n3A_3853 = arith.select %gt3A_3847, %broadcast_in_dim3A_3852, %select_n3A_3845 : vector<8x2048xi1>, vector<8x2048xi32>
    %slice3A_3854 = vector.extract_strided_slice %dot_general3A_2103 {offsets = [1744, 0], sizes = [8, 2048], strides = [1, 1]} : vector<2048x2048xf32> to vector<8x2048xf32>
    %gt3A_3855 = arith.cmpf ogt, %slice3A_3854, %max3A_3850 : vector<8x2048xf32>
    %min3A_3856 = arith.minimumf %max3A_3850, %slice3A_3854 : vector<8x2048xf32>
    %max3A_3857 = arith.maximumf %max3A_3849, %min3A_3856 : vector<8x2048xf32>
    %max3A_3858 = arith.maximumf %max3A_3850, %slice3A_3854 : vector<8x2048xf32>
    %jit3A_3859 = arith.constant 218 : i32
    %broadcast_in_dim3A_3860 = vector.broadcast %jit3A_3859 : i32 to vector<8x2048xi32>
    %select_n3A_3861 = arith.select %gt3A_3855, %broadcast_in_dim3A_3860, %select_n3A_3853 : vector<8x2048xi1>, vector<8x2048xi32>
    %slice3A_3862 = vector.extract_strided_slice %dot_general3A_2103 {offsets = [1752, 0], sizes = [8, 2048], strides = [1, 1]} : vector<2048x2048xf32> to vector<8x2048xf32>
    %gt3A_3863 = arith.cmpf ogt, %slice3A_3862, %max3A_3858 : vector<8x2048xf32>
    %min3A_3864 = arith.minimumf %max3A_3858, %slice3A_3862 : vector<8x2048xf32>
    %max3A_3865 = arith.maximumf %max3A_3857, %min3A_3864 : vector<8x2048xf32>
    %max3A_3866 = arith.maximumf %max3A_3858, %slice3A_3862 : vector<8x2048xf32>
    %jit3A_3867 = arith.constant 219 : i32
    %broadcast_in_dim3A_3868 = vector.broadcast %jit3A_3867 : i32 to vector<8x2048xi32>
    %select_n3A_3869 = arith.select %gt3A_3863, %broadcast_in_dim3A_3868, %select_n3A_3861 : vector<8x2048xi1>, vector<8x2048xi32>
    %slice3A_3870 = vector.extract_strided_slice %dot_general3A_2103 {offsets = [1760, 0], sizes = [8, 2048], strides = [1, 1]} : vector<2048x2048xf32> to vector<8x2048xf32>
    %gt3A_3871 = arith.cmpf ogt, %slice3A_3870, %max3A_3866 : vector<8x2048xf32>
    %min3A_3872 = arith.minimumf %max3A_3866, %slice3A_3870 : vector<8x2048xf32>
    %max3A_3873 = arith.maximumf %max3A_3865, %min3A_3872 : vector<8x2048xf32>
    %max3A_3874 = arith.maximumf %max3A_3866, %slice3A_3870 : vector<8x2048xf32>
    %jit3A_3875 = arith.constant 220 : i32
    %broadcast_in_dim3A_3876 = vector.broadcast %jit3A_3875 : i32 to vector<8x2048xi32>
    %select_n3A_3877 = arith.select %gt3A_3871, %broadcast_in_dim3A_3876, %select_n3A_3869 : vector<8x2048xi1>, vector<8x2048xi32>
    %slice3A_3878 = vector.extract_strided_slice %dot_general3A_2103 {offsets = [1768, 0], sizes = [8, 2048], strides = [1, 1]} : vector<2048x2048xf32> to vector<8x2048xf32>
    %gt3A_3879 = arith.cmpf ogt, %slice3A_3878, %max3A_3874 : vector<8x2048xf32>
    %min3A_3880 = arith.minimumf %max3A_3874, %slice3A_3878 : vector<8x2048xf32>
    %max3A_3881 = arith.maximumf %max3A_3873, %min3A_3880 : vector<8x2048xf32>
    %max3A_3882 = arith.maximumf %max3A_3874, %slice3A_3878 : vector<8x2048xf32>
    %jit3A_3883 = arith.constant 221 : i32
    %broadcast_in_dim3A_3884 = vector.broadcast %jit3A_3883 : i32 to vector<8x2048xi32>
    %select_n3A_3885 = arith.select %gt3A_3879, %broadcast_in_dim3A_3884, %select_n3A_3877 : vector<8x2048xi1>, vector<8x2048xi32>
    %slice3A_3886 = vector.extract_strided_slice %dot_general3A_2103 {offsets = [1776, 0], sizes = [8, 2048], strides = [1, 1]} : vector<2048x2048xf32> to vector<8x2048xf32>
    %gt3A_3887 = arith.cmpf ogt, %slice3A_3886, %max3A_3882 : vector<8x2048xf32>
    %min3A_3888 = arith.minimumf %max3A_3882, %slice3A_3886 : vector<8x2048xf32>
    %max3A_3889 = arith.maximumf %max3A_3881, %min3A_3888 : vector<8x2048xf32>
    %max3A_3890 = arith.maximumf %max3A_3882, %slice3A_3886 : vector<8x2048xf32>
    %jit3A_3891 = arith.constant 222 : i32
    %broadcast_in_dim3A_3892 = vector.broadcast %jit3A_3891 : i32 to vector<8x2048xi32>
    %select_n3A_3893 = arith.select %gt3A_3887, %broadcast_in_dim3A_3892, %select_n3A_3885 : vector<8x2048xi1>, vector<8x2048xi32>
    %slice3A_3894 = vector.extract_strided_slice %dot_general3A_2103 {offsets = [1784, 0], sizes = [8, 2048], strides = [1, 1]} : vector<2048x2048xf32> to vector<8x2048xf32>
    %gt3A_3895 = arith.cmpf ogt, %slice3A_3894, %max3A_3890 : vector<8x2048xf32>
    %min3A_3896 = arith.minimumf %max3A_3890, %slice3A_3894 : vector<8x2048xf32>
    %max3A_3897 = arith.maximumf %max3A_3889, %min3A_3896 : vector<8x2048xf32>
    %max3A_3898 = arith.maximumf %max3A_3890, %slice3A_3894 : vector<8x2048xf32>
    %jit3A_3899 = arith.constant 223 : i32
    %broadcast_in_dim3A_3900 = vector.broadcast %jit3A_3899 : i32 to vector<8x2048xi32>
    %select_n3A_3901 = arith.select %gt3A_3895, %broadcast_in_dim3A_3900, %select_n3A_3893 : vector<8x2048xi1>, vector<8x2048xi32>
    %slice3A_3902 = vector.extract_strided_slice %dot_general3A_2103 {offsets = [1792, 0], sizes = [8, 2048], strides = [1, 1]} : vector<2048x2048xf32> to vector<8x2048xf32>
    %gt3A_3903 = arith.cmpf ogt, %slice3A_3902, %max3A_3898 : vector<8x2048xf32>
    %min3A_3904 = arith.minimumf %max3A_3898, %slice3A_3902 : vector<8x2048xf32>
    %max3A_3905 = arith.maximumf %max3A_3897, %min3A_3904 : vector<8x2048xf32>
    %max3A_3906 = arith.maximumf %max3A_3898, %slice3A_3902 : vector<8x2048xf32>
    %jit3A_3907 = arith.constant 224 : i32
    %broadcast_in_dim3A_3908 = vector.broadcast %jit3A_3907 : i32 to vector<8x2048xi32>
    %select_n3A_3909 = arith.select %gt3A_3903, %broadcast_in_dim3A_3908, %select_n3A_3901 : vector<8x2048xi1>, vector<8x2048xi32>
    %slice3A_3910 = vector.extract_strided_slice %dot_general3A_2103 {offsets = [1800, 0], sizes = [8, 2048], strides = [1, 1]} : vector<2048x2048xf32> to vector<8x2048xf32>
    %gt3A_3911 = arith.cmpf ogt, %slice3A_3910, %max3A_3906 : vector<8x2048xf32>
    %min3A_3912 = arith.minimumf %max3A_3906, %slice3A_3910 : vector<8x2048xf32>
    %max3A_3913 = arith.maximumf %max3A_3905, %min3A_3912 : vector<8x2048xf32>
    %max3A_3914 = arith.maximumf %max3A_3906, %slice3A_3910 : vector<8x2048xf32>
    %jit3A_3915 = arith.constant 225 : i32
    %broadcast_in_dim3A_3916 = vector.broadcast %jit3A_3915 : i32 to vector<8x2048xi32>
    %select_n3A_3917 = arith.select %gt3A_3911, %broadcast_in_dim3A_3916, %select_n3A_3909 : vector<8x2048xi1>, vector<8x2048xi32>
    %slice3A_3918 = vector.extract_strided_slice %dot_general3A_2103 {offsets = [1808, 0], sizes = [8, 2048], strides = [1, 1]} : vector<2048x2048xf32> to vector<8x2048xf32>
    %gt3A_3919 = arith.cmpf ogt, %slice3A_3918, %max3A_3914 : vector<8x2048xf32>
    %min3A_3920 = arith.minimumf %max3A_3914, %slice3A_3918 : vector<8x2048xf32>
    %max3A_3921 = arith.maximumf %max3A_3913, %min3A_3920 : vector<8x2048xf32>
    %max3A_3922 = arith.maximumf %max3A_3914, %slice3A_3918 : vector<8x2048xf32>
    %jit3A_3923 = arith.constant 226 : i32
    %broadcast_in_dim3A_3924 = vector.broadcast %jit3A_3923 : i32 to vector<8x2048xi32>
    %select_n3A_3925 = arith.select %gt3A_3919, %broadcast_in_dim3A_3924, %select_n3A_3917 : vector<8x2048xi1>, vector<8x2048xi32>
    %slice3A_3926 = vector.extract_strided_slice %dot_general3A_2103 {offsets = [1816, 0], sizes = [8, 2048], strides = [1, 1]} : vector<2048x2048xf32> to vector<8x2048xf32>
    %gt3A_3927 = arith.cmpf ogt, %slice3A_3926, %max3A_3922 : vector<8x2048xf32>
    %min3A_3928 = arith.minimumf %max3A_3922, %slice3A_3926 : vector<8x2048xf32>
    %max3A_3929 = arith.maximumf %max3A_3921, %min3A_3928 : vector<8x2048xf32>
    %max3A_3930 = arith.maximumf %max3A_3922, %slice3A_3926 : vector<8x2048xf32>
    %jit3A_3931 = arith.constant 227 : i32
    %broadcast_in_dim3A_3932 = vector.broadcast %jit3A_3931 : i32 to vector<8x2048xi32>
    %select_n3A_3933 = arith.select %gt3A_3927, %broadcast_in_dim3A_3932, %select_n3A_3925 : vector<8x2048xi1>, vector<8x2048xi32>
    %slice3A_3934 = vector.extract_strided_slice %dot_general3A_2103 {offsets = [1824, 0], sizes = [8, 2048], strides = [1, 1]} : vector<2048x2048xf32> to vector<8x2048xf32>
    %gt3A_3935 = arith.cmpf ogt, %slice3A_3934, %max3A_3930 : vector<8x2048xf32>
    %min3A_3936 = arith.minimumf %max3A_3930, %slice3A_3934 : vector<8x2048xf32>
    %max3A_3937 = arith.maximumf %max3A_3929, %min3A_3936 : vector<8x2048xf32>
    %max3A_3938 = arith.maximumf %max3A_3930, %slice3A_3934 : vector<8x2048xf32>
    %jit3A_3939 = arith.constant 228 : i32
    %broadcast_in_dim3A_3940 = vector.broadcast %jit3A_3939 : i32 to vector<8x2048xi32>
    %select_n3A_3941 = arith.select %gt3A_3935, %broadcast_in_dim3A_3940, %select_n3A_3933 : vector<8x2048xi1>, vector<8x2048xi32>
    %slice3A_3942 = vector.extract_strided_slice %dot_general3A_2103 {offsets = [1832, 0], sizes = [8, 2048], strides = [1, 1]} : vector<2048x2048xf32> to vector<8x2048xf32>
    %gt3A_3943 = arith.cmpf ogt, %slice3A_3942, %max3A_3938 : vector<8x2048xf32>
    %min3A_3944 = arith.minimumf %max3A_3938, %slice3A_3942 : vector<8x2048xf32>
    %max3A_3945 = arith.maximumf %max3A_3937, %min3A_3944 : vector<8x2048xf32>
    %max3A_3946 = arith.maximumf %max3A_3938, %slice3A_3942 : vector<8x2048xf32>
    %jit3A_3947 = arith.constant 229 : i32
    %broadcast_in_dim3A_3948 = vector.broadcast %jit3A_3947 : i32 to vector<8x2048xi32>
    %select_n3A_3949 = arith.select %gt3A_3943, %broadcast_in_dim3A_3948, %select_n3A_3941 : vector<8x2048xi1>, vector<8x2048xi32>
    %slice3A_3950 = vector.extract_strided_slice %dot_general3A_2103 {offsets = [1840, 0], sizes = [8, 2048], strides = [1, 1]} : vector<2048x2048xf32> to vector<8x2048xf32>
    %gt3A_3951 = arith.cmpf ogt, %slice3A_3950, %max3A_3946 : vector<8x2048xf32>
    %min3A_3952 = arith.minimumf %max3A_3946, %slice3A_3950 : vector<8x2048xf32>
    %max3A_3953 = arith.maximumf %max3A_3945, %min3A_3952 : vector<8x2048xf32>
    %max3A_3954 = arith.maximumf %max3A_3946, %slice3A_3950 : vector<8x2048xf32>
    %jit3A_3955 = arith.constant 230 : i32
    %broadcast_in_dim3A_3956 = vector.broadcast %jit3A_3955 : i32 to vector<8x2048xi32>
    %select_n3A_3957 = arith.select %gt3A_3951, %broadcast_in_dim3A_3956, %select_n3A_3949 : vector<8x2048xi1>, vector<8x2048xi32>
    %slice3A_3958 = vector.extract_strided_slice %dot_general3A_2103 {offsets = [1848, 0], sizes = [8, 2048], strides = [1, 1]} : vector<2048x2048xf32> to vector<8x2048xf32>
    %gt3A_3959 = arith.cmpf ogt, %slice3A_3958, %max3A_3954 : vector<8x2048xf32>
    %min3A_3960 = arith.minimumf %max3A_3954, %slice3A_3958 : vector<8x2048xf32>
    %max3A_3961 = arith.maximumf %max3A_3953, %min3A_3960 : vector<8x2048xf32>
    %max3A_3962 = arith.maximumf %max3A_3954, %slice3A_3958 : vector<8x2048xf32>
    %jit3A_3963 = arith.constant 231 : i32
    %broadcast_in_dim3A_3964 = vector.broadcast %jit3A_3963 : i32 to vector<8x2048xi32>
    %select_n3A_3965 = arith.select %gt3A_3959, %broadcast_in_dim3A_3964, %select_n3A_3957 : vector<8x2048xi1>, vector<8x2048xi32>
    %slice3A_3966 = vector.extract_strided_slice %dot_general3A_2103 {offsets = [1856, 0], sizes = [8, 2048], strides = [1, 1]} : vector<2048x2048xf32> to vector<8x2048xf32>
    %gt3A_3967 = arith.cmpf ogt, %slice3A_3966, %max3A_3962 : vector<8x2048xf32>
    %min3A_3968 = arith.minimumf %max3A_3962, %slice3A_3966 : vector<8x2048xf32>
    %max3A_3969 = arith.maximumf %max3A_3961, %min3A_3968 : vector<8x2048xf32>
    %max3A_3970 = arith.maximumf %max3A_3962, %slice3A_3966 : vector<8x2048xf32>
    %jit3A_3971 = arith.constant 232 : i32
    %broadcast_in_dim3A_3972 = vector.broadcast %jit3A_3971 : i32 to vector<8x2048xi32>
    %select_n3A_3973 = arith.select %gt3A_3967, %broadcast_in_dim3A_3972, %select_n3A_3965 : vector<8x2048xi1>, vector<8x2048xi32>
    %slice3A_3974 = vector.extract_strided_slice %dot_general3A_2103 {offsets = [1864, 0], sizes = [8, 2048], strides = [1, 1]} : vector<2048x2048xf32> to vector<8x2048xf32>
    %gt3A_3975 = arith.cmpf ogt, %slice3A_3974, %max3A_3970 : vector<8x2048xf32>
    %min3A_3976 = arith.minimumf %max3A_3970, %slice3A_3974 : vector<8x2048xf32>
    %max3A_3977 = arith.maximumf %max3A_3969, %min3A_3976 : vector<8x2048xf32>
    %max3A_3978 = arith.maximumf %max3A_3970, %slice3A_3974 : vector<8x2048xf32>
    %jit3A_3979 = arith.constant 233 : i32
    %broadcast_in_dim3A_3980 = vector.broadcast %jit3A_3979 : i32 to vector<8x2048xi32>
    %select_n3A_3981 = arith.select %gt3A_3975, %broadcast_in_dim3A_3980, %select_n3A_3973 : vector<8x2048xi1>, vector<8x2048xi32>
    %slice3A_3982 = vector.extract_strided_slice %dot_general3A_2103 {offsets = [1872, 0], sizes = [8, 2048], strides = [1, 1]} : vector<2048x2048xf32> to vector<8x2048xf32>
    %gt3A_3983 = arith.cmpf ogt, %slice3A_3982, %max3A_3978 : vector<8x2048xf32>
    %min3A_3984 = arith.minimumf %max3A_3978, %slice3A_3982 : vector<8x2048xf32>
    %max3A_3985 = arith.maximumf %max3A_3977, %min3A_3984 : vector<8x2048xf32>
    %max3A_3986 = arith.maximumf %max3A_3978, %slice3A_3982 : vector<8x2048xf32>
    %jit3A_3987 = arith.constant 234 : i32
    %broadcast_in_dim3A_3988 = vector.broadcast %jit3A_3987 : i32 to vector<8x2048xi32>
    %select_n3A_3989 = arith.select %gt3A_3983, %broadcast_in_dim3A_3988, %select_n3A_3981 : vector<8x2048xi1>, vector<8x2048xi32>
    %slice3A_3990 = vector.extract_strided_slice %dot_general3A_2103 {offsets = [1880, 0], sizes = [8, 2048], strides = [1, 1]} : vector<2048x2048xf32> to vector<8x2048xf32>
    %gt3A_3991 = arith.cmpf ogt, %slice3A_3990, %max3A_3986 : vector<8x2048xf32>
    %min3A_3992 = arith.minimumf %max3A_3986, %slice3A_3990 : vector<8x2048xf32>
    %max3A_3993 = arith.maximumf %max3A_3985, %min3A_3992 : vector<8x2048xf32>
    %max3A_3994 = arith.maximumf %max3A_3986, %slice3A_3990 : vector<8x2048xf32>
    %jit3A_3995 = arith.constant 235 : i32
    %broadcast_in_dim3A_3996 = vector.broadcast %jit3A_3995 : i32 to vector<8x2048xi32>
    %select_n3A_3997 = arith.select %gt3A_3991, %broadcast_in_dim3A_3996, %select_n3A_3989 : vector<8x2048xi1>, vector<8x2048xi32>
    %slice3A_3998 = vector.extract_strided_slice %dot_general3A_2103 {offsets = [1888, 0], sizes = [8, 2048], strides = [1, 1]} : vector<2048x2048xf32> to vector<8x2048xf32>
    %gt3A_3999 = arith.cmpf ogt, %slice3A_3998, %max3A_3994 : vector<8x2048xf32>
    %min3A_4000 = arith.minimumf %max3A_3994, %slice3A_3998 : vector<8x2048xf32>
    %max3A_4001 = arith.maximumf %max3A_3993, %min3A_4000 : vector<8x2048xf32>
    %max3A_4002 = arith.maximumf %max3A_3994, %slice3A_3998 : vector<8x2048xf32>
    %jit3A_4003 = arith.constant 236 : i32
    %broadcast_in_dim3A_4004 = vector.broadcast %jit3A_4003 : i32 to vector<8x2048xi32>
    %select_n3A_4005 = arith.select %gt3A_3999, %broadcast_in_dim3A_4004, %select_n3A_3997 : vector<8x2048xi1>, vector<8x2048xi32>
    %slice3A_4006 = vector.extract_strided_slice %dot_general3A_2103 {offsets = [1896, 0], sizes = [8, 2048], strides = [1, 1]} : vector<2048x2048xf32> to vector<8x2048xf32>
    %gt3A_4007 = arith.cmpf ogt, %slice3A_4006, %max3A_4002 : vector<8x2048xf32>
    %min3A_4008 = arith.minimumf %max3A_4002, %slice3A_4006 : vector<8x2048xf32>
    %max3A_4009 = arith.maximumf %max3A_4001, %min3A_4008 : vector<8x2048xf32>
    %max3A_4010 = arith.maximumf %max3A_4002, %slice3A_4006 : vector<8x2048xf32>
    %jit3A_4011 = arith.constant 237 : i32
    %broadcast_in_dim3A_4012 = vector.broadcast %jit3A_4011 : i32 to vector<8x2048xi32>
    %select_n3A_4013 = arith.select %gt3A_4007, %broadcast_in_dim3A_4012, %select_n3A_4005 : vector<8x2048xi1>, vector<8x2048xi32>
    %slice3A_4014 = vector.extract_strided_slice %dot_general3A_2103 {offsets = [1904, 0], sizes = [8, 2048], strides = [1, 1]} : vector<2048x2048xf32> to vector<8x2048xf32>
    %gt3A_4015 = arith.cmpf ogt, %slice3A_4014, %max3A_4010 : vector<8x2048xf32>
    %min3A_4016 = arith.minimumf %max3A_4010, %slice3A_4014 : vector<8x2048xf32>
    %max3A_4017 = arith.maximumf %max3A_4009, %min3A_4016 : vector<8x2048xf32>
    %max3A_4018 = arith.maximumf %max3A_4010, %slice3A_4014 : vector<8x2048xf32>
    %jit3A_4019 = arith.constant 238 : i32
    %broadcast_in_dim3A_4020 = vector.broadcast %jit3A_4019 : i32 to vector<8x2048xi32>
    %select_n3A_4021 = arith.select %gt3A_4015, %broadcast_in_dim3A_4020, %select_n3A_4013 : vector<8x2048xi1>, vector<8x2048xi32>
    %slice3A_4022 = vector.extract_strided_slice %dot_general3A_2103 {offsets = [1912, 0], sizes = [8, 2048], strides = [1, 1]} : vector<2048x2048xf32> to vector<8x2048xf32>
    %gt3A_4023 = arith.cmpf ogt, %slice3A_4022, %max3A_4018 : vector<8x2048xf32>
    %min3A_4024 = arith.minimumf %max3A_4018, %slice3A_4022 : vector<8x2048xf32>
    %max3A_4025 = arith.maximumf %max3A_4017, %min3A_4024 : vector<8x2048xf32>
    %max3A_4026 = arith.maximumf %max3A_4018, %slice3A_4022 : vector<8x2048xf32>
    %jit3A_4027 = arith.constant 239 : i32
    %broadcast_in_dim3A_4028 = vector.broadcast %jit3A_4027 : i32 to vector<8x2048xi32>
    %select_n3A_4029 = arith.select %gt3A_4023, %broadcast_in_dim3A_4028, %select_n3A_4021 : vector<8x2048xi1>, vector<8x2048xi32>
    %slice3A_4030 = vector.extract_strided_slice %dot_general3A_2103 {offsets = [1920, 0], sizes = [8, 2048], strides = [1, 1]} : vector<2048x2048xf32> to vector<8x2048xf32>
    %gt3A_4031 = arith.cmpf ogt, %slice3A_4030, %max3A_4026 : vector<8x2048xf32>
    %min3A_4032 = arith.minimumf %max3A_4026, %slice3A_4030 : vector<8x2048xf32>
    %max3A_4033 = arith.maximumf %max3A_4025, %min3A_4032 : vector<8x2048xf32>
    %max3A_4034 = arith.maximumf %max3A_4026, %slice3A_4030 : vector<8x2048xf32>
    %jit3A_4035 = arith.constant 240 : i32
    %broadcast_in_dim3A_4036 = vector.broadcast %jit3A_4035 : i32 to vector<8x2048xi32>
    %select_n3A_4037 = arith.select %gt3A_4031, %broadcast_in_dim3A_4036, %select_n3A_4029 : vector<8x2048xi1>, vector<8x2048xi32>
    %slice3A_4038 = vector.extract_strided_slice %dot_general3A_2103 {offsets = [1928, 0], sizes = [8, 2048], strides = [1, 1]} : vector<2048x2048xf32> to vector<8x2048xf32>
    %gt3A_4039 = arith.cmpf ogt, %slice3A_4038, %max3A_4034 : vector<8x2048xf32>
    %min3A_4040 = arith.minimumf %max3A_4034, %slice3A_4038 : vector<8x2048xf32>
    %max3A_4041 = arith.maximumf %max3A_4033, %min3A_4040 : vector<8x2048xf32>
    %max3A_4042 = arith.maximumf %max3A_4034, %slice3A_4038 : vector<8x2048xf32>
    %jit3A_4043 = arith.constant 241 : i32
    %broadcast_in_dim3A_4044 = vector.broadcast %jit3A_4043 : i32 to vector<8x2048xi32>
    %select_n3A_4045 = arith.select %gt3A_4039, %broadcast_in_dim3A_4044, %select_n3A_4037 : vector<8x2048xi1>, vector<8x2048xi32>
    %slice3A_4046 = vector.extract_strided_slice %dot_general3A_2103 {offsets = [1936, 0], sizes = [8, 2048], strides = [1, 1]} : vector<2048x2048xf32> to vector<8x2048xf32>
    %gt3A_4047 = arith.cmpf ogt, %slice3A_4046, %max3A_4042 : vector<8x2048xf32>
    %min3A_4048 = arith.minimumf %max3A_4042, %slice3A_4046 : vector<8x2048xf32>
    %max3A_4049 = arith.maximumf %max3A_4041, %min3A_4048 : vector<8x2048xf32>
    %max3A_4050 = arith.maximumf %max3A_4042, %slice3A_4046 : vector<8x2048xf32>
    %jit3A_4051 = arith.constant 242 : i32
    %broadcast_in_dim3A_4052 = vector.broadcast %jit3A_4051 : i32 to vector<8x2048xi32>
    %select_n3A_4053 = arith.select %gt3A_4047, %broadcast_in_dim3A_4052, %select_n3A_4045 : vector<8x2048xi1>, vector<8x2048xi32>
    %slice3A_4054 = vector.extract_strided_slice %dot_general3A_2103 {offsets = [1944, 0], sizes = [8, 2048], strides = [1, 1]} : vector<2048x2048xf32> to vector<8x2048xf32>
    %gt3A_4055 = arith.cmpf ogt, %slice3A_4054, %max3A_4050 : vector<8x2048xf32>
    %min3A_4056 = arith.minimumf %max3A_4050, %slice3A_4054 : vector<8x2048xf32>
    %max3A_4057 = arith.maximumf %max3A_4049, %min3A_4056 : vector<8x2048xf32>
    %max3A_4058 = arith.maximumf %max3A_4050, %slice3A_4054 : vector<8x2048xf32>
    %jit3A_4059 = arith.constant 243 : i32
    %broadcast_in_dim3A_4060 = vector.broadcast %jit3A_4059 : i32 to vector<8x2048xi32>
    %select_n3A_4061 = arith.select %gt3A_4055, %broadcast_in_dim3A_4060, %select_n3A_4053 : vector<8x2048xi1>, vector<8x2048xi32>
    %slice3A_4062 = vector.extract_strided_slice %dot_general3A_2103 {offsets = [1952, 0], sizes = [8, 2048], strides = [1, 1]} : vector<2048x2048xf32> to vector<8x2048xf32>
    %gt3A_4063 = arith.cmpf ogt, %slice3A_4062, %max3A_4058 : vector<8x2048xf32>
    %min3A_4064 = arith.minimumf %max3A_4058, %slice3A_4062 : vector<8x2048xf32>
    %max3A_4065 = arith.maximumf %max3A_4057, %min3A_4064 : vector<8x2048xf32>
    %max3A_4066 = arith.maximumf %max3A_4058, %slice3A_4062 : vector<8x2048xf32>
    %jit3A_4067 = arith.constant 244 : i32
    %broadcast_in_dim3A_4068 = vector.broadcast %jit3A_4067 : i32 to vector<8x2048xi32>
    %select_n3A_4069 = arith.select %gt3A_4063, %broadcast_in_dim3A_4068, %select_n3A_4061 : vector<8x2048xi1>, vector<8x2048xi32>
    %slice3A_4070 = vector.extract_strided_slice %dot_general3A_2103 {offsets = [1960, 0], sizes = [8, 2048], strides = [1, 1]} : vector<2048x2048xf32> to vector<8x2048xf32>
    %gt3A_4071 = arith.cmpf ogt, %slice3A_4070, %max3A_4066 : vector<8x2048xf32>
    %min3A_4072 = arith.minimumf %max3A_4066, %slice3A_4070 : vector<8x2048xf32>
    %max3A_4073 = arith.maximumf %max3A_4065, %min3A_4072 : vector<8x2048xf32>
    %max3A_4074 = arith.maximumf %max3A_4066, %slice3A_4070 : vector<8x2048xf32>
    %jit3A_4075 = arith.constant 245 : i32
    %broadcast_in_dim3A_4076 = vector.broadcast %jit3A_4075 : i32 to vector<8x2048xi32>
    %select_n3A_4077 = arith.select %gt3A_4071, %broadcast_in_dim3A_4076, %select_n3A_4069 : vector<8x2048xi1>, vector<8x2048xi32>
    %slice3A_4078 = vector.extract_strided_slice %dot_general3A_2103 {offsets = [1968, 0], sizes = [8, 2048], strides = [1, 1]} : vector<2048x2048xf32> to vector<8x2048xf32>
    %gt3A_4079 = arith.cmpf ogt, %slice3A_4078, %max3A_4074 : vector<8x2048xf32>
    %min3A_4080 = arith.minimumf %max3A_4074, %slice3A_4078 : vector<8x2048xf32>
    %max3A_4081 = arith.maximumf %max3A_4073, %min3A_4080 : vector<8x2048xf32>
    %max3A_4082 = arith.maximumf %max3A_4074, %slice3A_4078 : vector<8x2048xf32>
    %jit3A_4083 = arith.constant 246 : i32
    %broadcast_in_dim3A_4084 = vector.broadcast %jit3A_4083 : i32 to vector<8x2048xi32>
    %select_n3A_4085 = arith.select %gt3A_4079, %broadcast_in_dim3A_4084, %select_n3A_4077 : vector<8x2048xi1>, vector<8x2048xi32>
    %slice3A_4086 = vector.extract_strided_slice %dot_general3A_2103 {offsets = [1976, 0], sizes = [8, 2048], strides = [1, 1]} : vector<2048x2048xf32> to vector<8x2048xf32>
    %gt3A_4087 = arith.cmpf ogt, %slice3A_4086, %max3A_4082 : vector<8x2048xf32>
    %min3A_4088 = arith.minimumf %max3A_4082, %slice3A_4086 : vector<8x2048xf32>
    %max3A_4089 = arith.maximumf %max3A_4081, %min3A_4088 : vector<8x2048xf32>
    %max3A_4090 = arith.maximumf %max3A_4082, %slice3A_4086 : vector<8x2048xf32>
    %jit3A_4091 = arith.constant 247 : i32
    %broadcast_in_dim3A_4092 = vector.broadcast %jit3A_4091 : i32 to vector<8x2048xi32>
    %select_n3A_4093 = arith.select %gt3A_4087, %broadcast_in_dim3A_4092, %select_n3A_4085 : vector<8x2048xi1>, vector<8x2048xi32>
    %slice3A_4094 = vector.extract_strided_slice %dot_general3A_2103 {offsets = [1984, 0], sizes = [8, 2048], strides = [1, 1]} : vector<2048x2048xf32> to vector<8x2048xf32>
    %gt3A_4095 = arith.cmpf ogt, %slice3A_4094, %max3A_4090 : vector<8x2048xf32>
    %min3A_4096 = arith.minimumf %max3A_4090, %slice3A_4094 : vector<8x2048xf32>
    %max3A_4097 = arith.maximumf %max3A_4089, %min3A_4096 : vector<8x2048xf32>
    %max3A_4098 = arith.maximumf %max3A_4090, %slice3A_4094 : vector<8x2048xf32>
    %jit3A_4099 = arith.constant 248 : i32
    %broadcast_in_dim3A_4100 = vector.broadcast %jit3A_4099 : i32 to vector<8x2048xi32>
    %select_n3A_4101 = arith.select %gt3A_4095, %broadcast_in_dim3A_4100, %select_n3A_4093 : vector<8x2048xi1>, vector<8x2048xi32>
    %slice3A_4102 = vector.extract_strided_slice %dot_general3A_2103 {offsets = [1992, 0], sizes = [8, 2048], strides = [1, 1]} : vector<2048x2048xf32> to vector<8x2048xf32>
    %gt3A_4103 = arith.cmpf ogt, %slice3A_4102, %max3A_4098 : vector<8x2048xf32>
    %min3A_4104 = arith.minimumf %max3A_4098, %slice3A_4102 : vector<8x2048xf32>
    %max3A_4105 = arith.maximumf %max3A_4097, %min3A_4104 : vector<8x2048xf32>
    %max3A_4106 = arith.maximumf %max3A_4098, %slice3A_4102 : vector<8x2048xf32>
    %jit3A_4107 = arith.constant 249 : i32
    %broadcast_in_dim3A_4108 = vector.broadcast %jit3A_4107 : i32 to vector<8x2048xi32>
    %select_n3A_4109 = arith.select %gt3A_4103, %broadcast_in_dim3A_4108, %select_n3A_4101 : vector<8x2048xi1>, vector<8x2048xi32>
    %slice3A_4110 = vector.extract_strided_slice %dot_general3A_2103 {offsets = [2000, 0], sizes = [8, 2048], strides = [1, 1]} : vector<2048x2048xf32> to vector<8x2048xf32>
    %gt3A_4111 = arith.cmpf ogt, %slice3A_4110, %max3A_4106 : vector<8x2048xf32>
    %min3A_4112 = arith.minimumf %max3A_4106, %slice3A_4110 : vector<8x2048xf32>
    %max3A_4113 = arith.maximumf %max3A_4105, %min3A_4112 : vector<8x2048xf32>
    %max3A_4114 = arith.maximumf %max3A_4106, %slice3A_4110 : vector<8x2048xf32>
    %jit3A_4115 = arith.constant 250 : i32
    %broadcast_in_dim3A_4116 = vector.broadcast %jit3A_4115 : i32 to vector<8x2048xi32>
    %select_n3A_4117 = arith.select %gt3A_4111, %broadcast_in_dim3A_4116, %select_n3A_4109 : vector<8x2048xi1>, vector<8x2048xi32>
    %slice3A_4118 = vector.extract_strided_slice %dot_general3A_2103 {offsets = [2008, 0], sizes = [8, 2048], strides = [1, 1]} : vector<2048x2048xf32> to vector<8x2048xf32>
    %gt3A_4119 = arith.cmpf ogt, %slice3A_4118, %max3A_4114 : vector<8x2048xf32>
    %min3A_4120 = arith.minimumf %max3A_4114, %slice3A_4118 : vector<8x2048xf32>
    %max3A_4121 = arith.maximumf %max3A_4113, %min3A_4120 : vector<8x2048xf32>
    %max3A_4122 = arith.maximumf %max3A_4114, %slice3A_4118 : vector<8x2048xf32>
    %jit3A_4123 = arith.constant 251 : i32
    %broadcast_in_dim3A_4124 = vector.broadcast %jit3A_4123 : i32 to vector<8x2048xi32>
    %select_n3A_4125 = arith.select %gt3A_4119, %broadcast_in_dim3A_4124, %select_n3A_4117 : vector<8x2048xi1>, vector<8x2048xi32>
    %slice3A_4126 = vector.extract_strided_slice %dot_general3A_2103 {offsets = [2016, 0], sizes = [8, 2048], strides = [1, 1]} : vector<2048x2048xf32> to vector<8x2048xf32>
    %gt3A_4127 = arith.cmpf ogt, %slice3A_4126, %max3A_4122 : vector<8x2048xf32>
    %min3A_4128 = arith.minimumf %max3A_4122, %slice3A_4126 : vector<8x2048xf32>
    %max3A_4129 = arith.maximumf %max3A_4121, %min3A_4128 : vector<8x2048xf32>
    %max3A_4130 = arith.maximumf %max3A_4122, %slice3A_4126 : vector<8x2048xf32>
    %jit3A_4131 = arith.constant 252 : i32
    %broadcast_in_dim3A_4132 = vector.broadcast %jit3A_4131 : i32 to vector<8x2048xi32>
    %select_n3A_4133 = arith.select %gt3A_4127, %broadcast_in_dim3A_4132, %select_n3A_4125 : vector<8x2048xi1>, vector<8x2048xi32>
    %slice3A_4134 = vector.extract_strided_slice %dot_general3A_2103 {offsets = [2024, 0], sizes = [8, 2048], strides = [1, 1]} : vector<2048x2048xf32> to vector<8x2048xf32>
    %gt3A_4135 = arith.cmpf ogt, %slice3A_4134, %max3A_4130 : vector<8x2048xf32>
    %min3A_4136 = arith.minimumf %max3A_4130, %slice3A_4134 : vector<8x2048xf32>
    %max3A_4137 = arith.maximumf %max3A_4129, %min3A_4136 : vector<8x2048xf32>
    %max3A_4138 = arith.maximumf %max3A_4130, %slice3A_4134 : vector<8x2048xf32>
    %jit3A_4139 = arith.constant 253 : i32
    %broadcast_in_dim3A_4140 = vector.broadcast %jit3A_4139 : i32 to vector<8x2048xi32>
    %select_n3A_4141 = arith.select %gt3A_4135, %broadcast_in_dim3A_4140, %select_n3A_4133 : vector<8x2048xi1>, vector<8x2048xi32>
    %slice3A_4142 = vector.extract_strided_slice %dot_general3A_2103 {offsets = [2032, 0], sizes = [8, 2048], strides = [1, 1]} : vector<2048x2048xf32> to vector<8x2048xf32>
    %gt3A_4143 = arith.cmpf ogt, %slice3A_4142, %max3A_4138 : vector<8x2048xf32>
    %min3A_4144 = arith.minimumf %max3A_4138, %slice3A_4142 : vector<8x2048xf32>
    %max3A_4145 = arith.maximumf %max3A_4137, %min3A_4144 : vector<8x2048xf32>
    %max3A_4146 = arith.maximumf %max3A_4138, %slice3A_4142 : vector<8x2048xf32>
    %jit3A_4147 = arith.constant 254 : i32
    %broadcast_in_dim3A_4148 = vector.broadcast %jit3A_4147 : i32 to vector<8x2048xi32>
    %select_n3A_4149 = arith.select %gt3A_4143, %broadcast_in_dim3A_4148, %select_n3A_4141 : vector<8x2048xi1>, vector<8x2048xi32>
    %slice3A_4150 = vector.extract_strided_slice %dot_general3A_2103 {offsets = [2040, 0], sizes = [8, 2048], strides = [1, 1]} : vector<2048x2048xf32> to vector<8x2048xf32>
    %gt3A_4151 = arith.cmpf ogt, %slice3A_4150, %max3A_4146 : vector<8x2048xf32>
    %min3A_4152 = arith.minimumf %max3A_4146, %slice3A_4150 : vector<8x2048xf32>
    %max3A_4153 = arith.maximumf %max3A_4145, %min3A_4152 : vector<8x2048xf32>
    %max3A_4154 = arith.maximumf %max3A_4146, %slice3A_4150 : vector<8x2048xf32>
    %jit3A_4155 = arith.constant 255 : i32
    %broadcast_in_dim3A_4156 = vector.broadcast %jit3A_4155 : i32 to vector<8x2048xi32>
    %select_n3A_4157 = arith.select %gt3A_4151, %broadcast_in_dim3A_4156, %select_n3A_4149 : vector<8x2048xi1>, vector<8x2048xi32>
    %iota3A_4158 = tpu.iota {dimensions = array<i32: 0>} : vector<8x2048xi32>
    %mul3A_4159 = arith.constant 8 : i32
    %mul3A_4160 = vector.broadcast %mul3A_4159 : i32 to vector<8x2048xi32>
    %mul3A_4161 = arith.muli %select_n3A_4157, %mul3A_4160 : vector<8x2048xi32>
    %add3A_4162 = arith.addi %mul3A_4161, %iota3A_4158 : vector<8x2048xi32>
    %reduce_max3A_4163 = arith.constant dense<0xFF800000> : vector<2048xf32>
    %reduce_max3A_4164 = vector.multi_reduction <maximumf>, %max3A_4154, %reduce_max3A_4163 [0] : vector<8x2048xf32> to vector<2048xf32>
    %broadcast_in_dim3A_4165 = vector.shape_cast %reduce_max3A_4164 : vector<2048xf32> to vector<1x2048xf32>
    %eq3A_4166 = vector.broadcast %broadcast_in_dim3A_4165 : vector<1x2048xf32> to vector<8x2048xf32>
    %eq3A_4167 = arith.cmpf oeq, %max3A_4154, %eq3A_4166 : vector<8x2048xf32>
    %jit3A_4168 = arith.constant 2048 : i32
    %broadcast_in_dim3A_4169 = vector.broadcast %jit3A_4168 : i32 to vector<8x2048xi32>
    %select_n3A_4170 = arith.select %eq3A_4167, %add3A_4162, %broadcast_in_dim3A_4169 : vector<8x2048xi1>, vector<8x2048xi32>
    %reduce_min3A_4171 = arith.constant dense<2147483647> : vector<2048xi32>
    %reduce_min3A_4172 = vector.multi_reduction <minsi>, %select_n3A_4170, %reduce_min3A_4171 [0] : vector<8x2048xi32> to vector<2048xi32>
    %broadcast_in_dim3A_4173 = vector.shape_cast %reduce_min3A_4172 : vector<2048xi32> to vector<1x2048xi32>
    %and3A_4174 = arith.constant 7 : i32
    %and3A_4175 = vector.broadcast %and3A_4174 : i32 to vector<1x2048xi32>
    %and3A_4176 = arith.andi %broadcast_in_dim3A_4173, %and3A_4175 : vector<1x2048xi32>
    %eq3A_4177 = vector.broadcast %and3A_4176 : vector<1x2048xi32> to vector<8x2048xi32>
    %eq3A_4178 = arith.cmpi eq, %iota3A_4158, %eq3A_4177 : vector<8x2048xi32>
    %jit3A_4179 = arith.constant 0xFF800000 : f32
    %broadcast_in_dim3A_4180 = vector.broadcast %jit3A_4179 : f32 to vector<8x2048xf32>
    %select_n3A_4181 = arith.select %eq3A_4178, %broadcast_in_dim3A_4180, %max3A_4154 : vector<8x2048xi1>, vector<8x2048xf32>
    %reduce_max3A_4182 = arith.constant dense<0xFF800000> : vector<2048xf32>
    %reduce_max3A_4183 = vector.multi_reduction <maximumf>, %select_n3A_4181, %reduce_max3A_4182 [0] : vector<8x2048xf32> to vector<2048xf32>
    %broadcast_in_dim3A_4184 = vector.shape_cast %reduce_max3A_4183 : vector<2048xf32> to vector<1x2048xf32>
    %reduce_max3A_4185 = arith.constant dense<0xFF800000> : vector<2048xf32>
    %reduce_max3A_4186 = vector.multi_reduction <maximumf>, %max3A_4153, %reduce_max3A_4185 [0] : vector<8x2048xf32> to vector<2048xf32>
    %broadcast_in_dim3A_4187 = vector.shape_cast %reduce_max3A_4186 : vector<2048xf32> to vector<1x2048xf32>
    %max3A_4188 = arith.maximumf %broadcast_in_dim3A_4184, %broadcast_in_dim3A_4187 : vector<1x2048xf32>
    %add3A_4189 = arith.constant 0 : i32
    %add3A_4190 = vector.broadcast %add3A_4189 : i32 to vector<1x2048xi32>
    %add3A_4191 = arith.addi %broadcast_in_dim3A_4173, %add3A_4190 : vector<1x2048xi32>
    %gt3A_4192 = arith.cmpf ogt, %broadcast_in_dim3A_4165, %broadcast_in_dim3A_15 : vector<1x2048xf32>
    %select_n3A_4193 = arith.select %gt3A_4192, %add3A_4191, %broadcast_in_dim3A_17 : vector<1x2048xi1>, vector<1x2048xi32>
    %min3A_4194 = arith.minimumf %broadcast_in_dim3A_15, %broadcast_in_dim3A_4165 : vector<1x2048xf32>
    %max3A_4195 = arith.maximumf %broadcast_in_dim3A_19, %max3A_4188 : vector<1x2048xf32>
    %max3A_4196 = arith.maximumf %min3A_4194, %max3A_4195 : vector<1x2048xf32>
    %max3A_4197 = arith.maximumf %broadcast_in_dim3A_15, %broadcast_in_dim3A_4165 : vector<1x2048xf32>
    %sub3A = arith.constant 1.000000e+00 : f32
    %sub3A_4198 = vector.broadcast %sub3A : f32 to vector<1x2048xf32>
    %sub3A_4199 = arith.subf %sub3A_4198, %max3A_2101 : vector<1x2048xf32>
    %mul3A_4200 = arith.constant 2.000000e+00 : f32
    %mul3A_4201 = vector.broadcast %mul3A_4200 : f32 to vector<1x2048xf32>
    %mul3A_4202 = arith.mulf %mul3A_4201, %sub3A_4199 : vector<1x2048xf32>
    %sub3A_4203 = arith.constant 1.000000e+00 : f32
    %sub3A_4204 = vector.broadcast %sub3A_4203 : f32 to vector<1x2048xf32>
    %sub3A_4205 = arith.subf %sub3A_4204, %max3A_2100 : vector<1x2048xf32>
    %mul3A_4206 = arith.constant 2.000000e+00 : f32
    %mul3A_4207 = vector.broadcast %mul3A_4206 : f32 to vector<1x2048xf32>
    %mul3A_4208 = arith.mulf %mul3A_4207, %sub3A_4205 : vector<1x2048xf32>
    %mul3A_4209 = arith.constant 6.400000e-01 : f32
    %mul3A_4210 = vector.broadcast %mul3A_4209 : f32 to vector<1x2048xf32>
    %mul3A_4211 = arith.mulf %mul3A_4210, %mul3A_4208 : vector<1x2048xf32>
    %le3A = arith.cmpf ole, %mul3A_4202, %mul3A_4211 : vector<1x2048xf32>
    %jit3A_4212 = arith.constant -1 : i32
    %broadcast_in_dim3A_4213 = vector.broadcast %jit3A_4212 : i32 to vector<1x2048xi32>
    %select_n3A_4214 = arith.select %le3A, %select_n3A_2097, %broadcast_in_dim3A_4213 : vector<1x2048xi1>, vector<1x2048xi32>
    %swap3A = arith.constant 0 : index
    %swap3A_4215 = arith.constant 0 : index
    %swap3A_4216 = arith.constant 0 : index
    %swap3A_4217 = vector.load %arg3[%swap3A, %swap3A_4215, %swap3A_4216] : memref<1x1x2048xi32, #tpu.memory_space<vmem>>, vector<1x1x2048xi32>
    %swap3A_4218 = vector.shape_cast %swap3A_4217 : vector<1x1x2048xi32> to vector<1x2048xi32>
    %swap3A_4219 = vector.shape_cast %select_n3A_4214 : vector<1x2048xi32> to vector<1x1x2048xi32>
    tpu.vector_store %arg3[%swap3A, %swap3A_4215, %swap3A_4216], %swap3A_4219 {strides = array<i32>} : memref<1x1x2048xi32, #tpu.memory_space<vmem>>, vector<1x1x2048xi32>,
    %add3A_4220 = arith.constant 1.000000e+00 : f32
    %add3A_4221 = vector.broadcast %add3A_4220 : f32 to vector<1x2048xf32>
    %add3A_4222 = arith.addf %max3A_2101, %add3A_4221 : vector<1x2048xf32>
    %div3A = arith.constant 2.000000e+00 : f32
    %div3A_4223 = vector.broadcast %div3A : f32 to vector<1x2048xf32>
    %div3A_4224 = arith.divf %add3A_4222, %div3A_4223 : vector<1x2048xf32>
    %jit3A_4225 = arith.constant 0.000000e+00 : f32
    %broadcast_in_dim3A_4226 = vector.broadcast %jit3A_4225 : f32 to vector<1x2048xf32>
    %select_n3A_4227 = arith.select %le3A, %div3A_4224, %broadcast_in_dim3A_4226 : vector<1x2048xi1>, vector<1x2048xf32>
    %swap3A_4228 = arith.constant 0 : index
    %swap3A_4229 = arith.constant 0 : index
    %swap3A_4230 = arith.constant 0 : index
    %swap3A_4231 = vector.load %arg5[%swap3A_4228, %swap3A_4229, %swap3A_4230] : memref<1x1x2048xf32, #tpu.memory_space<vmem>>, vector<1x1x2048xf32>
    %swap3A_4232 = vector.shape_cast %swap3A_4231 : vector<1x1x2048xf32> to vector<1x2048xf32>
    %swap3A_4233 = vector.shape_cast %select_n3A_4227 : vector<1x2048xf32> to vector<1x1x2048xf32>
    tpu.vector_store %arg5[%swap3A_4228, %swap3A_4229, %swap3A_4230], %swap3A_4233 {strides = array<i32>} : memref<1x1x2048xf32, #tpu.memory_space<vmem>>, vector<1x1x2048xf32>,
    %sub3A_4234 = arith.constant 1.000000e+00 : f32
    %sub3A_4235 = vector.broadcast %sub3A_4234 : f32 to vector<1x2048xf32>
    %sub3A_4236 = arith.subf %sub3A_4235, %max3A_4197 : vector<1x2048xf32>
    %mul3A_4237 = arith.constant 2.000000e+00 : f32
    %mul3A_4238 = vector.broadcast %mul3A_4237 : f32 to vector<1x2048xf32>
    %mul3A_4239 = arith.mulf %mul3A_4238, %sub3A_4236 : vector<1x2048xf32>
    %sub3A_4240 = arith.constant 1.000000e+00 : f32
    %sub3A_4241 = vector.broadcast %sub3A_4240 : f32 to vector<1x2048xf32>
    %sub3A_4242 = arith.subf %sub3A_4241, %max3A_4196 : vector<1x2048xf32>
    %mul3A_4243 = arith.constant 2.000000e+00 : f32
    %mul3A_4244 = vector.broadcast %mul3A_4243 : f32 to vector<1x2048xf32>
    %mul3A_4245 = arith.mulf %mul3A_4244, %sub3A_4242 : vector<1x2048xf32>
    %mul3A_4246 = arith.constant 6.400000e-01 : f32
    %mul3A_4247 = vector.broadcast %mul3A_4246 : f32 to vector<1x2048xf32>
    %mul3A_4248 = arith.mulf %mul3A_4247, %mul3A_4245 : vector<1x2048xf32>
    %le3A_4249 = arith.cmpf ole, %mul3A_4239, %mul3A_4248 : vector<1x2048xf32>
    %jit3A_4250 = arith.constant -1 : i32
    %broadcast_in_dim3A_4251 = vector.broadcast %jit3A_4250 : i32 to vector<1x2048xi32>
    %select_n3A_4252 = arith.select %le3A_4249, %select_n3A_4193, %broadcast_in_dim3A_4251 : vector<1x2048xi1>, vector<1x2048xi32>
    %swap3A_4253 = arith.constant 0 : index
    %swap3A_4254 = arith.constant 0 : index
    %swap3A_4255 = arith.constant 0 : index
    %swap3A_4256 = vector.load %arg4[%swap3A_4253, %swap3A_4254, %swap3A_4255] : memref<1x1x2048xi32, #tpu.memory_space<vmem>>, vector<1x1x2048xi32>
    %swap3A_4257 = vector.shape_cast %swap3A_4256 : vector<1x1x2048xi32> to vector<1x2048xi32>
    %swap3A_4258 = vector.shape_cast %select_n3A_4252 : vector<1x2048xi32> to vector<1x1x2048xi32>
    tpu.vector_store %arg4[%swap3A_4253, %swap3A_4254, %swap3A_4255], %swap3A_4258 {strides = array<i32>} : memref<1x1x2048xi32, #tpu.memory_space<vmem>>, vector<1x1x2048xi32>,
    return
  }
  func.func @transform_0(%arg0: i32) -> (i32, i32, i32) {
    %c0_i32 = arith.constant 0 : i32
    %c0_i32_0 = arith.constant 0 : i32
    %c0_i32_1 = arith.constant 0 : i32
    return %arg0, %c0_i32, %c0_i32_0 : i32, i32, i32
  }
  func.func @transform_1(%arg0: i32) -> (i32, i32, i32) {
    %c0_i32 = arith.constant 0 : i32
    %c0_i32_0 = arith.constant 0 : i32
    %c0_i32_1 = arith.constant 0 : i32
    return %arg0, %c0_i32, %c0_i32_0 : i32, i32, i32
  }
  func.func @transform_2(%arg0: i32) -> (i32, i32, i32) {
    %c0_i32 = arith.constant 0 : i32
    %c0_i32_0 = arith.constant 0 : i32
    %c0_i32_1 = arith.constant 0 : i32
    return %arg0, %c0_i32, %c0_i32_0 : i32, i32, i32
  }
  func.func @transform_3(%arg0: i32) -> (i32, i32, i32) {
    %c0_i32 = arith.constant 0 : i32
    %c0_i32_0 = arith.constant 0 : i32
    %c0_i32_1 = arith.constant 0 : i32
    return %arg0, %c0_i32, %c0_i32_0 : i32, i32, i32
  }
  func.func @transform_4(%arg0: i32) -> (i32, i32, i32) {
    %c0_i32 = arith.constant 0 : i32
    %c0_i32_0 = arith.constant 0 : i32
    %c0_i32_1 = arith.constant 0 : i32
    return %arg0, %c0_i32, %c0_i32_0 : i32, i32, i32
  }
}

</mosaic_0001>

<sc_bundles>
// kernel: kernel.4.cloned.1.call-start
scs
__scs_entry_jumppad:
0x0: {  	(pc) =	sbr.rel $0x88, $3  }
0x1: {  	(tag) =	ssettag $0x0;
	lr =	simm.s32 $0x1  }
0x2: {  	[smem:$0x3F9F] =	sst lr;
	_ =	strace $0xD0000000  }
0x3: {  	_ = 	snop  }
0x4: {  	_ = 	snop  }
0x5: {  	_ = 	snop  }
0x6: {  	_ = 	snop  }
0x7: {  	_ = 	snop  }
__scs_overlays_trampoline_lowered:
0x8: {  	[smem:$0x3FAE] =	sst s0  }
0x9: {  	[smem:$0x3FAF] =	sst s1  }
0xa: {  	[smem:$0x3FB0] =	sst s2  }
0xb: {  	[smem:$0x3FB1] =	sst s3  }
0xc: {  	[smem:$0x3FB2] =	sst s4  }
0xd: {  	[smem:$0x3FB3] =	sst s5  }
0xe: {  	[smem:$0x3FB4] =	sst s6  }
0xf: {  	[smem:$0x3FB5] =	sst s7  }
0x10: {  	[smem:$0x3FB6] =	sst s8  }
0x11: {  	[smem:$0x3FB7] =	sst s9;
	s0 =	simm.s32 @!p0 $0x0  }
0x12: {  	s1 =	sld [smem:$0x3F9D];
	s0 =	simm.s32 @p0 $0x1  }
0x13: {  	[smem:$0x3FB8] =	sst s0;
	s0 =	simm.s32 @!p1 $0x0  }
0x14: {  	s2 =	sld [smem:$0x3F9C];
	s0 =	simm.s32 @p1 $0x1  }
0x15: {  	[smem:$0x3FB9] =	sst s0;
	s0 =	simm.s32 @!p2 $0x0  }
0x16: {  	s3 =	sld [smem:$0x3FDB];
	s0 =	simm.s32 @p2 $0x1  }
0x17: {  	s4 =	simm.s32 $0x1BF5;
	[smem:$0x3FBB] =	sst s0  }
0x18: {  	s0 =	sld [smem:$0x3F9E];
	_ =	swait.ge [sflag:s4], $0x0  }
0x19: {  	s7 =	sld [smem:$0x3F9F]  }
0x1a: {  	s8 =	sadd.s32 $0xFFFFE003, lr  }
0x1b: {  	s9 =	sadd.s32 $0xFFFFFEF7, lr;
	s5 =	simm.s32 $0xFFFFFFFF;
	p2 =	slt.u32 s8, $0xFFFFF086  }
0x1c: {  	p1 =	slt.u32 s9, $0xF7A;
	s5 =	simm.s32 @!p2 $0x0  }
0x1d: {  	s5 =	simm.s32 @p1 $0x1;
	p0 =	seq.s32 s7, s2  }
0x1e: {  	s7 =	smul.u32 @!p0 $0xF7A, s2;
	p2 =	seq.s32 @!p0 s5, $0x0  }
0x1f: {  	s9 =	smul.u32 $0xF7A, s1;
	s8 =	simm.s32 @!p0 $0x1BF5;
	p2 =	por !p2, p0  }
0x20: {  	[sflag:s8] =	ssyncset.s32 @!p0 $0xFFFFF086;
	s6 =	sadd.s32 @!p0 s3, s7;
	s7 =	simm.s32 @!p0 $0x108  }
0x21: {  	s3 =	sadd.s32 s3, s9;
	s6 =	sadd.s32 @!p0 $0x88, s6;
	s7 =	simm.s32 @p2 $0x1082  }
0x22: {  	[simem:s7], [sflag:s8] =	dma.local @!p0 [hbm:s6], $0xF7A  }
0x23: {  	s9 =	sor.u32 $0xD0000000, s2;
	s6 =	simm.s32 $0x108;
	_ =	swait.ge @!p0 [sflag:s8], $0x0  }
0x24: {  	s3 =	sadd.s32 $0x88, s3;
	s6 =	simm.s32 @!p1 $0x1082;
	[sflag:s4] =	ssyncset.s32 $0xFFFFF086  }
0x25: {  	[simem:s6], [sflag:s4] =	dma.local [hbm:s3], $0xF7A  }
0x26: {  	[smem:$0x3F9F] =	sst s1;
	(tag) =	ssettag s2;
	_ =	strace s9  }
0x27: {  	s1 =	sld [smem:$0x3FAF]  }
0x28: {  	s2 =	sld [smem:$0x3FB0]  }
0x29: {  	s4 =	sld [smem:$0x3FB2]  }
0x2a: {  	p0 =	seq.s32 s5, $0x0;
	s5 =	sld [smem:$0x3FB3]  }
0x2b: {  	s6 =	sld [smem:$0x3FB4]  }
0x2c: {  	s7 =	sld [smem:$0x3FB5]  }
0x2d: {  	s3 =	simm.s32 $0x108;
	s8 =	sld [smem:$0x3FB6]  }
0x2e: {  	s3 =	simm.s32 @!p0 $0x1082;
	s9 =	sld [smem:$0x3FB7]  }
0x2f: {  	lr =	sadd.s32 s0, s3;
	s0 =	sld [smem:$0x3FAE]  }
0x30: {  	s3 =	sld [smem:$0x3FB1]  }
0x31: {  	[smem:$0x3FBA] =	sst s10  }
0x32: {  	s10 =	sld [smem:$0x3FB8];
	_ =	sdelay $0x3  }
0x33: {  	p0 =	seq.s32 s10, $0x1;
	s10 =	sld [smem:$0x3FBA];
	_ =	sdelay $0x3  }
0x34: {  	[smem:$0x3FBA] =	sst s10  }
0x35: {  	s10 =	sld [smem:$0x3FB9];
	_ =	sdelay $0x3  }
0x36: {  	p1 =	seq.s32 s10, $0x1;
	s10 =	sld [smem:$0x3FBA];
	_ =	sdelay $0x3  }
0x37: {  	[smem:$0x3FBA] =	sst s10  }
0x38: {  	s10 =	sld [smem:$0x3FBB]  }
0x39: {  	_ = 	snop;
	(pc) =	sbr.ind lr, $3  }
0x3a: {  	_ = 	snop  }
0x3b: {  	_ = 	snop  }
0x3c: {  	p2 =	seq.s32 s10, $0x1;
	s10 =	sld [smem:$0x3FBA]  }
0x3d: {  	_ =	shalt  }
0x3e: {  	_ =	shalt  }
0x3f: {  	_ =	shalt  }
0x40: {  	_ =	shalt  }
0x41: {  	_ =	shalt  }
0x42: {  	_ =	shalt  }
0x43: {  	_ =	shalt  }
0x44: {  	_ =	shalt  }
0x45: {  	_ =	shalt  }
0x46: {  	_ =	shalt  }
0x47: {  	_ =	shalt  }
0x48: {  	_ =	shalt  }
0x49: {  	_ =	shalt  }
0x4a: {  	_ =	shalt  }
0x4b: {  	_ =	shalt  }
0x4c: {  	_ =	shalt  }
0x4d: {  	_ =	shalt  }
0x4e: {  	_ =	shalt  }
0x4f: {  	_ =	shalt  }
0x50: {  	_ =	shalt  }
0x51: {  	_ =	shalt  }
0x52: {  	_ =	shalt  }
0x53: {  	_ =	shalt  }
0x54: {  	_ =	shalt  }
0x55: {  	_ =	shalt  }
0x56: {  	_ =	shalt  }
0x57: {  	_ =	shalt  }
0x58: {  	_ =	shalt  }
0x59: {  	_ =	shalt  }
0x5a: {  	_ =	shalt  }
0x5b: {  	_ =	shalt  }
0x5c: {  	_ =	shalt  }
0x5d: {  	_ =	shalt  }
0x5e: {  	_ =	shalt  }
0x5f: {  	_ =	shalt  }
0x60: {  	_ =	shalt  }
0x61: {  	_ =	shalt  }
0x62: {  	_ =	shalt  }
0x63: {  	_ =	shalt  }
0x64: {  	_ =	shalt  }
0x65: {  	_ =	shalt  }
0x66: {  	_ =	shalt  }
0x67: {  	_ =	shalt  }
0x68: {  	_ =	shalt  }
0x69: {  	_ =	shalt  }
0x6a: {  	_ =	shalt  }
0x6b: {  	_ =	shalt  }
0x6c: {  	_ =	shalt  }
0x6d: {  	_ =	shalt  }
0x6e: {  	_ =	shalt  }
0x6f: {  	_ =	shalt  }
0x70: {  	_ =	shalt  }
0x71: {  	_ =	shalt  }
0x72: {  	_ =	shalt  }
0x73: {  	_ =	shalt  }
0x74: {  	_ =	shalt  }
0x75: {  	_ =	shalt  }
0x76: {  	_ =	shalt  }
0x77: {  	_ =	shalt  }
0x78: {  	_ =	shalt  }
0x79: {  	_ =	shalt  }
0x7a: {  	_ =	shalt  }
0x7b: {  	_ =	shalt  }
0x7c: {  	_ =	shalt  }
0x7d: {  	_ =	shalt  }
0x7e: {  	_ =	shalt  }
0x7f: {  	_ =	shalt  }
0x80: {  	_ =	shalt  }
0x81: {  	_ =	shalt  }
0x82: {  	_ =	shalt  }
0x83: {  	_ =	shalt  }
0x84: {  	_ =	shalt  }
0x85: {  	_ =	shalt  }
0x86: {  	_ =	shalt  }
0x87: {  	_ =	shalt  }
.Lfunc_end0:
.L_simem_size_0:
called_computation_lowered:
.L_overlay_start_0:
0x88: {  	s2 =	sld [smem:$0x3FD9]  }
0x89: {  	s3 =	sld [smem:$0x3FFE];
	_ =	sdelay $0x1  }
0x8a: {  	s1 =	srdreg.scid  }
0x8b: {  	s0 =	sand.u32 $0x1, s1  }
0x8c: {  	s14 =	sshll.u32 s0, $0xA;
	s2 =	sadd.s32 s3, s2  }
0x8d: {  	s2 =	sadd.s32 s2, s14  }
0x8e: {  	[smem:$0x3FC6] =	sst s2  }
0x8f: {  	_ = 	snop  }
0x90: {  	s2 =	sld [smem:$0x3FD0];
	_ =	sdelay $0x2  }
0x91: {  	s15 =	simm.s32 $0xA;
	s4 =	simm.s32 $0x10  }
0x92: {  	[smem:s4], [sflag:s15] =	dma.local [hbm:s2], $0x1  }
0x93: {  	_ =	swait.eq [sflag:s15], $0x1  }
0x94: {  	[sflag:s15] =	ssyncset.done $0x0  }
0x95: {  	[sflag:s15] =	ssyncadd.s32 $0xFFFFFFFF  }
0x96: {  	s16 =	sld [smem:$0x10];
	(tm) =	ssettm $0x1  }
0x97: {  	s17 =	sld [smem:$0x3FFB];
	_ =	sdelay $0x3  }
0x98: {  	_ =	strace s17  }
0x99: {  	s3 =	sld [smem:$0x3FFC];
	_ =	sdelay $0x3  }
0x9a: {  	_ =	strace s3  }
0x9b: {  	s3 =	sld [smem:$0x3FFD];
	_ =	sdelay $0x3  }
0x9c: {  	_ =	strace s3  }
0x9d: {  	_ =	strace $0x8FFFFFFF  }
0x9e: {  	s18 =	sld [smem:$0x3FDB];
	_ =	sdelay $0x1  }
0x9f: {  	s19 =	simm.s32 $_scs_section_size  }
0xa0: {  	s5 =	simm.s32 $_size__tile_overlayer_lowered;
	s6 =	simm.s32 $_tile_overlayer_lowered  }
0xa1: {  	s22 =	simm.s32 $0x1BFF;
	s21 =	sshll.u32 s6, $0x1;
	s3 =	sadd.s32 s19, s18  }
0xa2: {  	s7 =	simm.s32 $0x0;
	s20 =	sshll.u32 s5, $0x1;
	s5 =	sadd.s32 s21, s3  }
0xa3: {  	[timem:s7], [sflag:s22] =	dma.local [hbm:s5], s20  }
0xa4: {  	_ =	swait.ge [sflag:s22], s20  }
0xa5: {  	s4 =	ssub.s32 $0x0, s20;
	[sflag:s22] =	ssyncset.done $0x0  }
0xa6: {  	[sflag:s22] =	ssyncadd.s32 s4;
	_ =	sdelay $0x1  }
0xa7: {  	s23 =	simm.s32 $0x1B8B  }
0xa8: {  	_ =	swait.ge [sflag:s23], $0x1  }
0xa9: {  	[sflag:s23] =	ssyncset.done $0x0  }
0xaa: {  	s25 =	simm.s32 $0x1B8E;
	s24 =	sld [smem:$0x3FFE];
	[sflag:s23] =	ssyncadd.s32 $0xFFFFFFFF  }
0xab: {  	s26 =	simm.s32 $execute0_lowered;
	[smem:$0x3FD2] =	sst s25  }
0xac: {  	s5 =	sshll.u32 s26, $0x1;
	_ =	strace $0x80000046;
	[dreg:$0x1] =	wrdreg $0xFFFFFFFF  }
0xad: {  	s28 =	simm.s32 $_size_execute0_lowered;
	s3 =	sadd.s32 s3, s5;
	[dreg:$0x0] =	wrdreg $0x0  }
0xae: {  	s5 =	sshll.u32 s28, $0x1;
	[dreg:$0x2] =	wrdreg s3  }
0xaf: {  	[dreg:$0x3] =	wrdreg s5  }
0xb0: {  	[dreg:$0x4] =	wrdreg $0xC0  }
0xb1: {  	_ =	task [dreg:s7], $0x5FFFF  }
0xb2: {  	[dreg:$0x1] =	wrdreg $0xFFFFFFFF  }
0xb3: {  	[dreg:$0x0] =	wrdreg $0x60  }
0xb4: {  	[dreg:$0x2] =	wrdreg s16  }
0xb5: {  	[dreg:$0x3] =	wrdreg s24  }
0xb6: {  	[dreg:$0x4] =	wrdreg $0x9  }
0xb7: {  	_ =	task.clear_ibuf [dreg:s7], $0x5FFFF;
	_ =	strace $0x90000046  }
0xb8: {  	s29 =	simm.s32 $0x9;
	_ =	strace $0x80000048  }
0xb9: {  	_ =	swait.ge [sflag:s29], $0x1  }
0xba: {  	[sflag:s29] =	ssyncadd.s32 $0xFFFFFFFF  }
0xbb: {  	_ =	strace $0x90000048  }
0xbc: {  	_ =	sfence  }
0xbd: {  	s30 =	sld [smem:$0x0];
	_ =	sdelay $0x2  }
0xbe: {  	s31 =	sshll.u32 s1, $0xD;
	s1 =	sshrl.u32 s1, $0x2  }
0xbf: {  	s3 =	sand.u32 $0x4000, s31;
	s1 =	sadd.s32 s1, s30  }
0xc0: {  	s0 =	sor.u32 s3, s0;
	s1 =	sshll.u32 s1, $0x11  }
0xc1: {  	s0 =	sor.u32 s1, s0  }
0xc2: {  	s0 =	sadd.s32 $0x8F2B, s0  }
0xc3: {  	[sflag:s0] =	ssyncadd.remote.s32 $0x1  }
0xc4: {  	_ =	sfence.sel $0xFFFF  }
0xc5: {  	[dreg:$0x0] =	wrdreg $0xFFFFFFFF;
	(pc) =	sbr.abs _section_cstart, $3  }
0xc6: {  	[dreg:$0x1] =	wrdreg $0xFFFFFFFF  }
0xc7: {  	_ =	task.clear_ibuf [dreg:s7], $0x2FFFF;
	_ =	strace $0x9FFFFFFF  }
0xc8: {  	(tm) =	ssettm $0x7FFFFFFF  }
0xc9: {  	_ =	shalt  }
tec
execute0_lowered:
.L_overlay_start_1:
0x0: {  	(tag) =	ssettag $0x1  }
0x1: {  	s4 =	rddreg [dreg:$0x0]  }
0x2: {  	s5 =	rddreg [dreg:$0x1];
	s2 =	srdreg.scid  }
0x3: {  	s0 =	rddreg [dreg:$0x2];
	s1 =	stileid.u32  }
0x4: {  	s3 =	sand.u32 $0x1, s2;
	s2 =	simm.s32 $0x0;
	s6 =	sshll.u32 s1, $0xA  }
0x5: {  	s7 =	sshll.u32 s3, $0x9;
	[smem:$0x7FF] =	sst s2;
	s9 =	ssub.s32 $0x2, s3  }
0x6: {  	s3 =	sadd.s32 $0xC00, s5;
	s7 =	sor.u32 s7, s6;
	_ =	strace $0x80000047  }
0x7: {  	s10 =	sshrl.u32 s9, $0x1;
	s6 =	sand.u32 $0x3800, s6;
	s8 =	sshrl.u32 s7, $0x3  }
0x8: {  	s9 =	ssub.s32 s9, s10;
	s7 =	sand.u32 $0x600, s7;
	s5 =	sadd.s32 s8, s5  }
0x9: {  	s4 =	sadd.s32 s4, s8;
	s10 =	sor.u32 $0x10, s7;
	s20 =	sor.u32 $0x20, s7  }
0xa: {  	s11 =	sor.u32 $0x30, s7;
	s12 =	sor.u32 $0x40, s7;
	s13 =	sor.u32 $0x50, s7  }
0xb: {  	s14 =	sor.u32 $0x60, s7;
	s15 =	sor.u32 $0x70, s7;
	s16 =	sor.u32 $0x80, s7  }
0xc: {  	v32 =	vlaneseq.u32;
	s17 =	sor.u32 $0x90, s7;
	s18 =	sor.u32 $0xA0, s7;
	s19 =	sor.u32 $0xB0, s7  }
0xd: {  	v0 =	vmov s6;
	s21 =	sor.u32 $0xC0, s7;
	s22 =	sor.u32 $0xD0, s7;
	s28 =	sor.u32 $0xE0, s7;
	v19 =	vor.u32 s7, v32;
	v1 =	vor.u32 s10, v32  }
0xe: {  	s29 =	sor.u32 $0xF0, s7;
	s30 =	sor.u32 $0x100, s7;
	s31 =	sor.u32 $0x110, s7;
	v2 =	vor.u32 s20, v32;
	v3 =	vor.u32 s11, v32;
	v4 =	vor.u32 s12, v32  }
0xf: {  	s23 =	sor.u32 $0x130, s7;
	s24 =	sor.u32 $0x150, s7;
	s25 =	sor.u32 $0x160, s7;
	v5 =	vor.u32 s13, v32;
	v6 =	vor.u32 s14, v32;
	v7 =	vor.u32 s15, v32  }
0x10: {  	s26 =	sor.u32 $0x170, s7;
	s6 =	smax.u32 s9, $0x1;
	s8 =	simm.s32 $0x80;
	v8 =	vor.u32 s16, v32;
	v9 =	vor.u32 s17, v32;
	v10 =	vor.u32 s18, v32  }
0x11: {  	s9 =	simm.s32 $0x200;
	s15 =	sor.u32 $0x120, s7;
	s16 =	sor.u32 $0x140, s7;
	v11 =	vor.u32 s19, v32;
	v12 =	vor.u32 s21, v32;
	v13 =	vor.u32 s22, v32  }
0x12: {  	v14 =	vor.u32 s28, v32;
	s28 =	sor.u32 $0x180, s7;
	s20 =	sor.u32 $0x190, s7;
	s21 =	sor.u32 $0x1A0, s7;
	v15 =	vor.u32 s29, v32;
	v16 =	vor.u32 s30, v32  }
0x13: {  	v17 =	vor.u32 s31, v32;
	s29 =	sor.u32 $0x1B0, s7;
	s30 =	sor.u32 $0x1C0, s7;
	s22 =	sor.u32 $0x1D0, s7;
	v20 =	vor.u32 s23, v32;
	v22 =	vor.u32 s24, v32  }
0x14: {  	s31 =	sor.u32 $0x1E0, s7;
	s23 =	sor.u32 $0x1F0, s7;
	s5 =	sadd.s32 $0x1400, s5;
	v23 =	vor.u32 s25, v32;
	v24 =	vor.u32 s26, v32;
	v18 =	vor.u32 s15, v32  }
0x15: {  	s7 =	simm.s32 $0x1;
	s10 =	simm.s32 $0x400;
	s11 =	simm.s32 $0x280;
	v21 =	vor.u32 s16, v32;
	v25 =	vor.u32 s28, v32;
	v26 =	vor.u32 s20, v32  }
0x16: {  	s12 =	simm.s32 $0x480;
	s13 =	simm.s32 $0x300;
	s14 =	simm.s32 $0x500;
	v27 =	vor.u32 s21, v32;
	v28 =	vor.u32 s29, v32;
	v29 =	vor.u32 s30, v32  }
0x17: {  	s17 =	simm.s32 $0x600;
	v30 =	vor.u32 s22, v32;
	v31 =	vor.u32 s31, v32;
	v32 =	vor.u32 s23, v32;
	s15 =	simm.s32 $0x380;
	s16 =	simm.s32 $0x580  }
.LBB2_1:
0x18: {  	[tilespmem:s2], [sflag:$0x1] =	stream.linear.gather [hbm4b:s4+s2], $0x200, $0x38;
	[tilespmem:$0x800] =	vst v63  }
0x19: {  	_ =	swait.ge [sflag:s7], $0x200  }
0x1a: {  	[sflag:s7] =	ssyncset.done $0x0  }
0x1b: {  	[sflag:s7] =	ssyncadd.s32 $0xFFFFFE00  }
0x1c: {  	v33 =	vld [tilespmem:$0x0]  }
0x1d: {  	v34 =	vld [tilespmem:$0x10]  }
0x1e: {  	v35 =	vld [tilespmem:$0x20]  }
0x1f: {  	v36 =	vld [tilespmem:$0x30]  }
0x20: {  	v37 =	vld [tilespmem:$0x40]  }
0x21: {  	v38 =	vld [tilespmem:$0x50];
	vm0 =	vgt.s32 v33, $0x0  }
0x22: {  	v39 =	vld [tilespmem:$0x60];
	vm15 =	vgt.s32 v34, $0x0;
	v33 =	vnsel vm0, $0x0, v33  }
0x23: {  	v40 =	vld [tilespmem:$0x70];
	vm4 =	vgt.s32 v35, $0x0;
	v34 =	vnsel vm15, $0x0, v34;
	v33 =	vadd.s32 v0, v33  }
0x24: {  	v63 =	vld [tilespmem:$0x80];
	vm5 =	vgt.s32 v36, $0x0;
	v62 =	vnsel vm4, $0x0, v35;
	v61 =	vadd.s32 v0, v34;
	[tilespmem:$0x200] =	vst v33  }
0x25: {  	v45 =	vld [tilespmem:$0x90];
	vm6 =	vgt.s32 v37, $0x0;
	v44 =	vnsel vm5, $0x0, v36;
	v43 =	vadd.s32 v0, v62;
	[tilespmem:$0x210] =	vst v61  }
0x26: {  	v48 =	vld [tilespmem:$0xA0];
	vm7 =	vgt.s32 v38, $0x0;
	v47 =	vnsel vm6, $0x0, v37;
	v46 =	vadd.s32 v0, v44;
	[tilespmem:$0x220] =	vst v43  }
0x27: {  	v51 =	vld [tilespmem:$0xB0];
	vm8 =	vgt.s32 v39, $0x0;
	v50 =	vnsel vm7, $0x0, v38;
	v49 =	vadd.s32 v0, v47;
	[tilespmem:$0x230] =	vst v46  }
0x28: {  	v54 =	vld [tilespmem:$0xC0];
	vm9 =	vgt.s32 v40, $0x0;
	v53 =	vnsel vm8, $0x0, v39;
	v52 =	vadd.s32 v0, v50;
	[tilespmem:$0x240] =	vst v49  }
0x29: {  	v57 =	vld [tilespmem:$0xD0];
	vm10 =	vgt.s32 v63, $0x0;
	v56 =	vnsel vm9, $0x0, v40;
	v55 =	vadd.s32 v0, v53;
	[tilespmem:$0x250] =	vst v52  }
0x2a: {  	v60 =	vld [tilespmem:$0xE0];
	vm11 =	vgt.s32 v45, $0x0;
	v59 =	vnsel vm10, $0x0, v63;
	v58 =	vadd.s32 v0, v56;
	[tilespmem:$0x260] =	vst v55  }
0x2b: {  	vm12 =	vgt.s32 v48, $0x0;
	v63 =	vld [tilespmem:$0xF0];
	v62 =	vnsel vm11, $0x0, v45;
	[tilespmem:$0x270] =	vst v58;
	v61 =	vadd.s32 v0, v59  }
0x2c: {  	vm13 =	vgt.s32 v51, $0x0;
	v44 =	vnsel vm12, $0x0, v48;
	v45 =	vld [tilespmem:$0x100];
	v43 =	vadd.s32 v0, v62;
	[tilespmem:$0x280] =	vst v61  }
0x2d: {  	vm14 =	vgt.s32 v54, $0x0;
	v47 =	vnsel vm13, $0x0, v51;
	v48 =	vld [tilespmem:$0x110];
	v46 =	vadd.s32 v0, v44;
	[tilespmem:$0x290] =	vst v43  }
0x2e: {  	vm15 =	vgt.s32 v57, $0x0;
	v50 =	vnsel vm14, $0x0, v54;
	v51 =	vld [tilespmem:$0x120];
	v49 =	vadd.s32 v0, v47;
	[tilespmem:$0x2A0] =	vst v46  }
0x2f: {  	vm4 =	vgt.s32 v60, $0x0;
	v53 =	vnsel vm15, $0x0, v57;
	v54 =	vld [tilespmem:$0x130];
	v52 =	vadd.s32 v0, v50;
	[tilespmem:$0x2B0] =	vst v49  }
0x30: {  	v56 =	vnsel vm4, $0x0, v60;
	v57 =	vld [tilespmem:$0x140];
	v55 =	vadd.s32 v0, v53;
	[tilespmem:$0x2C0] =	vst v52;
	vm5 =	vgt.s32 v63, $0x0  }
0x31: {  	v60 =	vld [tilespmem:$0x150];
	v58 =	vadd.s32 v0, v56;
	[tilespmem:$0x2D0] =	vst v55;
	v59 =	vnsel vm5, $0x0, v63;
	vm6 =	vgt.s32 v45, $0x0  }
0x32: {  	[tilespmem:$0x2E0] =	vst v58;
	vm7 =	vgt.s32 v48, $0x0;
	v63 =	vld [tilespmem:$0x160];
	v61 =	vadd.s32 v0, v59;
	v62 =	vnsel vm6, $0x0, v45  }
0x33: {  	vm8 =	vgt.s32 v51, $0x0;
	v44 =	vnsel vm7, $0x0, v48;
	v45 =	vld [tilespmem:$0x170];
	[tilespmem:$0x2F0] =	vst v61;
	v43 =	vadd.s32 v0, v62  }
0x34: {  	vm9 =	vgt.s32 v54, $0x0;
	v47 =	vnsel vm8, $0x0, v51;
	v48 =	vld [tilespmem:$0x180];
	v46 =	vadd.s32 v0, v44;
	[tilespmem:$0x300] =	vst v43  }
0x35: {  	vm10 =	vgt.s32 v57, $0x0;
	v50 =	vnsel vm9, $0x0, v54;
	v51 =	vld [tilespmem:$0x190];
	v49 =	vadd.s32 v0, v47;
	[tilespmem:$0x310] =	vst v46  }
0x36: {  	vm11 =	vgt.s32 v60, $0x0;
	v53 =	vnsel vm10, $0x0, v57;
	v54 =	vld [tilespmem:$0x1A0];
	v52 =	vadd.s32 v0, v50;
	[tilespmem:$0x320] =	vst v49  }
0x37: {  	v56 =	vnsel vm11, $0x0, v60;
	v57 =	vld [tilespmem:$0x1B0];
	v55 =	vadd.s32 v0, v53;
	[tilespmem:$0x330] =	vst v52;
	vm12 =	vgt.s32 v63, $0x0  }
0x38: {  	v60 =	vld [tilespmem:$0x1C0];
	v58 =	vadd.s32 v0, v56;
	[tilespmem:$0x340] =	vst v55;
	v59 =	vnsel vm12, $0x0, v63;
	vm13 =	vgt.s32 v45, $0x0  }
0x39: {  	v44 =	vld [tilespmem:$0x1E0];
	[tilespmem:$0x350] =	vst v58;
	vm14 =	vgt.s32 v48, $0x0;
	v61 =	vadd.s32 v0, v59;
	v62 =	vnsel vm13, $0x0, v45  }
0x3a: {  	v47 =	vld [tilespmem:$0x1F0];
	vm15 =	vgt.s32 v51, $0x0;
	v43 =	vnsel vm14, $0x0, v48;
	[tilespmem:$0x360] =	vst v61;
	v42 =	vadd.s32 v0, v62  }
0x3b: {  	v63 =	vld [tilespmem:$0x1D0];
	vm4 =	vgt.s32 v54, $0x0;
	v46 =	vnsel vm15, $0x0, v51;
	v45 =	vadd.s32 v0, v43;
	[tilespmem:$0x370] =	vst v42  }
0x3c: {  	vm5 =	vgt.s32 v57, $0x0;
	v49 =	vnsel vm4, $0x0, v54;
	v48 =	vadd.s32 v0, v46;
	[tilespmem:$0x380] =	vst v45  }
0x3d: {  	vm6 =	vgt.s32 v60, $0x0;
	v51 =	vnsel vm5, $0x0, v57;
	v50 =	vadd.s32 v0, v49;
	[tilespmem:$0x390] =	vst v48  }
0x3e: {  	v53 =	vnsel vm6, $0x0, v60;
	vm8 =	vgt.s32 v44, $0x0;
	v52 =	vadd.s32 v0, v51;
	[tilespmem:$0x3A0] =	vst v50  }
0x3f: {  	vm9 =	vgt.s32 v47, $0x0;
	v54 =	vadd.s32 v0, v53;
	v57 =	vnsel vm8, $0x0, v44;
	[tilespmem:$0x3B0] =	vst v52  }
0x40: {  	v59 =	vnsel vm9, $0x0, v47;
	[tilespmem:$0x3C0] =	vst v54;
	v58 =	vadd.s32 v0, v57;
	vm7 =	vgt.s32 v63, $0x0  }
0x41: {  	v60 =	vadd.s32 v0, v59;
	[tilespmem:$0x3E0] =	vst v58;
	v55 =	vnsel vm7, $0x0, v63  }
0x42: {  	[tilespmem:$0x3F0] =	vst v60;
	v56 =	vadd.s32 v0, v55  }
0x43: {  	[tilespmem:$0x3D0] =	vst v56  }
0x44: {  	[tilespmem:s10], [sflag:$0x1] =	stream.indirect.gather [hbm4b:s3+s8], $0x1, s9, s8, $0xb8;
	[tilespmem:$0x800] =	vst v63  }
0x45: {  	_ =	swait.ge [sflag:s7], $0x80  }
0x46: {  	[sflag:s7] =	ssyncset.done $0x0  }
0x47: {  	[sflag:s7] =	ssyncadd.s32 $0xFFFFFF80  }
0x48: {  	[tilespmem:s12], [sflag:$0x1] =	stream.indirect.gather [hbm4b:s3+s8], $0x1, s11, s8, $0xb8;
	[tilespmem:$0x800] =	vst v63  }
0x49: {  	_ =	swait.ge [sflag:s7], $0x80  }
0x4a: {  	[sflag:s7] =	ssyncset.done $0x0  }
0x4b: {  	[sflag:s7] =	ssyncadd.s32 $0xFFFFFF80  }
0x4c: {  	[tilespmem:s14], [sflag:$0x1] =	stream.indirect.gather [hbm4b:s3+s8], $0x1, s13, s8, $0xb8;
	[tilespmem:$0x800] =	vst v63  }
0x4d: {  	_ =	swait.ge [sflag:s7], $0x80  }
0x4e: {  	[sflag:s7] =	ssyncset.done $0x0  }
0x4f: {  	[sflag:s7] =	ssyncadd.s32 $0xFFFFFF80  }
0x50: {  	[tilespmem:s16], [sflag:$0x1] =	stream.indirect.gather [hbm4b:s3+s8], $0x1, s15, s8, $0xb8;
	[tilespmem:$0x800] =	vst v63  }
0x51: {  	_ =	swait.ge [sflag:s7], $0x80  }
0x52: {  	[sflag:s7] =	ssyncset.done $0x0  }
0x53: {  	[sflag:s7] =	ssyncadd.s32 $0xFFFFFF80  }
0x54: {  	v33 =	vld [tilespmem:$0x0]  }
0x55: {  	v34 =	vld [tilespmem:$0x400]  }
0x56: {  	v35 =	vld [tilespmem:$0x10]  }
0x57: {  	v36 =	vld [tilespmem:$0x410]  }
0x58: {  	v37 =	vld [tilespmem:$0x20]  }
0x59: {  	v38 =	vld [tilespmem:$0x420]  }
0x5a: {  	v39 =	vld [tilespmem:$0x30]  }
0x5b: {  	v40 =	vld [tilespmem:$0x430]  }
0x5c: {  	v41 =	vld [tilespmem:$0x40]  }
0x5d: {  	v42 =	vld [tilespmem:$0x440]  }
0x5e: {  	v43 =	vld [tilespmem:$0x50]  }
0x5f: {  	v44 =	vld [tilespmem:$0x450]  }
0x60: {  	v45 =	vld [tilespmem:$0x60]  }
0x61: {  	v46 =	vld [tilespmem:$0x460]  }
0x62: {  	v47 =	vld [tilespmem:$0x70]  }
0x63: {  	v48 =	vld [tilespmem:$0x470]  }
0x64: {  	v49 =	vld [tilespmem:$0x80]  }
0x65: {  	v50 =	vld [tilespmem:$0x480]  }
0x66: {  	v51 =	vld [tilespmem:$0x90]  }
0x67: {  	v52 =	vld [tilespmem:$0x490]  }
0x68: {  	v53 =	vld [tilespmem:$0xA0]  }
0x69: {  	v54 =	vld [tilespmem:$0x4A0]  }
0x6a: {  	v55 =	vld [tilespmem:$0xB0]  }
0x6b: {  	v56 =	vld [tilespmem:$0x4B0]  }
0x6c: {  	v57 =	vld [tilespmem:$0xC0]  }
0x6d: {  	v58 =	vld [tilespmem:$0x4C0]  }
0x6e: {  	v60 =	vld [tilespmem:$0xD0];
	v59 =	vshra.s32 v33, $0x1F  }
0x6f: {  	vm10 =	veq.s32 v34, v19;
	v61 =	vshra.s32 v35, $0x1F;
	vm13 =	veq.s32 v44, v5;
	v44 =	vld [tilespmem:$0x110]  }
0x70: {  	vm11 =	veq.s32 v36, v1;
	vm1 =	veq.s32 v38, v2;
	vm14 =	veq.s32 v46, v6;
	v46 =	vld [tilespmem:$0x510]  }
0x71: {  	v36 =	vshra.s32 v37, $0x1F;
	v38 =	vshra.s32 v39, $0x1F;
	vm15 =	veq.s32 v48, v7;
	v48 =	vld [tilespmem:$0x520]  }
0x72: {  	vm2 =	veq.s32 v40, v3;
	vm12 =	veq.s32 v42, v4;
	vm4 =	veq.s32 v50, v8;
	v50 =	vld [tilespmem:$0x130]  }
0x73: {  	v40 =	vshra.s32 v41, $0x1F;
	v42 =	vshra.s32 v43, $0x1F;
	vm5 =	veq.s32 v52, v9;
	v52 =	vld [tilespmem:$0x140]  }
0x74: {  	vm6 =	veq.s32 v54, v10;
	vm7 =	veq.s32 v56, v11;
	v56 =	vshra.s32 v57, $0x1F;
	v54 =	vld [tilespmem:$0x550]  }
0x75: {  	vm8 =	veq.s32 v58, v12;
	v58 =	vshra.s32 v60, $0x1F;
	v33 =	vor.u32 v59, v33;
	v59 =	vld [tilespmem:$0x4D0]  }
0x76: {  	v34 =	vor.u32 v61, v35;
	v35 =	vld [tilespmem:$0xE0];
	v36 =	vor.u32 v36, v37;
	v62 =	vor.u32 v38, v39  }
0x77: {  	v61 =	vld [tilespmem:$0x4E0];
	v40 =	vor.u32 v40, v41;
	v63 =	vor.u32 v42, v43;
	v33 =	vnsel vm10, $0xFFFFFFFF, v33  }
0x78: {  	v38 =	vld [tilespmem:$0xF0];
	v34 =	vnsel vm11, $0xFFFFFFFF, v34;
	v36 =	vnsel vm1, $0xFFFFFFFF, v36;
	v37 =	vnsel vm2, $0xFFFFFFFF, v62  }
0x79: {  	v39 =	vld [tilespmem:$0x4F0];
	v40 =	vnsel vm12, $0xFFFFFFFF, v40;
	v41 =	vnsel vm13, $0xFFFFFFFF, v63;
	v63 =	vshra.s32 v45, $0x1F  }
0x7a: {  	v42 =	vld [tilespmem:$0x500];
	v43 =	vor.u32 v63, v45;
	v63 =	vshra.s32 v47, $0x1F;
	[tilespmem:$0x630] =	vst v37;
	v37 =	vor.u32 v56, v57  }
0x7b: {  	v62 =	vld [tilespmem:$0x100];
	[tilespmem:$0x640] =	vst v40;
	v40 =	vor.u32 v58, v60;
	v45 =	vor.u32 v63, v47;
	v47 =	vshra.s32 v49, $0x1F  }
0x7c: {  	[tilespmem:$0x650] =	vst v41;
	v41 =	vld [tilespmem:$0x560];
	v43 =	vnsel vm14, $0xFFFFFFFF, v43;
	v37 =	vnsel vm8, $0xFFFFFFFF, v37;
	v47 =	vor.u32 v47, v49  }
0x7d: {  	[tilespmem:$0x600] =	vst v33;
	v63 =	vld [tilespmem:$0x120];
	v45 =	vnsel vm15, $0xFFFFFFFF, v45;
	v49 =	vshra.s32 v51, $0x1F;
	vm13 =	veq.s32 v46, v17  }
0x7e: {  	[tilespmem:$0x660] =	vst v43;
	v43 =	vld [tilespmem:$0x570];
	vm14 =	veq.s32 v48, v18;
	v47 =	vnsel vm4, $0xFFFFFFFF, v47;
	v33 =	vor.u32 v49, v51  }
0x7f: {  	v46 =	vld [tilespmem:$0x590];
	v49 =	vshra.s32 v53, $0x1F;
	vm9 =	veq.s32 v59, v13;
	v60 =	vshra.s32 v35, $0x1F  }
0x80: {  	[tilespmem:$0x610] =	vst v34;
	v51 =	vld [tilespmem:$0x530];
	vm10 =	veq.s32 v61, v14;
	v56 =	vshra.s32 v38, $0x1F;
	vm11 =	veq.s32 v39, v15  }
0x81: {  	[tilespmem:$0x670] =	vst v45;
	v45 =	vld [tilespmem:$0x170];
	vm12 =	veq.s32 v42, v16;
	v59 =	vshra.s32 v44, $0x1F;
	v34 =	vor.u32 v49, v53  }
0x82: {  	[tilespmem:$0x620] =	vst v36;
	v42 =	vld [tilespmem:$0x180];
	v49 =	vshra.s32 v55, $0x1F;
	v33 =	vnsel vm5, $0xFFFFFFFF, v33;
	v35 =	vor.u32 v60, v35  }
0x83: {  	[tilespmem:$0x6C0] =	vst v37;
	v39 =	vld [tilespmem:$0x580];
	v40 =	vnsel vm9, $0xFFFFFFFF, v40;
	v38 =	vor.u32 v56, v38;
	v57 =	vshra.s32 v62, $0x1F  }
0x84: {  	v53 =	vld [tilespmem:$0x150];
	[tilespmem:$0x680] =	vst v47;
	v61 =	vor.u32 v59, v44;
	v56 =	vshra.s32 v50, $0x1F;
	vm5 =	veq.s32 v54, v22  }
0x85: {  	v44 =	vld [tilespmem:$0x190];
	v55 =	vor.u32 v49, v55;
	v34 =	vnsel vm6, $0xFFFFFFFF, v34;
	v35 =	vnsel vm10, $0xFFFFFFFF, v35;
	[tilespmem:$0x690] =	vst v33  }
0x86: {  	v47 =	vld [tilespmem:$0x1A0];
	v58 =	vor.u32 v57, v62;
	v60 =	vnsel vm11, $0xFFFFFFFF, v38;
	[tilespmem:$0x6D0] =	vst v40;
	v38 =	vor.u32 v56, v50  }
0x87: {  	v49 =	vld [tilespmem:$0x540];
	v57 =	vshra.s32 v52, $0x1F;
	vm6 =	veq.s32 v41, v23;
	v36 =	vnsel vm7, $0xFFFFFFFF, v55;
	[tilespmem:$0x6A0] =	vst v34  }
0x88: {  	v40 =	vld [tilespmem:$0x5A0];
	v33 =	vnsel vm12, $0xFFFFFFFF, v58;
	v62 =	vshra.s32 v63, $0x1F;
	[tilespmem:$0x6E0] =	vst v35;
	v59 =	vor.u32 v57, v52  }
0x89: {  	v55 =	vld [tilespmem:$0x160];
	[tilespmem:$0x6B0] =	vst v36;
	v36 =	vnsel vm13, $0xFFFFFFFF, v61;
	v48 =	vor.u32 v62, v63;
	vm7 =	veq.s32 v43, v24  }
0x8a: {  	v41 =	vld [tilespmem:$0x1C0];
	[tilespmem:$0x6F0] =	vst v60;
	vm9 =	veq.s32 v46, v26;
	vm15 =	veq.s32 v51, v20;
	v58 =	vnsel vm14, $0xFFFFFFFF, v48  }
0x8b: {  	v57 =	vld [tilespmem:$0x5D0];
	[tilespmem:$0x700] =	vst v33;
	v52 =	vshra.s32 v45, $0x1F;
	vm8 =	veq.s32 v39, v25;
	v60 =	vnsel vm15, $0xFFFFFFFF, v38  }
0x8c: {  	v43 =	vld [tilespmem:$0x1D0];
	[tilespmem:$0x710] =	vst v36;
	v61 =	vshra.s32 v53, $0x1F;
	v56 =	vshra.s32 v44, $0x1F;
	vm4 =	veq.s32 v49, v21  }
0x8d: {  	v48 =	vld [tilespmem:$0x1B0];
	[tilespmem:$0x720] =	vst v58;
	v62 =	vor.u32 v61, v53;
	v53 =	vor.u32 v52, v45;
	v58 =	vor.u32 v56, v44  }
0x8e: {  	v38 =	vld [tilespmem:$0x5C0];
	[tilespmem:$0x730] =	vst v60;
	vm10 =	veq.s32 v40, v27;
	v37 =	vnsel vm4, $0xFFFFFFFF, v59;
	v63 =	vshra.s32 v55, $0x1F  }
0x8f: {  	v49 =	vld [tilespmem:$0x5B0];
	v33 =	vnsel vm5, $0xFFFFFFFF, v62;
	v35 =	vnsel vm7, $0xFFFFFFFF, v53;
	v59 =	vshra.s32 v47, $0x1F;
	[tilespmem:$0x740] =	vst v37  }
0x90: {  	v62 =	vld [tilespmem:$0x5E0];
	v53 =	vshra.s32 v41, $0x1F;
	v51 =	vor.u32 v63, v55;
	v55 =	vshra.s32 v42, $0x1F;
	[tilespmem:$0x750] =	vst v33  }
0x91: {  	vm13 =	veq.s32 v57, v30;
	[tilespmem:$0x770] =	vst v35;
	v33 =	vnsel vm9, $0xFFFFFFFF, v58;
	v36 =	vor.u32 v55, v42;
	v42 =	vld [tilespmem:$0x1E0]  }
0x92: {  	v61 =	vor.u32 v59, v47;
	v56 =	vshra.s32 v43, $0x1F;
	v54 =	vnsel vm6, $0xFFFFFFFF, v51;
	v51 =	vld [tilespmem:$0x1F0];
	[tilespmem:$0x790] =	vst v33  }
0x93: {  	v63 =	vnsel vm10, $0xFFFFFFFF, v61;
	v50 =	vshra.s32 v48, $0x1F;
	v55 =	vor.u32 v53, v41;
	[tilespmem:$0x760] =	vst v54;
	v54 =	vld [tilespmem:$0x5F0]  }
0x94: {  	v57 =	vor.u32 v56, v43;
	v60 =	vnsel vm8, $0xFFFFFFFF, v36;
	v52 =	vor.u32 v50, v48;
	[tilespmem:$0x7A0] =	vst v63  }
0x95: {  	vm12 =	veq.s32 v38, v29;
	v58 =	vnsel vm13, $0xFFFFFFFF, v57;
	[tilespmem:$0x780] =	vst v60;
	vm11 =	veq.s32 v49, v28  }
0x96: {  	v33 =	vnsel vm12, $0xFFFFFFFF, v55;
	[tilespmem:$0x7D0] =	vst v58;
	v34 =	vnsel vm11, $0xFFFFFFFF, v52;
	v59 =	vshra.s32 v42, $0x1F  }
0x97: {  	[tilespmem:$0x7C0] =	vst v33;
	vm14 =	veq.s32 v62, v31;
	v61 =	vshra.s32 v51, $0x1F;
	v60 =	vor.u32 v59, v42  }
0x98: {  	[tilespmem:$0x7B0] =	vst v34;
	vm15 =	veq.s32 v54, v32;
	v62 =	vor.u32 v61, v51;
	v33 =	vnsel vm14, $0xFFFFFFFF, v60  }
0x99: {  	p0 =	sne.s32 s6, $0x1;
	v63 =	vnsel vm15, $0xFFFFFFFF, v62;
	[tilespmem:$0x7E0] =	vst v33  }
.Ltmp0:
0x9a: {  	[tilespmem:$0x7F0] =	vst v63;
	(pc) =	sbr.rel @p0 .LBB2_1-.Ltmp0, $4  }
0x9b: {  	[hbm4b:s5+s2] =	stream.linear.scatter [tilespmem:s17], [sflag:$0x1], $0x200, $0x38;
	[tilespmem:$0x800] =	vst v63  }
0x9c: {  	_ =	swait.ge [sflag:s7], $0x200  }
0x9d: {  	[sflag:s7] =	ssyncset.done $0x0  }
0x9e: {  	s6 =	sadd.s32 $0xFFFFFFFF, s6;
	[sflag:s7] =	ssyncadd.s32 $0xFFFFFE00  }
0x9f: {  	_ =	sfence.sel $0x180000  }
0xa0: {  	[bflag:$0x0] =	sbarrier.arrive $0xFFFF  }
0xa1: {  	p0 =	sne.s32 s1, $0x0;
	_ =	strace $0x90000047  }
0xa2: {  	s0 =	sadd.s32 @!p0 $0x100000, s0;
	[bflag:$0x2] =	sbarrier.arrive $0xFFFF  }
0xa3: {  	[sflag:s0] =	ssyncadd.tile.s32 @!p0 $0x1;
	_ =	shalt  }
.Lfunc_end2:
_tile_overlayer_lowered:
.L_overlay_start_2:
0xa4: {  	(tag) =	ssettag $0x2  }
0xa5: {  	s0 =	rddreg [dreg:$0x0];
	s2 =	stileid.u32  }
0xa6: {  	s1 =	rddreg [dreg:$0x1];
	p0 =	sne.s32 s2, $0x0  }
0xa7: {  	s3 =	rddreg [dreg:$0x2];
	[bflag:$0x3] =	sbarrier.arrive $0xFFFF;
	s2 =	simm.s32 @!p0 $0x1C01  }
0xa8: {  	[timem:s3], [sflag:s2] =	dma.local @!p0 [hbm:s0], s1  }
0xa9: {  	s0 =	simm.s32 @!p0 $0x1  }
0xaa: {  	_ =	swait.ge @!p0 [sflag:s0], s1  }
0xab: {  	s1 =	ssub.s32 @!p0 $0x0, s1;
	[sflag:s0] =	ssyncset.done @!p0 $0x0  }
0xac: {  	[sflag:s0] =	ssyncadd.s32 @!p0 s1  }
0xad: {  	[bflag:$0x3] =	sbarrier.arrive $0xFFFF  }
0xae: {  	_ =	shalt  }

</sc_bundles>
